<compile_context>
chip_gen: v7x
topology: tpu7x:2x2x1
jax: 0.10.2.dev20260603
libtpu: 0.0.44.dev20260713+nightly
codegen_flags: <defaults>
</compile_context>

<pallas_src>
import functools

import jax
import jax.numpy as jnp
from jax import lax
from jax.experimental import pallas as pl
from jax.experimental.pallas import tpu as pltpu
from jax.experimental.pallas import tpu_sc as plsc

N = 10000
C = 128
NPAD = 10240
E = 320000
NC = 2
NS = 16
NW = NC * NS
EM = 319488
NT = (E - EM) // 128
RPT = NPAD // NS
NCHK = 3
GPC = 26

_mesh = plsc.VectorSubcoreMesh(core_axis_name="c", subcore_axis_name="s")


@functools.partial(
    pl.kernel,
    out_type=jax.ShapeDtypeStruct((NC, NPAD), jnp.float32),
    mesh=_mesh,
    scratch_types=[
        pltpu.VMEM((GPC, 128), jnp.int32),
        pltpu.VMEM((1, 128), jnp.int32),
        pltpu.VMEM((128,), jnp.float32),
        pltpu.VMEM((RPT,), jnp.float32),
        pltpu.VMEM_SHARED((NPAD,), jnp.float32),
        pltpu.SemaphoreType.DMA,
    ],
)
def _deg_kernel(dst_hbm, dstt_hbm, out_hbm, idx_v, idx_t, ones_v, zrow_v,
                acc_sh, dsem):
    cid = lax.axis_index("c")
    sid = lax.axis_index("s")
    wid = cid * NS + sid

    def _fill_ones(k, carry):
        ones_v[pl.ds(k * 16, 16)] = jnp.ones((16,), jnp.float32)
        return carry
    lax.fori_loop(0, 8, _fill_ones, 0)

    def _fill_zero(t, carry):
        zrow_v[pl.ds(t * 16, 16)] = jnp.zeros((16,), jnp.float32)
        return carry
    lax.fori_loop(0, RPT // 16, _fill_zero, 0)

    pltpu.sync_copy(zrow_v, acc_sh.at[pl.ds(sid * RPT, RPT)])
    plsc.subcore_barrier()

    for ch in range(NCHK):
        pltpu.sync_copy(dst_hbm.at[wid, ch], idx_v)

        def _scat(j, carry):
            pltpu.async_copy(ones_v, acc_sh.at[idx_v.at[j]], dsem, add=True)
            return carry
        lax.fori_loop(0, GPC, _scat, 0)

        def _drain(j, carry):
            pltpu.make_async_copy(ones_v, acc_sh.at[idx_v.at[j]], dsem).wait()
            return carry
        lax.fori_loop(0, GPC, _drain, 0)

    @pl.when(wid < NT)
    def _():
        pltpu.sync_copy(dstt_hbm.at[wid], idx_t)
        pltpu.sync_copy(ones_v, acc_sh.at[idx_t.at[0]], add=True)

    plsc.subcore_barrier()
    pltpu.sync_copy(acc_sh.at[pl.ds(sid * RPT, RPT)],
                    out_hbm.at[cid, pl.ds(sid * RPT, RPT)])


@functools.partial(
    pl.kernel,
    out_type=jax.ShapeDtypeStruct((NC, NPAD, C), jnp.float32),
    mesh=_mesh,
    scratch_types=[
        pltpu.VMEM((GPC, 128), jnp.int32),
        pltpu.VMEM((GPC, 128), jnp.int32),
        pltpu.VMEM((128, C), jnp.float32),
        pltpu.VMEM((128, C), jnp.float32),
        pltpu.VMEM_SHARED((NPAD, C), jnp.float32),
        pltpu.SemaphoreType.DMA,
        pltpu.SemaphoreType.DMA,
        pltpu.SemaphoreType.DMA,
        pltpu.SemaphoreType.DMA,
    ],
)
def _gather_add_kernel(xs_hbm, src_hbm, dst_hbm, srct_hbm, dstt_hbm,
                       out_hbm, src_v, dst_v, rows0, rows1, acc_sh,
                       g0, g1, s0, s1):
    cid = lax.axis_index("c")
    sid = lax.axis_index("s")
    wid = cid * NS + sid

    def _zr(i, carry):
        def _zc(k, c2):
            rows0[i, pl.ds(k * 16, 16)] = jnp.zeros((16,), jnp.float32)
            return c2
        return lax.fori_loop(0, 8, _zc, carry)
    lax.fori_loop(0, 128, _zr, 0)

    for m in range(RPT // 128):
        pltpu.sync_copy(rows0, acc_sh.at[pl.ds(sid * RPT + m * 128, 128)])
    plsc.subcore_barrier()

    for ch in range(NCHK):
        pltpu.sync_copy(src_hbm.at[wid, ch], src_v)
        pltpu.sync_copy(dst_hbm.at[wid, ch], dst_v)

        pltpu.async_copy(xs_hbm.at[src_v.at[0]], rows0, g0)
        pltpu.async_copy(xs_hbm.at[src_v.at[1]], rows1, g1)

        def _step(t, c2):
            j0 = 2 * t
            pltpu.make_async_copy(xs_hbm.at[src_v.at[j0]], rows0, g0).wait()
            pltpu.async_copy(rows0, acc_sh.at[dst_v.at[j0]], s0, add=True)

            @pl.when(j0 + 2 < GPC)
            def _():
                pltpu.make_async_copy(rows0, acc_sh.at[dst_v.at[j0]],
                                      s0).wait()
                pltpu.async_copy(xs_hbm.at[src_v.at[j0 + 2]], rows0, g0)

            j1 = j0 + 1
            pltpu.make_async_copy(xs_hbm.at[src_v.at[j1]], rows1, g1).wait()
            pltpu.async_copy(rows1, acc_sh.at[dst_v.at[j1]], s1, add=True)

            @pl.when(j1 + 2 < GPC)
            def _():
                pltpu.make_async_copy(rows1, acc_sh.at[dst_v.at[j1]],
                                      s1).wait()
                pltpu.async_copy(xs_hbm.at[src_v.at[j1 + 2]], rows1, g1)
            return c2
        lax.fori_loop(0, GPC // 2, _step, 0)

        pltpu.make_async_copy(rows0, acc_sh.at[dst_v.at[GPC - 2]], s0).wait()
        pltpu.make_async_copy(rows1, acc_sh.at[dst_v.at[GPC - 1]], s1).wait()

    @pl.when(wid < NT)
    def _():
        pltpu.sync_copy(srct_hbm.at[wid], src_v.at[pl.ds(0, 1)])
        pltpu.sync_copy(dstt_hbm.at[wid], dst_v.at[pl.ds(0, 1)])
        pltpu.async_copy(xs_hbm.at[src_v.at[0]], rows0, g0)
        pltpu.make_async_copy(xs_hbm.at[src_v.at[0]], rows0, g0).wait()
        pltpu.sync_copy(rows0, acc_sh.at[dst_v.at[0]], add=True)

    plsc.subcore_barrier()
    for m in range(RPT // 128):
        r = sid * RPT + m * 128
        pltpu.sync_copy(acc_sh.at[pl.ds(r, 128)],
                        out_hbm.at[cid, pl.ds(r, 128)])


def _tc_mm_body(x_ref, w1_ref, xw_ref):
    xw_ref[...] = jnp.dot(x_ref[...], w1_ref[...],
                          preferred_element_type=jnp.float32)


def _tc_scale_body(xw_ref, degp_ref, xs_ref, dis_ref):
    deg = degp_ref[0] + degp_ref[1] + 1.0
    dis = lax.rsqrt(deg)
    dis_ref[...] = dis
    xs_ref[...] = xw_ref[...] * dis


def _tc_mid_body(yp_ref, xs_ref, dis_ref, b_ref, g_ref, be_ref, w2_ref,
                 out_ref):
    agg = yp_ref[0, 0:N, :] + yp_ref[1, 0:N, :] + xs_ref[...]
    h = agg * dis_ref[...] + b_ref[...]
    mu = jnp.mean(h, axis=0, keepdims=True)
    var = jnp.mean((h - mu) ** 2, axis=0, keepdims=True)
    hn = (h - mu) * lax.rsqrt(var + 1e-5) * g_ref[...] + be_ref[...]
    hr = jnp.maximum(hn, 0.0)
    xw2 = jnp.dot(hr, w2_ref[...], preferred_element_type=jnp.float32)
    out_ref[...] = xw2 * dis_ref[...]


def _tc_last_body(yp_ref, xs_ref, dis_ref, b_ref, g_ref, be_ref, out_ref):
    agg = yp_ref[0, 0:N, :] + yp_ref[1, 0:N, :] + xs_ref[...]
    h = agg * dis_ref[...] + b_ref[...]
    mu = jnp.mean(h, axis=0, keepdims=True)
    var = jnp.mean((h - mu) ** 2, axis=0, keepdims=True)
    out_ref[...] = (h - mu) * lax.rsqrt(var + 1e-5) * g_ref[...] + be_ref[...]


_tc_mm = pl.pallas_call(
    _tc_mm_body,
    out_shape=jax.ShapeDtypeStruct((N, C), jnp.float32),
)

_tc_scale = pl.pallas_call(
    _tc_scale_body,
    out_shape=[jax.ShapeDtypeStruct((N, C), jnp.float32),
               jax.ShapeDtypeStruct((N, 1), jnp.float32)],
)

_tc_mid = pl.pallas_call(
    _tc_mid_body,
    out_shape=jax.ShapeDtypeStruct((N, C), jnp.float32),
)

_tc_last = pl.pallas_call(
    _tc_last_body,
    out_shape=jax.ShapeDtypeStruct((N, C), jnp.float32),
)


def kernel(x, edge_index, W1, b1, gamma1, beta1, W2, b2, gamma2, beta2):
    src = edge_index[0].astype(jnp.int32)
    dst = edge_index[1].astype(jnp.int32)
    srcm = src[:EM].reshape(NW, NCHK, GPC, 128)
    dstm = dst[:EM].reshape(NW, NCHK, GPC, 128)
    srct = src[EM:].reshape(NT, 1, 128)
    dstt = dst[EM:].reshape(NT, 1, 128)

    degp = _deg_kernel(dstm, dstt)
    degp_col = degp.reshape(NC, NPAD, 1)[:, :N]

    b1r, g1r, be1r = b1.reshape(1, C), gamma1.reshape(1, C), beta1.reshape(1, C)
    b2r, g2r, be2r = b2.reshape(1, C), gamma2.reshape(1, C), beta2.reshape(1, C)

    xw1 = _tc_mm(x, W1)
    xs1, dis = _tc_scale(xw1, degp_col)
    y1p = _gather_add_kernel(xs1, srcm, dstm, srct, dstt)
    xs2 = _tc_mid(y1p, xs1, dis, b1r, g1r, be1r, W2)
    y2p = _gather_add_kernel(xs2, srcm, dstm, srct, dstt)
    out = _tc_last(y2p, xs2, dis, b2r, g2r, be2r)
    return out

# --- scband reference (transcript-rebuilt; emitter-appended) ---
"""Pipeline reference for scband-encoder-36515811951214 (READ-ONLY COPY).

The authoritative reference and input builder live on the scoring server;
editing this copy changes nothing except your own understanding.
"""

import jax, jax.numpy as jnp
import numpy as np

N_NODES = 10000
N_EDGES = 320000
IN_CH = 128
HID = 128


def _gcn_layer(x, src, dst, W, b, n):
    # PyG GCNConv: linear transform first, then normalized propagation, then bias
    xw = x @ W
    deg = jnp.zeros((n,), x.dtype).at[dst].add(1.0)  # self-loops included -> deg >= 1
    dis = jax.lax.rsqrt(deg)
    norm = dis[src] * dis[dst]
    msg = xw[src] * norm[:, None]
    out = jnp.zeros((n, W.shape[1]), x.dtype).at[dst].add(msg)
    return out + b


def _batch_norm(x, gamma, beta, eps=1e-5):
    mu = jnp.mean(x, axis=0)
    var = jnp.var(x, axis=0)
    return (x - mu) * jax.lax.rsqrt(var + eps) * gamma + beta


def setup_inputs(seed: int = 0):
    key = jax.random.key(seed)
    ks = jax.random.split(key, 8)
    x = jax.random.normal(ks[0], (N_NODES, IN_CH), dtype=jnp.float32)
    edge_index = jax.random.randint(ks[1], (2, N_EDGES), 0, N_NODES, dtype=jnp.int64)
    s1 = float(np.sqrt(2.0 / (IN_CH + HID)))
    s2 = float(np.sqrt(2.0 / (HID + HID)))
    W1 = jax.random.normal(ks[2], (IN_CH, HID), dtype=jnp.float32) * s1
    b1 = jnp.zeros((HID,), jnp.float32)
    gamma1 = jnp.ones((HID,), jnp.float32)
    beta1 = jnp.zeros((HID,), jnp.float32)
    W2 = jax.random.normal(ks[3], (HID, HID), dtype=jnp.float32) * s2
    b2 = jnp.zeros((HID,), jnp.float32)
    gamma2 = jnp.ones((HID,), jnp.float32)
    beta2 = jnp.zeros((HID,), jnp.float32)
    return {"x": x, "edge_index": edge_index, "W1": W1, "b1": b1, "gamma1": gamma1, "beta1": beta1, "W2": W2, "b2": b2, "gamma2": gamma2, "beta2": beta2}


def reference(x, edge_index, W1, b1, gamma1, beta1, W2, b2, gamma2, beta2):
    n = x.shape[0]
    sl = jnp.arange(n, dtype=edge_index.dtype)
    src = jnp.concatenate([edge_index[0], sl])
    dst = jnp.concatenate([edge_index[1], sl])
    h = _gcn_layer(x, src, dst, W1, b1, n)
    h = _batch_norm(h, gamma1, beta1)
    h = jax.nn.relu(h)
    # dropout is identity in deterministic/eval reference
    h = _gcn_layer(h, src, dst, W2, b2, n)
    h = _batch_norm(h, gamma2, beta2)
    return h

if __name__ == "__main__":
    import jax
    _d = setup_inputs()
    print(jax.jit(kernel)(*tuple(_d.values())))

</pallas_src>

<mosaic_0001>
#map = affine_map<(d0, d1) -> (0, 0, 0, 0)>
#map1 = affine_map<(d0, d1) -> (0, 0, 0)>
#map2 = affine_map<(d0, d1) -> (0, 0)>
module attributes {stable_mosaic.version = 14 : i64} {
  func.func @_deg_kernel(%arg0: i32, %arg1: i32, %arg2: memref<32x3x26x128xi32, #tpu.memory_space<hbm>>, %arg3: memref<4x1x128xi32, #tpu.memory_space<hbm>>, %arg4: memref<2x10240xf32, #tpu.memory_space<hbm>>, %arg5: memref<26x128xi32, #tpu.memory_space<vmem>>, %arg6: memref<1x128xi32, #tpu.memory_space<vmem>>, %arg7: memref<128xf32, #tpu.memory_space<vmem>>, %arg8: memref<640xf32, #tpu.memory_space<vmem>>, %arg9: memref<10240xf32, #tpu.memory_space<vmem_shared>>, %arg10: memref<!tpu.dma_semaphore, #tpu.memory_space<semaphore_mem>>) attributes {dimension_semantics = [#tpu.dimension_semantics<core_parallel>, #tpu.dimension_semantics<subcore_parallel>], iteration_bounds = array<i64: 2, 16>, scalar_prefetch = 0 : i64, scratch_operands = 6 : i64, tpu.core_type = #tpu.core_type<sc_vector_subcore>, window_params = [{transform_indices = #map}, {transform_indices = #map1}, {transform_indices = #map2}]} {
    %mul3A = arith.constant 16 : i32
    %mul3A_0 = arith.muli %arg0, %mul3A : i32
    %add3A = arith.addi %mul3A_0, %arg1 : i32
    %scan3A = arith.constant 0 : i32
    %scan3A_1 = arith.constant 0 : i32
    %scan3A_2 = arith.constant 8 : i32
    %scan3A_3 = arith.addi %scan3A_1, %scan3A_2 : i32
    %scan3A_4 = arith.constant 1 : i32
    scf.for %scan3A_59 = %scan3A_1 to %scan3A_3 step %scan3A_4  : i32 {
      %broadcast_in_dim3A = arith.constant 1.000000e+00 : f32
      %broadcast_in_dim3A_60 = vector.broadcast %broadcast_in_dim3A : f32 to vector<16xf32>
      %mul3A_61 = arith.constant 16 : i32
      %mul3A_62 = arith.muli %scan3A_59, %mul3A_61 : i32
      %swap3A = arith.index_cast %mul3A_62 : i32 to index
      %swap3A_63 = tpu.vector_load %arg7[%swap3A] {strides = array<i32>} : memref<128xf32, #tpu.memory_space<vmem>>, vector<16xf32>,
      %swap3A_64 = vector.shape_cast %swap3A_63 : vector<16xf32> to vector<16xf32>
      %swap3A_65 = vector.shape_cast %broadcast_in_dim3A_60 : vector<16xf32> to vector<16xf32>
      tpu.vector_store %arg7[%swap3A], %swap3A_65 {strides = array<i32>} : memref<128xf32, #tpu.memory_space<vmem>>, vector<16xf32>,
    }
    %scan3A_5 = arith.constant 8 : i32
    %scan3A_6 = arith.constant 0 : i32
    %scan3A_7 = arith.constant 0 : i32
    %scan3A_8 = arith.constant 40 : i32
    %scan3A_9 = arith.addi %scan3A_7, %scan3A_8 : i32
    %scan3A_10 = arith.constant 1 : i32
    scf.for %scan3A_59 = %scan3A_7 to %scan3A_9 step %scan3A_10  : i32 {
      %broadcast_in_dim3A = arith.constant 0.000000e+00 : f32
      %broadcast_in_dim3A_60 = vector.broadcast %broadcast_in_dim3A : f32 to vector<16xf32>
      %mul3A_61 = arith.constant 16 : i32
      %mul3A_62 = arith.muli %scan3A_59, %mul3A_61 : i32
      %swap3A = arith.index_cast %mul3A_62 : i32 to index
      %swap3A_63 = tpu.vector_load %arg8[%swap3A] {strides = array<i32>} : memref<640xf32, #tpu.memory_space<vmem>>, vector<16xf32>,
      %swap3A_64 = vector.shape_cast %swap3A_63 : vector<16xf32> to vector<16xf32>
      %swap3A_65 = vector.shape_cast %broadcast_in_dim3A_60 : vector<16xf32> to vector<16xf32>
      tpu.vector_store %arg8[%swap3A], %swap3A_65 {strides = array<i32>} : memref<640xf32, #tpu.memory_space<vmem>>, vector<16xf32>,
    }
    %scan3A_11 = arith.constant 40 : i32
    %mul3A_12 = arith.constant 640 : i32
    %mul3A_13 = arith.muli %arg1, %mul3A_12 : i32
    "tpu.region"() ({
      %run_scoped3A_59 = tpu.sem_alloc : memref<!tpu.dma_semaphore, #tpu.memory_space<semaphore_mem>>
      %dma_start3A = tpu.memref_slice %arg9[%mul3A_13] : memref<10240xf32, #tpu.memory_space<vmem_shared>> -> memref<640xf32, #tpu.memory_space<vmem_shared>>
      %dma_start3A_60 = tpu.memref_slice %arg9[%mul3A_13] : memref<10240xf32, #tpu.memory_space<vmem_shared>> -> memref<640xf32, #tpu.memory_space<vmem_shared>>
      tpu.enqueue_dma source(%arg8 : memref<640xf32, #tpu.memory_space<vmem>>) target(%dma_start3A_60 : memref<640xf32, #tpu.memory_space<vmem_shared>>) target_semaphore(%run_scoped3A_59 : memref<!tpu.dma_semaphore, #tpu.memory_space<semaphore_mem>>)
      %dma_wait3A = tpu.memref_slice %arg9[%mul3A_13] : memref<10240xf32, #tpu.memory_space<vmem_shared>> -> memref<640xf32, #tpu.memory_space<vmem_shared>>
      %dma_wait3A_61 = tpu.memref_slice %arg9[%mul3A_13] : memref<10240xf32, #tpu.memory_space<vmem_shared>> -> memref<640xf32, #tpu.memory_space<vmem_shared>>
      tpu.wait_dma2 semaphore(%run_scoped3A_59 : memref<!tpu.dma_semaphore, #tpu.memory_space<semaphore_mem>>) src(%arg8 : memref<640xf32, #tpu.memory_space<vmem>>) dst(%dma_wait3A_61 : memref<640xf32, #tpu.memory_space<vmem_shared>>)
      tpu.yield
    }) : () -> ()
    %barrier3A = arith.constant 0 : index
    tpu.barrier barrier_id(%barrier3A)
    %run_scoped3A = arith.constant 0 : i32
    "tpu.region"() ({
      %run_scoped3A_59 = tpu.sem_alloc : memref<!tpu.dma_semaphore, #tpu.memory_space<semaphore_mem>>
      %dma_start3A = arith.constant 0 : i32
      %dma_start3A_60 = arith.constant 0 : i32
      %dma_start3A_61 = tpu.memref_slice %arg2[%add3A, %run_scoped3A, %dma_start3A, %dma_start3A_60] : memref<32x3x26x128xi32, #tpu.memory_space<hbm>> -> memref<1x1x26x128xi32, #tpu.memory_space<hbm>>
      %dma_start3A_62 = tpu.memref_squeeze %dma_start3A_61 : memref<1x1x26x128xi32, #tpu.memory_space<hbm>> -> memref<26x128xi32, #tpu.memory_space<hbm>>
      %dma_start3A_63 = arith.constant 0 : i32
      %dma_start3A_64 = arith.constant 0 : i32
      %dma_start3A_65 = tpu.memref_slice %arg2[%add3A, %run_scoped3A, %dma_start3A_63, %dma_start3A_64] : memref<32x3x26x128xi32, #tpu.memory_space<hbm>> -> memref<1x1x26x128xi32, #tpu.memory_space<hbm>>
      %dma_start3A_66 = tpu.memref_squeeze %dma_start3A_65 : memref<1x1x26x128xi32, #tpu.memory_space<hbm>> -> memref<26x128xi32, #tpu.memory_space<hbm>>
      tpu.enqueue_dma source(%dma_start3A_66 : memref<26x128xi32, #tpu.memory_space<hbm>>) target(%arg5 : memref<26x128xi32, #tpu.memory_space<vmem>>) target_semaphore(%run_scoped3A_59 : memref<!tpu.dma_semaphore, #tpu.memory_space<semaphore_mem>>)
      %dma_wait3A = arith.constant 0 : i32
      %dma_wait3A_67 = arith.constant 0 : i32
      %dma_wait3A_68 = tpu.memref_slice %arg2[%add3A, %run_scoped3A, %dma_wait3A, %dma_wait3A_67] : memref<32x3x26x128xi32, #tpu.memory_space<hbm>> -> memref<1x1x26x128xi32, #tpu.memory_space<hbm>>
      %dma_wait3A_69 = tpu.memref_squeeze %dma_wait3A_68 : memref<1x1x26x128xi32, #tpu.memory_space<hbm>> -> memref<26x128xi32, #tpu.memory_space<hbm>>
      %dma_wait3A_70 = arith.constant 0 : i32
      %dma_wait3A_71 = arith.constant 0 : i32
      %dma_wait3A_72 = tpu.memref_slice %arg2[%add3A, %run_scoped3A, %dma_wait3A_70, %dma_wait3A_71] : memref<32x3x26x128xi32, #tpu.memory_space<hbm>> -> memref<1x1x26x128xi32, #tpu.memory_space<hbm>>
      %dma_wait3A_73 = tpu.memref_squeeze %dma_wait3A_72 : memref<1x1x26x128xi32, #tpu.memory_space<hbm>> -> memref<26x128xi32, #tpu.memory_space<hbm>>
      tpu.wait_dma2 semaphore(%run_scoped3A_59 : memref<!tpu.dma_semaphore, #tpu.memory_space<semaphore_mem>>) src(%dma_wait3A_73 : memref<26x128xi32, #tpu.memory_space<hbm>>) dst(%arg5 : memref<26x128xi32, #tpu.memory_space<vmem>>)
      tpu.yield
    }) : () -> ()
    %scan3A_14 = arith.constant 0 : i32
    %scan3A_15 = arith.constant 0 : i32
    %scan3A_16 = arith.constant 26 : i32
    %scan3A_17 = arith.addi %scan3A_15, %scan3A_16 : i32
    %scan3A_18 = arith.constant 1 : i32
    scf.for %scan3A_59 = %scan3A_15 to %scan3A_17 step %scan3A_18  : i32 {
      %dma_start3A = arith.constant 0 : i32
      %dma_start3A_60 = tpu.memref_slice %arg5[%scan3A_59, %dma_start3A] : memref<26x128xi32, #tpu.memory_space<vmem>> -> memref<1x128xi32, #tpu.memory_space<vmem>>
      %dma_start3A_61 = tpu.memref_squeeze %dma_start3A_60 : memref<1x128xi32, #tpu.memory_space<vmem>> -> memref<128xi32, #tpu.memory_space<vmem>>
      %dma_start3A_62 = arith.constant 0 : i32
      %dma_start3A_63 = tpu.memref_slice %arg9[%dma_start3A_62] : memref<10240xf32, #tpu.memory_space<vmem_shared>> -> memref<10240xf32, #tpu.memory_space<vmem_shared>>
      tpu.enqueue_indirect_dma source(%arg7 : memref<128xf32, #tpu.memory_space<vmem>>) target(%dma_start3A_63 : memref<10240xf32, #tpu.memory_space<vmem_shared>>) offsets(%dma_start3A_61 : memref<128xi32, #tpu.memory_space<vmem>>) semaphore(%arg10 : memref<!tpu.dma_semaphore, #tpu.memory_space<semaphore_mem>>) {add = true}
    }
    %scan3A_19 = arith.constant 26 : i32
    %scan3A_20 = arith.constant 0 : i32
    %scan3A_21 = arith.constant 0 : i32
    %scan3A_22 = arith.constant 26 : i32
    %scan3A_23 = arith.addi %scan3A_21, %scan3A_22 : i32
    %scan3A_24 = arith.constant 1 : i32
    scf.for %scan3A_59 = %scan3A_21 to %scan3A_23 step %scan3A_24  : i32 {
      %dma_wait3A = arith.constant 0 : i32
      %dma_wait3A_60 = tpu.memref_slice %arg5[%scan3A_59, %dma_wait3A] : memref<26x128xi32, #tpu.memory_space<vmem>> -> memref<1x128xi32, #tpu.memory_space<vmem>>
      %dma_wait3A_61 = tpu.memref_squeeze %dma_wait3A_60 : memref<1x128xi32, #tpu.memory_space<vmem>> -> memref<128xi32, #tpu.memory_space<vmem>>
      %dma_wait3A_62 = arith.constant 0 : i32
      %dma_wait3A_63 = tpu.memref_slice %arg9[%dma_wait3A_62] : memref<10240xf32, #tpu.memory_space<vmem_shared>> -> memref<10240xf32, #tpu.memory_space<vmem_shared>>
      tpu.wait_indirect_dma semaphore(%arg10 : memref<!tpu.dma_semaphore, #tpu.memory_space<semaphore_mem>>) src(%arg7 : memref<128xf32, #tpu.memory_space<vmem>>) dst(%dma_wait3A_63 : memref<10240xf32, #tpu.memory_space<vmem_shared>>)
    }
    %scan3A_25 = arith.constant 26 : i32
    %run_scoped3A_26 = arith.constant 1 : i32
    "tpu.region"() ({
      %run_scoped3A_59 = tpu.sem_alloc : memref<!tpu.dma_semaphore, #tpu.memory_space<semaphore_mem>>
      %dma_start3A = arith.constant 0 : i32
      %dma_start3A_60 = arith.constant 0 : i32
      %dma_start3A_61 = tpu.memref_slice %arg2[%add3A, %run_scoped3A_26, %dma_start3A, %dma_start3A_60] : memref<32x3x26x128xi32, #tpu.memory_space<hbm>> -> memref<1x1x26x128xi32, #tpu.memory_space<hbm>>
      %dma_start3A_62 = tpu.memref_squeeze %dma_start3A_61 : memref<1x1x26x128xi32, #tpu.memory_space<hbm>> -> memref<26x128xi32, #tpu.memory_space<hbm>>
      %dma_start3A_63 = arith.constant 0 : i32
      %dma_start3A_64 = arith.constant 0 : i32
      %dma_start3A_65 = tpu.memref_slice %arg2[%add3A, %run_scoped3A_26, %dma_start3A_63, %dma_start3A_64] : memref<32x3x26x128xi32, #tpu.memory_space<hbm>> -> memref<1x1x26x128xi32, #tpu.memory_space<hbm>>
      %dma_start3A_66 = tpu.memref_squeeze %dma_start3A_65 : memref<1x1x26x128xi32, #tpu.memory_space<hbm>> -> memref<26x128xi32, #tpu.memory_space<hbm>>
      tpu.enqueue_dma source(%dma_start3A_66 : memref<26x128xi32, #tpu.memory_space<hbm>>) target(%arg5 : memref<26x128xi32, #tpu.memory_space<vmem>>) target_semaphore(%run_scoped3A_59 : memref<!tpu.dma_semaphore, #tpu.memory_space<semaphore_mem>>)
      %dma_wait3A = arith.constant 0 : i32
      %dma_wait3A_67 = arith.constant 0 : i32
      %dma_wait3A_68 = tpu.memref_slice %arg2[%add3A, %run_scoped3A_26, %dma_wait3A, %dma_wait3A_67] : memref<32x3x26x128xi32, #tpu.memory_space<hbm>> -> memref<1x1x26x128xi32, #tpu.memory_space<hbm>>
      %dma_wait3A_69 = tpu.memref_squeeze %dma_wait3A_68 : memref<1x1x26x128xi32, #tpu.memory_space<hbm>> -> memref<26x128xi32, #tpu.memory_space<hbm>>
      %dma_wait3A_70 = arith.constant 0 : i32
      %dma_wait3A_71 = arith.constant 0 : i32
      %dma_wait3A_72 = tpu.memref_slice %arg2[%add3A, %run_scoped3A_26, %dma_wait3A_70, %dma_wait3A_71] : memref<32x3x26x128xi32, #tpu.memory_space<hbm>> -> memref<1x1x26x128xi32, #tpu.memory_space<hbm>>
      %dma_wait3A_73 = tpu.memref_squeeze %dma_wait3A_72 : memref<1x1x26x128xi32, #tpu.memory_space<hbm>> -> memref<26x128xi32, #tpu.memory_space<hbm>>
      tpu.wait_dma2 semaphore(%run_scoped3A_59 : memref<!tpu.dma_semaphore, #tpu.memory_space<semaphore_mem>>) src(%dma_wait3A_73 : memref<26x128xi32, #tpu.memory_space<hbm>>) dst(%arg5 : memref<26x128xi32, #tpu.memory_space<vmem>>)
      tpu.yield
    }) : () -> ()
    %scan3A_27 = arith.constant 0 : i32
    %scan3A_28 = arith.constant 0 : i32
    %scan3A_29 = arith.constant 26 : i32
    %scan3A_30 = arith.addi %scan3A_28, %scan3A_29 : i32
    %scan3A_31 = arith.constant 1 : i32
    scf.for %scan3A_59 = %scan3A_28 to %scan3A_30 step %scan3A_31  : i32 {
      %dma_start3A = arith.constant 0 : i32
      %dma_start3A_60 = tpu.memref_slice %arg5[%scan3A_59, %dma_start3A] : memref<26x128xi32, #tpu.memory_space<vmem>> -> memref<1x128xi32, #tpu.memory_space<vmem>>
      %dma_start3A_61 = tpu.memref_squeeze %dma_start3A_60 : memref<1x128xi32, #tpu.memory_space<vmem>> -> memref<128xi32, #tpu.memory_space<vmem>>
      %dma_start3A_62 = arith.constant 0 : i32
      %dma_start3A_63 = tpu.memref_slice %arg9[%dma_start3A_62] : memref<10240xf32, #tpu.memory_space<vmem_shared>> -> memref<10240xf32, #tpu.memory_space<vmem_shared>>
      tpu.enqueue_indirect_dma source(%arg7 : memref<128xf32, #tpu.memory_space<vmem>>) target(%dma_start3A_63 : memref<10240xf32, #tpu.memory_space<vmem_shared>>) offsets(%dma_start3A_61 : memref<128xi32, #tpu.memory_space<vmem>>) semaphore(%arg10 : memref<!tpu.dma_semaphore, #tpu.memory_space<semaphore_mem>>) {add = true}
    }
    %scan3A_32 = arith.constant 26 : i32
    %scan3A_33 = arith.constant 0 : i32
    %scan3A_34 = arith.constant 0 : i32
    %scan3A_35 = arith.constant 26 : i32
    %scan3A_36 = arith.addi %scan3A_34, %scan3A_35 : i32
    %scan3A_37 = arith.constant 1 : i32
    scf.for %scan3A_59 = %scan3A_34 to %scan3A_36 step %scan3A_37  : i32 {
      %dma_wait3A = arith.constant 0 : i32
      %dma_wait3A_60 = tpu.memref_slice %arg5[%scan3A_59, %dma_wait3A] : memref<26x128xi32, #tpu.memory_space<vmem>> -> memref<1x128xi32, #tpu.memory_space<vmem>>
      %dma_wait3A_61 = tpu.memref_squeeze %dma_wait3A_60 : memref<1x128xi32, #tpu.memory_space<vmem>> -> memref<128xi32, #tpu.memory_space<vmem>>
      %dma_wait3A_62 = arith.constant 0 : i32
      %dma_wait3A_63 = tpu.memref_slice %arg9[%dma_wait3A_62] : memref<10240xf32, #tpu.memory_space<vmem_shared>> -> memref<10240xf32, #tpu.memory_space<vmem_shared>>
      tpu.wait_indirect_dma semaphore(%arg10 : memref<!tpu.dma_semaphore, #tpu.memory_space<semaphore_mem>>) src(%arg7 : memref<128xf32, #tpu.memory_space<vmem>>) dst(%dma_wait3A_63 : memref<10240xf32, #tpu.memory_space<vmem_shared>>)
    }
    %scan3A_38 = arith.constant 26 : i32
    %run_scoped3A_39 = arith.constant 2 : i32
    "tpu.region"() ({
      %run_scoped3A_59 = tpu.sem_alloc : memref<!tpu.dma_semaphore, #tpu.memory_space<semaphore_mem>>
      %dma_start3A = arith.constant 0 : i32
      %dma_start3A_60 = arith.constant 0 : i32
      %dma_start3A_61 = tpu.memref_slice %arg2[%add3A, %run_scoped3A_39, %dma_start3A, %dma_start3A_60] : memref<32x3x26x128xi32, #tpu.memory_space<hbm>> -> memref<1x1x26x128xi32, #tpu.memory_space<hbm>>
      %dma_start3A_62 = tpu.memref_squeeze %dma_start3A_61 : memref<1x1x26x128xi32, #tpu.memory_space<hbm>> -> memref<26x128xi32, #tpu.memory_space<hbm>>
      %dma_start3A_63 = arith.constant 0 : i32
      %dma_start3A_64 = arith.constant 0 : i32
      %dma_start3A_65 = tpu.memref_slice %arg2[%add3A, %run_scoped3A_39, %dma_start3A_63, %dma_start3A_64] : memref<32x3x26x128xi32, #tpu.memory_space<hbm>> -> memref<1x1x26x128xi32, #tpu.memory_space<hbm>>
      %dma_start3A_66 = tpu.memref_squeeze %dma_start3A_65 : memref<1x1x26x128xi32, #tpu.memory_space<hbm>> -> memref<26x128xi32, #tpu.memory_space<hbm>>
      tpu.enqueue_dma source(%dma_start3A_66 : memref<26x128xi32, #tpu.memory_space<hbm>>) target(%arg5 : memref<26x128xi32, #tpu.memory_space<vmem>>) target_semaphore(%run_scoped3A_59 : memref<!tpu.dma_semaphore, #tpu.memory_space<semaphore_mem>>)
      %dma_wait3A = arith.constant 0 : i32
      %dma_wait3A_67 = arith.constant 0 : i32
      %dma_wait3A_68 = tpu.memref_slice %arg2[%add3A, %run_scoped3A_39, %dma_wait3A, %dma_wait3A_67] : memref<32x3x26x128xi32, #tpu.memory_space<hbm>> -> memref<1x1x26x128xi32, #tpu.memory_space<hbm>>
      %dma_wait3A_69 = tpu.memref_squeeze %dma_wait3A_68 : memref<1x1x26x128xi32, #tpu.memory_space<hbm>> -> memref<26x128xi32, #tpu.memory_space<hbm>>
      %dma_wait3A_70 = arith.constant 0 : i32
      %dma_wait3A_71 = arith.constant 0 : i32
      %dma_wait3A_72 = tpu.memref_slice %arg2[%add3A, %run_scoped3A_39, %dma_wait3A_70, %dma_wait3A_71] : memref<32x3x26x128xi32, #tpu.memory_space<hbm>> -> memref<1x1x26x128xi32, #tpu.memory_space<hbm>>
      %dma_wait3A_73 = tpu.memref_squeeze %dma_wait3A_72 : memref<1x1x26x128xi32, #tpu.memory_space<hbm>> -> memref<26x128xi32, #tpu.memory_space<hbm>>
      tpu.wait_dma2 semaphore(%run_scoped3A_59 : memref<!tpu.dma_semaphore, #tpu.memory_space<semaphore_mem>>) src(%dma_wait3A_73 : memref<26x128xi32, #tpu.memory_space<hbm>>) dst(%arg5 : memref<26x128xi32, #tpu.memory_space<vmem>>)
      tpu.yield
    }) : () -> ()
    %scan3A_40 = arith.constant 0 : i32
    %scan3A_41 = arith.constant 0 : i32
    %scan3A_42 = arith.constant 26 : i32
    %scan3A_43 = arith.addi %scan3A_41, %scan3A_42 : i32
    %scan3A_44 = arith.constant 1 : i32
    scf.for %scan3A_59 = %scan3A_41 to %scan3A_43 step %scan3A_44  : i32 {
      %dma_start3A = arith.constant 0 : i32
      %dma_start3A_60 = tpu.memref_slice %arg5[%scan3A_59, %dma_start3A] : memref<26x128xi32, #tpu.memory_space<vmem>> -> memref<1x128xi32, #tpu.memory_space<vmem>>
      %dma_start3A_61 = tpu.memref_squeeze %dma_start3A_60 : memref<1x128xi32, #tpu.memory_space<vmem>> -> memref<128xi32, #tpu.memory_space<vmem>>
      %dma_start3A_62 = arith.constant 0 : i32
      %dma_start3A_63 = tpu.memref_slice %arg9[%dma_start3A_62] : memref<10240xf32, #tpu.memory_space<vmem_shared>> -> memref<10240xf32, #tpu.memory_space<vmem_shared>>
      tpu.enqueue_indirect_dma source(%arg7 : memref<128xf32, #tpu.memory_space<vmem>>) target(%dma_start3A_63 : memref<10240xf32, #tpu.memory_space<vmem_shared>>) offsets(%dma_start3A_61 : memref<128xi32, #tpu.memory_space<vmem>>) semaphore(%arg10 : memref<!tpu.dma_semaphore, #tpu.memory_space<semaphore_mem>>) {add = true}
    }
    %scan3A_45 = arith.constant 26 : i32
    %scan3A_46 = arith.constant 0 : i32
    %scan3A_47 = arith.constant 0 : i32
    %scan3A_48 = arith.constant 26 : i32
    %scan3A_49 = arith.addi %scan3A_47, %scan3A_48 : i32
    %scan3A_50 = arith.constant 1 : i32
    scf.for %scan3A_59 = %scan3A_47 to %scan3A_49 step %scan3A_50  : i32 {
      %dma_wait3A = arith.constant 0 : i32
      %dma_wait3A_60 = tpu.memref_slice %arg5[%scan3A_59, %dma_wait3A] : memref<26x128xi32, #tpu.memory_space<vmem>> -> memref<1x128xi32, #tpu.memory_space<vmem>>
      %dma_wait3A_61 = tpu.memref_squeeze %dma_wait3A_60 : memref<1x128xi32, #tpu.memory_space<vmem>> -> memref<128xi32, #tpu.memory_space<vmem>>
      %dma_wait3A_62 = arith.constant 0 : i32
      %dma_wait3A_63 = tpu.memref_slice %arg9[%dma_wait3A_62] : memref<10240xf32, #tpu.memory_space<vmem_shared>> -> memref<10240xf32, #tpu.memory_space<vmem_shared>>
      tpu.wait_indirect_dma semaphore(%arg10 : memref<!tpu.dma_semaphore, #tpu.memory_space<semaphore_mem>>) src(%arg7 : memref<128xf32, #tpu.memory_space<vmem>>) dst(%dma_wait3A_63 : memref<10240xf32, #tpu.memory_space<vmem_shared>>)
    }
    %scan3A_51 = arith.constant 26 : i32
    %lt3A = arith.constant 4 : i32
    %lt3A_52 = arith.cmpi slt, %add3A, %lt3A : i32
    %convert_element_type3A = arith.extui %lt3A_52 : i1 to i32
    %cond3A = arith.constant 0 : i32
    %cond3A_53 = arith.cmpi ne, %convert_element_type3A, %cond3A : i32
    scf.if %cond3A_53 {
      "tpu.region"() ({
        %run_scoped3A_60 = tpu.sem_alloc : memref<!tpu.dma_semaphore, #tpu.memory_space<semaphore_mem>>
        %dma_start3A = arith.constant 0 : i32
        %dma_start3A_61 = arith.constant 0 : i32
        %dma_start3A_62 = tpu.memref_slice %arg3[%add3A, %dma_start3A, %dma_start3A_61] : memref<4x1x128xi32, #tpu.memory_space<hbm>> -> memref<1x1x128xi32, #tpu.memory_space<hbm>>
        %dma_start3A_63 = tpu.memref_squeeze %dma_start3A_62 : memref<1x1x128xi32, #tpu.memory_space<hbm>> -> memref<1x128xi32, #tpu.memory_space<hbm>>
        %dma_start3A_64 = arith.constant 0 : i32
        %dma_start3A_65 = arith.constant 0 : i32
        %dma_start3A_66 = tpu.memref_slice %arg3[%add3A, %dma_start3A_64, %dma_start3A_65] : memref<4x1x128xi32, #tpu.memory_space<hbm>> -> memref<1x1x128xi32, #tpu.memory_space<hbm>>
        %dma_start3A_67 = tpu.memref_squeeze %dma_start3A_66 : memref<1x1x128xi32, #tpu.memory_space<hbm>> -> memref<1x128xi32, #tpu.memory_space<hbm>>
        tpu.enqueue_dma source(%dma_start3A_67 : memref<1x128xi32, #tpu.memory_space<hbm>>) target(%arg6 : memref<1x128xi32, #tpu.memory_space<vmem>>) target_semaphore(%run_scoped3A_60 : memref<!tpu.dma_semaphore, #tpu.memory_space<semaphore_mem>>)
        %dma_wait3A = arith.constant 0 : i32
        %dma_wait3A_68 = arith.constant 0 : i32
        %dma_wait3A_69 = tpu.memref_slice %arg3[%add3A, %dma_wait3A, %dma_wait3A_68] : memref<4x1x128xi32, #tpu.memory_space<hbm>> -> memref<1x1x128xi32, #tpu.memory_space<hbm>>
        %dma_wait3A_70 = tpu.memref_squeeze %dma_wait3A_69 : memref<1x1x128xi32, #tpu.memory_space<hbm>> -> memref<1x128xi32, #tpu.memory_space<hbm>>
        %dma_wait3A_71 = arith.constant 0 : i32
        %dma_wait3A_72 = arith.constant 0 : i32
        %dma_wait3A_73 = tpu.memref_slice %arg3[%add3A, %dma_wait3A_71, %dma_wait3A_72] : memref<4x1x128xi32, #tpu.memory_space<hbm>> -> memref<1x1x128xi32, #tpu.memory_space<hbm>>
        %dma_wait3A_74 = tpu.memref_squeeze %dma_wait3A_73 : memref<1x1x128xi32, #tpu.memory_space<hbm>> -> memref<1x128xi32, #tpu.memory_space<hbm>>
        tpu.wait_dma2 semaphore(%run_scoped3A_60 : memref<!tpu.dma_semaphore, #tpu.memory_space<semaphore_mem>>) src(%dma_wait3A_74 : memref<1x128xi32, #tpu.memory_space<hbm>>) dst(%arg6 : memref<1x128xi32, #tpu.memory_space<vmem>>)
        tpu.yield
      }) : () -> ()
      %run_scoped3A_59 = arith.constant 0 : i32
      "tpu.region"() ({
        %run_scoped3A_60 = tpu.sem_alloc : memref<!tpu.dma_semaphore, #tpu.memory_space<semaphore_mem>>
        %dma_start3A = arith.constant 0 : i32
        %dma_start3A_61 = tpu.memref_slice %arg6[%run_scoped3A_59, %dma_start3A] : memref<1x128xi32, #tpu.memory_space<vmem>> -> memref<1x128xi32, #tpu.memory_space<vmem>>
        %dma_start3A_62 = tpu.memref_squeeze %dma_start3A_61 : memref<1x128xi32, #tpu.memory_space<vmem>> -> memref<128xi32, #tpu.memory_space<vmem>>
        %dma_start3A_63 = arith.constant 0 : i32
        %dma_start3A_64 = tpu.memref_slice %arg9[%dma_start3A_63] : memref<10240xf32, #tpu.memory_space<vmem_shared>> -> memref<10240xf32, #tpu.memory_space<vmem_shared>>
        tpu.enqueue_indirect_dma source(%arg7 : memref<128xf32, #tpu.memory_space<vmem>>) target(%dma_start3A_64 : memref<10240xf32, #tpu.memory_space<vmem_shared>>) offsets(%dma_start3A_62 : memref<128xi32, #tpu.memory_space<vmem>>) semaphore(%run_scoped3A_60 : memref<!tpu.dma_semaphore, #tpu.memory_space<semaphore_mem>>) {add = true}
        %dma_wait3A = arith.constant 0 : i32
        %dma_wait3A_65 = tpu.memref_slice %arg6[%run_scoped3A_59, %dma_wait3A] : memref<1x128xi32, #tpu.memory_space<vmem>> -> memref<1x128xi32, #tpu.memory_space<vmem>>
        %dma_wait3A_66 = tpu.memref_squeeze %dma_wait3A_65 : memref<1x128xi32, #tpu.memory_space<vmem>> -> memref<128xi32, #tpu.memory_space<vmem>>
        %dma_wait3A_67 = arith.constant 0 : i32
        %dma_wait3A_68 = tpu.memref_slice %arg9[%dma_wait3A_67] : memref<10240xf32, #tpu.memory_space<vmem_shared>> -> memref<10240xf32, #tpu.memory_space<vmem_shared>>
        tpu.wait_indirect_dma semaphore(%run_scoped3A_60 : memref<!tpu.dma_semaphore, #tpu.memory_space<semaphore_mem>>) src(%arg7 : memref<128xf32, #tpu.memory_space<vmem>>) dst(%dma_wait3A_68 : memref<10240xf32, #tpu.memory_space<vmem_shared>>)
        tpu.yield
      }) : () -> ()
    } else {
    }
    %barrier3A_54 = arith.constant 0 : index
    tpu.barrier barrier_id(%barrier3A_54)
    %mul3A_55 = arith.constant 640 : i32
    %mul3A_56 = arith.muli %arg1, %mul3A_55 : i32
    %mul3A_57 = arith.constant 640 : i32
    %mul3A_58 = arith.muli %arg1, %mul3A_57 : i32
    "tpu.region"() ({
      %run_scoped3A_59 = tpu.sem_alloc : memref<!tpu.dma_semaphore, #tpu.memory_space<semaphore_mem>>
      %dma_start3A = tpu.memref_slice %arg4[%arg0, %mul3A_58] : memref<2x10240xf32, #tpu.memory_space<hbm>> -> memref<1x640xf32, #tpu.memory_space<hbm>>
      %dma_start3A_60 = tpu.memref_squeeze %dma_start3A : memref<1x640xf32, #tpu.memory_space<hbm>> -> memref<640xf32, #tpu.memory_space<hbm>>
      %dma_start3A_61 = tpu.memref_slice %arg9[%mul3A_56] : memref<10240xf32, #tpu.memory_space<vmem_shared>> -> memref<640xf32, #tpu.memory_space<vmem_shared>>
      tpu.enqueue_dma source(%dma_start3A_61 : memref<640xf32, #tpu.memory_space<vmem_shared>>) target(%dma_start3A_60 : memref<640xf32, #tpu.memory_space<hbm>>) target_semaphore(%run_scoped3A_59 : memref<!tpu.dma_semaphore, #tpu.memory_space<semaphore_mem>>)
      %dma_wait3A = tpu.memref_slice %arg4[%arg0, %mul3A_58] : memref<2x10240xf32, #tpu.memory_space<hbm>> -> memref<1x640xf32, #tpu.memory_space<hbm>>
      %dma_wait3A_62 = tpu.memref_squeeze %dma_wait3A : memref<1x640xf32, #tpu.memory_space<hbm>> -> memref<640xf32, #tpu.memory_space<hbm>>
      %dma_wait3A_63 = tpu.memref_slice %arg9[%mul3A_56] : memref<10240xf32, #tpu.memory_space<vmem_shared>> -> memref<640xf32, #tpu.memory_space<vmem_shared>>
      tpu.wait_dma2 semaphore(%run_scoped3A_59 : memref<!tpu.dma_semaphore, #tpu.memory_space<semaphore_mem>>) src(%dma_wait3A_63 : memref<640xf32, #tpu.memory_space<vmem_shared>>) dst(%dma_wait3A_62 : memref<640xf32, #tpu.memory_space<hbm>>)
      tpu.yield
    }) : () -> ()
    return
  }
}

#map = affine_map<(d0, d1) -> (0, 0)>
#map1 = affine_map<(d0, d1) -> (0, 0, 0, 0)>
#map2 = affine_map<(d0, d1) -> (0, 0, 0)>
module attributes {stable_mosaic.version = 14 : i64} {
  func.func @_gather_add_kernel(%arg0: i32, %arg1: i32, %arg2: memref<10000x128xf32, #tpu.memory_space<hbm>>, %arg3: memref<32x3x26x128xi32, #tpu.memory_space<hbm>>, %arg4: memref<32x3x26x128xi32, #tpu.memory_space<hbm>>, %arg5: memref<4x1x128xi32, #tpu.memory_space<hbm>>, %arg6: memref<4x1x128xi32, #tpu.memory_space<hbm>>, %arg7: memref<2x10240x128xf32, #tpu.memory_space<hbm>>, %arg8: memref<26x128xi32, #tpu.memory_space<vmem>>, %arg9: memref<26x128xi32, #tpu.memory_space<vmem>>, %arg10: memref<128x128xf32, #tpu.memory_space<vmem>>, %arg11: memref<128x128xf32, #tpu.memory_space<vmem>>, %arg12: memref<10240x128xf32, #tpu.memory_space<vmem_shared>>, %arg13: memref<!tpu.dma_semaphore, #tpu.memory_space<semaphore_mem>>, %arg14: memref<!tpu.dma_semaphore, #tpu.memory_space<semaphore_mem>>, %arg15: memref<!tpu.dma_semaphore, #tpu.memory_space<semaphore_mem>>, %arg16: memref<!tpu.dma_semaphore, #tpu.memory_space<semaphore_mem>>) attributes {dimension_semantics = [#tpu.dimension_semantics<core_parallel>, #tpu.dimension_semantics<subcore_parallel>], iteration_bounds = array<i64: 2, 16>, scalar_prefetch = 0 : i64, scratch_operands = 9 : i64, tpu.core_type = #tpu.core_type<sc_vector_subcore>, window_params = [{transform_indices = #map}, {transform_indices = #map1}, {transform_indices = #map1}, {transform_indices = #map2}, {transform_indices = #map2}, {transform_indices = #map2}]} {
    %mul3A = arith.constant 16 : i32
    %mul3A_0 = arith.muli %arg0, %mul3A : i32
    %add3A = arith.addi %mul3A_0, %arg1 : i32
    %scan3A = arith.constant 0 : i32
    %scan3A_1 = arith.constant 0 : i32
    %scan3A_2 = arith.constant 128 : i32
    %scan3A_3 = arith.addi %scan3A_1, %scan3A_2 : i32
    %scan3A_4 = arith.constant 1 : i32
    scf.for %scan3A_154 = %scan3A_1 to %scan3A_3 step %scan3A_4  : i32 {
      %scan3A_155 = arith.constant 0 : i32
      %scan3A_156 = arith.constant 8 : i32
      %scan3A_157 = arith.addi %scan3A_155, %scan3A_156 : i32
      %scan3A_158 = arith.constant 1 : i32
      scf.for %scan3A_160 = %scan3A_155 to %scan3A_157 step %scan3A_158  : i32 {
        %broadcast_in_dim3A = arith.constant 0.000000e+00 : f32
        %broadcast_in_dim3A_161 = vector.broadcast %broadcast_in_dim3A : f32 to vector<16xf32>
        %mul3A_162 = arith.constant 16 : i32
        %mul3A_163 = arith.muli %scan3A_160, %mul3A_162 : i32
        %swap3A = arith.index_cast %scan3A_154 : i32 to index
        %swap3A_164 = arith.index_cast %mul3A_163 : i32 to index
        %swap3A_165 = tpu.vector_load %arg10[%swap3A, %swap3A_164] {strides = array<i32>} : memref<128x128xf32, #tpu.memory_space<vmem>>, vector<1x16xf32>,
        %swap3A_166 = vector.shape_cast %swap3A_165 : vector<1x16xf32> to vector<16xf32>
        %swap3A_167 = vector.shape_cast %broadcast_in_dim3A_161 : vector<16xf32> to vector<1x16xf32>
        tpu.vector_store %arg10[%swap3A, %swap3A_164], %swap3A_167 {strides = array<i32>} : memref<128x128xf32, #tpu.memory_space<vmem>>, vector<1x16xf32>,
      }
      %scan3A_159 = arith.constant 8 : i32
    }
    %scan3A_5 = arith.constant 128 : i32
    %mul3A_6 = arith.constant 640 : i32
    %mul3A_7 = arith.muli %arg1, %mul3A_6 : i32
    %add3A_8 = arith.constant 0 : i32
    %add3A_9 = arith.addi %mul3A_7, %add3A_8 : i32
    "tpu.region"() ({
      %run_scoped3A_154 = tpu.sem_alloc : memref<!tpu.dma_semaphore, #tpu.memory_space<semaphore_mem>>
      %dma_start3A_155 = arith.constant 0 : i32
      %dma_start3A_156 = tpu.memref_slice %arg12[%add3A_9, %dma_start3A_155] : memref<10240x128xf32, #tpu.memory_space<vmem_shared>> -> memref<128x128xf32, #tpu.memory_space<vmem_shared>>
      %dma_start3A_157 = arith.constant 0 : i32
      %dma_start3A_158 = tpu.memref_slice %arg12[%add3A_9, %dma_start3A_157] : memref<10240x128xf32, #tpu.memory_space<vmem_shared>> -> memref<128x128xf32, #tpu.memory_space<vmem_shared>>
      tpu.enqueue_dma source(%arg10 : memref<128x128xf32, #tpu.memory_space<vmem>>) target(%dma_start3A_158 : memref<128x128xf32, #tpu.memory_space<vmem_shared>>) target_semaphore(%run_scoped3A_154 : memref<!tpu.dma_semaphore, #tpu.memory_space<semaphore_mem>>)
      %dma_wait3A_159 = arith.constant 0 : i32
      %dma_wait3A_160 = tpu.memref_slice %arg12[%add3A_9, %dma_wait3A_159] : memref<10240x128xf32, #tpu.memory_space<vmem_shared>> -> memref<128x128xf32, #tpu.memory_space<vmem_shared>>
      %dma_wait3A_161 = arith.constant 0 : i32
      %dma_wait3A_162 = tpu.memref_slice %arg12[%add3A_9, %dma_wait3A_161] : memref<10240x128xf32, #tpu.memory_space<vmem_shared>> -> memref<128x128xf32, #tpu.memory_space<vmem_shared>>
      tpu.wait_dma2 semaphore(%run_scoped3A_154 : memref<!tpu.dma_semaphore, #tpu.memory_space<semaphore_mem>>) src(%arg10 : memref<128x128xf32, #tpu.memory_space<vmem>>) dst(%dma_wait3A_162 : memref<128x128xf32, #tpu.memory_space<vmem_shared>>)
      tpu.yield
    }) : () -> ()
    %mul3A_10 = arith.constant 640 : i32
    %mul3A_11 = arith.muli %arg1, %mul3A_10 : i32
    %add3A_12 = arith.constant 128 : i32
    %add3A_13 = arith.addi %mul3A_11, %add3A_12 : i32
    "tpu.region"() ({
      %run_scoped3A_154 = tpu.sem_alloc : memref<!tpu.dma_semaphore, #tpu.memory_space<semaphore_mem>>
      %dma_start3A_155 = arith.constant 0 : i32
      %dma_start3A_156 = tpu.memref_slice %arg12[%add3A_13, %dma_start3A_155] : memref<10240x128xf32, #tpu.memory_space<vmem_shared>> -> memref<128x128xf32, #tpu.memory_space<vmem_shared>>
      %dma_start3A_157 = arith.constant 0 : i32
      %dma_start3A_158 = tpu.memref_slice %arg12[%add3A_13, %dma_start3A_157] : memref<10240x128xf32, #tpu.memory_space<vmem_shared>> -> memref<128x128xf32, #tpu.memory_space<vmem_shared>>
      tpu.enqueue_dma source(%arg10 : memref<128x128xf32, #tpu.memory_space<vmem>>) target(%dma_start3A_158 : memref<128x128xf32, #tpu.memory_space<vmem_shared>>) target_semaphore(%run_scoped3A_154 : memref<!tpu.dma_semaphore, #tpu.memory_space<semaphore_mem>>)
      %dma_wait3A_159 = arith.constant 0 : i32
      %dma_wait3A_160 = tpu.memref_slice %arg12[%add3A_13, %dma_wait3A_159] : memref<10240x128xf32, #tpu.memory_space<vmem_shared>> -> memref<128x128xf32, #tpu.memory_space<vmem_shared>>
      %dma_wait3A_161 = arith.constant 0 : i32
      %dma_wait3A_162 = tpu.memref_slice %arg12[%add3A_13, %dma_wait3A_161] : memref<10240x128xf32, #tpu.memory_space<vmem_shared>> -> memref<128x128xf32, #tpu.memory_space<vmem_shared>>
      tpu.wait_dma2 semaphore(%run_scoped3A_154 : memref<!tpu.dma_semaphore, #tpu.memory_space<semaphore_mem>>) src(%arg10 : memref<128x128xf32, #tpu.memory_space<vmem>>) dst(%dma_wait3A_162 : memref<128x128xf32, #tpu.memory_space<vmem_shared>>)
      tpu.yield
    }) : () -> ()
    %mul3A_14 = arith.constant 640 : i32
    %mul3A_15 = arith.muli %arg1, %mul3A_14 : i32
    %add3A_16 = arith.constant 256 : i32
    %add3A_17 = arith.addi %mul3A_15, %add3A_16 : i32
    "tpu.region"() ({
      %run_scoped3A_154 = tpu.sem_alloc : memref<!tpu.dma_semaphore, #tpu.memory_space<semaphore_mem>>
      %dma_start3A_155 = arith.constant 0 : i32
      %dma_start3A_156 = tpu.memref_slice %arg12[%add3A_17, %dma_start3A_155] : memref<10240x128xf32, #tpu.memory_space<vmem_shared>> -> memref<128x128xf32, #tpu.memory_space<vmem_shared>>
      %dma_start3A_157 = arith.constant 0 : i32
      %dma_start3A_158 = tpu.memref_slice %arg12[%add3A_17, %dma_start3A_157] : memref<10240x128xf32, #tpu.memory_space<vmem_shared>> -> memref<128x128xf32, #tpu.memory_space<vmem_shared>>
      tpu.enqueue_dma source(%arg10 : memref<128x128xf32, #tpu.memory_space<vmem>>) target(%dma_start3A_158 : memref<128x128xf32, #tpu.memory_space<vmem_shared>>) target_semaphore(%run_scoped3A_154 : memref<!tpu.dma_semaphore, #tpu.memory_space<semaphore_mem>>)
      %dma_wait3A_159 = arith.constant 0 : i32
      %dma_wait3A_160 = tpu.memref_slice %arg12[%add3A_17, %dma_wait3A_159] : memref<10240x128xf32, #tpu.memory_space<vmem_shared>> -> memref<128x128xf32, #tpu.memory_space<vmem_shared>>
      %dma_wait3A_161 = arith.constant 0 : i32
      %dma_wait3A_162 = tpu.memref_slice %arg12[%add3A_17, %dma_wait3A_161] : memref<10240x128xf32, #tpu.memory_space<vmem_shared>> -> memref<128x128xf32, #tpu.memory_space<vmem_shared>>
      tpu.wait_dma2 semaphore(%run_scoped3A_154 : memref<!tpu.dma_semaphore, #tpu.memory_space<semaphore_mem>>) src(%arg10 : memref<128x128xf32, #tpu.memory_space<vmem>>) dst(%dma_wait3A_162 : memref<128x128xf32, #tpu.memory_space<vmem_shared>>)
      tpu.yield
    }) : () -> ()
    %mul3A_18 = arith.constant 640 : i32
    %mul3A_19 = arith.muli %arg1, %mul3A_18 : i32
    %add3A_20 = arith.constant 384 : i32
    %add3A_21 = arith.addi %mul3A_19, %add3A_20 : i32
    "tpu.region"() ({
      %run_scoped3A_154 = tpu.sem_alloc : memref<!tpu.dma_semaphore, #tpu.memory_space<semaphore_mem>>
      %dma_start3A_155 = arith.constant 0 : i32
      %dma_start3A_156 = tpu.memref_slice %arg12[%add3A_21, %dma_start3A_155] : memref<10240x128xf32, #tpu.memory_space<vmem_shared>> -> memref<128x128xf32, #tpu.memory_space<vmem_shared>>
      %dma_start3A_157 = arith.constant 0 : i32
      %dma_start3A_158 = tpu.memref_slice %arg12[%add3A_21, %dma_start3A_157] : memref<10240x128xf32, #tpu.memory_space<vmem_shared>> -> memref<128x128xf32, #tpu.memory_space<vmem_shared>>
      tpu.enqueue_dma source(%arg10 : memref<128x128xf32, #tpu.memory_space<vmem>>) target(%dma_start3A_158 : memref<128x128xf32, #tpu.memory_space<vmem_shared>>) target_semaphore(%run_scoped3A_154 : memref<!tpu.dma_semaphore, #tpu.memory_space<semaphore_mem>>)
      %dma_wait3A_159 = arith.constant 0 : i32
      %dma_wait3A_160 = tpu.memref_slice %arg12[%add3A_21, %dma_wait3A_159] : memref<10240x128xf32, #tpu.memory_space<vmem_shared>> -> memref<128x128xf32, #tpu.memory_space<vmem_shared>>
      %dma_wait3A_161 = arith.constant 0 : i32
      %dma_wait3A_162 = tpu.memref_slice %arg12[%add3A_21, %dma_wait3A_161] : memref<10240x128xf32, #tpu.memory_space<vmem_shared>> -> memref<128x128xf32, #tpu.memory_space<vmem_shared>>
      tpu.wait_dma2 semaphore(%run_scoped3A_154 : memref<!tpu.dma_semaphore, #tpu.memory_space<semaphore_mem>>) src(%arg10 : memref<128x128xf32, #tpu.memory_space<vmem>>) dst(%dma_wait3A_162 : memref<128x128xf32, #tpu.memory_space<vmem_shared>>)
      tpu.yield
    }) : () -> ()
    %mul3A_22 = arith.constant 640 : i32
    %mul3A_23 = arith.muli %arg1, %mul3A_22 : i32
    %add3A_24 = arith.constant 512 : i32
    %add3A_25 = arith.addi %mul3A_23, %add3A_24 : i32
    "tpu.region"() ({
      %run_scoped3A_154 = tpu.sem_alloc : memref<!tpu.dma_semaphore, #tpu.memory_space<semaphore_mem>>
      %dma_start3A_155 = arith.constant 0 : i32
      %dma_start3A_156 = tpu.memref_slice %arg12[%add3A_25, %dma_start3A_155] : memref<10240x128xf32, #tpu.memory_space<vmem_shared>> -> memref<128x128xf32, #tpu.memory_space<vmem_shared>>
      %dma_start3A_157 = arith.constant 0 : i32
      %dma_start3A_158 = tpu.memref_slice %arg12[%add3A_25, %dma_start3A_157] : memref<10240x128xf32, #tpu.memory_space<vmem_shared>> -> memref<128x128xf32, #tpu.memory_space<vmem_shared>>
      tpu.enqueue_dma source(%arg10 : memref<128x128xf32, #tpu.memory_space<vmem>>) target(%dma_start3A_158 : memref<128x128xf32, #tpu.memory_space<vmem_shared>>) target_semaphore(%run_scoped3A_154 : memref<!tpu.dma_semaphore, #tpu.memory_space<semaphore_mem>>)
      %dma_wait3A_159 = arith.constant 0 : i32
      %dma_wait3A_160 = tpu.memref_slice %arg12[%add3A_25, %dma_wait3A_159] : memref<10240x128xf32, #tpu.memory_space<vmem_shared>> -> memref<128x128xf32, #tpu.memory_space<vmem_shared>>
      %dma_wait3A_161 = arith.constant 0 : i32
      %dma_wait3A_162 = tpu.memref_slice %arg12[%add3A_25, %dma_wait3A_161] : memref<10240x128xf32, #tpu.memory_space<vmem_shared>> -> memref<128x128xf32, #tpu.memory_space<vmem_shared>>
      tpu.wait_dma2 semaphore(%run_scoped3A_154 : memref<!tpu.dma_semaphore, #tpu.memory_space<semaphore_mem>>) src(%arg10 : memref<128x128xf32, #tpu.memory_space<vmem>>) dst(%dma_wait3A_162 : memref<128x128xf32, #tpu.memory_space<vmem_shared>>)
      tpu.yield
    }) : () -> ()
    %barrier3A = arith.constant 0 : index
    tpu.barrier barrier_id(%barrier3A)
    %run_scoped3A = arith.constant 0 : i32
    "tpu.region"() ({
      %run_scoped3A_154 = tpu.sem_alloc : memref<!tpu.dma_semaphore, #tpu.memory_space<semaphore_mem>>
      %dma_start3A_155 = arith.constant 0 : i32
      %dma_start3A_156 = arith.constant 0 : i32
      %dma_start3A_157 = tpu.memref_slice %arg3[%add3A, %run_scoped3A, %dma_start3A_155, %dma_start3A_156] : memref<32x3x26x128xi32, #tpu.memory_space<hbm>> -> memref<1x1x26x128xi32, #tpu.memory_space<hbm>>
      %dma_start3A_158 = tpu.memref_squeeze %dma_start3A_157 : memref<1x1x26x128xi32, #tpu.memory_space<hbm>> -> memref<26x128xi32, #tpu.memory_space<hbm>>
      %dma_start3A_159 = arith.constant 0 : i32
      %dma_start3A_160 = arith.constant 0 : i32
      %dma_start3A_161 = tpu.memref_slice %arg3[%add3A, %run_scoped3A, %dma_start3A_159, %dma_start3A_160] : memref<32x3x26x128xi32, #tpu.memory_space<hbm>> -> memref<1x1x26x128xi32, #tpu.memory_space<hbm>>
      %dma_start3A_162 = tpu.memref_squeeze %dma_start3A_161 : memref<1x1x26x128xi32, #tpu.memory_space<hbm>> -> memref<26x128xi32, #tpu.memory_space<hbm>>
      tpu.enqueue_dma source(%dma_start3A_162 : memref<26x128xi32, #tpu.memory_space<hbm>>) target(%arg8 : memref<26x128xi32, #tpu.memory_space<vmem>>) target_semaphore(%run_scoped3A_154 : memref<!tpu.dma_semaphore, #tpu.memory_space<semaphore_mem>>)
      %dma_wait3A_163 = arith.constant 0 : i32
      %dma_wait3A_164 = arith.constant 0 : i32
      %dma_wait3A_165 = tpu.memref_slice %arg3[%add3A, %run_scoped3A, %dma_wait3A_163, %dma_wait3A_164] : memref<32x3x26x128xi32, #tpu.memory_space<hbm>> -> memref<1x1x26x128xi32, #tpu.memory_space<hbm>>
      %dma_wait3A_166 = tpu.memref_squeeze %dma_wait3A_165 : memref<1x1x26x128xi32, #tpu.memory_space<hbm>> -> memref<26x128xi32, #tpu.memory_space<hbm>>
      %dma_wait3A_167 = arith.constant 0 : i32
      %dma_wait3A_168 = arith.constant 0 : i32
      %dma_wait3A_169 = tpu.memref_slice %arg3[%add3A, %run_scoped3A, %dma_wait3A_167, %dma_wait3A_168] : memref<32x3x26x128xi32, #tpu.memory_space<hbm>> -> memref<1x1x26x128xi32, #tpu.memory_space<hbm>>
      %dma_wait3A_170 = tpu.memref_squeeze %dma_wait3A_169 : memref<1x1x26x128xi32, #tpu.memory_space<hbm>> -> memref<26x128xi32, #tpu.memory_space<hbm>>
      tpu.wait_dma2 semaphore(%run_scoped3A_154 : memref<!tpu.dma_semaphore, #tpu.memory_space<semaphore_mem>>) src(%dma_wait3A_170 : memref<26x128xi32, #tpu.memory_space<hbm>>) dst(%arg8 : memref<26x128xi32, #tpu.memory_space<vmem>>)
      tpu.yield
    }) : () -> ()
    %run_scoped3A_26 = arith.constant 0 : i32
    "tpu.region"() ({
      %run_scoped3A_154 = tpu.sem_alloc : memref<!tpu.dma_semaphore, #tpu.memory_space<semaphore_mem>>
      %dma_start3A_155 = arith.constant 0 : i32
      %dma_start3A_156 = arith.constant 0 : i32
      %dma_start3A_157 = tpu.memref_slice %arg4[%add3A, %run_scoped3A_26, %dma_start3A_155, %dma_start3A_156] : memref<32x3x26x128xi32, #tpu.memory_space<hbm>> -> memref<1x1x26x128xi32, #tpu.memory_space<hbm>>
      %dma_start3A_158 = tpu.memref_squeeze %dma_start3A_157 : memref<1x1x26x128xi32, #tpu.memory_space<hbm>> -> memref<26x128xi32, #tpu.memory_space<hbm>>
      %dma_start3A_159 = arith.constant 0 : i32
      %dma_start3A_160 = arith.constant 0 : i32
      %dma_start3A_161 = tpu.memref_slice %arg4[%add3A, %run_scoped3A_26, %dma_start3A_159, %dma_start3A_160] : memref<32x3x26x128xi32, #tpu.memory_space<hbm>> -> memref<1x1x26x128xi32, #tpu.memory_space<hbm>>
      %dma_start3A_162 = tpu.memref_squeeze %dma_start3A_161 : memref<1x1x26x128xi32, #tpu.memory_space<hbm>> -> memref<26x128xi32, #tpu.memory_space<hbm>>
      tpu.enqueue_dma source(%dma_start3A_162 : memref<26x128xi32, #tpu.memory_space<hbm>>) target(%arg9 : memref<26x128xi32, #tpu.memory_space<vmem>>) target_semaphore(%run_scoped3A_154 : memref<!tpu.dma_semaphore, #tpu.memory_space<semaphore_mem>>)
      %dma_wait3A_163 = arith.constant 0 : i32
      %dma_wait3A_164 = arith.constant 0 : i32
      %dma_wait3A_165 = tpu.memref_slice %arg4[%add3A, %run_scoped3A_26, %dma_wait3A_163, %dma_wait3A_164] : memref<32x3x26x128xi32, #tpu.memory_space<hbm>> -> memref<1x1x26x128xi32, #tpu.memory_space<hbm>>
      %dma_wait3A_166 = tpu.memref_squeeze %dma_wait3A_165 : memref<1x1x26x128xi32, #tpu.memory_space<hbm>> -> memref<26x128xi32, #tpu.memory_space<hbm>>
      %dma_wait3A_167 = arith.constant 0 : i32
      %dma_wait3A_168 = arith.constant 0 : i32
      %dma_wait3A_169 = tpu.memref_slice %arg4[%add3A, %run_scoped3A_26, %dma_wait3A_167, %dma_wait3A_168] : memref<32x3x26x128xi32, #tpu.memory_space<hbm>> -> memref<1x1x26x128xi32, #tpu.memory_space<hbm>>
      %dma_wait3A_170 = tpu.memref_squeeze %dma_wait3A_169 : memref<1x1x26x128xi32, #tpu.memory_space<hbm>> -> memref<26x128xi32, #tpu.memory_space<hbm>>
      tpu.wait_dma2 semaphore(%run_scoped3A_154 : memref<!tpu.dma_semaphore, #tpu.memory_space<semaphore_mem>>) src(%dma_wait3A_170 : memref<26x128xi32, #tpu.memory_space<hbm>>) dst(%arg9 : memref<26x128xi32, #tpu.memory_space<vmem>>)
      tpu.yield
    }) : () -> ()
    %dma_start3A = arith.constant 0 : i32
    %dma_start3A_27 = arith.constant 0 : i32
    %dma_start3A_28 = tpu.memref_slice %arg8[%dma_start3A, %dma_start3A_27] : memref<26x128xi32, #tpu.memory_space<vmem>> -> memref<1x128xi32, #tpu.memory_space<vmem>>
    %dma_start3A_29 = tpu.memref_squeeze %dma_start3A_28 : memref<1x128xi32, #tpu.memory_space<vmem>> -> memref<128xi32, #tpu.memory_space<vmem>>
    %dma_start3A_30 = arith.constant 0 : i32
    %dma_start3A_31 = arith.constant 0 : i32
    %dma_start3A_32 = tpu.memref_slice %arg2[%dma_start3A_30, %dma_start3A_31] : memref<10000x128xf32, #tpu.memory_space<hbm>> -> memref<10000x128xf32, #tpu.memory_space<hbm>>
    tpu.enqueue_indirect_dma source(%dma_start3A_32 : memref<10000x128xf32, #tpu.memory_space<hbm>>) target(%arg10 : memref<128x128xf32, #tpu.memory_space<vmem>>) offsets(%dma_start3A_29 : memref<128xi32, #tpu.memory_space<vmem>>) semaphore(%arg13 : memref<!tpu.dma_semaphore, #tpu.memory_space<semaphore_mem>>)
    %dma_start3A_33 = arith.constant 1 : i32
    %dma_start3A_34 = arith.constant 0 : i32
    %dma_start3A_35 = tpu.memref_slice %arg8[%dma_start3A_33, %dma_start3A_34] : memref<26x128xi32, #tpu.memory_space<vmem>> -> memref<1x128xi32, #tpu.memory_space<vmem>>
    %dma_start3A_36 = tpu.memref_squeeze %dma_start3A_35 : memref<1x128xi32, #tpu.memory_space<vmem>> -> memref<128xi32, #tpu.memory_space<vmem>>
    %dma_start3A_37 = arith.constant 0 : i32
    %dma_start3A_38 = arith.constant 0 : i32
    %dma_start3A_39 = tpu.memref_slice %arg2[%dma_start3A_37, %dma_start3A_38] : memref<10000x128xf32, #tpu.memory_space<hbm>> -> memref<10000x128xf32, #tpu.memory_space<hbm>>
    tpu.enqueue_indirect_dma source(%dma_start3A_39 : memref<10000x128xf32, #tpu.memory_space<hbm>>) target(%arg11 : memref<128x128xf32, #tpu.memory_space<vmem>>) offsets(%dma_start3A_36 : memref<128xi32, #tpu.memory_space<vmem>>) semaphore(%arg14 : memref<!tpu.dma_semaphore, #tpu.memory_space<semaphore_mem>>)
    %scan3A_40 = arith.constant 0 : i32
    %scan3A_41 = arith.constant 0 : i32
    %scan3A_42 = arith.constant 13 : i32
    %scan3A_43 = arith.addi %scan3A_41, %scan3A_42 : i32
    %scan3A_44 = arith.constant 1 : i32
    scf.for %scan3A_154 = %scan3A_41 to %scan3A_43 step %scan3A_44  : i32 {
      %mul3A_155 = arith.constant 2 : i32
      %mul3A_156 = arith.muli %mul3A_155, %scan3A_154 : i32
      %dma_wait3A_157 = arith.constant 0 : i32
      %dma_wait3A_158 = tpu.memref_slice %arg8[%mul3A_156, %dma_wait3A_157] : memref<26x128xi32, #tpu.memory_space<vmem>> -> memref<1x128xi32, #tpu.memory_space<vmem>>
      %dma_wait3A_159 = tpu.memref_squeeze %dma_wait3A_158 : memref<1x128xi32, #tpu.memory_space<vmem>> -> memref<128xi32, #tpu.memory_space<vmem>>
      %dma_wait3A_160 = arith.constant 0 : i32
      %dma_wait3A_161 = arith.constant 0 : i32
      %dma_wait3A_162 = tpu.memref_slice %arg2[%dma_wait3A_160, %dma_wait3A_161] : memref<10000x128xf32, #tpu.memory_space<hbm>> -> memref<10000x128xf32, #tpu.memory_space<hbm>>
      tpu.wait_indirect_dma semaphore(%arg13 : memref<!tpu.dma_semaphore, #tpu.memory_space<semaphore_mem>>) src(%dma_wait3A_162 : memref<10000x128xf32, #tpu.memory_space<hbm>>) dst(%arg10 : memref<128x128xf32, #tpu.memory_space<vmem>>)
      %dma_start3A_163 = arith.constant 0 : i32
      %dma_start3A_164 = tpu.memref_slice %arg9[%mul3A_156, %dma_start3A_163] : memref<26x128xi32, #tpu.memory_space<vmem>> -> memref<1x128xi32, #tpu.memory_space<vmem>>
      %dma_start3A_165 = tpu.memref_squeeze %dma_start3A_164 : memref<1x128xi32, #tpu.memory_space<vmem>> -> memref<128xi32, #tpu.memory_space<vmem>>
      %dma_start3A_166 = arith.constant 0 : i32
      %dma_start3A_167 = arith.constant 0 : i32
      %dma_start3A_168 = tpu.memref_slice %arg12[%dma_start3A_166, %dma_start3A_167] : memref<10240x128xf32, #tpu.memory_space<vmem_shared>> -> memref<10240x128xf32, #tpu.memory_space<vmem_shared>>
      tpu.enqueue_indirect_dma source(%arg10 : memref<128x128xf32, #tpu.memory_space<vmem>>) target(%dma_start3A_168 : memref<10240x128xf32, #tpu.memory_space<vmem_shared>>) offsets(%dma_start3A_165 : memref<128xi32, #tpu.memory_space<vmem>>) semaphore(%arg15 : memref<!tpu.dma_semaphore, #tpu.memory_space<semaphore_mem>>) {add = true}
      %add3A_169 = arith.constant 2 : i32
      %add3A_170 = arith.addi %mul3A_156, %add3A_169 : i32
      %lt3A_171 = arith.constant 26 : i32
      %lt3A_172 = arith.cmpi slt, %add3A_170, %lt3A_171 : i32
      %convert_element_type3A_173 = arith.extui %lt3A_172 : i1 to i32
      %cond3A_174 = arith.constant 0 : i32
      %cond3A_175 = arith.cmpi ne, %convert_element_type3A_173, %cond3A_174 : i32
      scf.if %cond3A_175 {
        %dma_wait3A_197 = arith.constant 0 : i32
        %dma_wait3A_198 = tpu.memref_slice %arg9[%mul3A_156, %dma_wait3A_197] : memref<26x128xi32, #tpu.memory_space<vmem>> -> memref<1x128xi32, #tpu.memory_space<vmem>>
        %dma_wait3A_199 = tpu.memref_squeeze %dma_wait3A_198 : memref<1x128xi32, #tpu.memory_space<vmem>> -> memref<128xi32, #tpu.memory_space<vmem>>
        %dma_wait3A_200 = arith.constant 0 : i32
        %dma_wait3A_201 = arith.constant 0 : i32
        %dma_wait3A_202 = tpu.memref_slice %arg12[%dma_wait3A_200, %dma_wait3A_201] : memref<10240x128xf32, #tpu.memory_space<vmem_shared>> -> memref<10240x128xf32, #tpu.memory_space<vmem_shared>>
        tpu.wait_indirect_dma semaphore(%arg15 : memref<!tpu.dma_semaphore, #tpu.memory_space<semaphore_mem>>) src(%arg10 : memref<128x128xf32, #tpu.memory_space<vmem>>) dst(%dma_wait3A_202 : memref<10240x128xf32, #tpu.memory_space<vmem_shared>>)
        %add3A_203 = arith.constant 2 : i32
        %add3A_204 = arith.addi %mul3A_156, %add3A_203 : i32
        %dma_start3A_205 = arith.constant 0 : i32
        %dma_start3A_206 = tpu.memref_slice %arg8[%add3A_204, %dma_start3A_205] : memref<26x128xi32, #tpu.memory_space<vmem>> -> memref<1x128xi32, #tpu.memory_space<vmem>>
        %dma_start3A_207 = tpu.memref_squeeze %dma_start3A_206 : memref<1x128xi32, #tpu.memory_space<vmem>> -> memref<128xi32, #tpu.memory_space<vmem>>
        %dma_start3A_208 = arith.constant 0 : i32
        %dma_start3A_209 = arith.constant 0 : i32
        %dma_start3A_210 = tpu.memref_slice %arg2[%dma_start3A_208, %dma_start3A_209] : memref<10000x128xf32, #tpu.memory_space<hbm>> -> memref<10000x128xf32, #tpu.memory_space<hbm>>
        tpu.enqueue_indirect_dma source(%dma_start3A_210 : memref<10000x128xf32, #tpu.memory_space<hbm>>) target(%arg10 : memref<128x128xf32, #tpu.memory_space<vmem>>) offsets(%dma_start3A_207 : memref<128xi32, #tpu.memory_space<vmem>>) semaphore(%arg13 : memref<!tpu.dma_semaphore, #tpu.memory_space<semaphore_mem>>)
      } else {
      }
      %add3A_176 = arith.constant 1 : i32
      %add3A_177 = arith.addi %mul3A_156, %add3A_176 : i32
      %dma_wait3A_178 = arith.constant 0 : i32
      %dma_wait3A_179 = tpu.memref_slice %arg8[%add3A_177, %dma_wait3A_178] : memref<26x128xi32, #tpu.memory_space<vmem>> -> memref<1x128xi32, #tpu.memory_space<vmem>>
      %dma_wait3A_180 = tpu.memref_squeeze %dma_wait3A_179 : memref<1x128xi32, #tpu.memory_space<vmem>> -> memref<128xi32, #tpu.memory_space<vmem>>
      %dma_wait3A_181 = arith.constant 0 : i32
      %dma_wait3A_182 = arith.constant 0 : i32
      %dma_wait3A_183 = tpu.memref_slice %arg2[%dma_wait3A_181, %dma_wait3A_182] : memref<10000x128xf32, #tpu.memory_space<hbm>> -> memref<10000x128xf32, #tpu.memory_space<hbm>>
      tpu.wait_indirect_dma semaphore(%arg14 : memref<!tpu.dma_semaphore, #tpu.memory_space<semaphore_mem>>) src(%dma_wait3A_183 : memref<10000x128xf32, #tpu.memory_space<hbm>>) dst(%arg11 : memref<128x128xf32, #tpu.memory_space<vmem>>)
      %dma_start3A_184 = arith.constant 0 : i32
      %dma_start3A_185 = tpu.memref_slice %arg9[%add3A_177, %dma_start3A_184] : memref<26x128xi32, #tpu.memory_space<vmem>> -> memref<1x128xi32, #tpu.memory_space<vmem>>
      %dma_start3A_186 = tpu.memref_squeeze %dma_start3A_185 : memref<1x128xi32, #tpu.memory_space<vmem>> -> memref<128xi32, #tpu.memory_space<vmem>>
      %dma_start3A_187 = arith.constant 0 : i32
      %dma_start3A_188 = arith.constant 0 : i32
      %dma_start3A_189 = tpu.memref_slice %arg12[%dma_start3A_187, %dma_start3A_188] : memref<10240x128xf32, #tpu.memory_space<vmem_shared>> -> memref<10240x128xf32, #tpu.memory_space<vmem_shared>>
      tpu.enqueue_indirect_dma source(%arg11 : memref<128x128xf32, #tpu.memory_space<vmem>>) target(%dma_start3A_189 : memref<10240x128xf32, #tpu.memory_space<vmem_shared>>) offsets(%dma_start3A_186 : memref<128xi32, #tpu.memory_space<vmem>>) semaphore(%arg16 : memref<!tpu.dma_semaphore, #tpu.memory_space<semaphore_mem>>) {add = true}
      %add3A_190 = arith.constant 2 : i32
      %add3A_191 = arith.addi %add3A_177, %add3A_190 : i32
      %lt3A_192 = arith.constant 26 : i32
      %lt3A_193 = arith.cmpi slt, %add3A_191, %lt3A_192 : i32
      %convert_element_type3A_194 = arith.extui %lt3A_193 : i1 to i32
      %cond3A_195 = arith.constant 0 : i32
      %cond3A_196 = arith.cmpi ne, %convert_element_type3A_194, %cond3A_195 : i32
      scf.if %cond3A_196 {
        %dma_wait3A_197 = arith.constant 0 : i32
        %dma_wait3A_198 = tpu.memref_slice %arg9[%add3A_177, %dma_wait3A_197] : memref<26x128xi32, #tpu.memory_space<vmem>> -> memref<1x128xi32, #tpu.memory_space<vmem>>
        %dma_wait3A_199 = tpu.memref_squeeze %dma_wait3A_198 : memref<1x128xi32, #tpu.memory_space<vmem>> -> memref<128xi32, #tpu.memory_space<vmem>>
        %dma_wait3A_200 = arith.constant 0 : i32
        %dma_wait3A_201 = arith.constant 0 : i32
        %dma_wait3A_202 = tpu.memref_slice %arg12[%dma_wait3A_200, %dma_wait3A_201] : memref<10240x128xf32, #tpu.memory_space<vmem_shared>> -> memref<10240x128xf32, #tpu.memory_space<vmem_shared>>
        tpu.wait_indirect_dma semaphore(%arg16 : memref<!tpu.dma_semaphore, #tpu.memory_space<semaphore_mem>>) src(%arg11 : memref<128x128xf32, #tpu.memory_space<vmem>>) dst(%dma_wait3A_202 : memref<10240x128xf32, #tpu.memory_space<vmem_shared>>)
        %add3A_203 = arith.constant 2 : i32
        %add3A_204 = arith.addi %add3A_177, %add3A_203 : i32
        %dma_start3A_205 = arith.constant 0 : i32
        %dma_start3A_206 = tpu.memref_slice %arg8[%add3A_204, %dma_start3A_205] : memref<26x128xi32, #tpu.memory_space<vmem>> -> memref<1x128xi32, #tpu.memory_space<vmem>>
        %dma_start3A_207 = tpu.memref_squeeze %dma_start3A_206 : memref<1x128xi32, #tpu.memory_space<vmem>> -> memref<128xi32, #tpu.memory_space<vmem>>
        %dma_start3A_208 = arith.constant 0 : i32
        %dma_start3A_209 = arith.constant 0 : i32
        %dma_start3A_210 = tpu.memref_slice %arg2[%dma_start3A_208, %dma_start3A_209] : memref<10000x128xf32, #tpu.memory_space<hbm>> -> memref<10000x128xf32, #tpu.memory_space<hbm>>
        tpu.enqueue_indirect_dma source(%dma_start3A_210 : memref<10000x128xf32, #tpu.memory_space<hbm>>) target(%arg11 : memref<128x128xf32, #tpu.memory_space<vmem>>) offsets(%dma_start3A_207 : memref<128xi32, #tpu.memory_space<vmem>>) semaphore(%arg14 : memref<!tpu.dma_semaphore, #tpu.memory_space<semaphore_mem>>)
      } else {
      }
    }
    %scan3A_45 = arith.constant 13 : i32
    %dma_wait3A = arith.constant 24 : i32
    %dma_wait3A_46 = arith.constant 0 : i32
    %dma_wait3A_47 = tpu.memref_slice %arg9[%dma_wait3A, %dma_wait3A_46] : memref<26x128xi32, #tpu.memory_space<vmem>> -> memref<1x128xi32, #tpu.memory_space<vmem>>
    %dma_wait3A_48 = tpu.memref_squeeze %dma_wait3A_47 : memref<1x128xi32, #tpu.memory_space<vmem>> -> memref<128xi32, #tpu.memory_space<vmem>>
    %dma_wait3A_49 = arith.constant 0 : i32
    %dma_wait3A_50 = arith.constant 0 : i32
    %dma_wait3A_51 = tpu.memref_slice %arg12[%dma_wait3A_49, %dma_wait3A_50] : memref<10240x128xf32, #tpu.memory_space<vmem_shared>> -> memref<10240x128xf32, #tpu.memory_space<vmem_shared>>
    tpu.wait_indirect_dma semaphore(%arg15 : memref<!tpu.dma_semaphore, #tpu.memory_space<semaphore_mem>>) src(%arg10 : memref<128x128xf32, #tpu.memory_space<vmem>>) dst(%dma_wait3A_51 : memref<10240x128xf32, #tpu.memory_space<vmem_shared>>)
    %dma_wait3A_52 = arith.constant 25 : i32
    %dma_wait3A_53 = arith.constant 0 : i32
    %dma_wait3A_54 = tpu.memref_slice %arg9[%dma_wait3A_52, %dma_wait3A_53] : memref<26x128xi32, #tpu.memory_space<vmem>> -> memref<1x128xi32, #tpu.memory_space<vmem>>
    %dma_wait3A_55 = tpu.memref_squeeze %dma_wait3A_54 : memref<1x128xi32, #tpu.memory_space<vmem>> -> memref<128xi32, #tpu.memory_space<vmem>>
    %dma_wait3A_56 = arith.constant 0 : i32
    %dma_wait3A_57 = arith.constant 0 : i32
    %dma_wait3A_58 = tpu.memref_slice %arg12[%dma_wait3A_56, %dma_wait3A_57] : memref<10240x128xf32, #tpu.memory_space<vmem_shared>> -> memref<10240x128xf32, #tpu.memory_space<vmem_shared>>
    tpu.wait_indirect_dma semaphore(%arg16 : memref<!tpu.dma_semaphore, #tpu.memory_space<semaphore_mem>>) src(%arg11 : memref<128x128xf32, #tpu.memory_space<vmem>>) dst(%dma_wait3A_58 : memref<10240x128xf32, #tpu.memory_space<vmem_shared>>)
    %run_scoped3A_59 = arith.constant 1 : i32
    "tpu.region"() ({
      %run_scoped3A_154 = tpu.sem_alloc : memref<!tpu.dma_semaphore, #tpu.memory_space<semaphore_mem>>
      %dma_start3A_155 = arith.constant 0 : i32
      %dma_start3A_156 = arith.constant 0 : i32
      %dma_start3A_157 = tpu.memref_slice %arg3[%add3A, %run_scoped3A_59, %dma_start3A_155, %dma_start3A_156] : memref<32x3x26x128xi32, #tpu.memory_space<hbm>> -> memref<1x1x26x128xi32, #tpu.memory_space<hbm>>
      %dma_start3A_158 = tpu.memref_squeeze %dma_start3A_157 : memref<1x1x26x128xi32, #tpu.memory_space<hbm>> -> memref<26x128xi32, #tpu.memory_space<hbm>>
      %dma_start3A_159 = arith.constant 0 : i32
      %dma_start3A_160 = arith.constant 0 : i32
      %dma_start3A_161 = tpu.memref_slice %arg3[%add3A, %run_scoped3A_59, %dma_start3A_159, %dma_start3A_160] : memref<32x3x26x128xi32, #tpu.memory_space<hbm>> -> memref<1x1x26x128xi32, #tpu.memory_space<hbm>>
      %dma_start3A_162 = tpu.memref_squeeze %dma_start3A_161 : memref<1x1x26x128xi32, #tpu.memory_space<hbm>> -> memref<26x128xi32, #tpu.memory_space<hbm>>
      tpu.enqueue_dma source(%dma_start3A_162 : memref<26x128xi32, #tpu.memory_space<hbm>>) target(%arg8 : memref<26x128xi32, #tpu.memory_space<vmem>>) target_semaphore(%run_scoped3A_154 : memref<!tpu.dma_semaphore, #tpu.memory_space<semaphore_mem>>)
      %dma_wait3A_163 = arith.constant 0 : i32
      %dma_wait3A_164 = arith.constant 0 : i32
      %dma_wait3A_165 = tpu.memref_slice %arg3[%add3A, %run_scoped3A_59, %dma_wait3A_163, %dma_wait3A_164] : memref<32x3x26x128xi32, #tpu.memory_space<hbm>> -> memref<1x1x26x128xi32, #tpu.memory_space<hbm>>
      %dma_wait3A_166 = tpu.memref_squeeze %dma_wait3A_165 : memref<1x1x26x128xi32, #tpu.memory_space<hbm>> -> memref<26x128xi32, #tpu.memory_space<hbm>>
      %dma_wait3A_167 = arith.constant 0 : i32
      %dma_wait3A_168 = arith.constant 0 : i32
      %dma_wait3A_169 = tpu.memref_slice %arg3[%add3A, %run_scoped3A_59, %dma_wait3A_167, %dma_wait3A_168] : memref<32x3x26x128xi32, #tpu.memory_space<hbm>> -> memref<1x1x26x128xi32, #tpu.memory_space<hbm>>
      %dma_wait3A_170 = tpu.memref_squeeze %dma_wait3A_169 : memref<1x1x26x128xi32, #tpu.memory_space<hbm>> -> memref<26x128xi32, #tpu.memory_space<hbm>>
      tpu.wait_dma2 semaphore(%run_scoped3A_154 : memref<!tpu.dma_semaphore, #tpu.memory_space<semaphore_mem>>) src(%dma_wait3A_170 : memref<26x128xi32, #tpu.memory_space<hbm>>) dst(%arg8 : memref<26x128xi32, #tpu.memory_space<vmem>>)
      tpu.yield
    }) : () -> ()
    %run_scoped3A_60 = arith.constant 1 : i32
    "tpu.region"() ({
      %run_scoped3A_154 = tpu.sem_alloc : memref<!tpu.dma_semaphore, #tpu.memory_space<semaphore_mem>>
      %dma_start3A_155 = arith.constant 0 : i32
      %dma_start3A_156 = arith.constant 0 : i32
      %dma_start3A_157 = tpu.memref_slice %arg4[%add3A, %run_scoped3A_60, %dma_start3A_155, %dma_start3A_156] : memref<32x3x26x128xi32, #tpu.memory_space<hbm>> -> memref<1x1x26x128xi32, #tpu.memory_space<hbm>>
      %dma_start3A_158 = tpu.memref_squeeze %dma_start3A_157 : memref<1x1x26x128xi32, #tpu.memory_space<hbm>> -> memref<26x128xi32, #tpu.memory_space<hbm>>
      %dma_start3A_159 = arith.constant 0 : i32
      %dma_start3A_160 = arith.constant 0 : i32
      %dma_start3A_161 = tpu.memref_slice %arg4[%add3A, %run_scoped3A_60, %dma_start3A_159, %dma_start3A_160] : memref<32x3x26x128xi32, #tpu.memory_space<hbm>> -> memref<1x1x26x128xi32, #tpu.memory_space<hbm>>
      %dma_start3A_162 = tpu.memref_squeeze %dma_start3A_161 : memref<1x1x26x128xi32, #tpu.memory_space<hbm>> -> memref<26x128xi32, #tpu.memory_space<hbm>>
      tpu.enqueue_dma source(%dma_start3A_162 : memref<26x128xi32, #tpu.memory_space<hbm>>) target(%arg9 : memref<26x128xi32, #tpu.memory_space<vmem>>) target_semaphore(%run_scoped3A_154 : memref<!tpu.dma_semaphore, #tpu.memory_space<semaphore_mem>>)
      %dma_wait3A_163 = arith.constant 0 : i32
      %dma_wait3A_164 = arith.constant 0 : i32
      %dma_wait3A_165 = tpu.memref_slice %arg4[%add3A, %run_scoped3A_60, %dma_wait3A_163, %dma_wait3A_164] : memref<32x3x26x128xi32, #tpu.memory_space<hbm>> -> memref<1x1x26x128xi32, #tpu.memory_space<hbm>>
      %dma_wait3A_166 = tpu.memref_squeeze %dma_wait3A_165 : memref<1x1x26x128xi32, #tpu.memory_space<hbm>> -> memref<26x128xi32, #tpu.memory_space<hbm>>
      %dma_wait3A_167 = arith.constant 0 : i32
      %dma_wait3A_168 = arith.constant 0 : i32
      %dma_wait3A_169 = tpu.memref_slice %arg4[%add3A, %run_scoped3A_60, %dma_wait3A_167, %dma_wait3A_168] : memref<32x3x26x128xi32, #tpu.memory_space<hbm>> -> memref<1x1x26x128xi32, #tpu.memory_space<hbm>>
      %dma_wait3A_170 = tpu.memref_squeeze %dma_wait3A_169 : memref<1x1x26x128xi32, #tpu.memory_space<hbm>> -> memref<26x128xi32, #tpu.memory_space<hbm>>
      tpu.wait_dma2 semaphore(%run_scoped3A_154 : memref<!tpu.dma_semaphore, #tpu.memory_space<semaphore_mem>>) src(%dma_wait3A_170 : memref<26x128xi32, #tpu.memory_space<hbm>>) dst(%arg9 : memref<26x128xi32, #tpu.memory_space<vmem>>)
      tpu.yield
    }) : () -> ()
    %dma_start3A_61 = arith.constant 0 : i32
    %dma_start3A_62 = arith.constant 0 : i32
    %dma_start3A_63 = tpu.memref_slice %arg8[%dma_start3A_61, %dma_start3A_62] : memref<26x128xi32, #tpu.memory_space<vmem>> -> memref<1x128xi32, #tpu.memory_space<vmem>>
    %dma_start3A_64 = tpu.memref_squeeze %dma_start3A_63 : memref<1x128xi32, #tpu.memory_space<vmem>> -> memref<128xi32, #tpu.memory_space<vmem>>
    %dma_start3A_65 = arith.constant 0 : i32
    %dma_start3A_66 = arith.constant 0 : i32
    %dma_start3A_67 = tpu.memref_slice %arg2[%dma_start3A_65, %dma_start3A_66] : memref<10000x128xf32, #tpu.memory_space<hbm>> -> memref<10000x128xf32, #tpu.memory_space<hbm>>
    tpu.enqueue_indirect_dma source(%dma_start3A_67 : memref<10000x128xf32, #tpu.memory_space<hbm>>) target(%arg10 : memref<128x128xf32, #tpu.memory_space<vmem>>) offsets(%dma_start3A_64 : memref<128xi32, #tpu.memory_space<vmem>>) semaphore(%arg13 : memref<!tpu.dma_semaphore, #tpu.memory_space<semaphore_mem>>)
    %dma_start3A_68 = arith.constant 1 : i32
    %dma_start3A_69 = arith.constant 0 : i32
    %dma_start3A_70 = tpu.memref_slice %arg8[%dma_start3A_68, %dma_start3A_69] : memref<26x128xi32, #tpu.memory_space<vmem>> -> memref<1x128xi32, #tpu.memory_space<vmem>>
    %dma_start3A_71 = tpu.memref_squeeze %dma_start3A_70 : memref<1x128xi32, #tpu.memory_space<vmem>> -> memref<128xi32, #tpu.memory_space<vmem>>
    %dma_start3A_72 = arith.constant 0 : i32
    %dma_start3A_73 = arith.constant 0 : i32
    %dma_start3A_74 = tpu.memref_slice %arg2[%dma_start3A_72, %dma_start3A_73] : memref<10000x128xf32, #tpu.memory_space<hbm>> -> memref<10000x128xf32, #tpu.memory_space<hbm>>
    tpu.enqueue_indirect_dma source(%dma_start3A_74 : memref<10000x128xf32, #tpu.memory_space<hbm>>) target(%arg11 : memref<128x128xf32, #tpu.memory_space<vmem>>) offsets(%dma_start3A_71 : memref<128xi32, #tpu.memory_space<vmem>>) semaphore(%arg14 : memref<!tpu.dma_semaphore, #tpu.memory_space<semaphore_mem>>)
    %scan3A_75 = arith.constant 0 : i32
    %scan3A_76 = arith.constant 0 : i32
    %scan3A_77 = arith.constant 13 : i32
    %scan3A_78 = arith.addi %scan3A_76, %scan3A_77 : i32
    %scan3A_79 = arith.constant 1 : i32
    scf.for %scan3A_154 = %scan3A_76 to %scan3A_78 step %scan3A_79  : i32 {
      %mul3A_155 = arith.constant 2 : i32
      %mul3A_156 = arith.muli %mul3A_155, %scan3A_154 : i32
      %dma_wait3A_157 = arith.constant 0 : i32
      %dma_wait3A_158 = tpu.memref_slice %arg8[%mul3A_156, %dma_wait3A_157] : memref<26x128xi32, #tpu.memory_space<vmem>> -> memref<1x128xi32, #tpu.memory_space<vmem>>
      %dma_wait3A_159 = tpu.memref_squeeze %dma_wait3A_158 : memref<1x128xi32, #tpu.memory_space<vmem>> -> memref<128xi32, #tpu.memory_space<vmem>>
      %dma_wait3A_160 = arith.constant 0 : i32
      %dma_wait3A_161 = arith.constant 0 : i32
      %dma_wait3A_162 = tpu.memref_slice %arg2[%dma_wait3A_160, %dma_wait3A_161] : memref<10000x128xf32, #tpu.memory_space<hbm>> -> memref<10000x128xf32, #tpu.memory_space<hbm>>
      tpu.wait_indirect_dma semaphore(%arg13 : memref<!tpu.dma_semaphore, #tpu.memory_space<semaphore_mem>>) src(%dma_wait3A_162 : memref<10000x128xf32, #tpu.memory_space<hbm>>) dst(%arg10 : memref<128x128xf32, #tpu.memory_space<vmem>>)
      %dma_start3A_163 = arith.constant 0 : i32
      %dma_start3A_164 = tpu.memref_slice %arg9[%mul3A_156, %dma_start3A_163] : memref<26x128xi32, #tpu.memory_space<vmem>> -> memref<1x128xi32, #tpu.memory_space<vmem>>
      %dma_start3A_165 = tpu.memref_squeeze %dma_start3A_164 : memref<1x128xi32, #tpu.memory_space<vmem>> -> memref<128xi32, #tpu.memory_space<vmem>>
      %dma_start3A_166 = arith.constant 0 : i32
      %dma_start3A_167 = arith.constant 0 : i32
      %dma_start3A_168 = tpu.memref_slice %arg12[%dma_start3A_166, %dma_start3A_167] : memref<10240x128xf32, #tpu.memory_space<vmem_shared>> -> memref<10240x128xf32, #tpu.memory_space<vmem_shared>>
      tpu.enqueue_indirect_dma source(%arg10 : memref<128x128xf32, #tpu.memory_space<vmem>>) target(%dma_start3A_168 : memref<10240x128xf32, #tpu.memory_space<vmem_shared>>) offsets(%dma_start3A_165 : memref<128xi32, #tpu.memory_space<vmem>>) semaphore(%arg15 : memref<!tpu.dma_semaphore, #tpu.memory_space<semaphore_mem>>) {add = true}
      %add3A_169 = arith.constant 2 : i32
      %add3A_170 = arith.addi %mul3A_156, %add3A_169 : i32
      %lt3A_171 = arith.constant 26 : i32
      %lt3A_172 = arith.cmpi slt, %add3A_170, %lt3A_171 : i32
      %convert_element_type3A_173 = arith.extui %lt3A_172 : i1 to i32
      %cond3A_174 = arith.constant 0 : i32
      %cond3A_175 = arith.cmpi ne, %convert_element_type3A_173, %cond3A_174 : i32
      scf.if %cond3A_175 {
        %dma_wait3A_197 = arith.constant 0 : i32
        %dma_wait3A_198 = tpu.memref_slice %arg9[%mul3A_156, %dma_wait3A_197] : memref<26x128xi32, #tpu.memory_space<vmem>> -> memref<1x128xi32, #tpu.memory_space<vmem>>
        %dma_wait3A_199 = tpu.memref_squeeze %dma_wait3A_198 : memref<1x128xi32, #tpu.memory_space<vmem>> -> memref<128xi32, #tpu.memory_space<vmem>>
        %dma_wait3A_200 = arith.constant 0 : i32
        %dma_wait3A_201 = arith.constant 0 : i32
        %dma_wait3A_202 = tpu.memref_slice %arg12[%dma_wait3A_200, %dma_wait3A_201] : memref<10240x128xf32, #tpu.memory_space<vmem_shared>> -> memref<10240x128xf32, #tpu.memory_space<vmem_shared>>
        tpu.wait_indirect_dma semaphore(%arg15 : memref<!tpu.dma_semaphore, #tpu.memory_space<semaphore_mem>>) src(%arg10 : memref<128x128xf32, #tpu.memory_space<vmem>>) dst(%dma_wait3A_202 : memref<10240x128xf32, #tpu.memory_space<vmem_shared>>)
        %add3A_203 = arith.constant 2 : i32
        %add3A_204 = arith.addi %mul3A_156, %add3A_203 : i32
        %dma_start3A_205 = arith.constant 0 : i32
        %dma_start3A_206 = tpu.memref_slice %arg8[%add3A_204, %dma_start3A_205] : memref<26x128xi32, #tpu.memory_space<vmem>> -> memref<1x128xi32, #tpu.memory_space<vmem>>
        %dma_start3A_207 = tpu.memref_squeeze %dma_start3A_206 : memref<1x128xi32, #tpu.memory_space<vmem>> -> memref<128xi32, #tpu.memory_space<vmem>>
        %dma_start3A_208 = arith.constant 0 : i32
        %dma_start3A_209 = arith.constant 0 : i32
        %dma_start3A_210 = tpu.memref_slice %arg2[%dma_start3A_208, %dma_start3A_209] : memref<10000x128xf32, #tpu.memory_space<hbm>> -> memref<10000x128xf32, #tpu.memory_space<hbm>>
        tpu.enqueue_indirect_dma source(%dma_start3A_210 : memref<10000x128xf32, #tpu.memory_space<hbm>>) target(%arg10 : memref<128x128xf32, #tpu.memory_space<vmem>>) offsets(%dma_start3A_207 : memref<128xi32, #tpu.memory_space<vmem>>) semaphore(%arg13 : memref<!tpu.dma_semaphore, #tpu.memory_space<semaphore_mem>>)
      } else {
      }
      %add3A_176 = arith.constant 1 : i32
      %add3A_177 = arith.addi %mul3A_156, %add3A_176 : i32
      %dma_wait3A_178 = arith.constant 0 : i32
      %dma_wait3A_179 = tpu.memref_slice %arg8[%add3A_177, %dma_wait3A_178] : memref<26x128xi32, #tpu.memory_space<vmem>> -> memref<1x128xi32, #tpu.memory_space<vmem>>
      %dma_wait3A_180 = tpu.memref_squeeze %dma_wait3A_179 : memref<1x128xi32, #tpu.memory_space<vmem>> -> memref<128xi32, #tpu.memory_space<vmem>>
      %dma_wait3A_181 = arith.constant 0 : i32
      %dma_wait3A_182 = arith.constant 0 : i32
      %dma_wait3A_183 = tpu.memref_slice %arg2[%dma_wait3A_181, %dma_wait3A_182] : memref<10000x128xf32, #tpu.memory_space<hbm>> -> memref<10000x128xf32, #tpu.memory_space<hbm>>
      tpu.wait_indirect_dma semaphore(%arg14 : memref<!tpu.dma_semaphore, #tpu.memory_space<semaphore_mem>>) src(%dma_wait3A_183 : memref<10000x128xf32, #tpu.memory_space<hbm>>) dst(%arg11 : memref<128x128xf32, #tpu.memory_space<vmem>>)
      %dma_start3A_184 = arith.constant 0 : i32
      %dma_start3A_185 = tpu.memref_slice %arg9[%add3A_177, %dma_start3A_184] : memref<26x128xi32, #tpu.memory_space<vmem>> -> memref<1x128xi32, #tpu.memory_space<vmem>>
      %dma_start3A_186 = tpu.memref_squeeze %dma_start3A_185 : memref<1x128xi32, #tpu.memory_space<vmem>> -> memref<128xi32, #tpu.memory_space<vmem>>
      %dma_start3A_187 = arith.constant 0 : i32
      %dma_start3A_188 = arith.constant 0 : i32
      %dma_start3A_189 = tpu.memref_slice %arg12[%dma_start3A_187, %dma_start3A_188] : memref<10240x128xf32, #tpu.memory_space<vmem_shared>> -> memref<10240x128xf32, #tpu.memory_space<vmem_shared>>
      tpu.enqueue_indirect_dma source(%arg11 : memref<128x128xf32, #tpu.memory_space<vmem>>) target(%dma_start3A_189 : memref<10240x128xf32, #tpu.memory_space<vmem_shared>>) offsets(%dma_start3A_186 : memref<128xi32, #tpu.memory_space<vmem>>) semaphore(%arg16 : memref<!tpu.dma_semaphore, #tpu.memory_space<semaphore_mem>>) {add = true}
      %add3A_190 = arith.constant 2 : i32
      %add3A_191 = arith.addi %add3A_177, %add3A_190 : i32
      %lt3A_192 = arith.constant 26 : i32
      %lt3A_193 = arith.cmpi slt, %add3A_191, %lt3A_192 : i32
      %convert_element_type3A_194 = arith.extui %lt3A_193 : i1 to i32
      %cond3A_195 = arith.constant 0 : i32
      %cond3A_196 = arith.cmpi ne, %convert_element_type3A_194, %cond3A_195 : i32
      scf.if %cond3A_196 {
        %dma_wait3A_197 = arith.constant 0 : i32
        %dma_wait3A_198 = tpu.memref_slice %arg9[%add3A_177, %dma_wait3A_197] : memref<26x128xi32, #tpu.memory_space<vmem>> -> memref<1x128xi32, #tpu.memory_space<vmem>>
        %dma_wait3A_199 = tpu.memref_squeeze %dma_wait3A_198 : memref<1x128xi32, #tpu.memory_space<vmem>> -> memref<128xi32, #tpu.memory_space<vmem>>
        %dma_wait3A_200 = arith.constant 0 : i32
        %dma_wait3A_201 = arith.constant 0 : i32
        %dma_wait3A_202 = tpu.memref_slice %arg12[%dma_wait3A_200, %dma_wait3A_201] : memref<10240x128xf32, #tpu.memory_space<vmem_shared>> -> memref<10240x128xf32, #tpu.memory_space<vmem_shared>>
        tpu.wait_indirect_dma semaphore(%arg16 : memref<!tpu.dma_semaphore, #tpu.memory_space<semaphore_mem>>) src(%arg11 : memref<128x128xf32, #tpu.memory_space<vmem>>) dst(%dma_wait3A_202 : memref<10240x128xf32, #tpu.memory_space<vmem_shared>>)
        %add3A_203 = arith.constant 2 : i32
        %add3A_204 = arith.addi %add3A_177, %add3A_203 : i32
        %dma_start3A_205 = arith.constant 0 : i32
        %dma_start3A_206 = tpu.memref_slice %arg8[%add3A_204, %dma_start3A_205] : memref<26x128xi32, #tpu.memory_space<vmem>> -> memref<1x128xi32, #tpu.memory_space<vmem>>
        %dma_start3A_207 = tpu.memref_squeeze %dma_start3A_206 : memref<1x128xi32, #tpu.memory_space<vmem>> -> memref<128xi32, #tpu.memory_space<vmem>>
        %dma_start3A_208 = arith.constant 0 : i32
        %dma_start3A_209 = arith.constant 0 : i32
        %dma_start3A_210 = tpu.memref_slice %arg2[%dma_start3A_208, %dma_start3A_209] : memref<10000x128xf32, #tpu.memory_space<hbm>> -> memref<10000x128xf32, #tpu.memory_space<hbm>>
        tpu.enqueue_indirect_dma source(%dma_start3A_210 : memref<10000x128xf32, #tpu.memory_space<hbm>>) target(%arg11 : memref<128x128xf32, #tpu.memory_space<vmem>>) offsets(%dma_start3A_207 : memref<128xi32, #tpu.memory_space<vmem>>) semaphore(%arg14 : memref<!tpu.dma_semaphore, #tpu.memory_space<semaphore_mem>>)
      } else {
      }
    }
    %scan3A_80 = arith.constant 13 : i32
    %dma_wait3A_81 = arith.constant 24 : i32
    %dma_wait3A_82 = arith.constant 0 : i32
    %dma_wait3A_83 = tpu.memref_slice %arg9[%dma_wait3A_81, %dma_wait3A_82] : memref<26x128xi32, #tpu.memory_space<vmem>> -> memref<1x128xi32, #tpu.memory_space<vmem>>
    %dma_wait3A_84 = tpu.memref_squeeze %dma_wait3A_83 : memref<1x128xi32, #tpu.memory_space<vmem>> -> memref<128xi32, #tpu.memory_space<vmem>>
    %dma_wait3A_85 = arith.constant 0 : i32
    %dma_wait3A_86 = arith.constant 0 : i32
    %dma_wait3A_87 = tpu.memref_slice %arg12[%dma_wait3A_85, %dma_wait3A_86] : memref<10240x128xf32, #tpu.memory_space<vmem_shared>> -> memref<10240x128xf32, #tpu.memory_space<vmem_shared>>
    tpu.wait_indirect_dma semaphore(%arg15 : memref<!tpu.dma_semaphore, #tpu.memory_space<semaphore_mem>>) src(%arg10 : memref<128x128xf32, #tpu.memory_space<vmem>>) dst(%dma_wait3A_87 : memref<10240x128xf32, #tpu.memory_space<vmem_shared>>)
    %dma_wait3A_88 = arith.constant 25 : i32
    %dma_wait3A_89 = arith.constant 0 : i32
    %dma_wait3A_90 = tpu.memref_slice %arg9[%dma_wait3A_88, %dma_wait3A_89] : memref<26x128xi32, #tpu.memory_space<vmem>> -> memref<1x128xi32, #tpu.memory_space<vmem>>
    %dma_wait3A_91 = tpu.memref_squeeze %dma_wait3A_90 : memref<1x128xi32, #tpu.memory_space<vmem>> -> memref<128xi32, #tpu.memory_space<vmem>>
    %dma_wait3A_92 = arith.constant 0 : i32
    %dma_wait3A_93 = arith.constant 0 : i32
    %dma_wait3A_94 = tpu.memref_slice %arg12[%dma_wait3A_92, %dma_wait3A_93] : memref<10240x128xf32, #tpu.memory_space<vmem_shared>> -> memref<10240x128xf32, #tpu.memory_space<vmem_shared>>
    tpu.wait_indirect_dma semaphore(%arg16 : memref<!tpu.dma_semaphore, #tpu.memory_space<semaphore_mem>>) src(%arg11 : memref<128x128xf32, #tpu.memory_space<vmem>>) dst(%dma_wait3A_94 : memref<10240x128xf32, #tpu.memory_space<vmem_shared>>)
    %run_scoped3A_95 = arith.constant 2 : i32
    "tpu.region"() ({
      %run_scoped3A_154 = tpu.sem_alloc : memref<!tpu.dma_semaphore, #tpu.memory_space<semaphore_mem>>
      %dma_start3A_155 = arith.constant 0 : i32
      %dma_start3A_156 = arith.constant 0 : i32
      %dma_start3A_157 = tpu.memref_slice %arg3[%add3A, %run_scoped3A_95, %dma_start3A_155, %dma_start3A_156] : memref<32x3x26x128xi32, #tpu.memory_space<hbm>> -> memref<1x1x26x128xi32, #tpu.memory_space<hbm>>
      %dma_start3A_158 = tpu.memref_squeeze %dma_start3A_157 : memref<1x1x26x128xi32, #tpu.memory_space<hbm>> -> memref<26x128xi32, #tpu.memory_space<hbm>>
      %dma_start3A_159 = arith.constant 0 : i32
      %dma_start3A_160 = arith.constant 0 : i32
      %dma_start3A_161 = tpu.memref_slice %arg3[%add3A, %run_scoped3A_95, %dma_start3A_159, %dma_start3A_160] : memref<32x3x26x128xi32, #tpu.memory_space<hbm>> -> memref<1x1x26x128xi32, #tpu.memory_space<hbm>>
      %dma_start3A_162 = tpu.memref_squeeze %dma_start3A_161 : memref<1x1x26x128xi32, #tpu.memory_space<hbm>> -> memref<26x128xi32, #tpu.memory_space<hbm>>
      tpu.enqueue_dma source(%dma_start3A_162 : memref<26x128xi32, #tpu.memory_space<hbm>>) target(%arg8 : memref<26x128xi32, #tpu.memory_space<vmem>>) target_semaphore(%run_scoped3A_154 : memref<!tpu.dma_semaphore, #tpu.memory_space<semaphore_mem>>)
      %dma_wait3A_163 = arith.constant 0 : i32
      %dma_wait3A_164 = arith.constant 0 : i32
      %dma_wait3A_165 = tpu.memref_slice %arg3[%add3A, %run_scoped3A_95, %dma_wait3A_163, %dma_wait3A_164] : memref<32x3x26x128xi32, #tpu.memory_space<hbm>> -> memref<1x1x26x128xi32, #tpu.memory_space<hbm>>
      %dma_wait3A_166 = tpu.memref_squeeze %dma_wait3A_165 : memref<1x1x26x128xi32, #tpu.memory_space<hbm>> -> memref<26x128xi32, #tpu.memory_space<hbm>>
      %dma_wait3A_167 = arith.constant 0 : i32
      %dma_wait3A_168 = arith.constant 0 : i32
      %dma_wait3A_169 = tpu.memref_slice %arg3[%add3A, %run_scoped3A_95, %dma_wait3A_167, %dma_wait3A_168] : memref<32x3x26x128xi32, #tpu.memory_space<hbm>> -> memref<1x1x26x128xi32, #tpu.memory_space<hbm>>
      %dma_wait3A_170 = tpu.memref_squeeze %dma_wait3A_169 : memref<1x1x26x128xi32, #tpu.memory_space<hbm>> -> memref<26x128xi32, #tpu.memory_space<hbm>>
      tpu.wait_dma2 semaphore(%run_scoped3A_154 : memref<!tpu.dma_semaphore, #tpu.memory_space<semaphore_mem>>) src(%dma_wait3A_170 : memref<26x128xi32, #tpu.memory_space<hbm>>) dst(%arg8 : memref<26x128xi32, #tpu.memory_space<vmem>>)
      tpu.yield
    }) : () -> ()
    %run_scoped3A_96 = arith.constant 2 : i32
    "tpu.region"() ({
      %run_scoped3A_154 = tpu.sem_alloc : memref<!tpu.dma_semaphore, #tpu.memory_space<semaphore_mem>>
      %dma_start3A_155 = arith.constant 0 : i32
      %dma_start3A_156 = arith.constant 0 : i32
      %dma_start3A_157 = tpu.memref_slice %arg4[%add3A, %run_scoped3A_96, %dma_start3A_155, %dma_start3A_156] : memref<32x3x26x128xi32, #tpu.memory_space<hbm>> -> memref<1x1x26x128xi32, #tpu.memory_space<hbm>>
      %dma_start3A_158 = tpu.memref_squeeze %dma_start3A_157 : memref<1x1x26x128xi32, #tpu.memory_space<hbm>> -> memref<26x128xi32, #tpu.memory_space<hbm>>
      %dma_start3A_159 = arith.constant 0 : i32
      %dma_start3A_160 = arith.constant 0 : i32
      %dma_start3A_161 = tpu.memref_slice %arg4[%add3A, %run_scoped3A_96, %dma_start3A_159, %dma_start3A_160] : memref<32x3x26x128xi32, #tpu.memory_space<hbm>> -> memref<1x1x26x128xi32, #tpu.memory_space<hbm>>
      %dma_start3A_162 = tpu.memref_squeeze %dma_start3A_161 : memref<1x1x26x128xi32, #tpu.memory_space<hbm>> -> memref<26x128xi32, #tpu.memory_space<hbm>>
      tpu.enqueue_dma source(%dma_start3A_162 : memref<26x128xi32, #tpu.memory_space<hbm>>) target(%arg9 : memref<26x128xi32, #tpu.memory_space<vmem>>) target_semaphore(%run_scoped3A_154 : memref<!tpu.dma_semaphore, #tpu.memory_space<semaphore_mem>>)
      %dma_wait3A_163 = arith.constant 0 : i32
      %dma_wait3A_164 = arith.constant 0 : i32
      %dma_wait3A_165 = tpu.memref_slice %arg4[%add3A, %run_scoped3A_96, %dma_wait3A_163, %dma_wait3A_164] : memref<32x3x26x128xi32, #tpu.memory_space<hbm>> -> memref<1x1x26x128xi32, #tpu.memory_space<hbm>>
      %dma_wait3A_166 = tpu.memref_squeeze %dma_wait3A_165 : memref<1x1x26x128xi32, #tpu.memory_space<hbm>> -> memref<26x128xi32, #tpu.memory_space<hbm>>
      %dma_wait3A_167 = arith.constant 0 : i32
      %dma_wait3A_168 = arith.constant 0 : i32
      %dma_wait3A_169 = tpu.memref_slice %arg4[%add3A, %run_scoped3A_96, %dma_wait3A_167, %dma_wait3A_168] : memref<32x3x26x128xi32, #tpu.memory_space<hbm>> -> memref<1x1x26x128xi32, #tpu.memory_space<hbm>>
      %dma_wait3A_170 = tpu.memref_squeeze %dma_wait3A_169 : memref<1x1x26x128xi32, #tpu.memory_space<hbm>> -> memref<26x128xi32, #tpu.memory_space<hbm>>
      tpu.wait_dma2 semaphore(%run_scoped3A_154 : memref<!tpu.dma_semaphore, #tpu.memory_space<semaphore_mem>>) src(%dma_wait3A_170 : memref<26x128xi32, #tpu.memory_space<hbm>>) dst(%arg9 : memref<26x128xi32, #tpu.memory_space<vmem>>)
      tpu.yield
    }) : () -> ()
    %dma_start3A_97 = arith.constant 0 : i32
    %dma_start3A_98 = arith.constant 0 : i32
    %dma_start3A_99 = tpu.memref_slice %arg8[%dma_start3A_97, %dma_start3A_98] : memref<26x128xi32, #tpu.memory_space<vmem>> -> memref<1x128xi32, #tpu.memory_space<vmem>>
    %dma_start3A_100 = tpu.memref_squeeze %dma_start3A_99 : memref<1x128xi32, #tpu.memory_space<vmem>> -> memref<128xi32, #tpu.memory_space<vmem>>
    %dma_start3A_101 = arith.constant 0 : i32
    %dma_start3A_102 = arith.constant 0 : i32
    %dma_start3A_103 = tpu.memref_slice %arg2[%dma_start3A_101, %dma_start3A_102] : memref<10000x128xf32, #tpu.memory_space<hbm>> -> memref<10000x128xf32, #tpu.memory_space<hbm>>
    tpu.enqueue_indirect_dma source(%dma_start3A_103 : memref<10000x128xf32, #tpu.memory_space<hbm>>) target(%arg10 : memref<128x128xf32, #tpu.memory_space<vmem>>) offsets(%dma_start3A_100 : memref<128xi32, #tpu.memory_space<vmem>>) semaphore(%arg13 : memref<!tpu.dma_semaphore, #tpu.memory_space<semaphore_mem>>)
    %dma_start3A_104 = arith.constant 1 : i32
    %dma_start3A_105 = arith.constant 0 : i32
    %dma_start3A_106 = tpu.memref_slice %arg8[%dma_start3A_104, %dma_start3A_105] : memref<26x128xi32, #tpu.memory_space<vmem>> -> memref<1x128xi32, #tpu.memory_space<vmem>>
    %dma_start3A_107 = tpu.memref_squeeze %dma_start3A_106 : memref<1x128xi32, #tpu.memory_space<vmem>> -> memref<128xi32, #tpu.memory_space<vmem>>
    %dma_start3A_108 = arith.constant 0 : i32
    %dma_start3A_109 = arith.constant 0 : i32
    %dma_start3A_110 = tpu.memref_slice %arg2[%dma_start3A_108, %dma_start3A_109] : memref<10000x128xf32, #tpu.memory_space<hbm>> -> memref<10000x128xf32, #tpu.memory_space<hbm>>
    tpu.enqueue_indirect_dma source(%dma_start3A_110 : memref<10000x128xf32, #tpu.memory_space<hbm>>) target(%arg11 : memref<128x128xf32, #tpu.memory_space<vmem>>) offsets(%dma_start3A_107 : memref<128xi32, #tpu.memory_space<vmem>>) semaphore(%arg14 : memref<!tpu.dma_semaphore, #tpu.memory_space<semaphore_mem>>)
    %scan3A_111 = arith.constant 0 : i32
    %scan3A_112 = arith.constant 0 : i32
    %scan3A_113 = arith.constant 13 : i32
    %scan3A_114 = arith.addi %scan3A_112, %scan3A_113 : i32
    %scan3A_115 = arith.constant 1 : i32
    scf.for %scan3A_154 = %scan3A_112 to %scan3A_114 step %scan3A_115  : i32 {
      %mul3A_155 = arith.constant 2 : i32
      %mul3A_156 = arith.muli %mul3A_155, %scan3A_154 : i32
      %dma_wait3A_157 = arith.constant 0 : i32
      %dma_wait3A_158 = tpu.memref_slice %arg8[%mul3A_156, %dma_wait3A_157] : memref<26x128xi32, #tpu.memory_space<vmem>> -> memref<1x128xi32, #tpu.memory_space<vmem>>
      %dma_wait3A_159 = tpu.memref_squeeze %dma_wait3A_158 : memref<1x128xi32, #tpu.memory_space<vmem>> -> memref<128xi32, #tpu.memory_space<vmem>>
      %dma_wait3A_160 = arith.constant 0 : i32
      %dma_wait3A_161 = arith.constant 0 : i32
      %dma_wait3A_162 = tpu.memref_slice %arg2[%dma_wait3A_160, %dma_wait3A_161] : memref<10000x128xf32, #tpu.memory_space<hbm>> -> memref<10000x128xf32, #tpu.memory_space<hbm>>
      tpu.wait_indirect_dma semaphore(%arg13 : memref<!tpu.dma_semaphore, #tpu.memory_space<semaphore_mem>>) src(%dma_wait3A_162 : memref<10000x128xf32, #tpu.memory_space<hbm>>) dst(%arg10 : memref<128x128xf32, #tpu.memory_space<vmem>>)
      %dma_start3A_163 = arith.constant 0 : i32
      %dma_start3A_164 = tpu.memref_slice %arg9[%mul3A_156, %dma_start3A_163] : memref<26x128xi32, #tpu.memory_space<vmem>> -> memref<1x128xi32, #tpu.memory_space<vmem>>
      %dma_start3A_165 = tpu.memref_squeeze %dma_start3A_164 : memref<1x128xi32, #tpu.memory_space<vmem>> -> memref<128xi32, #tpu.memory_space<vmem>>
      %dma_start3A_166 = arith.constant 0 : i32
      %dma_start3A_167 = arith.constant 0 : i32
      %dma_start3A_168 = tpu.memref_slice %arg12[%dma_start3A_166, %dma_start3A_167] : memref<10240x128xf32, #tpu.memory_space<vmem_shared>> -> memref<10240x128xf32, #tpu.memory_space<vmem_shared>>
      tpu.enqueue_indirect_dma source(%arg10 : memref<128x128xf32, #tpu.memory_space<vmem>>) target(%dma_start3A_168 : memref<10240x128xf32, #tpu.memory_space<vmem_shared>>) offsets(%dma_start3A_165 : memref<128xi32, #tpu.memory_space<vmem>>) semaphore(%arg15 : memref<!tpu.dma_semaphore, #tpu.memory_space<semaphore_mem>>) {add = true}
      %add3A_169 = arith.constant 2 : i32
      %add3A_170 = arith.addi %mul3A_156, %add3A_169 : i32
      %lt3A_171 = arith.constant 26 : i32
      %lt3A_172 = arith.cmpi slt, %add3A_170, %lt3A_171 : i32
      %convert_element_type3A_173 = arith.extui %lt3A_172 : i1 to i32
      %cond3A_174 = arith.constant 0 : i32
      %cond3A_175 = arith.cmpi ne, %convert_element_type3A_173, %cond3A_174 : i32
      scf.if %cond3A_175 {
        %dma_wait3A_197 = arith.constant 0 : i32
        %dma_wait3A_198 = tpu.memref_slice %arg9[%mul3A_156, %dma_wait3A_197] : memref<26x128xi32, #tpu.memory_space<vmem>> -> memref<1x128xi32, #tpu.memory_space<vmem>>
        %dma_wait3A_199 = tpu.memref_squeeze %dma_wait3A_198 : memref<1x128xi32, #tpu.memory_space<vmem>> -> memref<128xi32, #tpu.memory_space<vmem>>
        %dma_wait3A_200 = arith.constant 0 : i32
        %dma_wait3A_201 = arith.constant 0 : i32
        %dma_wait3A_202 = tpu.memref_slice %arg12[%dma_wait3A_200, %dma_wait3A_201] : memref<10240x128xf32, #tpu.memory_space<vmem_shared>> -> memref<10240x128xf32, #tpu.memory_space<vmem_shared>>
        tpu.wait_indirect_dma semaphore(%arg15 : memref<!tpu.dma_semaphore, #tpu.memory_space<semaphore_mem>>) src(%arg10 : memref<128x128xf32, #tpu.memory_space<vmem>>) dst(%dma_wait3A_202 : memref<10240x128xf32, #tpu.memory_space<vmem_shared>>)
        %add3A_203 = arith.constant 2 : i32
        %add3A_204 = arith.addi %mul3A_156, %add3A_203 : i32
        %dma_start3A_205 = arith.constant 0 : i32
        %dma_start3A_206 = tpu.memref_slice %arg8[%add3A_204, %dma_start3A_205] : memref<26x128xi32, #tpu.memory_space<vmem>> -> memref<1x128xi32, #tpu.memory_space<vmem>>
        %dma_start3A_207 = tpu.memref_squeeze %dma_start3A_206 : memref<1x128xi32, #tpu.memory_space<vmem>> -> memref<128xi32, #tpu.memory_space<vmem>>
        %dma_start3A_208 = arith.constant 0 : i32
        %dma_start3A_209 = arith.constant 0 : i32
        %dma_start3A_210 = tpu.memref_slice %arg2[%dma_start3A_208, %dma_start3A_209] : memref<10000x128xf32, #tpu.memory_space<hbm>> -> memref<10000x128xf32, #tpu.memory_space<hbm>>
        tpu.enqueue_indirect_dma source(%dma_start3A_210 : memref<10000x128xf32, #tpu.memory_space<hbm>>) target(%arg10 : memref<128x128xf32, #tpu.memory_space<vmem>>) offsets(%dma_start3A_207 : memref<128xi32, #tpu.memory_space<vmem>>) semaphore(%arg13 : memref<!tpu.dma_semaphore, #tpu.memory_space<semaphore_mem>>)
      } else {
      }
      %add3A_176 = arith.constant 1 : i32
      %add3A_177 = arith.addi %mul3A_156, %add3A_176 : i32
      %dma_wait3A_178 = arith.constant 0 : i32
      %dma_wait3A_179 = tpu.memref_slice %arg8[%add3A_177, %dma_wait3A_178] : memref<26x128xi32, #tpu.memory_space<vmem>> -> memref<1x128xi32, #tpu.memory_space<vmem>>
      %dma_wait3A_180 = tpu.memref_squeeze %dma_wait3A_179 : memref<1x128xi32, #tpu.memory_space<vmem>> -> memref<128xi32, #tpu.memory_space<vmem>>
      %dma_wait3A_181 = arith.constant 0 : i32
      %dma_wait3A_182 = arith.constant 0 : i32
      %dma_wait3A_183 = tpu.memref_slice %arg2[%dma_wait3A_181, %dma_wait3A_182] : memref<10000x128xf32, #tpu.memory_space<hbm>> -> memref<10000x128xf32, #tpu.memory_space<hbm>>
      tpu.wait_indirect_dma semaphore(%arg14 : memref<!tpu.dma_semaphore, #tpu.memory_space<semaphore_mem>>) src(%dma_wait3A_183 : memref<10000x128xf32, #tpu.memory_space<hbm>>) dst(%arg11 : memref<128x128xf32, #tpu.memory_space<vmem>>)
      %dma_start3A_184 = arith.constant 0 : i32
      %dma_start3A_185 = tpu.memref_slice %arg9[%add3A_177, %dma_start3A_184] : memref<26x128xi32, #tpu.memory_space<vmem>> -> memref<1x128xi32, #tpu.memory_space<vmem>>
      %dma_start3A_186 = tpu.memref_squeeze %dma_start3A_185 : memref<1x128xi32, #tpu.memory_space<vmem>> -> memref<128xi32, #tpu.memory_space<vmem>>
      %dma_start3A_187 = arith.constant 0 : i32
      %dma_start3A_188 = arith.constant 0 : i32
      %dma_start3A_189 = tpu.memref_slice %arg12[%dma_start3A_187, %dma_start3A_188] : memref<10240x128xf32, #tpu.memory_space<vmem_shared>> -> memref<10240x128xf32, #tpu.memory_space<vmem_shared>>
      tpu.enqueue_indirect_dma source(%arg11 : memref<128x128xf32, #tpu.memory_space<vmem>>) target(%dma_start3A_189 : memref<10240x128xf32, #tpu.memory_space<vmem_shared>>) offsets(%dma_start3A_186 : memref<128xi32, #tpu.memory_space<vmem>>) semaphore(%arg16 : memref<!tpu.dma_semaphore, #tpu.memory_space<semaphore_mem>>) {add = true}
      %add3A_190 = arith.constant 2 : i32
      %add3A_191 = arith.addi %add3A_177, %add3A_190 : i32
      %lt3A_192 = arith.constant 26 : i32
      %lt3A_193 = arith.cmpi slt, %add3A_191, %lt3A_192 : i32
      %convert_element_type3A_194 = arith.extui %lt3A_193 : i1 to i32
      %cond3A_195 = arith.constant 0 : i32
      %cond3A_196 = arith.cmpi ne, %convert_element_type3A_194, %cond3A_195 : i32
      scf.if %cond3A_196 {
        %dma_wait3A_197 = arith.constant 0 : i32
        %dma_wait3A_198 = tpu.memref_slice %arg9[%add3A_177, %dma_wait3A_197] : memref<26x128xi32, #tpu.memory_space<vmem>> -> memref<1x128xi32, #tpu.memory_space<vmem>>
        %dma_wait3A_199 = tpu.memref_squeeze %dma_wait3A_198 : memref<1x128xi32, #tpu.memory_space<vmem>> -> memref<128xi32, #tpu.memory_space<vmem>>
        %dma_wait3A_200 = arith.constant 0 : i32
        %dma_wait3A_201 = arith.constant 0 : i32
        %dma_wait3A_202 = tpu.memref_slice %arg12[%dma_wait3A_200, %dma_wait3A_201] : memref<10240x128xf32, #tpu.memory_space<vmem_shared>> -> memref<10240x128xf32, #tpu.memory_space<vmem_shared>>
        tpu.wait_indirect_dma semaphore(%arg16 : memref<!tpu.dma_semaphore, #tpu.memory_space<semaphore_mem>>) src(%arg11 : memref<128x128xf32, #tpu.memory_space<vmem>>) dst(%dma_wait3A_202 : memref<10240x128xf32, #tpu.memory_space<vmem_shared>>)
        %add3A_203 = arith.constant 2 : i32
        %add3A_204 = arith.addi %add3A_177, %add3A_203 : i32
        %dma_start3A_205 = arith.constant 0 : i32
        %dma_start3A_206 = tpu.memref_slice %arg8[%add3A_204, %dma_start3A_205] : memref<26x128xi32, #tpu.memory_space<vmem>> -> memref<1x128xi32, #tpu.memory_space<vmem>>
        %dma_start3A_207 = tpu.memref_squeeze %dma_start3A_206 : memref<1x128xi32, #tpu.memory_space<vmem>> -> memref<128xi32, #tpu.memory_space<vmem>>
        %dma_start3A_208 = arith.constant 0 : i32
        %dma_start3A_209 = arith.constant 0 : i32
        %dma_start3A_210 = tpu.memref_slice %arg2[%dma_start3A_208, %dma_start3A_209] : memref<10000x128xf32, #tpu.memory_space<hbm>> -> memref<10000x128xf32, #tpu.memory_space<hbm>>
        tpu.enqueue_indirect_dma source(%dma_start3A_210 : memref<10000x128xf32, #tpu.memory_space<hbm>>) target(%arg11 : memref<128x128xf32, #tpu.memory_space<vmem>>) offsets(%dma_start3A_207 : memref<128xi32, #tpu.memory_space<vmem>>) semaphore(%arg14 : memref<!tpu.dma_semaphore, #tpu.memory_space<semaphore_mem>>)
      } else {
      }
    }
    %scan3A_116 = arith.constant 13 : i32
    %dma_wait3A_117 = arith.constant 24 : i32
    %dma_wait3A_118 = arith.constant 0 : i32
    %dma_wait3A_119 = tpu.memref_slice %arg9[%dma_wait3A_117, %dma_wait3A_118] : memref<26x128xi32, #tpu.memory_space<vmem>> -> memref<1x128xi32, #tpu.memory_space<vmem>>
    %dma_wait3A_120 = tpu.memref_squeeze %dma_wait3A_119 : memref<1x128xi32, #tpu.memory_space<vmem>> -> memref<128xi32, #tpu.memory_space<vmem>>
    %dma_wait3A_121 = arith.constant 0 : i32
    %dma_wait3A_122 = arith.constant 0 : i32
    %dma_wait3A_123 = tpu.memref_slice %arg12[%dma_wait3A_121, %dma_wait3A_122] : memref<10240x128xf32, #tpu.memory_space<vmem_shared>> -> memref<10240x128xf32, #tpu.memory_space<vmem_shared>>
    tpu.wait_indirect_dma semaphore(%arg15 : memref<!tpu.dma_semaphore, #tpu.memory_space<semaphore_mem>>) src(%arg10 : memref<128x128xf32, #tpu.memory_space<vmem>>) dst(%dma_wait3A_123 : memref<10240x128xf32, #tpu.memory_space<vmem_shared>>)
    %dma_wait3A_124 = arith.constant 25 : i32
    %dma_wait3A_125 = arith.constant 0 : i32
    %dma_wait3A_126 = tpu.memref_slice %arg9[%dma_wait3A_124, %dma_wait3A_125] : memref<26x128xi32, #tpu.memory_space<vmem>> -> memref<1x128xi32, #tpu.memory_space<vmem>>
    %dma_wait3A_127 = tpu.memref_squeeze %dma_wait3A_126 : memref<1x128xi32, #tpu.memory_space<vmem>> -> memref<128xi32, #tpu.memory_space<vmem>>
    %dma_wait3A_128 = arith.constant 0 : i32
    %dma_wait3A_129 = arith.constant 0 : i32
    %dma_wait3A_130 = tpu.memref_slice %arg12[%dma_wait3A_128, %dma_wait3A_129] : memref<10240x128xf32, #tpu.memory_space<vmem_shared>> -> memref<10240x128xf32, #tpu.memory_space<vmem_shared>>
    tpu.wait_indirect_dma semaphore(%arg16 : memref<!tpu.dma_semaphore, #tpu.memory_space<semaphore_mem>>) src(%arg11 : memref<128x128xf32, #tpu.memory_space<vmem>>) dst(%dma_wait3A_130 : memref<10240x128xf32, #tpu.memory_space<vmem_shared>>)
    %lt3A = arith.constant 4 : i32
    %lt3A_131 = arith.cmpi slt, %add3A, %lt3A : i32
    %convert_element_type3A = arith.extui %lt3A_131 : i1 to i32
    %cond3A = arith.constant 0 : i32
    %cond3A_132 = arith.cmpi ne, %convert_element_type3A, %cond3A : i32
    scf.if %cond3A_132 {
      "tpu.region"() ({
        %run_scoped3A_169 = tpu.sem_alloc : memref<!tpu.dma_semaphore, #tpu.memory_space<semaphore_mem>>
        %dma_start3A_170 = arith.constant 0 : i32
        %dma_start3A_171 = arith.constant 0 : i32
        %dma_start3A_172 = tpu.memref_slice %arg8[%dma_start3A_170, %dma_start3A_171] : memref<26x128xi32, #tpu.memory_space<vmem>> -> memref<1x128xi32, #tpu.memory_space<vmem>>
        %dma_start3A_173 = arith.constant 0 : i32
        %dma_start3A_174 = arith.constant 0 : i32
        %dma_start3A_175 = tpu.memref_slice %arg5[%add3A, %dma_start3A_173, %dma_start3A_174] : memref<4x1x128xi32, #tpu.memory_space<hbm>> -> memref<1x1x128xi32, #tpu.memory_space<hbm>>
        %dma_start3A_176 = tpu.memref_squeeze %dma_start3A_175 : memref<1x1x128xi32, #tpu.memory_space<hbm>> -> memref<1x128xi32, #tpu.memory_space<hbm>>
        %dma_start3A_177 = arith.constant 0 : i32
        %dma_start3A_178 = arith.constant 0 : i32
        %dma_start3A_179 = tpu.memref_slice %arg8[%dma_start3A_177, %dma_start3A_178] : memref<26x128xi32, #tpu.memory_space<vmem>> -> memref<1x128xi32, #tpu.memory_space<vmem>>
        %dma_start3A_180 = arith.constant 0 : i32
        %dma_start3A_181 = arith.constant 0 : i32
        %dma_start3A_182 = tpu.memref_slice %arg5[%add3A, %dma_start3A_180, %dma_start3A_181] : memref<4x1x128xi32, #tpu.memory_space<hbm>> -> memref<1x1x128xi32, #tpu.memory_space<hbm>>
        %dma_start3A_183 = tpu.memref_squeeze %dma_start3A_182 : memref<1x1x128xi32, #tpu.memory_space<hbm>> -> memref<1x128xi32, #tpu.memory_space<hbm>>
        tpu.enqueue_dma source(%dma_start3A_183 : memref<1x128xi32, #tpu.memory_space<hbm>>) target(%dma_start3A_179 : memref<1x128xi32, #tpu.memory_space<vmem>>) target_semaphore(%run_scoped3A_169 : memref<!tpu.dma_semaphore, #tpu.memory_space<semaphore_mem>>)
        %dma_wait3A_184 = arith.constant 0 : i32
        %dma_wait3A_185 = arith.constant 0 : i32
        %dma_wait3A_186 = tpu.memref_slice %arg8[%dma_wait3A_184, %dma_wait3A_185] : memref<26x128xi32, #tpu.memory_space<vmem>> -> memref<1x128xi32, #tpu.memory_space<vmem>>
        %dma_wait3A_187 = arith.constant 0 : i32
        %dma_wait3A_188 = arith.constant 0 : i32
        %dma_wait3A_189 = tpu.memref_slice %arg5[%add3A, %dma_wait3A_187, %dma_wait3A_188] : memref<4x1x128xi32, #tpu.memory_space<hbm>> -> memref<1x1x128xi32, #tpu.memory_space<hbm>>
        %dma_wait3A_190 = tpu.memref_squeeze %dma_wait3A_189 : memref<1x1x128xi32, #tpu.memory_space<hbm>> -> memref<1x128xi32, #tpu.memory_space<hbm>>
        %dma_wait3A_191 = arith.constant 0 : i32
        %dma_wait3A_192 = arith.constant 0 : i32
        %dma_wait3A_193 = tpu.memref_slice %arg8[%dma_wait3A_191, %dma_wait3A_192] : memref<26x128xi32, #tpu.memory_space<vmem>> -> memref<1x128xi32, #tpu.memory_space<vmem>>
        %dma_wait3A_194 = arith.constant 0 : i32
        %dma_wait3A_195 = arith.constant 0 : i32
        %dma_wait3A_196 = tpu.memref_slice %arg5[%add3A, %dma_wait3A_194, %dma_wait3A_195] : memref<4x1x128xi32, #tpu.memory_space<hbm>> -> memref<1x1x128xi32, #tpu.memory_space<hbm>>
        %dma_wait3A_197 = tpu.memref_squeeze %dma_wait3A_196 : memref<1x1x128xi32, #tpu.memory_space<hbm>> -> memref<1x128xi32, #tpu.memory_space<hbm>>
        tpu.wait_dma2 semaphore(%run_scoped3A_169 : memref<!tpu.dma_semaphore, #tpu.memory_space<semaphore_mem>>) src(%dma_wait3A_197 : memref<1x128xi32, #tpu.memory_space<hbm>>) dst(%dma_wait3A_193 : memref<1x128xi32, #tpu.memory_space<vmem>>)
        tpu.yield
      }) : () -> ()
      "tpu.region"() ({
        %run_scoped3A_169 = tpu.sem_alloc : memref<!tpu.dma_semaphore, #tpu.memory_space<semaphore_mem>>
        %dma_start3A_170 = arith.constant 0 : i32
        %dma_start3A_171 = arith.constant 0 : i32
        %dma_start3A_172 = tpu.memref_slice %arg9[%dma_start3A_170, %dma_start3A_171] : memref<26x128xi32, #tpu.memory_space<vmem>> -> memref<1x128xi32, #tpu.memory_space<vmem>>
        %dma_start3A_173 = arith.constant 0 : i32
        %dma_start3A_174 = arith.constant 0 : i32
        %dma_start3A_175 = tpu.memref_slice %arg6[%add3A, %dma_start3A_173, %dma_start3A_174] : memref<4x1x128xi32, #tpu.memory_space<hbm>> -> memref<1x1x128xi32, #tpu.memory_space<hbm>>
        %dma_start3A_176 = tpu.memref_squeeze %dma_start3A_175 : memref<1x1x128xi32, #tpu.memory_space<hbm>> -> memref<1x128xi32, #tpu.memory_space<hbm>>
        %dma_start3A_177 = arith.constant 0 : i32
        %dma_start3A_178 = arith.constant 0 : i32
        %dma_start3A_179 = tpu.memref_slice %arg9[%dma_start3A_177, %dma_start3A_178] : memref<26x128xi32, #tpu.memory_space<vmem>> -> memref<1x128xi32, #tpu.memory_space<vmem>>
        %dma_start3A_180 = arith.constant 0 : i32
        %dma_start3A_181 = arith.constant 0 : i32
        %dma_start3A_182 = tpu.memref_slice %arg6[%add3A, %dma_start3A_180, %dma_start3A_181] : memref<4x1x128xi32, #tpu.memory_space<hbm>> -> memref<1x1x128xi32, #tpu.memory_space<hbm>>
        %dma_start3A_183 = tpu.memref_squeeze %dma_start3A_182 : memref<1x1x128xi32, #tpu.memory_space<hbm>> -> memref<1x128xi32, #tpu.memory_space<hbm>>
        tpu.enqueue_dma source(%dma_start3A_183 : memref<1x128xi32, #tpu.memory_space<hbm>>) target(%dma_start3A_179 : memref<1x128xi32, #tpu.memory_space<vmem>>) target_semaphore(%run_scoped3A_169 : memref<!tpu.dma_semaphore, #tpu.memory_space<semaphore_mem>>)
        %dma_wait3A_184 = arith.constant 0 : i32
        %dma_wait3A_185 = arith.constant 0 : i32
        %dma_wait3A_186 = tpu.memref_slice %arg9[%dma_wait3A_184, %dma_wait3A_185] : memref<26x128xi32, #tpu.memory_space<vmem>> -> memref<1x128xi32, #tpu.memory_space<vmem>>
        %dma_wait3A_187 = arith.constant 0 : i32
        %dma_wait3A_188 = arith.constant 0 : i32
        %dma_wait3A_189 = tpu.memref_slice %arg6[%add3A, %dma_wait3A_187, %dma_wait3A_188] : memref<4x1x128xi32, #tpu.memory_space<hbm>> -> memref<1x1x128xi32, #tpu.memory_space<hbm>>
        %dma_wait3A_190 = tpu.memref_squeeze %dma_wait3A_189 : memref<1x1x128xi32, #tpu.memory_space<hbm>> -> memref<1x128xi32, #tpu.memory_space<hbm>>
        %dma_wait3A_191 = arith.constant 0 : i32
        %dma_wait3A_192 = arith.constant 0 : i32
        %dma_wait3A_193 = tpu.memref_slice %arg9[%dma_wait3A_191, %dma_wait3A_192] : memref<26x128xi32, #tpu.memory_space<vmem>> -> memref<1x128xi32, #tpu.memory_space<vmem>>
        %dma_wait3A_194 = arith.constant 0 : i32
        %dma_wait3A_195 = arith.constant 0 : i32
        %dma_wait3A_196 = tpu.memref_slice %arg6[%add3A, %dma_wait3A_194, %dma_wait3A_195] : memref<4x1x128xi32, #tpu.memory_space<hbm>> -> memref<1x1x128xi32, #tpu.memory_space<hbm>>
        %dma_wait3A_197 = tpu.memref_squeeze %dma_wait3A_196 : memref<1x1x128xi32, #tpu.memory_space<hbm>> -> memref<1x128xi32, #tpu.memory_space<hbm>>
        tpu.wait_dma2 semaphore(%run_scoped3A_169 : memref<!tpu.dma_semaphore, #tpu.memory_space<semaphore_mem>>) src(%dma_wait3A_197 : memref<1x128xi32, #tpu.memory_space<hbm>>) dst(%dma_wait3A_193 : memref<1x128xi32, #tpu.memory_space<vmem>>)
        tpu.yield
      }) : () -> ()
      %dma_start3A_154 = arith.constant 0 : i32
      %dma_start3A_155 = arith.constant 0 : i32
      %dma_start3A_156 = tpu.memref_slice %arg8[%dma_start3A_154, %dma_start3A_155] : memref<26x128xi32, #tpu.memory_space<vmem>> -> memref<1x128xi32, #tpu.memory_space<vmem>>
      %dma_start3A_157 = tpu.memref_squeeze %dma_start3A_156 : memref<1x128xi32, #tpu.memory_space<vmem>> -> memref<128xi32, #tpu.memory_space<vmem>>
      %dma_start3A_158 = arith.constant 0 : i32
      %dma_start3A_159 = arith.constant 0 : i32
      %dma_start3A_160 = tpu.memref_slice %arg2[%dma_start3A_158, %dma_start3A_159] : memref<10000x128xf32, #tpu.memory_space<hbm>> -> memref<10000x128xf32, #tpu.memory_space<hbm>>
      tpu.enqueue_indirect_dma source(%dma_start3A_160 : memref<10000x128xf32, #tpu.memory_space<hbm>>) target(%arg10 : memref<128x128xf32, #tpu.memory_space<vmem>>) offsets(%dma_start3A_157 : memref<128xi32, #tpu.memory_space<vmem>>) semaphore(%arg13 : memref<!tpu.dma_semaphore, #tpu.memory_space<semaphore_mem>>)
      %dma_wait3A_161 = arith.constant 0 : i32
      %dma_wait3A_162 = arith.constant 0 : i32
      %dma_wait3A_163 = tpu.memref_slice %arg8[%dma_wait3A_161, %dma_wait3A_162] : memref<26x128xi32, #tpu.memory_space<vmem>> -> memref<1x128xi32, #tpu.memory_space<vmem>>
      %dma_wait3A_164 = tpu.memref_squeeze %dma_wait3A_163 : memref<1x128xi32, #tpu.memory_space<vmem>> -> memref<128xi32, #tpu.memory_space<vmem>>
      %dma_wait3A_165 = arith.constant 0 : i32
      %dma_wait3A_166 = arith.constant 0 : i32
      %dma_wait3A_167 = tpu.memref_slice %arg2[%dma_wait3A_165, %dma_wait3A_166] : memref<10000x128xf32, #tpu.memory_space<hbm>> -> memref<10000x128xf32, #tpu.memory_space<hbm>>
      tpu.wait_indirect_dma semaphore(%arg13 : memref<!tpu.dma_semaphore, #tpu.memory_space<semaphore_mem>>) src(%dma_wait3A_167 : memref<10000x128xf32, #tpu.memory_space<hbm>>) dst(%arg10 : memref<128x128xf32, #tpu.memory_space<vmem>>)
      %run_scoped3A_168 = arith.constant 0 : i32
      "tpu.region"() ({
        %run_scoped3A_169 = tpu.sem_alloc : memref<!tpu.dma_semaphore, #tpu.memory_space<semaphore_mem>>
        %dma_start3A_170 = arith.constant 0 : i32
        %dma_start3A_171 = tpu.memref_slice %arg9[%run_scoped3A_168, %dma_start3A_170] : memref<26x128xi32, #tpu.memory_space<vmem>> -> memref<1x128xi32, #tpu.memory_space<vmem>>
        %dma_start3A_172 = tpu.memref_squeeze %dma_start3A_171 : memref<1x128xi32, #tpu.memory_space<vmem>> -> memref<128xi32, #tpu.memory_space<vmem>>
        %dma_start3A_173 = arith.constant 0 : i32
        %dma_start3A_174 = arith.constant 0 : i32
        %dma_start3A_175 = tpu.memref_slice %arg12[%dma_start3A_173, %dma_start3A_174] : memref<10240x128xf32, #tpu.memory_space<vmem_shared>> -> memref<10240x128xf32, #tpu.memory_space<vmem_shared>>
        tpu.enqueue_indirect_dma source(%arg10 : memref<128x128xf32, #tpu.memory_space<vmem>>) target(%dma_start3A_175 : memref<10240x128xf32, #tpu.memory_space<vmem_shared>>) offsets(%dma_start3A_172 : memref<128xi32, #tpu.memory_space<vmem>>) semaphore(%run_scoped3A_169 : memref<!tpu.dma_semaphore, #tpu.memory_space<semaphore_mem>>) {add = true}
        %dma_wait3A_176 = arith.constant 0 : i32
        %dma_wait3A_177 = tpu.memref_slice %arg9[%run_scoped3A_168, %dma_wait3A_176] : memref<26x128xi32, #tpu.memory_space<vmem>> -> memref<1x128xi32, #tpu.memory_space<vmem>>
        %dma_wait3A_178 = tpu.memref_squeeze %dma_wait3A_177 : memref<1x128xi32, #tpu.memory_space<vmem>> -> memref<128xi32, #tpu.memory_space<vmem>>
        %dma_wait3A_179 = arith.constant 0 : i32
        %dma_wait3A_180 = arith.constant 0 : i32
        %dma_wait3A_181 = tpu.memref_slice %arg12[%dma_wait3A_179, %dma_wait3A_180] : memref<10240x128xf32, #tpu.memory_space<vmem_shared>> -> memref<10240x128xf32, #tpu.memory_space<vmem_shared>>
        tpu.wait_indirect_dma semaphore(%run_scoped3A_169 : memref<!tpu.dma_semaphore, #tpu.memory_space<semaphore_mem>>) src(%arg10 : memref<128x128xf32, #tpu.memory_space<vmem>>) dst(%dma_wait3A_181 : memref<10240x128xf32, #tpu.memory_space<vmem_shared>>)
        tpu.yield
      }) : () -> ()
    } else {
    }
    %barrier3A_133 = arith.constant 0 : index
    tpu.barrier barrier_id(%barrier3A_133)
    %mul3A_134 = arith.constant 640 : i32
    %mul3A_135 = arith.muli %arg1, %mul3A_134 : i32
    %add3A_136 = arith.constant 0 : i32
    %add3A_137 = arith.addi %mul3A_135, %add3A_136 : i32
    "tpu.region"() ({
      %run_scoped3A_154 = tpu.sem_alloc : memref<!tpu.dma_semaphore, #tpu.memory_space<semaphore_mem>>
      %dma_start3A_155 = arith.constant 0 : i32
      %dma_start3A_156 = tpu.memref_slice %arg7[%arg0, %add3A_137, %dma_start3A_155] : memref<2x10240x128xf32, #tpu.memory_space<hbm>> -> memref<1x128x128xf32, #tpu.memory_space<hbm>>
      %dma_start3A_157 = tpu.memref_squeeze %dma_start3A_156 : memref<1x128x128xf32, #tpu.memory_space<hbm>> -> memref<128x128xf32, #tpu.memory_space<hbm>>
      %dma_start3A_158 = arith.constant 0 : i32
      %dma_start3A_159 = tpu.memref_slice %arg12[%add3A_137, %dma_start3A_158] : memref<10240x128xf32, #tpu.memory_space<vmem_shared>> -> memref<128x128xf32, #tpu.memory_space<vmem_shared>>
      tpu.enqueue_dma source(%dma_start3A_159 : memref<128x128xf32, #tpu.memory_space<vmem_shared>>) target(%dma_start3A_157 : memref<128x128xf32, #tpu.memory_space<hbm>>) target_semaphore(%run_scoped3A_154 : memref<!tpu.dma_semaphore, #tpu.memory_space<semaphore_mem>>)
      %dma_wait3A_160 = arith.constant 0 : i32
      %dma_wait3A_161 = tpu.memref_slice %arg7[%arg0, %add3A_137, %dma_wait3A_160] : memref<2x10240x128xf32, #tpu.memory_space<hbm>> -> memref<1x128x128xf32, #tpu.memory_space<hbm>>
      %dma_wait3A_162 = tpu.memref_squeeze %dma_wait3A_161 : memref<1x128x128xf32, #tpu.memory_space<hbm>> -> memref<128x128xf32, #tpu.memory_space<hbm>>
      %dma_wait3A_163 = arith.constant 0 : i32
      %dma_wait3A_164 = tpu.memref_slice %arg12[%add3A_137, %dma_wait3A_163] : memref<10240x128xf32, #tpu.memory_space<vmem_shared>> -> memref<128x128xf32, #tpu.memory_space<vmem_shared>>
      tpu.wait_dma2 semaphore(%run_scoped3A_154 : memref<!tpu.dma_semaphore, #tpu.memory_space<semaphore_mem>>) src(%dma_wait3A_164 : memref<128x128xf32, #tpu.memory_space<vmem_shared>>) dst(%dma_wait3A_162 : memref<128x128xf32, #tpu.memory_space<hbm>>)
      tpu.yield
    }) : () -> ()
    %mul3A_138 = arith.constant 640 : i32
    %mul3A_139 = arith.muli %arg1, %mul3A_138 : i32
    %add3A_140 = arith.constant 128 : i32
    %add3A_141 = arith.addi %mul3A_139, %add3A_140 : i32
    "tpu.region"() ({
      %run_scoped3A_154 = tpu.sem_alloc : memref<!tpu.dma_semaphore, #tpu.memory_space<semaphore_mem>>
      %dma_start3A_155 = arith.constant 0 : i32
      %dma_start3A_156 = tpu.memref_slice %arg7[%arg0, %add3A_141, %dma_start3A_155] : memref<2x10240x128xf32, #tpu.memory_space<hbm>> -> memref<1x128x128xf32, #tpu.memory_space<hbm>>
      %dma_start3A_157 = tpu.memref_squeeze %dma_start3A_156 : memref<1x128x128xf32, #tpu.memory_space<hbm>> -> memref<128x128xf32, #tpu.memory_space<hbm>>
      %dma_start3A_158 = arith.constant 0 : i32
      %dma_start3A_159 = tpu.memref_slice %arg12[%add3A_141, %dma_start3A_158] : memref<10240x128xf32, #tpu.memory_space<vmem_shared>> -> memref<128x128xf32, #tpu.memory_space<vmem_shared>>
      tpu.enqueue_dma source(%dma_start3A_159 : memref<128x128xf32, #tpu.memory_space<vmem_shared>>) target(%dma_start3A_157 : memref<128x128xf32, #tpu.memory_space<hbm>>) target_semaphore(%run_scoped3A_154 : memref<!tpu.dma_semaphore, #tpu.memory_space<semaphore_mem>>)
      %dma_wait3A_160 = arith.constant 0 : i32
      %dma_wait3A_161 = tpu.memref_slice %arg7[%arg0, %add3A_141, %dma_wait3A_160] : memref<2x10240x128xf32, #tpu.memory_space<hbm>> -> memref<1x128x128xf32, #tpu.memory_space<hbm>>
      %dma_wait3A_162 = tpu.memref_squeeze %dma_wait3A_161 : memref<1x128x128xf32, #tpu.memory_space<hbm>> -> memref<128x128xf32, #tpu.memory_space<hbm>>
      %dma_wait3A_163 = arith.constant 0 : i32
      %dma_wait3A_164 = tpu.memref_slice %arg12[%add3A_141, %dma_wait3A_163] : memref<10240x128xf32, #tpu.memory_space<vmem_shared>> -> memref<128x128xf32, #tpu.memory_space<vmem_shared>>
      tpu.wait_dma2 semaphore(%run_scoped3A_154 : memref<!tpu.dma_semaphore, #tpu.memory_space<semaphore_mem>>) src(%dma_wait3A_164 : memref<128x128xf32, #tpu.memory_space<vmem_shared>>) dst(%dma_wait3A_162 : memref<128x128xf32, #tpu.memory_space<hbm>>)
      tpu.yield
    }) : () -> ()
    %mul3A_142 = arith.constant 640 : i32
    %mul3A_143 = arith.muli %arg1, %mul3A_142 : i32
    %add3A_144 = arith.constant 256 : i32
    %add3A_145 = arith.addi %mul3A_143, %add3A_144 : i32
    "tpu.region"() ({
      %run_scoped3A_154 = tpu.sem_alloc : memref<!tpu.dma_semaphore, #tpu.memory_space<semaphore_mem>>
      %dma_start3A_155 = arith.constant 0 : i32
      %dma_start3A_156 = tpu.memref_slice %arg7[%arg0, %add3A_145, %dma_start3A_155] : memref<2x10240x128xf32, #tpu.memory_space<hbm>> -> memref<1x128x128xf32, #tpu.memory_space<hbm>>
      %dma_start3A_157 = tpu.memref_squeeze %dma_start3A_156 : memref<1x128x128xf32, #tpu.memory_space<hbm>> -> memref<128x128xf32, #tpu.memory_space<hbm>>
      %dma_start3A_158 = arith.constant 0 : i32
      %dma_start3A_159 = tpu.memref_slice %arg12[%add3A_145, %dma_start3A_158] : memref<10240x128xf32, #tpu.memory_space<vmem_shared>> -> memref<128x128xf32, #tpu.memory_space<vmem_shared>>
      tpu.enqueue_dma source(%dma_start3A_159 : memref<128x128xf32, #tpu.memory_space<vmem_shared>>) target(%dma_start3A_157 : memref<128x128xf32, #tpu.memory_space<hbm>>) target_semaphore(%run_scoped3A_154 : memref<!tpu.dma_semaphore, #tpu.memory_space<semaphore_mem>>)
      %dma_wait3A_160 = arith.constant 0 : i32
      %dma_wait3A_161 = tpu.memref_slice %arg7[%arg0, %add3A_145, %dma_wait3A_160] : memref<2x10240x128xf32, #tpu.memory_space<hbm>> -> memref<1x128x128xf32, #tpu.memory_space<hbm>>
      %dma_wait3A_162 = tpu.memref_squeeze %dma_wait3A_161 : memref<1x128x128xf32, #tpu.memory_space<hbm>> -> memref<128x128xf32, #tpu.memory_space<hbm>>
      %dma_wait3A_163 = arith.constant 0 : i32
      %dma_wait3A_164 = tpu.memref_slice %arg12[%add3A_145, %dma_wait3A_163] : memref<10240x128xf32, #tpu.memory_space<vmem_shared>> -> memref<128x128xf32, #tpu.memory_space<vmem_shared>>
      tpu.wait_dma2 semaphore(%run_scoped3A_154 : memref<!tpu.dma_semaphore, #tpu.memory_space<semaphore_mem>>) src(%dma_wait3A_164 : memref<128x128xf32, #tpu.memory_space<vmem_shared>>) dst(%dma_wait3A_162 : memref<128x128xf32, #tpu.memory_space<hbm>>)
      tpu.yield
    }) : () -> ()
    %mul3A_146 = arith.constant 640 : i32
    %mul3A_147 = arith.muli %arg1, %mul3A_146 : i32
    %add3A_148 = arith.constant 384 : i32
    %add3A_149 = arith.addi %mul3A_147, %add3A_148 : i32
    "tpu.region"() ({
      %run_scoped3A_154 = tpu.sem_alloc : memref<!tpu.dma_semaphore, #tpu.memory_space<semaphore_mem>>
      %dma_start3A_155 = arith.constant 0 : i32
      %dma_start3A_156 = tpu.memref_slice %arg7[%arg0, %add3A_149, %dma_start3A_155] : memref<2x10240x128xf32, #tpu.memory_space<hbm>> -> memref<1x128x128xf32, #tpu.memory_space<hbm>>
      %dma_start3A_157 = tpu.memref_squeeze %dma_start3A_156 : memref<1x128x128xf32, #tpu.memory_space<hbm>> -> memref<128x128xf32, #tpu.memory_space<hbm>>
      %dma_start3A_158 = arith.constant 0 : i32
      %dma_start3A_159 = tpu.memref_slice %arg12[%add3A_149, %dma_start3A_158] : memref<10240x128xf32, #tpu.memory_space<vmem_shared>> -> memref<128x128xf32, #tpu.memory_space<vmem_shared>>
      tpu.enqueue_dma source(%dma_start3A_159 : memref<128x128xf32, #tpu.memory_space<vmem_shared>>) target(%dma_start3A_157 : memref<128x128xf32, #tpu.memory_space<hbm>>) target_semaphore(%run_scoped3A_154 : memref<!tpu.dma_semaphore, #tpu.memory_space<semaphore_mem>>)
      %dma_wait3A_160 = arith.constant 0 : i32
      %dma_wait3A_161 = tpu.memref_slice %arg7[%arg0, %add3A_149, %dma_wait3A_160] : memref<2x10240x128xf32, #tpu.memory_space<hbm>> -> memref<1x128x128xf32, #tpu.memory_space<hbm>>
      %dma_wait3A_162 = tpu.memref_squeeze %dma_wait3A_161 : memref<1x128x128xf32, #tpu.memory_space<hbm>> -> memref<128x128xf32, #tpu.memory_space<hbm>>
      %dma_wait3A_163 = arith.constant 0 : i32
      %dma_wait3A_164 = tpu.memref_slice %arg12[%add3A_149, %dma_wait3A_163] : memref<10240x128xf32, #tpu.memory_space<vmem_shared>> -> memref<128x128xf32, #tpu.memory_space<vmem_shared>>
      tpu.wait_dma2 semaphore(%run_scoped3A_154 : memref<!tpu.dma_semaphore, #tpu.memory_space<semaphore_mem>>) src(%dma_wait3A_164 : memref<128x128xf32, #tpu.memory_space<vmem_shared>>) dst(%dma_wait3A_162 : memref<128x128xf32, #tpu.memory_space<hbm>>)
      tpu.yield
    }) : () -> ()
    %mul3A_150 = arith.constant 640 : i32
    %mul3A_151 = arith.muli %arg1, %mul3A_150 : i32
    %add3A_152 = arith.constant 512 : i32
    %add3A_153 = arith.addi %mul3A_151, %add3A_152 : i32
    "tpu.region"() ({
      %run_scoped3A_154 = tpu.sem_alloc : memref<!tpu.dma_semaphore, #tpu.memory_space<semaphore_mem>>
      %dma_start3A_155 = arith.constant 0 : i32
      %dma_start3A_156 = tpu.memref_slice %arg7[%arg0, %add3A_153, %dma_start3A_155] : memref<2x10240x128xf32, #tpu.memory_space<hbm>> -> memref<1x128x128xf32, #tpu.memory_space<hbm>>
      %dma_start3A_157 = tpu.memref_squeeze %dma_start3A_156 : memref<1x128x128xf32, #tpu.memory_space<hbm>> -> memref<128x128xf32, #tpu.memory_space<hbm>>
      %dma_start3A_158 = arith.constant 0 : i32
      %dma_start3A_159 = tpu.memref_slice %arg12[%add3A_153, %dma_start3A_158] : memref<10240x128xf32, #tpu.memory_space<vmem_shared>> -> memref<128x128xf32, #tpu.memory_space<vmem_shared>>
      tpu.enqueue_dma source(%dma_start3A_159 : memref<128x128xf32, #tpu.memory_space<vmem_shared>>) target(%dma_start3A_157 : memref<128x128xf32, #tpu.memory_space<hbm>>) target_semaphore(%run_scoped3A_154 : memref<!tpu.dma_semaphore, #tpu.memory_space<semaphore_mem>>)
      %dma_wait3A_160 = arith.constant 0 : i32
      %dma_wait3A_161 = tpu.memref_slice %arg7[%arg0, %add3A_153, %dma_wait3A_160] : memref<2x10240x128xf32, #tpu.memory_space<hbm>> -> memref<1x128x128xf32, #tpu.memory_space<hbm>>
      %dma_wait3A_162 = tpu.memref_squeeze %dma_wait3A_161 : memref<1x128x128xf32, #tpu.memory_space<hbm>> -> memref<128x128xf32, #tpu.memory_space<hbm>>
      %dma_wait3A_163 = arith.constant 0 : i32
      %dma_wait3A_164 = tpu.memref_slice %arg12[%add3A_153, %dma_wait3A_163] : memref<10240x128xf32, #tpu.memory_space<vmem_shared>> -> memref<128x128xf32, #tpu.memory_space<vmem_shared>>
      tpu.wait_dma2 semaphore(%run_scoped3A_154 : memref<!tpu.dma_semaphore, #tpu.memory_space<semaphore_mem>>) src(%dma_wait3A_164 : memref<128x128xf32, #tpu.memory_space<vmem_shared>>) dst(%dma_wait3A_162 : memref<128x128xf32, #tpu.memory_space<hbm>>)
      tpu.yield
    }) : () -> ()
    return
  }
}

#map = affine_map<(d0, d1) -> (0, 0)>
#map1 = affine_map<(d0, d1) -> (0, 0, 0, 0)>
#map2 = affine_map<(d0, d1) -> (0, 0, 0)>
module attributes {stable_mosaic.version = 14 : i64} {
  func.func @_gather_add_kernel(%arg0: i32, %arg1: i32, %arg2: memref<10000x128xf32, #tpu.memory_space<hbm>>, %arg3: memref<32x3x26x128xi32, #tpu.memory_space<hbm>>, %arg4: memref<32x3x26x128xi32, #tpu.memory_space<hbm>>, %arg5: memref<4x1x128xi32, #tpu.memory_space<hbm>>, %arg6: memref<4x1x128xi32, #tpu.memory_space<hbm>>, %arg7: memref<2x10240x128xf32, #tpu.memory_space<hbm>>, %arg8: memref<26x128xi32, #tpu.memory_space<vmem>>, %arg9: memref<26x128xi32, #tpu.memory_space<vmem>>, %arg10: memref<128x128xf32, #tpu.memory_space<vmem>>, %arg11: memref<128x128xf32, #tpu.memory_space<vmem>>, %arg12: memref<10240x128xf32, #tpu.memory_space<vmem_shared>>, %arg13: memref<!tpu.dma_semaphore, #tpu.memory_space<semaphore_mem>>, %arg14: memref<!tpu.dma_semaphore, #tpu.memory_space<semaphore_mem>>, %arg15: memref<!tpu.dma_semaphore, #tpu.memory_space<semaphore_mem>>, %arg16: memref<!tpu.dma_semaphore, #tpu.memory_space<semaphore_mem>>) attributes {dimension_semantics = [#tpu.dimension_semantics<core_parallel>, #tpu.dimension_semantics<subcore_parallel>], iteration_bounds = array<i64: 2, 16>, scalar_prefetch = 0 : i64, scratch_operands = 9 : i64, tpu.core_type = #tpu.core_type<sc_vector_subcore>, window_params = [{transform_indices = #map}, {transform_indices = #map1}, {transform_indices = #map1}, {transform_indices = #map2}, {transform_indices = #map2}, {transform_indices = #map2}]} {
    %mul3A = arith.constant 16 : i32
    %mul3A_0 = arith.muli %arg0, %mul3A : i32
    %add3A = arith.addi %mul3A_0, %arg1 : i32
    %scan3A = arith.constant 0 : i32
    %scan3A_1 = arith.constant 0 : i32
    %scan3A_2 = arith.constant 128 : i32
    %scan3A_3 = arith.addi %scan3A_1, %scan3A_2 : i32
    %scan3A_4 = arith.constant 1 : i32
    scf.for %scan3A_154 = %scan3A_1 to %scan3A_3 step %scan3A_4  : i32 {
      %scan3A_155 = arith.constant 0 : i32
      %scan3A_156 = arith.constant 8 : i32
      %scan3A_157 = arith.addi %scan3A_155, %scan3A_156 : i32
      %scan3A_158 = arith.constant 1 : i32
      scf.for %scan3A_160 = %scan3A_155 to %scan3A_157 step %scan3A_158  : i32 {
        %broadcast_in_dim3A = arith.constant 0.000000e+00 : f32
        %broadcast_in_dim3A_161 = vector.broadcast %broadcast_in_dim3A : f32 to vector<16xf32>
        %mul3A_162 = arith.constant 16 : i32
        %mul3A_163 = arith.muli %scan3A_160, %mul3A_162 : i32
        %swap3A = arith.index_cast %scan3A_154 : i32 to index
        %swap3A_164 = arith.index_cast %mul3A_163 : i32 to index
        %swap3A_165 = tpu.vector_load %arg10[%swap3A, %swap3A_164] {strides = array<i32>} : memref<128x128xf32, #tpu.memory_space<vmem>>, vector<1x16xf32>,
        %swap3A_166 = vector.shape_cast %swap3A_165 : vector<1x16xf32> to vector<16xf32>
        %swap3A_167 = vector.shape_cast %broadcast_in_dim3A_161 : vector<16xf32> to vector<1x16xf32>
        tpu.vector_store %arg10[%swap3A, %swap3A_164], %swap3A_167 {strides = array<i32>} : memref<128x128xf32, #tpu.memory_space<vmem>>, vector<1x16xf32>,
      }
      %scan3A_159 = arith.constant 8 : i32
    }
    %scan3A_5 = arith.constant 128 : i32
    %mul3A_6 = arith.constant 640 : i32
    %mul3A_7 = arith.muli %arg1, %mul3A_6 : i32
    %add3A_8 = arith.constant 0 : i32
    %add3A_9 = arith.addi %mul3A_7, %add3A_8 : i32
    "tpu.region"() ({
      %run_scoped3A_154 = tpu.sem_alloc : memref<!tpu.dma_semaphore, #tpu.memory_space<semaphore_mem>>
      %dma_start3A_155 = arith.constant 0 : i32
      %dma_start3A_156 = tpu.memref_slice %arg12[%add3A_9, %dma_start3A_155] : memref<10240x128xf32, #tpu.memory_space<vmem_shared>> -> memref<128x128xf32, #tpu.memory_space<vmem_shared>>
      %dma_start3A_157 = arith.constant 0 : i32
      %dma_start3A_158 = tpu.memref_slice %arg12[%add3A_9, %dma_start3A_157] : memref<10240x128xf32, #tpu.memory_space<vmem_shared>> -> memref<128x128xf32, #tpu.memory_space<vmem_shared>>
      tpu.enqueue_dma source(%arg10 : memref<128x128xf32, #tpu.memory_space<vmem>>) target(%dma_start3A_158 : memref<128x128xf32, #tpu.memory_space<vmem_shared>>) target_semaphore(%run_scoped3A_154 : memref<!tpu.dma_semaphore, #tpu.memory_space<semaphore_mem>>)
      %dma_wait3A_159 = arith.constant 0 : i32
      %dma_wait3A_160 = tpu.memref_slice %arg12[%add3A_9, %dma_wait3A_159] : memref<10240x128xf32, #tpu.memory_space<vmem_shared>> -> memref<128x128xf32, #tpu.memory_space<vmem_shared>>
      %dma_wait3A_161 = arith.constant 0 : i32
      %dma_wait3A_162 = tpu.memref_slice %arg12[%add3A_9, %dma_wait3A_161] : memref<10240x128xf32, #tpu.memory_space<vmem_shared>> -> memref<128x128xf32, #tpu.memory_space<vmem_shared>>
      tpu.wait_dma2 semaphore(%run_scoped3A_154 : memref<!tpu.dma_semaphore, #tpu.memory_space<semaphore_mem>>) src(%arg10 : memref<128x128xf32, #tpu.memory_space<vmem>>) dst(%dma_wait3A_162 : memref<128x128xf32, #tpu.memory_space<vmem_shared>>)
      tpu.yield
    }) : () -> ()
    %mul3A_10 = arith.constant 640 : i32
    %mul3A_11 = arith.muli %arg1, %mul3A_10 : i32
    %add3A_12 = arith.constant 128 : i32
    %add3A_13 = arith.addi %mul3A_11, %add3A_12 : i32
    "tpu.region"() ({
      %run_scoped3A_154 = tpu.sem_alloc : memref<!tpu.dma_semaphore, #tpu.memory_space<semaphore_mem>>
      %dma_start3A_155 = arith.constant 0 : i32
      %dma_start3A_156 = tpu.memref_slice %arg12[%add3A_13, %dma_start3A_155] : memref<10240x128xf32, #tpu.memory_space<vmem_shared>> -> memref<128x128xf32, #tpu.memory_space<vmem_shared>>
      %dma_start3A_157 = arith.constant 0 : i32
      %dma_start3A_158 = tpu.memref_slice %arg12[%add3A_13, %dma_start3A_157] : memref<10240x128xf32, #tpu.memory_space<vmem_shared>> -> memref<128x128xf32, #tpu.memory_space<vmem_shared>>
      tpu.enqueue_dma source(%arg10 : memref<128x128xf32, #tpu.memory_space<vmem>>) target(%dma_start3A_158 : memref<128x128xf32, #tpu.memory_space<vmem_shared>>) target_semaphore(%run_scoped3A_154 : memref<!tpu.dma_semaphore, #tpu.memory_space<semaphore_mem>>)
      %dma_wait3A_159 = arith.constant 0 : i32
      %dma_wait3A_160 = tpu.memref_slice %arg12[%add3A_13, %dma_wait3A_159] : memref<10240x128xf32, #tpu.memory_space<vmem_shared>> -> memref<128x128xf32, #tpu.memory_space<vmem_shared>>
      %dma_wait3A_161 = arith.constant 0 : i32
      %dma_wait3A_162 = tpu.memref_slice %arg12[%add3A_13, %dma_wait3A_161] : memref<10240x128xf32, #tpu.memory_space<vmem_shared>> -> memref<128x128xf32, #tpu.memory_space<vmem_shared>>
      tpu.wait_dma2 semaphore(%run_scoped3A_154 : memref<!tpu.dma_semaphore, #tpu.memory_space<semaphore_mem>>) src(%arg10 : memref<128x128xf32, #tpu.memory_space<vmem>>) dst(%dma_wait3A_162 : memref<128x128xf32, #tpu.memory_space<vmem_shared>>)
      tpu.yield
    }) : () -> ()
    %mul3A_14 = arith.constant 640 : i32
    %mul3A_15 = arith.muli %arg1, %mul3A_14 : i32
    %add3A_16 = arith.constant 256 : i32
    %add3A_17 = arith.addi %mul3A_15, %add3A_16 : i32
    "tpu.region"() ({
      %run_scoped3A_154 = tpu.sem_alloc : memref<!tpu.dma_semaphore, #tpu.memory_space<semaphore_mem>>
      %dma_start3A_155 = arith.constant 0 : i32
      %dma_start3A_156 = tpu.memref_slice %arg12[%add3A_17, %dma_start3A_155] : memref<10240x128xf32, #tpu.memory_space<vmem_shared>> -> memref<128x128xf32, #tpu.memory_space<vmem_shared>>
      %dma_start3A_157 = arith.constant 0 : i32
      %dma_start3A_158 = tpu.memref_slice %arg12[%add3A_17, %dma_start3A_157] : memref<10240x128xf32, #tpu.memory_space<vmem_shared>> -> memref<128x128xf32, #tpu.memory_space<vmem_shared>>
      tpu.enqueue_dma source(%arg10 : memref<128x128xf32, #tpu.memory_space<vmem>>) target(%dma_start3A_158 : memref<128x128xf32, #tpu.memory_space<vmem_shared>>) target_semaphore(%run_scoped3A_154 : memref<!tpu.dma_semaphore, #tpu.memory_space<semaphore_mem>>)
      %dma_wait3A_159 = arith.constant 0 : i32
      %dma_wait3A_160 = tpu.memref_slice %arg12[%add3A_17, %dma_wait3A_159] : memref<10240x128xf32, #tpu.memory_space<vmem_shared>> -> memref<128x128xf32, #tpu.memory_space<vmem_shared>>
      %dma_wait3A_161 = arith.constant 0 : i32
      %dma_wait3A_162 = tpu.memref_slice %arg12[%add3A_17, %dma_wait3A_161] : memref<10240x128xf32, #tpu.memory_space<vmem_shared>> -> memref<128x128xf32, #tpu.memory_space<vmem_shared>>
      tpu.wait_dma2 semaphore(%run_scoped3A_154 : memref<!tpu.dma_semaphore, #tpu.memory_space<semaphore_mem>>) src(%arg10 : memref<128x128xf32, #tpu.memory_space<vmem>>) dst(%dma_wait3A_162 : memref<128x128xf32, #tpu.memory_space<vmem_shared>>)
      tpu.yield
    }) : () -> ()
    %mul3A_18 = arith.constant 640 : i32
    %mul3A_19 = arith.muli %arg1, %mul3A_18 : i32
    %add3A_20 = arith.constant 384 : i32
    %add3A_21 = arith.addi %mul3A_19, %add3A_20 : i32
    "tpu.region"() ({
      %run_scoped3A_154 = tpu.sem_alloc : memref<!tpu.dma_semaphore, #tpu.memory_space<semaphore_mem>>
      %dma_start3A_155 = arith.constant 0 : i32
      %dma_start3A_156 = tpu.memref_slice %arg12[%add3A_21, %dma_start3A_155] : memref<10240x128xf32, #tpu.memory_space<vmem_shared>> -> memref<128x128xf32, #tpu.memory_space<vmem_shared>>
      %dma_start3A_157 = arith.constant 0 : i32
      %dma_start3A_158 = tpu.memref_slice %arg12[%add3A_21, %dma_start3A_157] : memref<10240x128xf32, #tpu.memory_space<vmem_shared>> -> memref<128x128xf32, #tpu.memory_space<vmem_shared>>
      tpu.enqueue_dma source(%arg10 : memref<128x128xf32, #tpu.memory_space<vmem>>) target(%dma_start3A_158 : memref<128x128xf32, #tpu.memory_space<vmem_shared>>) target_semaphore(%run_scoped3A_154 : memref<!tpu.dma_semaphore, #tpu.memory_space<semaphore_mem>>)
      %dma_wait3A_159 = arith.constant 0 : i32
      %dma_wait3A_160 = tpu.memref_slice %arg12[%add3A_21, %dma_wait3A_159] : memref<10240x128xf32, #tpu.memory_space<vmem_shared>> -> memref<128x128xf32, #tpu.memory_space<vmem_shared>>
      %dma_wait3A_161 = arith.constant 0 : i32
      %dma_wait3A_162 = tpu.memref_slice %arg12[%add3A_21, %dma_wait3A_161] : memref<10240x128xf32, #tpu.memory_space<vmem_shared>> -> memref<128x128xf32, #tpu.memory_space<vmem_shared>>
      tpu.wait_dma2 semaphore(%run_scoped3A_154 : memref<!tpu.dma_semaphore, #tpu.memory_space<semaphore_mem>>) src(%arg10 : memref<128x128xf32, #tpu.memory_space<vmem>>) dst(%dma_wait3A_162 : memref<128x128xf32, #tpu.memory_space<vmem_shared>>)
      tpu.yield
    }) : () -> ()
    %mul3A_22 = arith.constant 640 : i32
    %mul3A_23 = arith.muli %arg1, %mul3A_22 : i32
    %add3A_24 = arith.constant 512 : i32
    %add3A_25 = arith.addi %mul3A_23, %add3A_24 : i32
    "tpu.region"() ({
      %run_scoped3A_154 = tpu.sem_alloc : memref<!tpu.dma_semaphore, #tpu.memory_space<semaphore_mem>>
      %dma_start3A_155 = arith.constant 0 : i32
      %dma_start3A_156 = tpu.memref_slice %arg12[%add3A_25, %dma_start3A_155] : memref<10240x128xf32, #tpu.memory_space<vmem_shared>> -> memref<128x128xf32, #tpu.memory_space<vmem_shared>>
      %dma_start3A_157 = arith.constant 0 : i32
      %dma_start3A_158 = tpu.memref_slice %arg12[%add3A_25, %dma_start3A_157] : memref<10240x128xf32, #tpu.memory_space<vmem_shared>> -> memref<128x128xf32, #tpu.memory_space<vmem_shared>>
      tpu.enqueue_dma source(%arg10 : memref<128x128xf32, #tpu.memory_space<vmem>>) target(%dma_start3A_158 : memref<128x128xf32, #tpu.memory_space<vmem_shared>>) target_semaphore(%run_scoped3A_154 : memref<!tpu.dma_semaphore, #tpu.memory_space<semaphore_mem>>)
      %dma_wait3A_159 = arith.constant 0 : i32
      %dma_wait3A_160 = tpu.memref_slice %arg12[%add3A_25, %dma_wait3A_159] : memref<10240x128xf32, #tpu.memory_space<vmem_shared>> -> memref<128x128xf32, #tpu.memory_space<vmem_shared>>
      %dma_wait3A_161 = arith.constant 0 : i32
      %dma_wait3A_162 = tpu.memref_slice %arg12[%add3A_25, %dma_wait3A_161] : memref<10240x128xf32, #tpu.memory_space<vmem_shared>> -> memref<128x128xf32, #tpu.memory_space<vmem_shared>>
      tpu.wait_dma2 semaphore(%run_scoped3A_154 : memref<!tpu.dma_semaphore, #tpu.memory_space<semaphore_mem>>) src(%arg10 : memref<128x128xf32, #tpu.memory_space<vmem>>) dst(%dma_wait3A_162 : memref<128x128xf32, #tpu.memory_space<vmem_shared>>)
      tpu.yield
    }) : () -> ()
    %barrier3A = arith.constant 0 : index
    tpu.barrier barrier_id(%barrier3A)
    %run_scoped3A = arith.constant 0 : i32
    "tpu.region"() ({
      %run_scoped3A_154 = tpu.sem_alloc : memref<!tpu.dma_semaphore, #tpu.memory_space<semaphore_mem>>
      %dma_start3A_155 = arith.constant 0 : i32
      %dma_start3A_156 = arith.constant 0 : i32
      %dma_start3A_157 = tpu.memref_slice %arg3[%add3A, %run_scoped3A, %dma_start3A_155, %dma_start3A_156] : memref<32x3x26x128xi32, #tpu.memory_space<hbm>> -> memref<1x1x26x128xi32, #tpu.memory_space<hbm>>
      %dma_start3A_158 = tpu.memref_squeeze %dma_start3A_157 : memref<1x1x26x128xi32, #tpu.memory_space<hbm>> -> memref<26x128xi32, #tpu.memory_space<hbm>>
      %dma_start3A_159 = arith.constant 0 : i32
      %dma_start3A_160 = arith.constant 0 : i32
      %dma_start3A_161 = tpu.memref_slice %arg3[%add3A, %run_scoped3A, %dma_start3A_159, %dma_start3A_160] : memref<32x3x26x128xi32, #tpu.memory_space<hbm>> -> memref<1x1x26x128xi32, #tpu.memory_space<hbm>>
      %dma_start3A_162 = tpu.memref_squeeze %dma_start3A_161 : memref<1x1x26x128xi32, #tpu.memory_space<hbm>> -> memref<26x128xi32, #tpu.memory_space<hbm>>
      tpu.enqueue_dma source(%dma_start3A_162 : memref<26x128xi32, #tpu.memory_space<hbm>>) target(%arg8 : memref<26x128xi32, #tpu.memory_space<vmem>>) target_semaphore(%run_scoped3A_154 : memref<!tpu.dma_semaphore, #tpu.memory_space<semaphore_mem>>)
      %dma_wait3A_163 = arith.constant 0 : i32
      %dma_wait3A_164 = arith.constant 0 : i32
      %dma_wait3A_165 = tpu.memref_slice %arg3[%add3A, %run_scoped3A, %dma_wait3A_163, %dma_wait3A_164] : memref<32x3x26x128xi32, #tpu.memory_space<hbm>> -> memref<1x1x26x128xi32, #tpu.memory_space<hbm>>
      %dma_wait3A_166 = tpu.memref_squeeze %dma_wait3A_165 : memref<1x1x26x128xi32, #tpu.memory_space<hbm>> -> memref<26x128xi32, #tpu.memory_space<hbm>>
      %dma_wait3A_167 = arith.constant 0 : i32
      %dma_wait3A_168 = arith.constant 0 : i32
      %dma_wait3A_169 = tpu.memref_slice %arg3[%add3A, %run_scoped3A, %dma_wait3A_167, %dma_wait3A_168] : memref<32x3x26x128xi32, #tpu.memory_space<hbm>> -> memref<1x1x26x128xi32, #tpu.memory_space<hbm>>
      %dma_wait3A_170 = tpu.memref_squeeze %dma_wait3A_169 : memref<1x1x26x128xi32, #tpu.memory_space<hbm>> -> memref<26x128xi32, #tpu.memory_space<hbm>>
      tpu.wait_dma2 semaphore(%run_scoped3A_154 : memref<!tpu.dma_semaphore, #tpu.memory_space<semaphore_mem>>) src(%dma_wait3A_170 : memref<26x128xi32, #tpu.memory_space<hbm>>) dst(%arg8 : memref<26x128xi32, #tpu.memory_space<vmem>>)
      tpu.yield
    }) : () -> ()
    %run_scoped3A_26 = arith.constant 0 : i32
    "tpu.region"() ({
      %run_scoped3A_154 = tpu.sem_alloc : memref<!tpu.dma_semaphore, #tpu.memory_space<semaphore_mem>>
      %dma_start3A_155 = arith.constant 0 : i32
      %dma_start3A_156 = arith.constant 0 : i32
      %dma_start3A_157 = tpu.memref_slice %arg4[%add3A, %run_scoped3A_26, %dma_start3A_155, %dma_start3A_156] : memref<32x3x26x128xi32, #tpu.memory_space<hbm>> -> memref<1x1x26x128xi32, #tpu.memory_space<hbm>>
      %dma_start3A_158 = tpu.memref_squeeze %dma_start3A_157 : memref<1x1x26x128xi32, #tpu.memory_space<hbm>> -> memref<26x128xi32, #tpu.memory_space<hbm>>
      %dma_start3A_159 = arith.constant 0 : i32
      %dma_start3A_160 = arith.constant 0 : i32
      %dma_start3A_161 = tpu.memref_slice %arg4[%add3A, %run_scoped3A_26, %dma_start3A_159, %dma_start3A_160] : memref<32x3x26x128xi32, #tpu.memory_space<hbm>> -> memref<1x1x26x128xi32, #tpu.memory_space<hbm>>
      %dma_start3A_162 = tpu.memref_squeeze %dma_start3A_161 : memref<1x1x26x128xi32, #tpu.memory_space<hbm>> -> memref<26x128xi32, #tpu.memory_space<hbm>>
      tpu.enqueue_dma source(%dma_start3A_162 : memref<26x128xi32, #tpu.memory_space<hbm>>) target(%arg9 : memref<26x128xi32, #tpu.memory_space<vmem>>) target_semaphore(%run_scoped3A_154 : memref<!tpu.dma_semaphore, #tpu.memory_space<semaphore_mem>>)
      %dma_wait3A_163 = arith.constant 0 : i32
      %dma_wait3A_164 = arith.constant 0 : i32
      %dma_wait3A_165 = tpu.memref_slice %arg4[%add3A, %run_scoped3A_26, %dma_wait3A_163, %dma_wait3A_164] : memref<32x3x26x128xi32, #tpu.memory_space<hbm>> -> memref<1x1x26x128xi32, #tpu.memory_space<hbm>>
      %dma_wait3A_166 = tpu.memref_squeeze %dma_wait3A_165 : memref<1x1x26x128xi32, #tpu.memory_space<hbm>> -> memref<26x128xi32, #tpu.memory_space<hbm>>
      %dma_wait3A_167 = arith.constant 0 : i32
      %dma_wait3A_168 = arith.constant 0 : i32
      %dma_wait3A_169 = tpu.memref_slice %arg4[%add3A, %run_scoped3A_26, %dma_wait3A_167, %dma_wait3A_168] : memref<32x3x26x128xi32, #tpu.memory_space<hbm>> -> memref<1x1x26x128xi32, #tpu.memory_space<hbm>>
      %dma_wait3A_170 = tpu.memref_squeeze %dma_wait3A_169 : memref<1x1x26x128xi32, #tpu.memory_space<hbm>> -> memref<26x128xi32, #tpu.memory_space<hbm>>
      tpu.wait_dma2 semaphore(%run_scoped3A_154 : memref<!tpu.dma_semaphore, #tpu.memory_space<semaphore_mem>>) src(%dma_wait3A_170 : memref<26x128xi32, #tpu.memory_space<hbm>>) dst(%arg9 : memref<26x128xi32, #tpu.memory_space<vmem>>)
      tpu.yield
    }) : () -> ()
    %dma_start3A = arith.constant 0 : i32
    %dma_start3A_27 = arith.constant 0 : i32
    %dma_start3A_28 = tpu.memref_slice %arg8[%dma_start3A, %dma_start3A_27] : memref<26x128xi32, #tpu.memory_space<vmem>> -> memref<1x128xi32, #tpu.memory_space<vmem>>
    %dma_start3A_29 = tpu.memref_squeeze %dma_start3A_28 : memref<1x128xi32, #tpu.memory_space<vmem>> -> memref<128xi32, #tpu.memory_space<vmem>>
    %dma_start3A_30 = arith.constant 0 : i32
    %dma_start3A_31 = arith.constant 0 : i32
    %dma_start3A_32 = tpu.memref_slice %arg2[%dma_start3A_30, %dma_start3A_31] : memref<10000x128xf32, #tpu.memory_space<hbm>> -> memref<10000x128xf32, #tpu.memory_space<hbm>>
    tpu.enqueue_indirect_dma source(%dma_start3A_32 : memref<10000x128xf32, #tpu.memory_space<hbm>>) target(%arg10 : memref<128x128xf32, #tpu.memory_space<vmem>>) offsets(%dma_start3A_29 : memref<128xi32, #tpu.memory_space<vmem>>) semaphore(%arg13 : memref<!tpu.dma_semaphore, #tpu.memory_space<semaphore_mem>>)
    %dma_start3A_33 = arith.constant 1 : i32
    %dma_start3A_34 = arith.constant 0 : i32
    %dma_start3A_35 = tpu.memref_slice %arg8[%dma_start3A_33, %dma_start3A_34] : memref<26x128xi32, #tpu.memory_space<vmem>> -> memref<1x128xi32, #tpu.memory_space<vmem>>
    %dma_start3A_36 = tpu.memref_squeeze %dma_start3A_35 : memref<1x128xi32, #tpu.memory_space<vmem>> -> memref<128xi32, #tpu.memory_space<vmem>>
    %dma_start3A_37 = arith.constant 0 : i32
    %dma_start3A_38 = arith.constant 0 : i32
    %dma_start3A_39 = tpu.memref_slice %arg2[%dma_start3A_37, %dma_start3A_38] : memref<10000x128xf32, #tpu.memory_space<hbm>> -> memref<10000x128xf32, #tpu.memory_space<hbm>>
    tpu.enqueue_indirect_dma source(%dma_start3A_39 : memref<10000x128xf32, #tpu.memory_space<hbm>>) target(%arg11 : memref<128x128xf32, #tpu.memory_space<vmem>>) offsets(%dma_start3A_36 : memref<128xi32, #tpu.memory_space<vmem>>) semaphore(%arg14 : memref<!tpu.dma_semaphore, #tpu.memory_space<semaphore_mem>>)
    %scan3A_40 = arith.constant 0 : i32
    %scan3A_41 = arith.constant 0 : i32
    %scan3A_42 = arith.constant 13 : i32
    %scan3A_43 = arith.addi %scan3A_41, %scan3A_42 : i32
    %scan3A_44 = arith.constant 1 : i32
    scf.for %scan3A_154 = %scan3A_41 to %scan3A_43 step %scan3A_44  : i32 {
      %mul3A_155 = arith.constant 2 : i32
      %mul3A_156 = arith.muli %mul3A_155, %scan3A_154 : i32
      %dma_wait3A_157 = arith.constant 0 : i32
      %dma_wait3A_158 = tpu.memref_slice %arg8[%mul3A_156, %dma_wait3A_157] : memref<26x128xi32, #tpu.memory_space<vmem>> -> memref<1x128xi32, #tpu.memory_space<vmem>>
      %dma_wait3A_159 = tpu.memref_squeeze %dma_wait3A_158 : memref<1x128xi32, #tpu.memory_space<vmem>> -> memref<128xi32, #tpu.memory_space<vmem>>
      %dma_wait3A_160 = arith.constant 0 : i32
      %dma_wait3A_161 = arith.constant 0 : i32
      %dma_wait3A_162 = tpu.memref_slice %arg2[%dma_wait3A_160, %dma_wait3A_161] : memref<10000x128xf32, #tpu.memory_space<hbm>> -> memref<10000x128xf32, #tpu.memory_space<hbm>>
      tpu.wait_indirect_dma semaphore(%arg13 : memref<!tpu.dma_semaphore, #tpu.memory_space<semaphore_mem>>) src(%dma_wait3A_162 : memref<10000x128xf32, #tpu.memory_space<hbm>>) dst(%arg10 : memref<128x128xf32, #tpu.memory_space<vmem>>)
      %dma_start3A_163 = arith.constant 0 : i32
      %dma_start3A_164 = tpu.memref_slice %arg9[%mul3A_156, %dma_start3A_163] : memref<26x128xi32, #tpu.memory_space<vmem>> -> memref<1x128xi32, #tpu.memory_space<vmem>>
      %dma_start3A_165 = tpu.memref_squeeze %dma_start3A_164 : memref<1x128xi32, #tpu.memory_space<vmem>> -> memref<128xi32, #tpu.memory_space<vmem>>
      %dma_start3A_166 = arith.constant 0 : i32
      %dma_start3A_167 = arith.constant 0 : i32
      %dma_start3A_168 = tpu.memref_slice %arg12[%dma_start3A_166, %dma_start3A_167] : memref<10240x128xf32, #tpu.memory_space<vmem_shared>> -> memref<10240x128xf32, #tpu.memory_space<vmem_shared>>
      tpu.enqueue_indirect_dma source(%arg10 : memref<128x128xf32, #tpu.memory_space<vmem>>) target(%dma_start3A_168 : memref<10240x128xf32, #tpu.memory_space<vmem_shared>>) offsets(%dma_start3A_165 : memref<128xi32, #tpu.memory_space<vmem>>) semaphore(%arg15 : memref<!tpu.dma_semaphore, #tpu.memory_space<semaphore_mem>>) {add = true}
      %add3A_169 = arith.constant 2 : i32
      %add3A_170 = arith.addi %mul3A_156, %add3A_169 : i32
      %lt3A_171 = arith.constant 26 : i32
      %lt3A_172 = arith.cmpi slt, %add3A_170, %lt3A_171 : i32
      %convert_element_type3A_173 = arith.extui %lt3A_172 : i1 to i32
      %cond3A_174 = arith.constant 0 : i32
      %cond3A_175 = arith.cmpi ne, %convert_element_type3A_173, %cond3A_174 : i32
      scf.if %cond3A_175 {
        %dma_wait3A_197 = arith.constant 0 : i32
        %dma_wait3A_198 = tpu.memref_slice %arg9[%mul3A_156, %dma_wait3A_197] : memref<26x128xi32, #tpu.memory_space<vmem>> -> memref<1x128xi32, #tpu.memory_space<vmem>>
        %dma_wait3A_199 = tpu.memref_squeeze %dma_wait3A_198 : memref<1x128xi32, #tpu.memory_space<vmem>> -> memref<128xi32, #tpu.memory_space<vmem>>
        %dma_wait3A_200 = arith.constant 0 : i32
        %dma_wait3A_201 = arith.constant 0 : i32
        %dma_wait3A_202 = tpu.memref_slice %arg12[%dma_wait3A_200, %dma_wait3A_201] : memref<10240x128xf32, #tpu.memory_space<vmem_shared>> -> memref<10240x128xf32, #tpu.memory_space<vmem_shared>>
        tpu.wait_indirect_dma semaphore(%arg15 : memref<!tpu.dma_semaphore, #tpu.memory_space<semaphore_mem>>) src(%arg10 : memref<128x128xf32, #tpu.memory_space<vmem>>) dst(%dma_wait3A_202 : memref<10240x128xf32, #tpu.memory_space<vmem_shared>>)
        %add3A_203 = arith.constant 2 : i32
        %add3A_204 = arith.addi %mul3A_156, %add3A_203 : i32
        %dma_start3A_205 = arith.constant 0 : i32
        %dma_start3A_206 = tpu.memref_slice %arg8[%add3A_204, %dma_start3A_205] : memref<26x128xi32, #tpu.memory_space<vmem>> -> memref<1x128xi32, #tpu.memory_space<vmem>>
        %dma_start3A_207 = tpu.memref_squeeze %dma_start3A_206 : memref<1x128xi32, #tpu.memory_space<vmem>> -> memref<128xi32, #tpu.memory_space<vmem>>
        %dma_start3A_208 = arith.constant 0 : i32
        %dma_start3A_209 = arith.constant 0 : i32
        %dma_start3A_210 = tpu.memref_slice %arg2[%dma_start3A_208, %dma_start3A_209] : memref<10000x128xf32, #tpu.memory_space<hbm>> -> memref<10000x128xf32, #tpu.memory_space<hbm>>
        tpu.enqueue_indirect_dma source(%dma_start3A_210 : memref<10000x128xf32, #tpu.memory_space<hbm>>) target(%arg10 : memref<128x128xf32, #tpu.memory_space<vmem>>) offsets(%dma_start3A_207 : memref<128xi32, #tpu.memory_space<vmem>>) semaphore(%arg13 : memref<!tpu.dma_semaphore, #tpu.memory_space<semaphore_mem>>)
      } else {
      }
      %add3A_176 = arith.constant 1 : i32
      %add3A_177 = arith.addi %mul3A_156, %add3A_176 : i32
      %dma_wait3A_178 = arith.constant 0 : i32
      %dma_wait3A_179 = tpu.memref_slice %arg8[%add3A_177, %dma_wait3A_178] : memref<26x128xi32, #tpu.memory_space<vmem>> -> memref<1x128xi32, #tpu.memory_space<vmem>>
      %dma_wait3A_180 = tpu.memref_squeeze %dma_wait3A_179 : memref<1x128xi32, #tpu.memory_space<vmem>> -> memref<128xi32, #tpu.memory_space<vmem>>
      %dma_wait3A_181 = arith.constant 0 : i32
      %dma_wait3A_182 = arith.constant 0 : i32
      %dma_wait3A_183 = tpu.memref_slice %arg2[%dma_wait3A_181, %dma_wait3A_182] : memref<10000x128xf32, #tpu.memory_space<hbm>> -> memref<10000x128xf32, #tpu.memory_space<hbm>>
      tpu.wait_indirect_dma semaphore(%arg14 : memref<!tpu.dma_semaphore, #tpu.memory_space<semaphore_mem>>) src(%dma_wait3A_183 : memref<10000x128xf32, #tpu.memory_space<hbm>>) dst(%arg11 : memref<128x128xf32, #tpu.memory_space<vmem>>)
      %dma_start3A_184 = arith.constant 0 : i32
      %dma_start3A_185 = tpu.memref_slice %arg9[%add3A_177, %dma_start3A_184] : memref<26x128xi32, #tpu.memory_space<vmem>> -> memref<1x128xi32, #tpu.memory_space<vmem>>
      %dma_start3A_186 = tpu.memref_squeeze %dma_start3A_185 : memref<1x128xi32, #tpu.memory_space<vmem>> -> memref<128xi32, #tpu.memory_space<vmem>>
      %dma_start3A_187 = arith.constant 0 : i32
      %dma_start3A_188 = arith.constant 0 : i32
      %dma_start3A_189 = tpu.memref_slice %arg12[%dma_start3A_187, %dma_start3A_188] : memref<10240x128xf32, #tpu.memory_space<vmem_shared>> -> memref<10240x128xf32, #tpu.memory_space<vmem_shared>>
      tpu.enqueue_indirect_dma source(%arg11 : memref<128x128xf32, #tpu.memory_space<vmem>>) target(%dma_start3A_189 : memref<10240x128xf32, #tpu.memory_space<vmem_shared>>) offsets(%dma_start3A_186 : memref<128xi32, #tpu.memory_space<vmem>>) semaphore(%arg16 : memref<!tpu.dma_semaphore, #tpu.memory_space<semaphore_mem>>) {add = true}
      %add3A_190 = arith.constant 2 : i32
      %add3A_191 = arith.addi %add3A_177, %add3A_190 : i32
      %lt3A_192 = arith.constant 26 : i32
      %lt3A_193 = arith.cmpi slt, %add3A_191, %lt3A_192 : i32
      %convert_element_type3A_194 = arith.extui %lt3A_193 : i1 to i32
      %cond3A_195 = arith.constant 0 : i32
      %cond3A_196 = arith.cmpi ne, %convert_element_type3A_194, %cond3A_195 : i32
      scf.if %cond3A_196 {
        %dma_wait3A_197 = arith.constant 0 : i32
        %dma_wait3A_198 = tpu.memref_slice %arg9[%add3A_177, %dma_wait3A_197] : memref<26x128xi32, #tpu.memory_space<vmem>> -> memref<1x128xi32, #tpu.memory_space<vmem>>
        %dma_wait3A_199 = tpu.memref_squeeze %dma_wait3A_198 : memref<1x128xi32, #tpu.memory_space<vmem>> -> memref<128xi32, #tpu.memory_space<vmem>>
        %dma_wait3A_200 = arith.constant 0 : i32
        %dma_wait3A_201 = arith.constant 0 : i32
        %dma_wait3A_202 = tpu.memref_slice %arg12[%dma_wait3A_200, %dma_wait3A_201] : memref<10240x128xf32, #tpu.memory_space<vmem_shared>> -> memref<10240x128xf32, #tpu.memory_space<vmem_shared>>
        tpu.wait_indirect_dma semaphore(%arg16 : memref<!tpu.dma_semaphore, #tpu.memory_space<semaphore_mem>>) src(%arg11 : memref<128x128xf32, #tpu.memory_space<vmem>>) dst(%dma_wait3A_202 : memref<10240x128xf32, #tpu.memory_space<vmem_shared>>)
        %add3A_203 = arith.constant 2 : i32
        %add3A_204 = arith.addi %add3A_177, %add3A_203 : i32
        %dma_start3A_205 = arith.constant 0 : i32
        %dma_start3A_206 = tpu.memref_slice %arg8[%add3A_204, %dma_start3A_205] : memref<26x128xi32, #tpu.memory_space<vmem>> -> memref<1x128xi32, #tpu.memory_space<vmem>>
        %dma_start3A_207 = tpu.memref_squeeze %dma_start3A_206 : memref<1x128xi32, #tpu.memory_space<vmem>> -> memref<128xi32, #tpu.memory_space<vmem>>
        %dma_start3A_208 = arith.constant 0 : i32
        %dma_start3A_209 = arith.constant 0 : i32
        %dma_start3A_210 = tpu.memref_slice %arg2[%dma_start3A_208, %dma_start3A_209] : memref<10000x128xf32, #tpu.memory_space<hbm>> -> memref<10000x128xf32, #tpu.memory_space<hbm>>
        tpu.enqueue_indirect_dma source(%dma_start3A_210 : memref<10000x128xf32, #tpu.memory_space<hbm>>) target(%arg11 : memref<128x128xf32, #tpu.memory_space<vmem>>) offsets(%dma_start3A_207 : memref<128xi32, #tpu.memory_space<vmem>>) semaphore(%arg14 : memref<!tpu.dma_semaphore, #tpu.memory_space<semaphore_mem>>)
      } else {
      }
    }
    %scan3A_45 = arith.constant 13 : i32
    %dma_wait3A = arith.constant 24 : i32
    %dma_wait3A_46 = arith.constant 0 : i32
    %dma_wait3A_47 = tpu.memref_slice %arg9[%dma_wait3A, %dma_wait3A_46] : memref<26x128xi32, #tpu.memory_space<vmem>> -> memref<1x128xi32, #tpu.memory_space<vmem>>
    %dma_wait3A_48 = tpu.memref_squeeze %dma_wait3A_47 : memref<1x128xi32, #tpu.memory_space<vmem>> -> memref<128xi32, #tpu.memory_space<vmem>>
    %dma_wait3A_49 = arith.constant 0 : i32
    %dma_wait3A_50 = arith.constant 0 : i32
    %dma_wait3A_51 = tpu.memref_slice %arg12[%dma_wait3A_49, %dma_wait3A_50] : memref<10240x128xf32, #tpu.memory_space<vmem_shared>> -> memref<10240x128xf32, #tpu.memory_space<vmem_shared>>
    tpu.wait_indirect_dma semaphore(%arg15 : memref<!tpu.dma_semaphore, #tpu.memory_space<semaphore_mem>>) src(%arg10 : memref<128x128xf32, #tpu.memory_space<vmem>>) dst(%dma_wait3A_51 : memref<10240x128xf32, #tpu.memory_space<vmem_shared>>)
    %dma_wait3A_52 = arith.constant 25 : i32
    %dma_wait3A_53 = arith.constant 0 : i32
    %dma_wait3A_54 = tpu.memref_slice %arg9[%dma_wait3A_52, %dma_wait3A_53] : memref<26x128xi32, #tpu.memory_space<vmem>> -> memref<1x128xi32, #tpu.memory_space<vmem>>
    %dma_wait3A_55 = tpu.memref_squeeze %dma_wait3A_54 : memref<1x128xi32, #tpu.memory_space<vmem>> -> memref<128xi32, #tpu.memory_space<vmem>>
    %dma_wait3A_56 = arith.constant 0 : i32
    %dma_wait3A_57 = arith.constant 0 : i32
    %dma_wait3A_58 = tpu.memref_slice %arg12[%dma_wait3A_56, %dma_wait3A_57] : memref<10240x128xf32, #tpu.memory_space<vmem_shared>> -> memref<10240x128xf32, #tpu.memory_space<vmem_shared>>
    tpu.wait_indirect_dma semaphore(%arg16 : memref<!tpu.dma_semaphore, #tpu.memory_space<semaphore_mem>>) src(%arg11 : memref<128x128xf32, #tpu.memory_space<vmem>>) dst(%dma_wait3A_58 : memref<10240x128xf32, #tpu.memory_space<vmem_shared>>)
    %run_scoped3A_59 = arith.constant 1 : i32
    "tpu.region"() ({
      %run_scoped3A_154 = tpu.sem_alloc : memref<!tpu.dma_semaphore, #tpu.memory_space<semaphore_mem>>
      %dma_start3A_155 = arith.constant 0 : i32
      %dma_start3A_156 = arith.constant 0 : i32
      %dma_start3A_157 = tpu.memref_slice %arg3[%add3A, %run_scoped3A_59, %dma_start3A_155, %dma_start3A_156] : memref<32x3x26x128xi32, #tpu.memory_space<hbm>> -> memref<1x1x26x128xi32, #tpu.memory_space<hbm>>
      %dma_start3A_158 = tpu.memref_squeeze %dma_start3A_157 : memref<1x1x26x128xi32, #tpu.memory_space<hbm>> -> memref<26x128xi32, #tpu.memory_space<hbm>>
      %dma_start3A_159 = arith.constant 0 : i32
      %dma_start3A_160 = arith.constant 0 : i32
      %dma_start3A_161 = tpu.memref_slice %arg3[%add3A, %run_scoped3A_59, %dma_start3A_159, %dma_start3A_160] : memref<32x3x26x128xi32, #tpu.memory_space<hbm>> -> memref<1x1x26x128xi32, #tpu.memory_space<hbm>>
      %dma_start3A_162 = tpu.memref_squeeze %dma_start3A_161 : memref<1x1x26x128xi32, #tpu.memory_space<hbm>> -> memref<26x128xi32, #tpu.memory_space<hbm>>
      tpu.enqueue_dma source(%dma_start3A_162 : memref<26x128xi32, #tpu.memory_space<hbm>>) target(%arg8 : memref<26x128xi32, #tpu.memory_space<vmem>>) target_semaphore(%run_scoped3A_154 : memref<!tpu.dma_semaphore, #tpu.memory_space<semaphore_mem>>)
      %dma_wait3A_163 = arith.constant 0 : i32
      %dma_wait3A_164 = arith.constant 0 : i32
      %dma_wait3A_165 = tpu.memref_slice %arg3[%add3A, %run_scoped3A_59, %dma_wait3A_163, %dma_wait3A_164] : memref<32x3x26x128xi32, #tpu.memory_space<hbm>> -> memref<1x1x26x128xi32, #tpu.memory_space<hbm>>
      %dma_wait3A_166 = tpu.memref_squeeze %dma_wait3A_165 : memref<1x1x26x128xi32, #tpu.memory_space<hbm>> -> memref<26x128xi32, #tpu.memory_space<hbm>>
      %dma_wait3A_167 = arith.constant 0 : i32
      %dma_wait3A_168 = arith.constant 0 : i32
      %dma_wait3A_169 = tpu.memref_slice %arg3[%add3A, %run_scoped3A_59, %dma_wait3A_167, %dma_wait3A_168] : memref<32x3x26x128xi32, #tpu.memory_space<hbm>> -> memref<1x1x26x128xi32, #tpu.memory_space<hbm>>
      %dma_wait3A_170 = tpu.memref_squeeze %dma_wait3A_169 : memref<1x1x26x128xi32, #tpu.memory_space<hbm>> -> memref<26x128xi32, #tpu.memory_space<hbm>>
      tpu.wait_dma2 semaphore(%run_scoped3A_154 : memref<!tpu.dma_semaphore, #tpu.memory_space<semaphore_mem>>) src(%dma_wait3A_170 : memref<26x128xi32, #tpu.memory_space<hbm>>) dst(%arg8 : memref<26x128xi32, #tpu.memory_space<vmem>>)
      tpu.yield
    }) : () -> ()
    %run_scoped3A_60 = arith.constant 1 : i32
    "tpu.region"() ({
      %run_scoped3A_154 = tpu.sem_alloc : memref<!tpu.dma_semaphore, #tpu.memory_space<semaphore_mem>>
      %dma_start3A_155 = arith.constant 0 : i32
      %dma_start3A_156 = arith.constant 0 : i32
      %dma_start3A_157 = tpu.memref_slice %arg4[%add3A, %run_scoped3A_60, %dma_start3A_155, %dma_start3A_156] : memref<32x3x26x128xi32, #tpu.memory_space<hbm>> -> memref<1x1x26x128xi32, #tpu.memory_space<hbm>>
      %dma_start3A_158 = tpu.memref_squeeze %dma_start3A_157 : memref<1x1x26x128xi32, #tpu.memory_space<hbm>> -> memref<26x128xi32, #tpu.memory_space<hbm>>
      %dma_start3A_159 = arith.constant 0 : i32
      %dma_start3A_160 = arith.constant 0 : i32
      %dma_start3A_161 = tpu.memref_slice %arg4[%add3A, %run_scoped3A_60, %dma_start3A_159, %dma_start3A_160] : memref<32x3x26x128xi32, #tpu.memory_space<hbm>> -> memref<1x1x26x128xi32, #tpu.memory_space<hbm>>
      %dma_start3A_162 = tpu.memref_squeeze %dma_start3A_161 : memref<1x1x26x128xi32, #tpu.memory_space<hbm>> -> memref<26x128xi32, #tpu.memory_space<hbm>>
      tpu.enqueue_dma source(%dma_start3A_162 : memref<26x128xi32, #tpu.memory_space<hbm>>) target(%arg9 : memref<26x128xi32, #tpu.memory_space<vmem>>) target_semaphore(%run_scoped3A_154 : memref<!tpu.dma_semaphore, #tpu.memory_space<semaphore_mem>>)
      %dma_wait3A_163 = arith.constant 0 : i32
      %dma_wait3A_164 = arith.constant 0 : i32
      %dma_wait3A_165 = tpu.memref_slice %arg4[%add3A, %run_scoped3A_60, %dma_wait3A_163, %dma_wait3A_164] : memref<32x3x26x128xi32, #tpu.memory_space<hbm>> -> memref<1x1x26x128xi32, #tpu.memory_space<hbm>>
      %dma_wait3A_166 = tpu.memref_squeeze %dma_wait3A_165 : memref<1x1x26x128xi32, #tpu.memory_space<hbm>> -> memref<26x128xi32, #tpu.memory_space<hbm>>
      %dma_wait3A_167 = arith.constant 0 : i32
      %dma_wait3A_168 = arith.constant 0 : i32
      %dma_wait3A_169 = tpu.memref_slice %arg4[%add3A, %run_scoped3A_60, %dma_wait3A_167, %dma_wait3A_168] : memref<32x3x26x128xi32, #tpu.memory_space<hbm>> -> memref<1x1x26x128xi32, #tpu.memory_space<hbm>>
      %dma_wait3A_170 = tpu.memref_squeeze %dma_wait3A_169 : memref<1x1x26x128xi32, #tpu.memory_space<hbm>> -> memref<26x128xi32, #tpu.memory_space<hbm>>
      tpu.wait_dma2 semaphore(%run_scoped3A_154 : memref<!tpu.dma_semaphore, #tpu.memory_space<semaphore_mem>>) src(%dma_wait3A_170 : memref<26x128xi32, #tpu.memory_space<hbm>>) dst(%arg9 : memref<26x128xi32, #tpu.memory_space<vmem>>)
      tpu.yield
    }) : () -> ()
    %dma_start3A_61 = arith.constant 0 : i32
    %dma_start3A_62 = arith.constant 0 : i32
    %dma_start3A_63 = tpu.memref_slice %arg8[%dma_start3A_61, %dma_start3A_62] : memref<26x128xi32, #tpu.memory_space<vmem>> -> memref<1x128xi32, #tpu.memory_space<vmem>>
    %dma_start3A_64 = tpu.memref_squeeze %dma_start3A_63 : memref<1x128xi32, #tpu.memory_space<vmem>> -> memref<128xi32, #tpu.memory_space<vmem>>
    %dma_start3A_65 = arith.constant 0 : i32
    %dma_start3A_66 = arith.constant 0 : i32
    %dma_start3A_67 = tpu.memref_slice %arg2[%dma_start3A_65, %dma_start3A_66] : memref<10000x128xf32, #tpu.memory_space<hbm>> -> memref<10000x128xf32, #tpu.memory_space<hbm>>
    tpu.enqueue_indirect_dma source(%dma_start3A_67 : memref<10000x128xf32, #tpu.memory_space<hbm>>) target(%arg10 : memref<128x128xf32, #tpu.memory_space<vmem>>) offsets(%dma_start3A_64 : memref<128xi32, #tpu.memory_space<vmem>>) semaphore(%arg13 : memref<!tpu.dma_semaphore, #tpu.memory_space<semaphore_mem>>)
    %dma_start3A_68 = arith.constant 1 : i32
    %dma_start3A_69 = arith.constant 0 : i32
    %dma_start3A_70 = tpu.memref_slice %arg8[%dma_start3A_68, %dma_start3A_69] : memref<26x128xi32, #tpu.memory_space<vmem>> -> memref<1x128xi32, #tpu.memory_space<vmem>>
    %dma_start3A_71 = tpu.memref_squeeze %dma_start3A_70 : memref<1x128xi32, #tpu.memory_space<vmem>> -> memref<128xi32, #tpu.memory_space<vmem>>
    %dma_start3A_72 = arith.constant 0 : i32
    %dma_start3A_73 = arith.constant 0 : i32
    %dma_start3A_74 = tpu.memref_slice %arg2[%dma_start3A_72, %dma_start3A_73] : memref<10000x128xf32, #tpu.memory_space<hbm>> -> memref<10000x128xf32, #tpu.memory_space<hbm>>
    tpu.enqueue_indirect_dma source(%dma_start3A_74 : memref<10000x128xf32, #tpu.memory_space<hbm>>) target(%arg11 : memref<128x128xf32, #tpu.memory_space<vmem>>) offsets(%dma_start3A_71 : memref<128xi32, #tpu.memory_space<vmem>>) semaphore(%arg14 : memref<!tpu.dma_semaphore, #tpu.memory_space<semaphore_mem>>)
    %scan3A_75 = arith.constant 0 : i32
    %scan3A_76 = arith.constant 0 : i32
    %scan3A_77 = arith.constant 13 : i32
    %scan3A_78 = arith.addi %scan3A_76, %scan3A_77 : i32
    %scan3A_79 = arith.constant 1 : i32
    scf.for %scan3A_154 = %scan3A_76 to %scan3A_78 step %scan3A_79  : i32 {
      %mul3A_155 = arith.constant 2 : i32
      %mul3A_156 = arith.muli %mul3A_155, %scan3A_154 : i32
      %dma_wait3A_157 = arith.constant 0 : i32
      %dma_wait3A_158 = tpu.memref_slice %arg8[%mul3A_156, %dma_wait3A_157] : memref<26x128xi32, #tpu.memory_space<vmem>> -> memref<1x128xi32, #tpu.memory_space<vmem>>
      %dma_wait3A_159 = tpu.memref_squeeze %dma_wait3A_158 : memref<1x128xi32, #tpu.memory_space<vmem>> -> memref<128xi32, #tpu.memory_space<vmem>>
      %dma_wait3A_160 = arith.constant 0 : i32
      %dma_wait3A_161 = arith.constant 0 : i32
      %dma_wait3A_162 = tpu.memref_slice %arg2[%dma_wait3A_160, %dma_wait3A_161] : memref<10000x128xf32, #tpu.memory_space<hbm>> -> memref<10000x128xf32, #tpu.memory_space<hbm>>
      tpu.wait_indirect_dma semaphore(%arg13 : memref<!tpu.dma_semaphore, #tpu.memory_space<semaphore_mem>>) src(%dma_wait3A_162 : memref<10000x128xf32, #tpu.memory_space<hbm>>) dst(%arg10 : memref<128x128xf32, #tpu.memory_space<vmem>>)
      %dma_start3A_163 = arith.constant 0 : i32
      %dma_start3A_164 = tpu.memref_slice %arg9[%mul3A_156, %dma_start3A_163] : memref<26x128xi32, #tpu.memory_space<vmem>> -> memref<1x128xi32, #tpu.memory_space<vmem>>
      %dma_start3A_165 = tpu.memref_squeeze %dma_start3A_164 : memref<1x128xi32, #tpu.memory_space<vmem>> -> memref<128xi32, #tpu.memory_space<vmem>>
      %dma_start3A_166 = arith.constant 0 : i32
      %dma_start3A_167 = arith.constant 0 : i32
      %dma_start3A_168 = tpu.memref_slice %arg12[%dma_start3A_166, %dma_start3A_167] : memref<10240x128xf32, #tpu.memory_space<vmem_shared>> -> memref<10240x128xf32, #tpu.memory_space<vmem_shared>>
      tpu.enqueue_indirect_dma source(%arg10 : memref<128x128xf32, #tpu.memory_space<vmem>>) target(%dma_start3A_168 : memref<10240x128xf32, #tpu.memory_space<vmem_shared>>) offsets(%dma_start3A_165 : memref<128xi32, #tpu.memory_space<vmem>>) semaphore(%arg15 : memref<!tpu.dma_semaphore, #tpu.memory_space<semaphore_mem>>) {add = true}
      %add3A_169 = arith.constant 2 : i32
      %add3A_170 = arith.addi %mul3A_156, %add3A_169 : i32
      %lt3A_171 = arith.constant 26 : i32
      %lt3A_172 = arith.cmpi slt, %add3A_170, %lt3A_171 : i32
      %convert_element_type3A_173 = arith.extui %lt3A_172 : i1 to i32
      %cond3A_174 = arith.constant 0 : i32
      %cond3A_175 = arith.cmpi ne, %convert_element_type3A_173, %cond3A_174 : i32
      scf.if %cond3A_175 {
        %dma_wait3A_197 = arith.constant 0 : i32
        %dma_wait3A_198 = tpu.memref_slice %arg9[%mul3A_156, %dma_wait3A_197] : memref<26x128xi32, #tpu.memory_space<vmem>> -> memref<1x128xi32, #tpu.memory_space<vmem>>
        %dma_wait3A_199 = tpu.memref_squeeze %dma_wait3A_198 : memref<1x128xi32, #tpu.memory_space<vmem>> -> memref<128xi32, #tpu.memory_space<vmem>>
        %dma_wait3A_200 = arith.constant 0 : i32
        %dma_wait3A_201 = arith.constant 0 : i32
        %dma_wait3A_202 = tpu.memref_slice %arg12[%dma_wait3A_200, %dma_wait3A_201] : memref<10240x128xf32, #tpu.memory_space<vmem_shared>> -> memref<10240x128xf32, #tpu.memory_space<vmem_shared>>
        tpu.wait_indirect_dma semaphore(%arg15 : memref<!tpu.dma_semaphore, #tpu.memory_space<semaphore_mem>>) src(%arg10 : memref<128x128xf32, #tpu.memory_space<vmem>>) dst(%dma_wait3A_202 : memref<10240x128xf32, #tpu.memory_space<vmem_shared>>)
        %add3A_203 = arith.constant 2 : i32
        %add3A_204 = arith.addi %mul3A_156, %add3A_203 : i32
        %dma_start3A_205 = arith.constant 0 : i32
        %dma_start3A_206 = tpu.memref_slice %arg8[%add3A_204, %dma_start3A_205] : memref<26x128xi32, #tpu.memory_space<vmem>> -> memref<1x128xi32, #tpu.memory_space<vmem>>
        %dma_start3A_207 = tpu.memref_squeeze %dma_start3A_206 : memref<1x128xi32, #tpu.memory_space<vmem>> -> memref<128xi32, #tpu.memory_space<vmem>>
        %dma_start3A_208 = arith.constant 0 : i32
        %dma_start3A_209 = arith.constant 0 : i32
        %dma_start3A_210 = tpu.memref_slice %arg2[%dma_start3A_208, %dma_start3A_209] : memref<10000x128xf32, #tpu.memory_space<hbm>> -> memref<10000x128xf32, #tpu.memory_space<hbm>>
        tpu.enqueue_indirect_dma source(%dma_start3A_210 : memref<10000x128xf32, #tpu.memory_space<hbm>>) target(%arg10 : memref<128x128xf32, #tpu.memory_space<vmem>>) offsets(%dma_start3A_207 : memref<128xi32, #tpu.memory_space<vmem>>) semaphore(%arg13 : memref<!tpu.dma_semaphore, #tpu.memory_space<semaphore_mem>>)
      } else {
      }
      %add3A_176 = arith.constant 1 : i32
      %add3A_177 = arith.addi %mul3A_156, %add3A_176 : i32
      %dma_wait3A_178 = arith.constant 0 : i32
      %dma_wait3A_179 = tpu.memref_slice %arg8[%add3A_177, %dma_wait3A_178] : memref<26x128xi32, #tpu.memory_space<vmem>> -> memref<1x128xi32, #tpu.memory_space<vmem>>
      %dma_wait3A_180 = tpu.memref_squeeze %dma_wait3A_179 : memref<1x128xi32, #tpu.memory_space<vmem>> -> memref<128xi32, #tpu.memory_space<vmem>>
      %dma_wait3A_181 = arith.constant 0 : i32
      %dma_wait3A_182 = arith.constant 0 : i32
      %dma_wait3A_183 = tpu.memref_slice %arg2[%dma_wait3A_181, %dma_wait3A_182] : memref<10000x128xf32, #tpu.memory_space<hbm>> -> memref<10000x128xf32, #tpu.memory_space<hbm>>
      tpu.wait_indirect_dma semaphore(%arg14 : memref<!tpu.dma_semaphore, #tpu.memory_space<semaphore_mem>>) src(%dma_wait3A_183 : memref<10000x128xf32, #tpu.memory_space<hbm>>) dst(%arg11 : memref<128x128xf32, #tpu.memory_space<vmem>>)
      %dma_start3A_184 = arith.constant 0 : i32
      %dma_start3A_185 = tpu.memref_slice %arg9[%add3A_177, %dma_start3A_184] : memref<26x128xi32, #tpu.memory_space<vmem>> -> memref<1x128xi32, #tpu.memory_space<vmem>>
      %dma_start3A_186 = tpu.memref_squeeze %dma_start3A_185 : memref<1x128xi32, #tpu.memory_space<vmem>> -> memref<128xi32, #tpu.memory_space<vmem>>
      %dma_start3A_187 = arith.constant 0 : i32
      %dma_start3A_188 = arith.constant 0 : i32
      %dma_start3A_189 = tpu.memref_slice %arg12[%dma_start3A_187, %dma_start3A_188] : memref<10240x128xf32, #tpu.memory_space<vmem_shared>> -> memref<10240x128xf32, #tpu.memory_space<vmem_shared>>
      tpu.enqueue_indirect_dma source(%arg11 : memref<128x128xf32, #tpu.memory_space<vmem>>) target(%dma_start3A_189 : memref<10240x128xf32, #tpu.memory_space<vmem_shared>>) offsets(%dma_start3A_186 : memref<128xi32, #tpu.memory_space<vmem>>) semaphore(%arg16 : memref<!tpu.dma_semaphore, #tpu.memory_space<semaphore_mem>>) {add = true}
      %add3A_190 = arith.constant 2 : i32
      %add3A_191 = arith.addi %add3A_177, %add3A_190 : i32
      %lt3A_192 = arith.constant 26 : i32
      %lt3A_193 = arith.cmpi slt, %add3A_191, %lt3A_192 : i32
      %convert_element_type3A_194 = arith.extui %lt3A_193 : i1 to i32
      %cond3A_195 = arith.constant 0 : i32
      %cond3A_196 = arith.cmpi ne, %convert_element_type3A_194, %cond3A_195 : i32
      scf.if %cond3A_196 {
        %dma_wait3A_197 = arith.constant 0 : i32
        %dma_wait3A_198 = tpu.memref_slice %arg9[%add3A_177, %dma_wait3A_197] : memref<26x128xi32, #tpu.memory_space<vmem>> -> memref<1x128xi32, #tpu.memory_space<vmem>>
        %dma_wait3A_199 = tpu.memref_squeeze %dma_wait3A_198 : memref<1x128xi32, #tpu.memory_space<vmem>> -> memref<128xi32, #tpu.memory_space<vmem>>
        %dma_wait3A_200 = arith.constant 0 : i32
        %dma_wait3A_201 = arith.constant 0 : i32
        %dma_wait3A_202 = tpu.memref_slice %arg12[%dma_wait3A_200, %dma_wait3A_201] : memref<10240x128xf32, #tpu.memory_space<vmem_shared>> -> memref<10240x128xf32, #tpu.memory_space<vmem_shared>>
        tpu.wait_indirect_dma semaphore(%arg16 : memref<!tpu.dma_semaphore, #tpu.memory_space<semaphore_mem>>) src(%arg11 : memref<128x128xf32, #tpu.memory_space<vmem>>) dst(%dma_wait3A_202 : memref<10240x128xf32, #tpu.memory_space<vmem_shared>>)
        %add3A_203 = arith.constant 2 : i32
        %add3A_204 = arith.addi %add3A_177, %add3A_203 : i32
        %dma_start3A_205 = arith.constant 0 : i32
        %dma_start3A_206 = tpu.memref_slice %arg8[%add3A_204, %dma_start3A_205] : memref<26x128xi32, #tpu.memory_space<vmem>> -> memref<1x128xi32, #tpu.memory_space<vmem>>
        %dma_start3A_207 = tpu.memref_squeeze %dma_start3A_206 : memref<1x128xi32, #tpu.memory_space<vmem>> -> memref<128xi32, #tpu.memory_space<vmem>>
        %dma_start3A_208 = arith.constant 0 : i32
        %dma_start3A_209 = arith.constant 0 : i32
        %dma_start3A_210 = tpu.memref_slice %arg2[%dma_start3A_208, %dma_start3A_209] : memref<10000x128xf32, #tpu.memory_space<hbm>> -> memref<10000x128xf32, #tpu.memory_space<hbm>>
        tpu.enqueue_indirect_dma source(%dma_start3A_210 : memref<10000x128xf32, #tpu.memory_space<hbm>>) target(%arg11 : memref<128x128xf32, #tpu.memory_space<vmem>>) offsets(%dma_start3A_207 : memref<128xi32, #tpu.memory_space<vmem>>) semaphore(%arg14 : memref<!tpu.dma_semaphore, #tpu.memory_space<semaphore_mem>>)
      } else {
      }
    }
    %scan3A_80 = arith.constant 13 : i32
    %dma_wait3A_81 = arith.constant 24 : i32
    %dma_wait3A_82 = arith.constant 0 : i32
    %dma_wait3A_83 = tpu.memref_slice %arg9[%dma_wait3A_81, %dma_wait3A_82] : memref<26x128xi32, #tpu.memory_space<vmem>> -> memref<1x128xi32, #tpu.memory_space<vmem>>
    %dma_wait3A_84 = tpu.memref_squeeze %dma_wait3A_83 : memref<1x128xi32, #tpu.memory_space<vmem>> -> memref<128xi32, #tpu.memory_space<vmem>>
    %dma_wait3A_85 = arith.constant 0 : i32
    %dma_wait3A_86 = arith.constant 0 : i32
    %dma_wait3A_87 = tpu.memref_slice %arg12[%dma_wait3A_85, %dma_wait3A_86] : memref<10240x128xf32, #tpu.memory_space<vmem_shared>> -> memref<10240x128xf32, #tpu.memory_space<vmem_shared>>
    tpu.wait_indirect_dma semaphore(%arg15 : memref<!tpu.dma_semaphore, #tpu.memory_space<semaphore_mem>>) src(%arg10 : memref<128x128xf32, #tpu.memory_space<vmem>>) dst(%dma_wait3A_87 : memref<10240x128xf32, #tpu.memory_space<vmem_shared>>)
    %dma_wait3A_88 = arith.constant 25 : i32
    %dma_wait3A_89 = arith.constant 0 : i32
    %dma_wait3A_90 = tpu.memref_slice %arg9[%dma_wait3A_88, %dma_wait3A_89] : memref<26x128xi32, #tpu.memory_space<vmem>> -> memref<1x128xi32, #tpu.memory_space<vmem>>
    %dma_wait3A_91 = tpu.memref_squeeze %dma_wait3A_90 : memref<1x128xi32, #tpu.memory_space<vmem>> -> memref<128xi32, #tpu.memory_space<vmem>>
    %dma_wait3A_92 = arith.constant 0 : i32
    %dma_wait3A_93 = arith.constant 0 : i32
    %dma_wait3A_94 = tpu.memref_slice %arg12[%dma_wait3A_92, %dma_wait3A_93] : memref<10240x128xf32, #tpu.memory_space<vmem_shared>> -> memref<10240x128xf32, #tpu.memory_space<vmem_shared>>
    tpu.wait_indirect_dma semaphore(%arg16 : memref<!tpu.dma_semaphore, #tpu.memory_space<semaphore_mem>>) src(%arg11 : memref<128x128xf32, #tpu.memory_space<vmem>>) dst(%dma_wait3A_94 : memref<10240x128xf32, #tpu.memory_space<vmem_shared>>)
    %run_scoped3A_95 = arith.constant 2 : i32
    "tpu.region"() ({
      %run_scoped3A_154 = tpu.sem_alloc : memref<!tpu.dma_semaphore, #tpu.memory_space<semaphore_mem>>
      %dma_start3A_155 = arith.constant 0 : i32
      %dma_start3A_156 = arith.constant 0 : i32
      %dma_start3A_157 = tpu.memref_slice %arg3[%add3A, %run_scoped3A_95, %dma_start3A_155, %dma_start3A_156] : memref<32x3x26x128xi32, #tpu.memory_space<hbm>> -> memref<1x1x26x128xi32, #tpu.memory_space<hbm>>
      %dma_start3A_158 = tpu.memref_squeeze %dma_start3A_157 : memref<1x1x26x128xi32, #tpu.memory_space<hbm>> -> memref<26x128xi32, #tpu.memory_space<hbm>>
      %dma_start3A_159 = arith.constant 0 : i32
      %dma_start3A_160 = arith.constant 0 : i32
      %dma_start3A_161 = tpu.memref_slice %arg3[%add3A, %run_scoped3A_95, %dma_start3A_159, %dma_start3A_160] : memref<32x3x26x128xi32, #tpu.memory_space<hbm>> -> memref<1x1x26x128xi32, #tpu.memory_space<hbm>>
      %dma_start3A_162 = tpu.memref_squeeze %dma_start3A_161 : memref<1x1x26x128xi32, #tpu.memory_space<hbm>> -> memref<26x128xi32, #tpu.memory_space<hbm>>
      tpu.enqueue_dma source(%dma_start3A_162 : memref<26x128xi32, #tpu.memory_space<hbm>>) target(%arg8 : memref<26x128xi32, #tpu.memory_space<vmem>>) target_semaphore(%run_scoped3A_154 : memref<!tpu.dma_semaphore, #tpu.memory_space<semaphore_mem>>)
      %dma_wait3A_163 = arith.constant 0 : i32
      %dma_wait3A_164 = arith.constant 0 : i32
      %dma_wait3A_165 = tpu.memref_slice %arg3[%add3A, %run_scoped3A_95, %dma_wait3A_163, %dma_wait3A_164] : memref<32x3x26x128xi32, #tpu.memory_space<hbm>> -> memref<1x1x26x128xi32, #tpu.memory_space<hbm>>
      %dma_wait3A_166 = tpu.memref_squeeze %dma_wait3A_165 : memref<1x1x26x128xi32, #tpu.memory_space<hbm>> -> memref<26x128xi32, #tpu.memory_space<hbm>>
      %dma_wait3A_167 = arith.constant 0 : i32
      %dma_wait3A_168 = arith.constant 0 : i32
      %dma_wait3A_169 = tpu.memref_slice %arg3[%add3A, %run_scoped3A_95, %dma_wait3A_167, %dma_wait3A_168] : memref<32x3x26x128xi32, #tpu.memory_space<hbm>> -> memref<1x1x26x128xi32, #tpu.memory_space<hbm>>
      %dma_wait3A_170 = tpu.memref_squeeze %dma_wait3A_169 : memref<1x1x26x128xi32, #tpu.memory_space<hbm>> -> memref<26x128xi32, #tpu.memory_space<hbm>>
      tpu.wait_dma2 semaphore(%run_scoped3A_154 : memref<!tpu.dma_semaphore, #tpu.memory_space<semaphore_mem>>) src(%dma_wait3A_170 : memref<26x128xi32, #tpu.memory_space<hbm>>) dst(%arg8 : memref<26x128xi32, #tpu.memory_space<vmem>>)
      tpu.yield
    }) : () -> ()
    %run_scoped3A_96 = arith.constant 2 : i32
    "tpu.region"() ({
      %run_scoped3A_154 = tpu.sem_alloc : memref<!tpu.dma_semaphore, #tpu.memory_space<semaphore_mem>>
      %dma_start3A_155 = arith.constant 0 : i32
      %dma_start3A_156 = arith.constant 0 : i32
      %dma_start3A_157 = tpu.memref_slice %arg4[%add3A, %run_scoped3A_96, %dma_start3A_155, %dma_start3A_156] : memref<32x3x26x128xi32, #tpu.memory_space<hbm>> -> memref<1x1x26x128xi32, #tpu.memory_space<hbm>>
      %dma_start3A_158 = tpu.memref_squeeze %dma_start3A_157 : memref<1x1x26x128xi32, #tpu.memory_space<hbm>> -> memref<26x128xi32, #tpu.memory_space<hbm>>
      %dma_start3A_159 = arith.constant 0 : i32
      %dma_start3A_160 = arith.constant 0 : i32
      %dma_start3A_161 = tpu.memref_slice %arg4[%add3A, %run_scoped3A_96, %dma_start3A_159, %dma_start3A_160] : memref<32x3x26x128xi32, #tpu.memory_space<hbm>> -> memref<1x1x26x128xi32, #tpu.memory_space<hbm>>
      %dma_start3A_162 = tpu.memref_squeeze %dma_start3A_161 : memref<1x1x26x128xi32, #tpu.memory_space<hbm>> -> memref<26x128xi32, #tpu.memory_space<hbm>>
      tpu.enqueue_dma source(%dma_start3A_162 : memref<26x128xi32, #tpu.memory_space<hbm>>) target(%arg9 : memref<26x128xi32, #tpu.memory_space<vmem>>) target_semaphore(%run_scoped3A_154 : memref<!tpu.dma_semaphore, #tpu.memory_space<semaphore_mem>>)
      %dma_wait3A_163 = arith.constant 0 : i32
      %dma_wait3A_164 = arith.constant 0 : i32
      %dma_wait3A_165 = tpu.memref_slice %arg4[%add3A, %run_scoped3A_96, %dma_wait3A_163, %dma_wait3A_164] : memref<32x3x26x128xi32, #tpu.memory_space<hbm>> -> memref<1x1x26x128xi32, #tpu.memory_space<hbm>>
      %dma_wait3A_166 = tpu.memref_squeeze %dma_wait3A_165 : memref<1x1x26x128xi32, #tpu.memory_space<hbm>> -> memref<26x128xi32, #tpu.memory_space<hbm>>
      %dma_wait3A_167 = arith.constant 0 : i32
      %dma_wait3A_168 = arith.constant 0 : i32
      %dma_wait3A_169 = tpu.memref_slice %arg4[%add3A, %run_scoped3A_96, %dma_wait3A_167, %dma_wait3A_168] : memref<32x3x26x128xi32, #tpu.memory_space<hbm>> -> memref<1x1x26x128xi32, #tpu.memory_space<hbm>>
      %dma_wait3A_170 = tpu.memref_squeeze %dma_wait3A_169 : memref<1x1x26x128xi32, #tpu.memory_space<hbm>> -> memref<26x128xi32, #tpu.memory_space<hbm>>
      tpu.wait_dma2 semaphore(%run_scoped3A_154 : memref<!tpu.dma_semaphore, #tpu.memory_space<semaphore_mem>>) src(%dma_wait3A_170 : memref<26x128xi32, #tpu.memory_space<hbm>>) dst(%arg9 : memref<26x128xi32, #tpu.memory_space<vmem>>)
      tpu.yield
    }) : () -> ()
    %dma_start3A_97 = arith.constant 0 : i32
    %dma_start3A_98 = arith.constant 0 : i32
    %dma_start3A_99 = tpu.memref_slice %arg8[%dma_start3A_97, %dma_start3A_98] : memref<26x128xi32, #tpu.memory_space<vmem>> -> memref<1x128xi32, #tpu.memory_space<vmem>>
    %dma_start3A_100 = tpu.memref_squeeze %dma_start3A_99 : memref<1x128xi32, #tpu.memory_space<vmem>> -> memref<128xi32, #tpu.memory_space<vmem>>
    %dma_start3A_101 = arith.constant 0 : i32
    %dma_start3A_102 = arith.constant 0 : i32
    %dma_start3A_103 = tpu.memref_slice %arg2[%dma_start3A_101, %dma_start3A_102] : memref<10000x128xf32, #tpu.memory_space<hbm>> -> memref<10000x128xf32, #tpu.memory_space<hbm>>
    tpu.enqueue_indirect_dma source(%dma_start3A_103 : memref<10000x128xf32, #tpu.memory_space<hbm>>) target(%arg10 : memref<128x128xf32, #tpu.memory_space<vmem>>) offsets(%dma_start3A_100 : memref<128xi32, #tpu.memory_space<vmem>>) semaphore(%arg13 : memref<!tpu.dma_semaphore, #tpu.memory_space<semaphore_mem>>)
    %dma_start3A_104 = arith.constant 1 : i32
    %dma_start3A_105 = arith.constant 0 : i32
    %dma_start3A_106 = tpu.memref_slice %arg8[%dma_start3A_104, %dma_start3A_105] : memref<26x128xi32, #tpu.memory_space<vmem>> -> memref<1x128xi32, #tpu.memory_space<vmem>>
    %dma_start3A_107 = tpu.memref_squeeze %dma_start3A_106 : memref<1x128xi32, #tpu.memory_space<vmem>> -> memref<128xi32, #tpu.memory_space<vmem>>
    %dma_start3A_108 = arith.constant 0 : i32
    %dma_start3A_109 = arith.constant 0 : i32
    %dma_start3A_110 = tpu.memref_slice %arg2[%dma_start3A_108, %dma_start3A_109] : memref<10000x128xf32, #tpu.memory_space<hbm>> -> memref<10000x128xf32, #tpu.memory_space<hbm>>
    tpu.enqueue_indirect_dma source(%dma_start3A_110 : memref<10000x128xf32, #tpu.memory_space<hbm>>) target(%arg11 : memref<128x128xf32, #tpu.memory_space<vmem>>) offsets(%dma_start3A_107 : memref<128xi32, #tpu.memory_space<vmem>>) semaphore(%arg14 : memref<!tpu.dma_semaphore, #tpu.memory_space<semaphore_mem>>)
    %scan3A_111 = arith.constant 0 : i32
    %scan3A_112 = arith.constant 0 : i32
    %scan3A_113 = arith.constant 13 : i32
    %scan3A_114 = arith.addi %scan3A_112, %scan3A_113 : i32
    %scan3A_115 = arith.constant 1 : i32
    scf.for %scan3A_154 = %scan3A_112 to %scan3A_114 step %scan3A_115  : i32 {
      %mul3A_155 = arith.constant 2 : i32
      %mul3A_156 = arith.muli %mul3A_155, %scan3A_154 : i32
      %dma_wait3A_157 = arith.constant 0 : i32
      %dma_wait3A_158 = tpu.memref_slice %arg8[%mul3A_156, %dma_wait3A_157] : memref<26x128xi32, #tpu.memory_space<vmem>> -> memref<1x128xi32, #tpu.memory_space<vmem>>
      %dma_wait3A_159 = tpu.memref_squeeze %dma_wait3A_158 : memref<1x128xi32, #tpu.memory_space<vmem>> -> memref<128xi32, #tpu.memory_space<vmem>>
      %dma_wait3A_160 = arith.constant 0 : i32
      %dma_wait3A_161 = arith.constant 0 : i32
      %dma_wait3A_162 = tpu.memref_slice %arg2[%dma_wait3A_160, %dma_wait3A_161] : memref<10000x128xf32, #tpu.memory_space<hbm>> -> memref<10000x128xf32, #tpu.memory_space<hbm>>
      tpu.wait_indirect_dma semaphore(%arg13 : memref<!tpu.dma_semaphore, #tpu.memory_space<semaphore_mem>>) src(%dma_wait3A_162 : memref<10000x128xf32, #tpu.memory_space<hbm>>) dst(%arg10 : memref<128x128xf32, #tpu.memory_space<vmem>>)
      %dma_start3A_163 = arith.constant 0 : i32
      %dma_start3A_164 = tpu.memref_slice %arg9[%mul3A_156, %dma_start3A_163] : memref<26x128xi32, #tpu.memory_space<vmem>> -> memref<1x128xi32, #tpu.memory_space<vmem>>
      %dma_start3A_165 = tpu.memref_squeeze %dma_start3A_164 : memref<1x128xi32, #tpu.memory_space<vmem>> -> memref<128xi32, #tpu.memory_space<vmem>>
      %dma_start3A_166 = arith.constant 0 : i32
      %dma_start3A_167 = arith.constant 0 : i32
      %dma_start3A_168 = tpu.memref_slice %arg12[%dma_start3A_166, %dma_start3A_167] : memref<10240x128xf32, #tpu.memory_space<vmem_shared>> -> memref<10240x128xf32, #tpu.memory_space<vmem_shared>>
      tpu.enqueue_indirect_dma source(%arg10 : memref<128x128xf32, #tpu.memory_space<vmem>>) target(%dma_start3A_168 : memref<10240x128xf32, #tpu.memory_space<vmem_shared>>) offsets(%dma_start3A_165 : memref<128xi32, #tpu.memory_space<vmem>>) semaphore(%arg15 : memref<!tpu.dma_semaphore, #tpu.memory_space<semaphore_mem>>) {add = true}
      %add3A_169 = arith.constant 2 : i32
      %add3A_170 = arith.addi %mul3A_156, %add3A_169 : i32
      %lt3A_171 = arith.constant 26 : i32
      %lt3A_172 = arith.cmpi slt, %add3A_170, %lt3A_171 : i32
      %convert_element_type3A_173 = arith.extui %lt3A_172 : i1 to i32
      %cond3A_174 = arith.constant 0 : i32
      %cond3A_175 = arith.cmpi ne, %convert_element_type3A_173, %cond3A_174 : i32
      scf.if %cond3A_175 {
        %dma_wait3A_197 = arith.constant 0 : i32
        %dma_wait3A_198 = tpu.memref_slice %arg9[%mul3A_156, %dma_wait3A_197] : memref<26x128xi32, #tpu.memory_space<vmem>> -> memref<1x128xi32, #tpu.memory_space<vmem>>
        %dma_wait3A_199 = tpu.memref_squeeze %dma_wait3A_198 : memref<1x128xi32, #tpu.memory_space<vmem>> -> memref<128xi32, #tpu.memory_space<vmem>>
        %dma_wait3A_200 = arith.constant 0 : i32
        %dma_wait3A_201 = arith.constant 0 : i32
        %dma_wait3A_202 = tpu.memref_slice %arg12[%dma_wait3A_200, %dma_wait3A_201] : memref<10240x128xf32, #tpu.memory_space<vmem_shared>> -> memref<10240x128xf32, #tpu.memory_space<vmem_shared>>
        tpu.wait_indirect_dma semaphore(%arg15 : memref<!tpu.dma_semaphore, #tpu.memory_space<semaphore_mem>>) src(%arg10 : memref<128x128xf32, #tpu.memory_space<vmem>>) dst(%dma_wait3A_202 : memref<10240x128xf32, #tpu.memory_space<vmem_shared>>)
        %add3A_203 = arith.constant 2 : i32
        %add3A_204 = arith.addi %mul3A_156, %add3A_203 : i32
        %dma_start3A_205 = arith.constant 0 : i32
        %dma_start3A_206 = tpu.memref_slice %arg8[%add3A_204, %dma_start3A_205] : memref<26x128xi32, #tpu.memory_space<vmem>> -> memref<1x128xi32, #tpu.memory_space<vmem>>
        %dma_start3A_207 = tpu.memref_squeeze %dma_start3A_206 : memref<1x128xi32, #tpu.memory_space<vmem>> -> memref<128xi32, #tpu.memory_space<vmem>>
        %dma_start3A_208 = arith.constant 0 : i32
        %dma_start3A_209 = arith.constant 0 : i32
        %dma_start3A_210 = tpu.memref_slice %arg2[%dma_start3A_208, %dma_start3A_209] : memref<10000x128xf32, #tpu.memory_space<hbm>> -> memref<10000x128xf32, #tpu.memory_space<hbm>>
        tpu.enqueue_indirect_dma source(%dma_start3A_210 : memref<10000x128xf32, #tpu.memory_space<hbm>>) target(%arg10 : memref<128x128xf32, #tpu.memory_space<vmem>>) offsets(%dma_start3A_207 : memref<128xi32, #tpu.memory_space<vmem>>) semaphore(%arg13 : memref<!tpu.dma_semaphore, #tpu.memory_space<semaphore_mem>>)
      } else {
      }
      %add3A_176 = arith.constant 1 : i32
      %add3A_177 = arith.addi %mul3A_156, %add3A_176 : i32
      %dma_wait3A_178 = arith.constant 0 : i32
      %dma_wait3A_179 = tpu.memref_slice %arg8[%add3A_177, %dma_wait3A_178] : memref<26x128xi32, #tpu.memory_space<vmem>> -> memref<1x128xi32, #tpu.memory_space<vmem>>
      %dma_wait3A_180 = tpu.memref_squeeze %dma_wait3A_179 : memref<1x128xi32, #tpu.memory_space<vmem>> -> memref<128xi32, #tpu.memory_space<vmem>>
      %dma_wait3A_181 = arith.constant 0 : i32
      %dma_wait3A_182 = arith.constant 0 : i32
      %dma_wait3A_183 = tpu.memref_slice %arg2[%dma_wait3A_181, %dma_wait3A_182] : memref<10000x128xf32, #tpu.memory_space<hbm>> -> memref<10000x128xf32, #tpu.memory_space<hbm>>
      tpu.wait_indirect_dma semaphore(%arg14 : memref<!tpu.dma_semaphore, #tpu.memory_space<semaphore_mem>>) src(%dma_wait3A_183 : memref<10000x128xf32, #tpu.memory_space<hbm>>) dst(%arg11 : memref<128x128xf32, #tpu.memory_space<vmem>>)
      %dma_start3A_184 = arith.constant 0 : i32
      %dma_start3A_185 = tpu.memref_slice %arg9[%add3A_177, %dma_start3A_184] : memref<26x128xi32, #tpu.memory_space<vmem>> -> memref<1x128xi32, #tpu.memory_space<vmem>>
      %dma_start3A_186 = tpu.memref_squeeze %dma_start3A_185 : memref<1x128xi32, #tpu.memory_space<vmem>> -> memref<128xi32, #tpu.memory_space<vmem>>
      %dma_start3A_187 = arith.constant 0 : i32
      %dma_start3A_188 = arith.constant 0 : i32
      %dma_start3A_189 = tpu.memref_slice %arg12[%dma_start3A_187, %dma_start3A_188] : memref<10240x128xf32, #tpu.memory_space<vmem_shared>> -> memref<10240x128xf32, #tpu.memory_space<vmem_shared>>
      tpu.enqueue_indirect_dma source(%arg11 : memref<128x128xf32, #tpu.memory_space<vmem>>) target(%dma_start3A_189 : memref<10240x128xf32, #tpu.memory_space<vmem_shared>>) offsets(%dma_start3A_186 : memref<128xi32, #tpu.memory_space<vmem>>) semaphore(%arg16 : memref<!tpu.dma_semaphore, #tpu.memory_space<semaphore_mem>>) {add = true}
      %add3A_190 = arith.constant 2 : i32
      %add3A_191 = arith.addi %add3A_177, %add3A_190 : i32
      %lt3A_192 = arith.constant 26 : i32
      %lt3A_193 = arith.cmpi slt, %add3A_191, %lt3A_192 : i32
      %convert_element_type3A_194 = arith.extui %lt3A_193 : i1 to i32
      %cond3A_195 = arith.constant 0 : i32
      %cond3A_196 = arith.cmpi ne, %convert_element_type3A_194, %cond3A_195 : i32
      scf.if %cond3A_196 {
        %dma_wait3A_197 = arith.constant 0 : i32
        %dma_wait3A_198 = tpu.memref_slice %arg9[%add3A_177, %dma_wait3A_197] : memref<26x128xi32, #tpu.memory_space<vmem>> -> memref<1x128xi32, #tpu.memory_space<vmem>>
        %dma_wait3A_199 = tpu.memref_squeeze %dma_wait3A_198 : memref<1x128xi32, #tpu.memory_space<vmem>> -> memref<128xi32, #tpu.memory_space<vmem>>
        %dma_wait3A_200 = arith.constant 0 : i32
        %dma_wait3A_201 = arith.constant 0 : i32
        %dma_wait3A_202 = tpu.memref_slice %arg12[%dma_wait3A_200, %dma_wait3A_201] : memref<10240x128xf32, #tpu.memory_space<vmem_shared>> -> memref<10240x128xf32, #tpu.memory_space<vmem_shared>>
        tpu.wait_indirect_dma semaphore(%arg16 : memref<!tpu.dma_semaphore, #tpu.memory_space<semaphore_mem>>) src(%arg11 : memref<128x128xf32, #tpu.memory_space<vmem>>) dst(%dma_wait3A_202 : memref<10240x128xf32, #tpu.memory_space<vmem_shared>>)
        %add3A_203 = arith.constant 2 : i32
        %add3A_204 = arith.addi %add3A_177, %add3A_203 : i32
        %dma_start3A_205 = arith.constant 0 : i32
        %dma_start3A_206 = tpu.memref_slice %arg8[%add3A_204, %dma_start3A_205] : memref<26x128xi32, #tpu.memory_space<vmem>> -> memref<1x128xi32, #tpu.memory_space<vmem>>
        %dma_start3A_207 = tpu.memref_squeeze %dma_start3A_206 : memref<1x128xi32, #tpu.memory_space<vmem>> -> memref<128xi32, #tpu.memory_space<vmem>>
        %dma_start3A_208 = arith.constant 0 : i32
        %dma_start3A_209 = arith.constant 0 : i32
        %dma_start3A_210 = tpu.memref_slice %arg2[%dma_start3A_208, %dma_start3A_209] : memref<10000x128xf32, #tpu.memory_space<hbm>> -> memref<10000x128xf32, #tpu.memory_space<hbm>>
        tpu.enqueue_indirect_dma source(%dma_start3A_210 : memref<10000x128xf32, #tpu.memory_space<hbm>>) target(%arg11 : memref<128x128xf32, #tpu.memory_space<vmem>>) offsets(%dma_start3A_207 : memref<128xi32, #tpu.memory_space<vmem>>) semaphore(%arg14 : memref<!tpu.dma_semaphore, #tpu.memory_space<semaphore_mem>>)
      } else {
      }
    }
    %scan3A_116 = arith.constant 13 : i32
    %dma_wait3A_117 = arith.constant 24 : i32
    %dma_wait3A_118 = arith.constant 0 : i32
    %dma_wait3A_119 = tpu.memref_slice %arg9[%dma_wait3A_117, %dma_wait3A_118] : memref<26x128xi32, #tpu.memory_space<vmem>> -> memref<1x128xi32, #tpu.memory_space<vmem>>
    %dma_wait3A_120 = tpu.memref_squeeze %dma_wait3A_119 : memref<1x128xi32, #tpu.memory_space<vmem>> -> memref<128xi32, #tpu.memory_space<vmem>>
    %dma_wait3A_121 = arith.constant 0 : i32
    %dma_wait3A_122 = arith.constant 0 : i32
    %dma_wait3A_123 = tpu.memref_slice %arg12[%dma_wait3A_121, %dma_wait3A_122] : memref<10240x128xf32, #tpu.memory_space<vmem_shared>> -> memref<10240x128xf32, #tpu.memory_space<vmem_shared>>
    tpu.wait_indirect_dma semaphore(%arg15 : memref<!tpu.dma_semaphore, #tpu.memory_space<semaphore_mem>>) src(%arg10 : memref<128x128xf32, #tpu.memory_space<vmem>>) dst(%dma_wait3A_123 : memref<10240x128xf32, #tpu.memory_space<vmem_shared>>)
    %dma_wait3A_124 = arith.constant 25 : i32
    %dma_wait3A_125 = arith.constant 0 : i32
    %dma_wait3A_126 = tpu.memref_slice %arg9[%dma_wait3A_124, %dma_wait3A_125] : memref<26x128xi32, #tpu.memory_space<vmem>> -> memref<1x128xi32, #tpu.memory_space<vmem>>
    %dma_wait3A_127 = tpu.memref_squeeze %dma_wait3A_126 : memref<1x128xi32, #tpu.memory_space<vmem>> -> memref<128xi32, #tpu.memory_space<vmem>>
    %dma_wait3A_128 = arith.constant 0 : i32
    %dma_wait3A_129 = arith.constant 0 : i32
    %dma_wait3A_130 = tpu.memref_slice %arg12[%dma_wait3A_128, %dma_wait3A_129] : memref<10240x128xf32, #tpu.memory_space<vmem_shared>> -> memref<10240x128xf32, #tpu.memory_space<vmem_shared>>
    tpu.wait_indirect_dma semaphore(%arg16 : memref<!tpu.dma_semaphore, #tpu.memory_space<semaphore_mem>>) src(%arg11 : memref<128x128xf32, #tpu.memory_space<vmem>>) dst(%dma_wait3A_130 : memref<10240x128xf32, #tpu.memory_space<vmem_shared>>)
    %lt3A = arith.constant 4 : i32
    %lt3A_131 = arith.cmpi slt, %add3A, %lt3A : i32
    %convert_element_type3A = arith.extui %lt3A_131 : i1 to i32
    %cond3A = arith.constant 0 : i32
    %cond3A_132 = arith.cmpi ne, %convert_element_type3A, %cond3A : i32
    scf.if %cond3A_132 {
      "tpu.region"() ({
        %run_scoped3A_169 = tpu.sem_alloc : memref<!tpu.dma_semaphore, #tpu.memory_space<semaphore_mem>>
        %dma_start3A_170 = arith.constant 0 : i32
        %dma_start3A_171 = arith.constant 0 : i32
        %dma_start3A_172 = tpu.memref_slice %arg8[%dma_start3A_170, %dma_start3A_171] : memref<26x128xi32, #tpu.memory_space<vmem>> -> memref<1x128xi32, #tpu.memory_space<vmem>>
        %dma_start3A_173 = arith.constant 0 : i32
        %dma_start3A_174 = arith.constant 0 : i32
        %dma_start3A_175 = tpu.memref_slice %arg5[%add3A, %dma_start3A_173, %dma_start3A_174] : memref<4x1x128xi32, #tpu.memory_space<hbm>> -> memref<1x1x128xi32, #tpu.memory_space<hbm>>
        %dma_start3A_176 = tpu.memref_squeeze %dma_start3A_175 : memref<1x1x128xi32, #tpu.memory_space<hbm>> -> memref<1x128xi32, #tpu.memory_space<hbm>>
        %dma_start3A_177 = arith.constant 0 : i32
        %dma_start3A_178 = arith.constant 0 : i32
        %dma_start3A_179 = tpu.memref_slice %arg8[%dma_start3A_177, %dma_start3A_178] : memref<26x128xi32, #tpu.memory_space<vmem>> -> memref<1x128xi32, #tpu.memory_space<vmem>>
        %dma_start3A_180 = arith.constant 0 : i32
        %dma_start3A_181 = arith.constant 0 : i32
        %dma_start3A_182 = tpu.memref_slice %arg5[%add3A, %dma_start3A_180, %dma_start3A_181] : memref<4x1x128xi32, #tpu.memory_space<hbm>> -> memref<1x1x128xi32, #tpu.memory_space<hbm>>
        %dma_start3A_183 = tpu.memref_squeeze %dma_start3A_182 : memref<1x1x128xi32, #tpu.memory_space<hbm>> -> memref<1x128xi32, #tpu.memory_space<hbm>>
        tpu.enqueue_dma source(%dma_start3A_183 : memref<1x128xi32, #tpu.memory_space<hbm>>) target(%dma_start3A_179 : memref<1x128xi32, #tpu.memory_space<vmem>>) target_semaphore(%run_scoped3A_169 : memref<!tpu.dma_semaphore, #tpu.memory_space<semaphore_mem>>)
        %dma_wait3A_184 = arith.constant 0 : i32
        %dma_wait3A_185 = arith.constant 0 : i32
        %dma_wait3A_186 = tpu.memref_slice %arg8[%dma_wait3A_184, %dma_wait3A_185] : memref<26x128xi32, #tpu.memory_space<vmem>> -> memref<1x128xi32, #tpu.memory_space<vmem>>
        %dma_wait3A_187 = arith.constant 0 : i32
        %dma_wait3A_188 = arith.constant 0 : i32
        %dma_wait3A_189 = tpu.memref_slice %arg5[%add3A, %dma_wait3A_187, %dma_wait3A_188] : memref<4x1x128xi32, #tpu.memory_space<hbm>> -> memref<1x1x128xi32, #tpu.memory_space<hbm>>
        %dma_wait3A_190 = tpu.memref_squeeze %dma_wait3A_189 : memref<1x1x128xi32, #tpu.memory_space<hbm>> -> memref<1x128xi32, #tpu.memory_space<hbm>>
        %dma_wait3A_191 = arith.constant 0 : i32
        %dma_wait3A_192 = arith.constant 0 : i32
        %dma_wait3A_193 = tpu.memref_slice %arg8[%dma_wait3A_191, %dma_wait3A_192] : memref<26x128xi32, #tpu.memory_space<vmem>> -> memref<1x128xi32, #tpu.memory_space<vmem>>
        %dma_wait3A_194 = arith.constant 0 : i32
        %dma_wait3A_195 = arith.constant 0 : i32
        %dma_wait3A_196 = tpu.memref_slice %arg5[%add3A, %dma_wait3A_194, %dma_wait3A_195] : memref<4x1x128xi32, #tpu.memory_space<hbm>> -> memref<1x1x128xi32, #tpu.memory_space<hbm>>
        %dma_wait3A_197 = tpu.memref_squeeze %dma_wait3A_196 : memref<1x1x128xi32, #tpu.memory_space<hbm>> -> memref<1x128xi32, #tpu.memory_space<hbm>>
        tpu.wait_dma2 semaphore(%run_scoped3A_169 : memref<!tpu.dma_semaphore, #tpu.memory_space<semaphore_mem>>) src(%dma_wait3A_197 : memref<1x128xi32, #tpu.memory_space<hbm>>) dst(%dma_wait3A_193 : memref<1x128xi32, #tpu.memory_space<vmem>>)
        tpu.yield
      }) : () -> ()
      "tpu.region"() ({
        %run_scoped3A_169 = tpu.sem_alloc : memref<!tpu.dma_semaphore, #tpu.memory_space<semaphore_mem>>
        %dma_start3A_170 = arith.constant 0 : i32
        %dma_start3A_171 = arith.constant 0 : i32
        %dma_start3A_172 = tpu.memref_slice %arg9[%dma_start3A_170, %dma_start3A_171] : memref<26x128xi32, #tpu.memory_space<vmem>> -> memref<1x128xi32, #tpu.memory_space<vmem>>
        %dma_start3A_173 = arith.constant 0 : i32
        %dma_start3A_174 = arith.constant 0 : i32
        %dma_start3A_175 = tpu.memref_slice %arg6[%add3A, %dma_start3A_173, %dma_start3A_174] : memref<4x1x128xi32, #tpu.memory_space<hbm>> -> memref<1x1x128xi32, #tpu.memory_space<hbm>>
        %dma_start3A_176 = tpu.memref_squeeze %dma_start3A_175 : memref<1x1x128xi32, #tpu.memory_space<hbm>> -> memref<1x128xi32, #tpu.memory_space<hbm>>
        %dma_start3A_177 = arith.constant 0 : i32
        %dma_start3A_178 = arith.constant 0 : i32
        %dma_start3A_179 = tpu.memref_slice %arg9[%dma_start3A_177, %dma_start3A_178] : memref<26x128xi32, #tpu.memory_space<vmem>> -> memref<1x128xi32, #tpu.memory_space<vmem>>
        %dma_start3A_180 = arith.constant 0 : i32
        %dma_start3A_181 = arith.constant 0 : i32
        %dma_start3A_182 = tpu.memref_slice %arg6[%add3A, %dma_start3A_180, %dma_start3A_181] : memref<4x1x128xi32, #tpu.memory_space<hbm>> -> memref<1x1x128xi32, #tpu.memory_space<hbm>>
        %dma_start3A_183 = tpu.memref_squeeze %dma_start3A_182 : memref<1x1x128xi32, #tpu.memory_space<hbm>> -> memref<1x128xi32, #tpu.memory_space<hbm>>
        tpu.enqueue_dma source(%dma_start3A_183 : memref<1x128xi32, #tpu.memory_space<hbm>>) target(%dma_start3A_179 : memref<1x128xi32, #tpu.memory_space<vmem>>) target_semaphore(%run_scoped3A_169 : memref<!tpu.dma_semaphore, #tpu.memory_space<semaphore_mem>>)
        %dma_wait3A_184 = arith.constant 0 : i32
        %dma_wait3A_185 = arith.constant 0 : i32
        %dma_wait3A_186 = tpu.memref_slice %arg9[%dma_wait3A_184, %dma_wait3A_185] : memref<26x128xi32, #tpu.memory_space<vmem>> -> memref<1x128xi32, #tpu.memory_space<vmem>>
        %dma_wait3A_187 = arith.constant 0 : i32
        %dma_wait3A_188 = arith.constant 0 : i32
        %dma_wait3A_189 = tpu.memref_slice %arg6[%add3A, %dma_wait3A_187, %dma_wait3A_188] : memref<4x1x128xi32, #tpu.memory_space<hbm>> -> memref<1x1x128xi32, #tpu.memory_space<hbm>>
        %dma_wait3A_190 = tpu.memref_squeeze %dma_wait3A_189 : memref<1x1x128xi32, #tpu.memory_space<hbm>> -> memref<1x128xi32, #tpu.memory_space<hbm>>
        %dma_wait3A_191 = arith.constant 0 : i32
        %dma_wait3A_192 = arith.constant 0 : i32
        %dma_wait3A_193 = tpu.memref_slice %arg9[%dma_wait3A_191, %dma_wait3A_192] : memref<26x128xi32, #tpu.memory_space<vmem>> -> memref<1x128xi32, #tpu.memory_space<vmem>>
        %dma_wait3A_194 = arith.constant 0 : i32
        %dma_wait3A_195 = arith.constant 0 : i32
        %dma_wait3A_196 = tpu.memref_slice %arg6[%add3A, %dma_wait3A_194, %dma_wait3A_195] : memref<4x1x128xi32, #tpu.memory_space<hbm>> -> memref<1x1x128xi32, #tpu.memory_space<hbm>>
        %dma_wait3A_197 = tpu.memref_squeeze %dma_wait3A_196 : memref<1x1x128xi32, #tpu.memory_space<hbm>> -> memref<1x128xi32, #tpu.memory_space<hbm>>
        tpu.wait_dma2 semaphore(%run_scoped3A_169 : memref<!tpu.dma_semaphore, #tpu.memory_space<semaphore_mem>>) src(%dma_wait3A_197 : memref<1x128xi32, #tpu.memory_space<hbm>>) dst(%dma_wait3A_193 : memref<1x128xi32, #tpu.memory_space<vmem>>)
        tpu.yield
      }) : () -> ()
      %dma_start3A_154 = arith.constant 0 : i32
      %dma_start3A_155 = arith.constant 0 : i32
      %dma_start3A_156 = tpu.memref_slice %arg8[%dma_start3A_154, %dma_start3A_155] : memref<26x128xi32, #tpu.memory_space<vmem>> -> memref<1x128xi32, #tpu.memory_space<vmem>>
      %dma_start3A_157 = tpu.memref_squeeze %dma_start3A_156 : memref<1x128xi32, #tpu.memory_space<vmem>> -> memref<128xi32, #tpu.memory_space<vmem>>
      %dma_start3A_158 = arith.constant 0 : i32
      %dma_start3A_159 = arith.constant 0 : i32
      %dma_start3A_160 = tpu.memref_slice %arg2[%dma_start3A_158, %dma_start3A_159] : memref<10000x128xf32, #tpu.memory_space<hbm>> -> memref<10000x128xf32, #tpu.memory_space<hbm>>
      tpu.enqueue_indirect_dma source(%dma_start3A_160 : memref<10000x128xf32, #tpu.memory_space<hbm>>) target(%arg10 : memref<128x128xf32, #tpu.memory_space<vmem>>) offsets(%dma_start3A_157 : memref<128xi32, #tpu.memory_space<vmem>>) semaphore(%arg13 : memref<!tpu.dma_semaphore, #tpu.memory_space<semaphore_mem>>)
      %dma_wait3A_161 = arith.constant 0 : i32
      %dma_wait3A_162 = arith.constant 0 : i32
      %dma_wait3A_163 = tpu.memref_slice %arg8[%dma_wait3A_161, %dma_wait3A_162] : memref<26x128xi32, #tpu.memory_space<vmem>> -> memref<1x128xi32, #tpu.memory_space<vmem>>
      %dma_wait3A_164 = tpu.memref_squeeze %dma_wait3A_163 : memref<1x128xi32, #tpu.memory_space<vmem>> -> memref<128xi32, #tpu.memory_space<vmem>>
      %dma_wait3A_165 = arith.constant 0 : i32
      %dma_wait3A_166 = arith.constant 0 : i32
      %dma_wait3A_167 = tpu.memref_slice %arg2[%dma_wait3A_165, %dma_wait3A_166] : memref<10000x128xf32, #tpu.memory_space<hbm>> -> memref<10000x128xf32, #tpu.memory_space<hbm>>
      tpu.wait_indirect_dma semaphore(%arg13 : memref<!tpu.dma_semaphore, #tpu.memory_space<semaphore_mem>>) src(%dma_wait3A_167 : memref<10000x128xf32, #tpu.memory_space<hbm>>) dst(%arg10 : memref<128x128xf32, #tpu.memory_space<vmem>>)
      %run_scoped3A_168 = arith.constant 0 : i32
      "tpu.region"() ({
        %run_scoped3A_169 = tpu.sem_alloc : memref<!tpu.dma_semaphore, #tpu.memory_space<semaphore_mem>>
        %dma_start3A_170 = arith.constant 0 : i32
        %dma_start3A_171 = tpu.memref_slice %arg9[%run_scoped3A_168, %dma_start3A_170] : memref<26x128xi32, #tpu.memory_space<vmem>> -> memref<1x128xi32, #tpu.memory_space<vmem>>
        %dma_start3A_172 = tpu.memref_squeeze %dma_start3A_171 : memref<1x128xi32, #tpu.memory_space<vmem>> -> memref<128xi32, #tpu.memory_space<vmem>>
        %dma_start3A_173 = arith.constant 0 : i32
        %dma_start3A_174 = arith.constant 0 : i32
        %dma_start3A_175 = tpu.memref_slice %arg12[%dma_start3A_173, %dma_start3A_174] : memref<10240x128xf32, #tpu.memory_space<vmem_shared>> -> memref<10240x128xf32, #tpu.memory_space<vmem_shared>>
        tpu.enqueue_indirect_dma source(%arg10 : memref<128x128xf32, #tpu.memory_space<vmem>>) target(%dma_start3A_175 : memref<10240x128xf32, #tpu.memory_space<vmem_shared>>) offsets(%dma_start3A_172 : memref<128xi32, #tpu.memory_space<vmem>>) semaphore(%run_scoped3A_169 : memref<!tpu.dma_semaphore, #tpu.memory_space<semaphore_mem>>) {add = true}
        %dma_wait3A_176 = arith.constant 0 : i32
        %dma_wait3A_177 = tpu.memref_slice %arg9[%run_scoped3A_168, %dma_wait3A_176] : memref<26x128xi32, #tpu.memory_space<vmem>> -> memref<1x128xi32, #tpu.memory_space<vmem>>
        %dma_wait3A_178 = tpu.memref_squeeze %dma_wait3A_177 : memref<1x128xi32, #tpu.memory_space<vmem>> -> memref<128xi32, #tpu.memory_space<vmem>>
        %dma_wait3A_179 = arith.constant 0 : i32
        %dma_wait3A_180 = arith.constant 0 : i32
        %dma_wait3A_181 = tpu.memref_slice %arg12[%dma_wait3A_179, %dma_wait3A_180] : memref<10240x128xf32, #tpu.memory_space<vmem_shared>> -> memref<10240x128xf32, #tpu.memory_space<vmem_shared>>
        tpu.wait_indirect_dma semaphore(%run_scoped3A_169 : memref<!tpu.dma_semaphore, #tpu.memory_space<semaphore_mem>>) src(%arg10 : memref<128x128xf32, #tpu.memory_space<vmem>>) dst(%dma_wait3A_181 : memref<10240x128xf32, #tpu.memory_space<vmem_shared>>)
        tpu.yield
      }) : () -> ()
    } else {
    }
    %barrier3A_133 = arith.constant 0 : index
    tpu.barrier barrier_id(%barrier3A_133)
    %mul3A_134 = arith.constant 640 : i32
    %mul3A_135 = arith.muli %arg1, %mul3A_134 : i32
    %add3A_136 = arith.constant 0 : i32
    %add3A_137 = arith.addi %mul3A_135, %add3A_136 : i32
    "tpu.region"() ({
      %run_scoped3A_154 = tpu.sem_alloc : memref<!tpu.dma_semaphore, #tpu.memory_space<semaphore_mem>>
      %dma_start3A_155 = arith.constant 0 : i32
      %dma_start3A_156 = tpu.memref_slice %arg7[%arg0, %add3A_137, %dma_start3A_155] : memref<2x10240x128xf32, #tpu.memory_space<hbm>> -> memref<1x128x128xf32, #tpu.memory_space<hbm>>
      %dma_start3A_157 = tpu.memref_squeeze %dma_start3A_156 : memref<1x128x128xf32, #tpu.memory_space<hbm>> -> memref<128x128xf32, #tpu.memory_space<hbm>>
      %dma_start3A_158 = arith.constant 0 : i32
      %dma_start3A_159 = tpu.memref_slice %arg12[%add3A_137, %dma_start3A_158] : memref<10240x128xf32, #tpu.memory_space<vmem_shared>> -> memref<128x128xf32, #tpu.memory_space<vmem_shared>>
      tpu.enqueue_dma source(%dma_start3A_159 : memref<128x128xf32, #tpu.memory_space<vmem_shared>>) target(%dma_start3A_157 : memref<128x128xf32, #tpu.memory_space<hbm>>) target_semaphore(%run_scoped3A_154 : memref<!tpu.dma_semaphore, #tpu.memory_space<semaphore_mem>>)
      %dma_wait3A_160 = arith.constant 0 : i32
      %dma_wait3A_161 = tpu.memref_slice %arg7[%arg0, %add3A_137, %dma_wait3A_160] : memref<2x10240x128xf32, #tpu.memory_space<hbm>> -> memref<1x128x128xf32, #tpu.memory_space<hbm>>
      %dma_wait3A_162 = tpu.memref_squeeze %dma_wait3A_161 : memref<1x128x128xf32, #tpu.memory_space<hbm>> -> memref<128x128xf32, #tpu.memory_space<hbm>>
      %dma_wait3A_163 = arith.constant 0 : i32
      %dma_wait3A_164 = tpu.memref_slice %arg12[%add3A_137, %dma_wait3A_163] : memref<10240x128xf32, #tpu.memory_space<vmem_shared>> -> memref<128x128xf32, #tpu.memory_space<vmem_shared>>
      tpu.wait_dma2 semaphore(%run_scoped3A_154 : memref<!tpu.dma_semaphore, #tpu.memory_space<semaphore_mem>>) src(%dma_wait3A_164 : memref<128x128xf32, #tpu.memory_space<vmem_shared>>) dst(%dma_wait3A_162 : memref<128x128xf32, #tpu.memory_space<hbm>>)
      tpu.yield
    }) : () -> ()
    %mul3A_138 = arith.constant 640 : i32
    %mul3A_139 = arith.muli %arg1, %mul3A_138 : i32
    %add3A_140 = arith.constant 128 : i32
    %add3A_141 = arith.addi %mul3A_139, %add3A_140 : i32
    "tpu.region"() ({
      %run_scoped3A_154 = tpu.sem_alloc : memref<!tpu.dma_semaphore, #tpu.memory_space<semaphore_mem>>
      %dma_start3A_155 = arith.constant 0 : i32
      %dma_start3A_156 = tpu.memref_slice %arg7[%arg0, %add3A_141, %dma_start3A_155] : memref<2x10240x128xf32, #tpu.memory_space<hbm>> -> memref<1x128x128xf32, #tpu.memory_space<hbm>>
      %dma_start3A_157 = tpu.memref_squeeze %dma_start3A_156 : memref<1x128x128xf32, #tpu.memory_space<hbm>> -> memref<128x128xf32, #tpu.memory_space<hbm>>
      %dma_start3A_158 = arith.constant 0 : i32
      %dma_start3A_159 = tpu.memref_slice %arg12[%add3A_141, %dma_start3A_158] : memref<10240x128xf32, #tpu.memory_space<vmem_shared>> -> memref<128x128xf32, #tpu.memory_space<vmem_shared>>
      tpu.enqueue_dma source(%dma_start3A_159 : memref<128x128xf32, #tpu.memory_space<vmem_shared>>) target(%dma_start3A_157 : memref<128x128xf32, #tpu.memory_space<hbm>>) target_semaphore(%run_scoped3A_154 : memref<!tpu.dma_semaphore, #tpu.memory_space<semaphore_mem>>)
      %dma_wait3A_160 = arith.constant 0 : i32
      %dma_wait3A_161 = tpu.memref_slice %arg7[%arg0, %add3A_141, %dma_wait3A_160] : memref<2x10240x128xf32, #tpu.memory_space<hbm>> -> memref<1x128x128xf32, #tpu.memory_space<hbm>>
      %dma_wait3A_162 = tpu.memref_squeeze %dma_wait3A_161 : memref<1x128x128xf32, #tpu.memory_space<hbm>> -> memref<128x128xf32, #tpu.memory_space<hbm>>
      %dma_wait3A_163 = arith.constant 0 : i32
      %dma_wait3A_164 = tpu.memref_slice %arg12[%add3A_141, %dma_wait3A_163] : memref<10240x128xf32, #tpu.memory_space<vmem_shared>> -> memref<128x128xf32, #tpu.memory_space<vmem_shared>>
      tpu.wait_dma2 semaphore(%run_scoped3A_154 : memref<!tpu.dma_semaphore, #tpu.memory_space<semaphore_mem>>) src(%dma_wait3A_164 : memref<128x128xf32, #tpu.memory_space<vmem_shared>>) dst(%dma_wait3A_162 : memref<128x128xf32, #tpu.memory_space<hbm>>)
      tpu.yield
    }) : () -> ()
    %mul3A_142 = arith.constant 640 : i32
    %mul3A_143 = arith.muli %arg1, %mul3A_142 : i32
    %add3A_144 = arith.constant 256 : i32
    %add3A_145 = arith.addi %mul3A_143, %add3A_144 : i32
    "tpu.region"() ({
      %run_scoped3A_154 = tpu.sem_alloc : memref<!tpu.dma_semaphore, #tpu.memory_space<semaphore_mem>>
      %dma_start3A_155 = arith.constant 0 : i32
      %dma_start3A_156 = tpu.memref_slice %arg7[%arg0, %add3A_145, %dma_start3A_155] : memref<2x10240x128xf32, #tpu.memory_space<hbm>> -> memref<1x128x128xf32, #tpu.memory_space<hbm>>
      %dma_start3A_157 = tpu.memref_squeeze %dma_start3A_156 : memref<1x128x128xf32, #tpu.memory_space<hbm>> -> memref<128x128xf32, #tpu.memory_space<hbm>>
      %dma_start3A_158 = arith.constant 0 : i32
      %dma_start3A_159 = tpu.memref_slice %arg12[%add3A_145, %dma_start3A_158] : memref<10240x128xf32, #tpu.memory_space<vmem_shared>> -> memref<128x128xf32, #tpu.memory_space<vmem_shared>>
      tpu.enqueue_dma source(%dma_start3A_159 : memref<128x128xf32, #tpu.memory_space<vmem_shared>>) target(%dma_start3A_157 : memref<128x128xf32, #tpu.memory_space<hbm>>) target_semaphore(%run_scoped3A_154 : memref<!tpu.dma_semaphore, #tpu.memory_space<semaphore_mem>>)
      %dma_wait3A_160 = arith.constant 0 : i32
      %dma_wait3A_161 = tpu.memref_slice %arg7[%arg0, %add3A_145, %dma_wait3A_160] : memref<2x10240x128xf32, #tpu.memory_space<hbm>> -> memref<1x128x128xf32, #tpu.memory_space<hbm>>
      %dma_wait3A_162 = tpu.memref_squeeze %dma_wait3A_161 : memref<1x128x128xf32, #tpu.memory_space<hbm>> -> memref<128x128xf32, #tpu.memory_space<hbm>>
      %dma_wait3A_163 = arith.constant 0 : i32
      %dma_wait3A_164 = tpu.memref_slice %arg12[%add3A_145, %dma_wait3A_163] : memref<10240x128xf32, #tpu.memory_space<vmem_shared>> -> memref<128x128xf32, #tpu.memory_space<vmem_shared>>
      tpu.wait_dma2 semaphore(%run_scoped3A_154 : memref<!tpu.dma_semaphore, #tpu.memory_space<semaphore_mem>>) src(%dma_wait3A_164 : memref<128x128xf32, #tpu.memory_space<vmem_shared>>) dst(%dma_wait3A_162 : memref<128x128xf32, #tpu.memory_space<hbm>>)
      tpu.yield
    }) : () -> ()
    %mul3A_146 = arith.constant 640 : i32
    %mul3A_147 = arith.muli %arg1, %mul3A_146 : i32
    %add3A_148 = arith.constant 384 : i32
    %add3A_149 = arith.addi %mul3A_147, %add3A_148 : i32
    "tpu.region"() ({
      %run_scoped3A_154 = tpu.sem_alloc : memref<!tpu.dma_semaphore, #tpu.memory_space<semaphore_mem>>
      %dma_start3A_155 = arith.constant 0 : i32
      %dma_start3A_156 = tpu.memref_slice %arg7[%arg0, %add3A_149, %dma_start3A_155] : memref<2x10240x128xf32, #tpu.memory_space<hbm>> -> memref<1x128x128xf32, #tpu.memory_space<hbm>>
      %dma_start3A_157 = tpu.memref_squeeze %dma_start3A_156 : memref<1x128x128xf32, #tpu.memory_space<hbm>> -> memref<128x128xf32, #tpu.memory_space<hbm>>
      %dma_start3A_158 = arith.constant 0 : i32
      %dma_start3A_159 = tpu.memref_slice %arg12[%add3A_149, %dma_start3A_158] : memref<10240x128xf32, #tpu.memory_space<vmem_shared>> -> memref<128x128xf32, #tpu.memory_space<vmem_shared>>
      tpu.enqueue_dma source(%dma_start3A_159 : memref<128x128xf32, #tpu.memory_space<vmem_shared>>) target(%dma_start3A_157 : memref<128x128xf32, #tpu.memory_space<hbm>>) target_semaphore(%run_scoped3A_154 : memref<!tpu.dma_semaphore, #tpu.memory_space<semaphore_mem>>)
      %dma_wait3A_160 = arith.constant 0 : i32
      %dma_wait3A_161 = tpu.memref_slice %arg7[%arg0, %add3A_149, %dma_wait3A_160] : memref<2x10240x128xf32, #tpu.memory_space<hbm>> -> memref<1x128x128xf32, #tpu.memory_space<hbm>>
      %dma_wait3A_162 = tpu.memref_squeeze %dma_wait3A_161 : memref<1x128x128xf32, #tpu.memory_space<hbm>> -> memref<128x128xf32, #tpu.memory_space<hbm>>
      %dma_wait3A_163 = arith.constant 0 : i32
      %dma_wait3A_164 = tpu.memref_slice %arg12[%add3A_149, %dma_wait3A_163] : memref<10240x128xf32, #tpu.memory_space<vmem_shared>> -> memref<128x128xf32, #tpu.memory_space<vmem_shared>>
      tpu.wait_dma2 semaphore(%run_scoped3A_154 : memref<!tpu.dma_semaphore, #tpu.memory_space<semaphore_mem>>) src(%dma_wait3A_164 : memref<128x128xf32, #tpu.memory_space<vmem_shared>>) dst(%dma_wait3A_162 : memref<128x128xf32, #tpu.memory_space<hbm>>)
      tpu.yield
    }) : () -> ()
    %mul3A_150 = arith.constant 640 : i32
    %mul3A_151 = arith.muli %arg1, %mul3A_150 : i32
    %add3A_152 = arith.constant 512 : i32
    %add3A_153 = arith.addi %mul3A_151, %add3A_152 : i32
    "tpu.region"() ({
      %run_scoped3A_154 = tpu.sem_alloc : memref<!tpu.dma_semaphore, #tpu.memory_space<semaphore_mem>>
      %dma_start3A_155 = arith.constant 0 : i32
      %dma_start3A_156 = tpu.memref_slice %arg7[%arg0, %add3A_153, %dma_start3A_155] : memref<2x10240x128xf32, #tpu.memory_space<hbm>> -> memref<1x128x128xf32, #tpu.memory_space<hbm>>
      %dma_start3A_157 = tpu.memref_squeeze %dma_start3A_156 : memref<1x128x128xf32, #tpu.memory_space<hbm>> -> memref<128x128xf32, #tpu.memory_space<hbm>>
      %dma_start3A_158 = arith.constant 0 : i32
      %dma_start3A_159 = tpu.memref_slice %arg12[%add3A_153, %dma_start3A_158] : memref<10240x128xf32, #tpu.memory_space<vmem_shared>> -> memref<128x128xf32, #tpu.memory_space<vmem_shared>>
      tpu.enqueue_dma source(%dma_start3A_159 : memref<128x128xf32, #tpu.memory_space<vmem_shared>>) target(%dma_start3A_157 : memref<128x128xf32, #tpu.memory_space<hbm>>) target_semaphore(%run_scoped3A_154 : memref<!tpu.dma_semaphore, #tpu.memory_space<semaphore_mem>>)
      %dma_wait3A_160 = arith.constant 0 : i32
      %dma_wait3A_161 = tpu.memref_slice %arg7[%arg0, %add3A_153, %dma_wait3A_160] : memref<2x10240x128xf32, #tpu.memory_space<hbm>> -> memref<1x128x128xf32, #tpu.memory_space<hbm>>
      %dma_wait3A_162 = tpu.memref_squeeze %dma_wait3A_161 : memref<1x128x128xf32, #tpu.memory_space<hbm>> -> memref<128x128xf32, #tpu.memory_space<hbm>>
      %dma_wait3A_163 = arith.constant 0 : i32
      %dma_wait3A_164 = tpu.memref_slice %arg12[%add3A_153, %dma_wait3A_163] : memref<10240x128xf32, #tpu.memory_space<vmem_shared>> -> memref<128x128xf32, #tpu.memory_space<vmem_shared>>
      tpu.wait_dma2 semaphore(%run_scoped3A_154 : memref<!tpu.dma_semaphore, #tpu.memory_space<semaphore_mem>>) src(%dma_wait3A_164 : memref<128x128xf32, #tpu.memory_space<vmem_shared>>) dst(%dma_wait3A_162 : memref<128x128xf32, #tpu.memory_space<hbm>>)
      tpu.yield
    }) : () -> ()
    return
  }
}

module attributes {stable_mosaic.version = 14 : i64} {
  func.func @_tc_mm_body(%arg0: memref<10000x128xf32, #tpu.memory_space<vmem>>, %arg1: memref<128x128xf32, #tpu.memory_space<vmem>>, %arg2: memref<10000x128xf32, #tpu.memory_space<vmem>>) attributes {dimension_semantics = [], scalar_prefetch = 0 : i64, scratch_operands = 0 : i64, tpu.core_type = #tpu.core_type<tc>} {
    %get3A = arith.constant 0 : index
    %get3A_0 = arith.constant 0 : index
    %get3A_1 = vector.load %arg0[%get3A, %get3A_0] : memref<10000x128xf32, #tpu.memory_space<vmem>>, vector<10000x128xf32>
    %get3A_2 = arith.constant 0 : index
    %get3A_3 = arith.constant 0 : index
    %get3A_4 = vector.load %arg1[%get3A_2, %get3A_3] : memref<128x128xf32, #tpu.memory_space<vmem>>, vector<128x128xf32>
    %dot_general3A = arith.constant dense<0.000000e+00> : vector<10000x128xf32>
    %dot_general3A_5 = tpu.matmul %get3A_1, %get3A_4, %dot_general3A {dimension_numbers = #tpu.dot_dimension_numbers<[1], [0], [0], [1], [0, 0, 1, 1], [], []>, transpose_lhs_hint = false} : vector<10000x128xf32>, vector<128x128xf32>, vector<10000x128xf32> -> vector<10000x128xf32>
    %swap3A = arith.constant 0 : index
    %swap3A_6 = arith.constant 0 : index
    %swap3A_7 = vector.load %arg2[%swap3A, %swap3A_6] : memref<10000x128xf32, #tpu.memory_space<vmem>>, vector<10000x128xf32>
    tpu.vector_store %arg2[%swap3A, %swap3A_6], %dot_general3A_5 {strides = array<i32>} : memref<10000x128xf32, #tpu.memory_space<vmem>>, vector<10000x128xf32>,
    return
  }
}

module attributes {stable_mosaic.version = 14 : i64} {
  func.func @_tc_scale_body(%arg0: memref<10000x128xf32, #tpu.memory_space<vmem>>, %arg1: memref<2x10000x1xf32, #tpu.memory_space<vmem>>, %arg2: memref<10000x128xf32, #tpu.memory_space<vmem>>, %arg3: memref<10000x1xf32, #tpu.memory_space<vmem>>) attributes {dimension_semantics = [], scalar_prefetch = 0 : i64, scratch_operands = 0 : i64, tpu.core_type = #tpu.core_type<tc>} {
    %get3A = arith.constant 0 : index
    %get3A_0 = arith.constant 0 : index
    %get3A_1 = arith.constant 0 : index
    %get3A_2 = vector.load %arg1[%get3A, %get3A_0, %get3A_1] : memref<2x10000x1xf32, #tpu.memory_space<vmem>>, vector<1x10000x1xf32>
    %get3A_3 = vector.shape_cast %get3A_2 : vector<1x10000x1xf32> to vector<10000x1xf32>
    %get3A_4 = arith.constant 1 : index
    %get3A_5 = arith.constant 0 : index
    %get3A_6 = arith.constant 0 : index
    %get3A_7 = vector.load %arg1[%get3A_4, %get3A_5, %get3A_6] : memref<2x10000x1xf32, #tpu.memory_space<vmem>>, vector<1x10000x1xf32>
    %get3A_8 = vector.shape_cast %get3A_7 : vector<1x10000x1xf32> to vector<10000x1xf32>
    %add3A = arith.addf %get3A_3, %get3A_8 : vector<10000x1xf32>
    %add3A_9 = arith.constant 1.000000e+00 : f32
    %add3A_10 = vector.broadcast %add3A_9 : f32 to vector<10000x1xf32>
    %add3A_11 = arith.addf %add3A, %add3A_10 : vector<10000x1xf32>
    %rsqrt3A = math.rsqrt %add3A_11 : vector<10000x1xf32>
    %swap3A = arith.constant 0 : index
    %swap3A_12 = arith.constant 0 : index
    %swap3A_13 = vector.load %arg3[%swap3A, %swap3A_12] : memref<10000x1xf32, #tpu.memory_space<vmem>>, vector<10000x1xf32>
    tpu.vector_store %arg3[%swap3A, %swap3A_12], %rsqrt3A {strides = array<i32>} : memref<10000x1xf32, #tpu.memory_space<vmem>>, vector<10000x1xf32>,
    %get3A_14 = arith.constant 0 : index
    %get3A_15 = arith.constant 0 : index
    %get3A_16 = vector.load %arg0[%get3A_14, %get3A_15] : memref<10000x128xf32, #tpu.memory_space<vmem>>, vector<10000x128xf32>
    %mul3A = vector.broadcast %rsqrt3A : vector<10000x1xf32> to vector<10000x128xf32>
    %mul3A_17 = arith.mulf %get3A_16, %mul3A : vector<10000x128xf32>
    %swap3A_18 = arith.constant 0 : index
    %swap3A_19 = arith.constant 0 : index
    %swap3A_20 = vector.load %arg2[%swap3A_18, %swap3A_19] : memref<10000x128xf32, #tpu.memory_space<vmem>>, vector<10000x128xf32>
    tpu.vector_store %arg2[%swap3A_18, %swap3A_19], %mul3A_17 {strides = array<i32>} : memref<10000x128xf32, #tpu.memory_space<vmem>>, vector<10000x128xf32>,
    return
  }
}

module attributes {stable_mosaic.version = 14 : i64} {
  func.func @_tc_mid_body(%arg0: memref<2x10240x128xf32, #tpu.memory_space<vmem>>, %arg1: memref<10000x128xf32, #tpu.memory_space<vmem>>, %arg2: memref<10000x1xf32, #tpu.memory_space<vmem>>, %arg3: memref<1x128xf32, #tpu.memory_space<vmem>>, %arg4: memref<1x128xf32, #tpu.memory_space<vmem>>, %arg5: memref<1x128xf32, #tpu.memory_space<vmem>>, %arg6: memref<128x128xf32, #tpu.memory_space<vmem>>, %arg7: memref<10000x128xf32, #tpu.memory_space<vmem>>) attributes {dimension_semantics = [], scalar_prefetch = 0 : i64, scratch_operands = 0 : i64, tpu.core_type = #tpu.core_type<tc>} {
    %get3A = arith.constant 0 : index
    %get3A_0 = arith.constant 0 : index
    %get3A_1 = arith.constant 0 : index
    %get3A_2 = vector.load %arg0[%get3A, %get3A_0, %get3A_1] : memref<2x10240x128xf32, #tpu.memory_space<vmem>>, vector<1x10000x128xf32>
    %get3A_3 = vector.shape_cast %get3A_2 : vector<1x10000x128xf32> to vector<10000x128xf32>
    %get3A_4 = arith.constant 1 : index
    %get3A_5 = arith.constant 0 : index
    %get3A_6 = arith.constant 0 : index
    %get3A_7 = vector.load %arg0[%get3A_4, %get3A_5, %get3A_6] : memref<2x10240x128xf32, #tpu.memory_space<vmem>>, vector<1x10000x128xf32>
    %get3A_8 = vector.shape_cast %get3A_7 : vector<1x10000x128xf32> to vector<10000x128xf32>
    %add3A = arith.addf %get3A_3, %get3A_8 : vector<10000x128xf32>
    %get3A_9 = arith.constant 0 : index
    %get3A_10 = arith.constant 0 : index
    %get3A_11 = vector.load %arg1[%get3A_9, %get3A_10] : memref<10000x128xf32, #tpu.memory_space<vmem>>, vector<10000x128xf32>
    %add3A_12 = arith.addf %add3A, %get3A_11 : vector<10000x128xf32>
    %get3A_13 = arith.constant 0 : index
    %get3A_14 = arith.constant 0 : index
    %get3A_15 = vector.load %arg2[%get3A_13, %get3A_14] : memref<10000x1xf32, #tpu.memory_space<vmem>>, vector<10000x1xf32>
    %mul3A = vector.broadcast %get3A_15 : vector<10000x1xf32> to vector<10000x128xf32>
    %mul3A_16 = arith.mulf %add3A_12, %mul3A : vector<10000x128xf32>
    %get3A_17 = arith.constant 0 : index
    %get3A_18 = arith.constant 0 : index
    %get3A_19 = vector.load %arg3[%get3A_17, %get3A_18] : memref<1x128xf32, #tpu.memory_space<vmem>>, vector<1x128xf32>
    %add3A_20 = vector.broadcast %get3A_19 : vector<1x128xf32> to vector<10000x128xf32>
    %add3A_21 = arith.addf %mul3A_16, %add3A_20 : vector<10000x128xf32>
    %reduce_sum3A = arith.constant dense<0.000000e+00> : vector<128xf32>
    %reduce_sum3A_22 = vector.multi_reduction <add>, %add3A_21, %reduce_sum3A [0] : vector<10000x128xf32> to vector<128xf32>
    %broadcast_in_dim3A = vector.shape_cast %reduce_sum3A_22 : vector<128xf32> to vector<1x128xf32>
    %div3A = arith.constant 1.000000e+04 : f32
    %div3A_23 = vector.broadcast %div3A : f32 to vector<1x128xf32>
    %div3A_24 = arith.divf %broadcast_in_dim3A, %div3A_23 : vector<1x128xf32>
    %sub3A = vector.broadcast %div3A_24 : vector<1x128xf32> to vector<10000x128xf32>
    %sub3A_25 = arith.subf %add3A_21, %sub3A : vector<10000x128xf32>
    %integer_pow3A = arith.mulf %sub3A_25, %sub3A_25 : vector<10000x128xf32>
    %reduce_sum3A_26 = arith.constant dense<0.000000e+00> : vector<128xf32>
    %reduce_sum3A_27 = vector.multi_reduction <add>, %integer_pow3A, %reduce_sum3A_26 [0] : vector<10000x128xf32> to vector<128xf32>
    %broadcast_in_dim3A_28 = vector.shape_cast %reduce_sum3A_27 : vector<128xf32> to vector<1x128xf32>
    %div3A_29 = arith.constant 1.000000e+04 : f32
    %div3A_30 = vector.broadcast %div3A_29 : f32 to vector<1x128xf32>
    %div3A_31 = arith.divf %broadcast_in_dim3A_28, %div3A_30 : vector<1x128xf32>
    %sub3A_32 = vector.broadcast %div3A_24 : vector<1x128xf32> to vector<10000x128xf32>
    %sub3A_33 = arith.subf %add3A_21, %sub3A_32 : vector<10000x128xf32>
    %add3A_34 = arith.constant 9.99999974E-6 : f32
    %add3A_35 = vector.broadcast %add3A_34 : f32 to vector<1x128xf32>
    %add3A_36 = arith.addf %div3A_31, %add3A_35 : vector<1x128xf32>
    %rsqrt3A = math.rsqrt %add3A_36 : vector<1x128xf32>
    %mul3A_37 = vector.broadcast %rsqrt3A : vector<1x128xf32> to vector<10000x128xf32>
    %mul3A_38 = arith.mulf %sub3A_33, %mul3A_37 : vector<10000x128xf32>
    %get3A_39 = arith.constant 0 : index
    %get3A_40 = arith.constant 0 : index
    %get3A_41 = vector.load %arg4[%get3A_39, %get3A_40] : memref<1x128xf32, #tpu.memory_space<vmem>>, vector<1x128xf32>
    %mul3A_42 = vector.broadcast %get3A_41 : vector<1x128xf32> to vector<10000x128xf32>
    %mul3A_43 = arith.mulf %mul3A_38, %mul3A_42 : vector<10000x128xf32>
    %get3A_44 = arith.constant 0 : index
    %get3A_45 = arith.constant 0 : index
    %get3A_46 = vector.load %arg5[%get3A_44, %get3A_45] : memref<1x128xf32, #tpu.memory_space<vmem>>, vector<1x128xf32>
    %add3A_47 = vector.broadcast %get3A_46 : vector<1x128xf32> to vector<10000x128xf32>
    %add3A_48 = arith.addf %mul3A_43, %add3A_47 : vector<10000x128xf32>
    %max3A = arith.constant 0.000000e+00 : f32
    %max3A_49 = vector.broadcast %max3A : f32 to vector<10000x128xf32>
    %max3A_50 = arith.maximumf %add3A_48, %max3A_49 : vector<10000x128xf32>
    %get3A_51 = arith.constant 0 : index
    %get3A_52 = arith.constant 0 : index
    %get3A_53 = vector.load %arg6[%get3A_51, %get3A_52] : memref<128x128xf32, #tpu.memory_space<vmem>>, vector<128x128xf32>
    %dot_general3A = arith.constant dense<0.000000e+00> : vector<10000x128xf32>
    %dot_general3A_54 = tpu.matmul %max3A_50, %get3A_53, %dot_general3A {dimension_numbers = #tpu.dot_dimension_numbers<[1], [0], [0], [1], [0, 0, 1, 1], [], []>, transpose_lhs_hint = false} : vector<10000x128xf32>, vector<128x128xf32>, vector<10000x128xf32> -> vector<10000x128xf32>
    %get3A_55 = arith.constant 0 : index
    %get3A_56 = arith.constant 0 : index
    %get3A_57 = vector.load %arg2[%get3A_55, %get3A_56] : memref<10000x1xf32, #tpu.memory_space<vmem>>, vector<10000x1xf32>
    %mul3A_58 = vector.broadcast %get3A_57 : vector<10000x1xf32> to vector<10000x128xf32>
    %mul3A_59 = arith.mulf %dot_general3A_54, %mul3A_58 : vector<10000x128xf32>
    %swap3A = arith.constant 0 : index
    %swap3A_60 = arith.constant 0 : index
    %swap3A_61 = vector.load %arg7[%swap3A, %swap3A_60] : memref<10000x128xf32, #tpu.memory_space<vmem>>, vector<10000x128xf32>
    tpu.vector_store %arg7[%swap3A, %swap3A_60], %mul3A_59 {strides = array<i32>} : memref<10000x128xf32, #tpu.memory_space<vmem>>, vector<10000x128xf32>,
    return
  }
}

module attributes {stable_mosaic.version = 14 : i64} {
  func.func @_tc_last_body(%arg0: memref<2x10240x128xf32, #tpu.memory_space<vmem>>, %arg1: memref<10000x128xf32, #tpu.memory_space<vmem>>, %arg2: memref<10000x1xf32, #tpu.memory_space<vmem>>, %arg3: memref<1x128xf32, #tpu.memory_space<vmem>>, %arg4: memref<1x128xf32, #tpu.memory_space<vmem>>, %arg5: memref<1x128xf32, #tpu.memory_space<vmem>>, %arg6: memref<10000x128xf32, #tpu.memory_space<vmem>>) attributes {dimension_semantics = [], scalar_prefetch = 0 : i64, scratch_operands = 0 : i64, tpu.core_type = #tpu.core_type<tc>} {
    %get3A = arith.constant 0 : index
    %get3A_0 = arith.constant 0 : index
    %get3A_1 = arith.constant 0 : index
    %get3A_2 = vector.load %arg0[%get3A, %get3A_0, %get3A_1] : memref<2x10240x128xf32, #tpu.memory_space<vmem>>, vector<1x10000x128xf32>
    %get3A_3 = vector.shape_cast %get3A_2 : vector<1x10000x128xf32> to vector<10000x128xf32>
    %get3A_4 = arith.constant 1 : index
    %get3A_5 = arith.constant 0 : index
    %get3A_6 = arith.constant 0 : index
    %get3A_7 = vector.load %arg0[%get3A_4, %get3A_5, %get3A_6] : memref<2x10240x128xf32, #tpu.memory_space<vmem>>, vector<1x10000x128xf32>
    %get3A_8 = vector.shape_cast %get3A_7 : vector<1x10000x128xf32> to vector<10000x128xf32>
    %add3A = arith.addf %get3A_3, %get3A_8 : vector<10000x128xf32>
    %get3A_9 = arith.constant 0 : index
    %get3A_10 = arith.constant 0 : index
    %get3A_11 = vector.load %arg1[%get3A_9, %get3A_10] : memref<10000x128xf32, #tpu.memory_space<vmem>>, vector<10000x128xf32>
    %add3A_12 = arith.addf %add3A, %get3A_11 : vector<10000x128xf32>
    %get3A_13 = arith.constant 0 : index
    %get3A_14 = arith.constant 0 : index
    %get3A_15 = vector.load %arg2[%get3A_13, %get3A_14] : memref<10000x1xf32, #tpu.memory_space<vmem>>, vector<10000x1xf32>
    %mul3A = vector.broadcast %get3A_15 : vector<10000x1xf32> to vector<10000x128xf32>
    %mul3A_16 = arith.mulf %add3A_12, %mul3A : vector<10000x128xf32>
    %get3A_17 = arith.constant 0 : index
    %get3A_18 = arith.constant 0 : index
    %get3A_19 = vector.load %arg3[%get3A_17, %get3A_18] : memref<1x128xf32, #tpu.memory_space<vmem>>, vector<1x128xf32>
    %add3A_20 = vector.broadcast %get3A_19 : vector<1x128xf32> to vector<10000x128xf32>
    %add3A_21 = arith.addf %mul3A_16, %add3A_20 : vector<10000x128xf32>
    %reduce_sum3A = arith.constant dense<0.000000e+00> : vector<128xf32>
    %reduce_sum3A_22 = vector.multi_reduction <add>, %add3A_21, %reduce_sum3A [0] : vector<10000x128xf32> to vector<128xf32>
    %broadcast_in_dim3A = vector.shape_cast %reduce_sum3A_22 : vector<128xf32> to vector<1x128xf32>
    %div3A = arith.constant 1.000000e+04 : f32
    %div3A_23 = vector.broadcast %div3A : f32 to vector<1x128xf32>
    %div3A_24 = arith.divf %broadcast_in_dim3A, %div3A_23 : vector<1x128xf32>
    %sub3A = vector.broadcast %div3A_24 : vector<1x128xf32> to vector<10000x128xf32>
    %sub3A_25 = arith.subf %add3A_21, %sub3A : vector<10000x128xf32>
    %integer_pow3A = arith.mulf %sub3A_25, %sub3A_25 : vector<10000x128xf32>
    %reduce_sum3A_26 = arith.constant dense<0.000000e+00> : vector<128xf32>
    %reduce_sum3A_27 = vector.multi_reduction <add>, %integer_pow3A, %reduce_sum3A_26 [0] : vector<10000x128xf32> to vector<128xf32>
    %broadcast_in_dim3A_28 = vector.shape_cast %reduce_sum3A_27 : vector<128xf32> to vector<1x128xf32>
    %div3A_29 = arith.constant 1.000000e+04 : f32
    %div3A_30 = vector.broadcast %div3A_29 : f32 to vector<1x128xf32>
    %div3A_31 = arith.divf %broadcast_in_dim3A_28, %div3A_30 : vector<1x128xf32>
    %sub3A_32 = vector.broadcast %div3A_24 : vector<1x128xf32> to vector<10000x128xf32>
    %sub3A_33 = arith.subf %add3A_21, %sub3A_32 : vector<10000x128xf32>
    %add3A_34 = arith.constant 9.99999974E-6 : f32
    %add3A_35 = vector.broadcast %add3A_34 : f32 to vector<1x128xf32>
    %add3A_36 = arith.addf %div3A_31, %add3A_35 : vector<1x128xf32>
    %rsqrt3A = math.rsqrt %add3A_36 : vector<1x128xf32>
    %mul3A_37 = vector.broadcast %rsqrt3A : vector<1x128xf32> to vector<10000x128xf32>
    %mul3A_38 = arith.mulf %sub3A_33, %mul3A_37 : vector<10000x128xf32>
    %get3A_39 = arith.constant 0 : index
    %get3A_40 = arith.constant 0 : index
    %get3A_41 = vector.load %arg4[%get3A_39, %get3A_40] : memref<1x128xf32, #tpu.memory_space<vmem>>, vector<1x128xf32>
    %mul3A_42 = vector.broadcast %get3A_41 : vector<1x128xf32> to vector<10000x128xf32>
    %mul3A_43 = arith.mulf %mul3A_38, %mul3A_42 : vector<10000x128xf32>
    %get3A_44 = arith.constant 0 : index
    %get3A_45 = arith.constant 0 : index
    %get3A_46 = vector.load %arg5[%get3A_44, %get3A_45] : memref<1x128xf32, #tpu.memory_space<vmem>>, vector<1x128xf32>
    %add3A_47 = vector.broadcast %get3A_46 : vector<1x128xf32> to vector<10000x128xf32>
    %add3A_48 = arith.addf %mul3A_43, %add3A_47 : vector<10000x128xf32>
    %swap3A = arith.constant 0 : index
    %swap3A_49 = arith.constant 0 : index
    %swap3A_50 = vector.load %arg6[%swap3A, %swap3A_49] : memref<10000x128xf32, #tpu.memory_space<vmem>>, vector<10000x128xf32>
    tpu.vector_store %arg6[%swap3A, %swap3A_49], %add3A_48 {strides = array<i32>} : memref<10000x128xf32, #tpu.memory_space<vmem>>, vector<10000x128xf32>,
    return
  }
}

</mosaic_0001>

<sc_bundles>
// kernel: kernel.12.cloned.1.call-start
scs
__scs_entry_jumppad:
0x0: {  	(pc) =	sbr.rel $0x88, $3  }
0x1: {  	(tag) =	ssettag $0x0;
	lr =	simm.s32 $0x1  }
0x2: {  	[smem:$0x3F97] =	sst lr;
	_ =	strace $0xD0000000  }
0x3: {  	_ = 	snop  }
0x4: {  	_ = 	snop  }
0x5: {  	_ = 	snop  }
0x6: {  	_ = 	snop  }
0x7: {  	_ = 	snop  }
__scs_overlays_trampoline_lowered:
0x8: {  	[smem:$0x3FA6] =	sst s0  }
0x9: {  	[smem:$0x3FA7] =	sst s1  }
0xa: {  	[smem:$0x3FA8] =	sst s2  }
0xb: {  	[smem:$0x3FA9] =	sst s3  }
0xc: {  	[smem:$0x3FAA] =	sst s4  }
0xd: {  	[smem:$0x3FAB] =	sst s5  }
0xe: {  	[smem:$0x3FAC] =	sst s6  }
0xf: {  	[smem:$0x3FAD] =	sst s7  }
0x10: {  	[smem:$0x3FAE] =	sst s8  }
0x11: {  	[smem:$0x3FAF] =	sst s9;
	s0 =	simm.s32 @!p0 $0x0  }
0x12: {  	s1 =	sld [smem:$0x3F95];
	s0 =	simm.s32 @p0 $0x1  }
0x13: {  	[smem:$0x3FB0] =	sst s0;
	s0 =	simm.s32 @!p1 $0x0  }
0x14: {  	s2 =	sld [smem:$0x3F94];
	s0 =	simm.s32 @p1 $0x1  }
0x15: {  	[smem:$0x3FB1] =	sst s0;
	s0 =	simm.s32 @!p2 $0x0  }
0x16: {  	s3 =	sld [smem:$0x3FDB];
	s0 =	simm.s32 @p2 $0x1  }
0x17: {  	s4 =	simm.s32 $0x1BF5;
	[smem:$0x3FB3] =	sst s0  }
0x18: {  	s0 =	sld [smem:$0x3F96];
	_ =	swait.ge [sflag:s4], $0x0  }
0x19: {  	s7 =	sld [smem:$0x3F97]  }
0x1a: {  	s8 =	sadd.s32 $0xFFFFE003, lr  }
0x1b: {  	s9 =	sadd.s32 $0xFFFFFEF7, lr;
	s5 =	simm.s32 $0xFFFFFFFF;
	p2 =	slt.u32 s8, $0xFFFFF086  }
0x1c: {  	p1 =	slt.u32 s9, $0xF7A;
	s5 =	simm.s32 @!p2 $0x0  }
0x1d: {  	s5 =	simm.s32 @p1 $0x1;
	p0 =	seq.s32 s7, s2  }
0x1e: {  	s7 =	smul.u32 @!p0 $0xF7A, s2;
	p2 =	seq.s32 @!p0 s5, $0x0  }
0x1f: {  	s9 =	smul.u32 $0xF7A, s1;
	s8 =	simm.s32 @!p0 $0x1BF5;
	p2 =	por !p2, p0  }
0x20: {  	[sflag:s8] =	ssyncset.s32 @!p0 $0xFFFFF086;
	s6 =	sadd.s32 @!p0 s3, s7;
	s7 =	simm.s32 @!p0 $0x108  }
0x21: {  	s3 =	sadd.s32 s3, s9;
	s6 =	sadd.s32 @!p0 $0x88, s6;
	s7 =	simm.s32 @p2 $0x1082  }
0x22: {  	[simem:s7], [sflag:s8] =	dma.local @!p0 [hbm:s6], $0xF7A  }
0x23: {  	s9 =	sor.u32 $0xD0000000, s2;
	s6 =	simm.s32 $0x108;
	_ =	swait.ge @!p0 [sflag:s8], $0x0  }
0x24: {  	s3 =	sadd.s32 $0x88, s3;
	s6 =	simm.s32 @!p1 $0x1082;
	[sflag:s4] =	ssyncset.s32 $0xFFFFF086  }
0x25: {  	[simem:s6], [sflag:s4] =	dma.local [hbm:s3], $0xF7A  }
0x26: {  	[smem:$0x3F97] =	sst s1;
	(tag) =	ssettag s2;
	_ =	strace s9  }
0x27: {  	s1 =	sld [smem:$0x3FA7]  }
0x28: {  	s2 =	sld [smem:$0x3FA8]  }
0x29: {  	s4 =	sld [smem:$0x3FAA]  }
0x2a: {  	p0 =	seq.s32 s5, $0x0;
	s5 =	sld [smem:$0x3FAB]  }
0x2b: {  	s6 =	sld [smem:$0x3FAC]  }
0x2c: {  	s7 =	sld [smem:$0x3FAD]  }
0x2d: {  	s3 =	simm.s32 $0x108;
	s8 =	sld [smem:$0x3FAE]  }
0x2e: {  	s3 =	simm.s32 @!p0 $0x1082;
	s9 =	sld [smem:$0x3FAF]  }
0x2f: {  	lr =	sadd.s32 s0, s3;
	s0 =	sld [smem:$0x3FA6]  }
0x30: {  	s3 =	sld [smem:$0x3FA9]  }
0x31: {  	[smem:$0x3FB2] =	sst s10  }
0x32: {  	s10 =	sld [smem:$0x3FB0];
	_ =	sdelay $0x3  }
0x33: {  	p0 =	seq.s32 s10, $0x1;
	s10 =	sld [smem:$0x3FB2];
	_ =	sdelay $0x3  }
0x34: {  	[smem:$0x3FB2] =	sst s10  }
0x35: {  	s10 =	sld [smem:$0x3FB1];
	_ =	sdelay $0x3  }
0x36: {  	p1 =	seq.s32 s10, $0x1;
	s10 =	sld [smem:$0x3FB2];
	_ =	sdelay $0x3  }
0x37: {  	[smem:$0x3FB2] =	sst s10  }
0x38: {  	s10 =	sld [smem:$0x3FB3]  }
0x39: {  	_ = 	snop;
	(pc) =	sbr.ind lr, $3  }
0x3a: {  	_ = 	snop  }
0x3b: {  	_ = 	snop  }
0x3c: {  	p2 =	seq.s32 s10, $0x1;
	s10 =	sld [smem:$0x3FB2]  }
0x3d: {  	_ =	shalt  }
0x3e: {  	_ =	shalt  }
0x3f: {  	_ =	shalt  }
0x40: {  	_ =	shalt  }
0x41: {  	_ =	shalt  }
0x42: {  	_ =	shalt  }
0x43: {  	_ =	shalt  }
0x44: {  	_ =	shalt  }
0x45: {  	_ =	shalt  }
0x46: {  	_ =	shalt  }
0x47: {  	_ =	shalt  }
0x48: {  	_ =	shalt  }
0x49: {  	_ =	shalt  }
0x4a: {  	_ =	shalt  }
0x4b: {  	_ =	shalt  }
0x4c: {  	_ =	shalt  }
0x4d: {  	_ =	shalt  }
0x4e: {  	_ =	shalt  }
0x4f: {  	_ =	shalt  }
0x50: {  	_ =	shalt  }
0x51: {  	_ =	shalt  }
0x52: {  	_ =	shalt  }
0x53: {  	_ =	shalt  }
0x54: {  	_ =	shalt  }
0x55: {  	_ =	shalt  }
0x56: {  	_ =	shalt  }
0x57: {  	_ =	shalt  }
0x58: {  	_ =	shalt  }
0x59: {  	_ =	shalt  }
0x5a: {  	_ =	shalt  }
0x5b: {  	_ =	shalt  }
0x5c: {  	_ =	shalt  }
0x5d: {  	_ =	shalt  }
0x5e: {  	_ =	shalt  }
0x5f: {  	_ =	shalt  }
0x60: {  	_ =	shalt  }
0x61: {  	_ =	shalt  }
0x62: {  	_ =	shalt  }
0x63: {  	_ =	shalt  }
0x64: {  	_ =	shalt  }
0x65: {  	_ =	shalt  }
0x66: {  	_ =	shalt  }
0x67: {  	_ =	shalt  }
0x68: {  	_ =	shalt  }
0x69: {  	_ =	shalt  }
0x6a: {  	_ =	shalt  }
0x6b: {  	_ =	shalt  }
0x6c: {  	_ =	shalt  }
0x6d: {  	_ =	shalt  }
0x6e: {  	_ =	shalt  }
0x6f: {  	_ =	shalt  }
0x70: {  	_ =	shalt  }
0x71: {  	_ =	shalt  }
0x72: {  	_ =	shalt  }
0x73: {  	_ =	shalt  }
0x74: {  	_ =	shalt  }
0x75: {  	_ =	shalt  }
0x76: {  	_ =	shalt  }
0x77: {  	_ =	shalt  }
0x78: {  	_ =	shalt  }
0x79: {  	_ =	shalt  }
0x7a: {  	_ =	shalt  }
0x7b: {  	_ =	shalt  }
0x7c: {  	_ =	shalt  }
0x7d: {  	_ =	shalt  }
0x7e: {  	_ =	shalt  }
0x7f: {  	_ =	shalt  }
0x80: {  	_ =	shalt  }
0x81: {  	_ =	shalt  }
0x82: {  	_ =	shalt  }
0x83: {  	_ =	shalt  }
0x84: {  	_ =	shalt  }
0x85: {  	_ =	shalt  }
0x86: {  	_ =	shalt  }
0x87: {  	_ =	shalt  }
.Lfunc_end0:
.L_simem_size_0:
called_computation.1_lowered:
.L_overlay_start_0:
0x88: {  	s2 =	sld [smem:$0x3FD9]  }
0x89: {  	s3 =	sld [smem:$0x3FFE];
	_ =	sdelay $0x1  }
0x8a: {  	s1 =	srdreg.scid  }
0x8b: {  	s0 =	sand.u32 $0x1, s1  }
0x8c: {  	s17 =	sshll.u32 s0, $0xA;
	s2 =	sadd.s32 s3, s2  }
0x8d: {  	s2 =	sadd.s32 s2, s17  }
0x8e: {  	[smem:$0x3FBE] =	sst s2  }
0x8f: {  	_ = 	snop  }
0x90: {  	s2 =	sld [smem:$0x3FD0];
	(tm) =	ssettm $0x1  }
0x91: {  	s18 =	sld [smem:$0x3FFB];
	_ =	sdelay $0x3  }
0x92: {  	_ =	strace s18  }
0x93: {  	s3 =	sld [smem:$0x3FFC];
	_ =	sdelay $0x3  }
0x94: {  	_ =	strace s3  }
0x95: {  	s3 =	sld [smem:$0x3FFD];
	_ =	sdelay $0x3  }
0x96: {  	_ =	strace s3  }
0x97: {  	_ =	strace $0x8FFFFFFF  }
0x98: {  	s19 =	sld [smem:$0x3FDB];
	_ =	sdelay $0x1  }
0x99: {  	s4 =	simm.s32 $_scs_section_size  }
0x9a: {  	s5 =	simm.s32 $_size__tile_overlayer_lowered;
	s6 =	simm.s32 $_tile_overlayer_lowered  }
0x9b: {  	s22 =	simm.s32 $0x1BFF;
	s21 =	sshll.u32 s6, $0x1;
	s3 =	sadd.s32 s4, s19  }
0x9c: {  	s7 =	simm.s32 $0x0;
	s20 =	sshll.u32 s5, $0x1;
	s5 =	sadd.s32 s21, s3  }
0x9d: {  	[timem:s7], [sflag:s22] =	dma.local [hbm:s5], s20  }
0x9e: {  	_ =	swait.ge [sflag:s22], s20  }
0x9f: {  	s4 =	ssub.s32 $0x0, s20;
	[sflag:s22] =	ssyncset.done $0x0  }
0xa0: {  	[sflag:s22] =	ssyncadd.s32 s4;
	_ =	sdelay $0x1  }
0xa1: {  	s23 =	simm.s32 $0x1B8B  }
0xa2: {  	_ =	swait.ge [sflag:s23], $0x1  }
0xa3: {  	[sflag:s23] =	ssyncset.done $0x0  }
0xa4: {  	s25 =	simm.s32 $0x1B8E;
	s24 =	sld [smem:$0x3FFE];
	[sflag:s23] =	ssyncadd.s32 $0xFFFFFFFF  }
0xa5: {  	s26 =	simm.s32 $execute0_lowered;
	[smem:$0x3FD2] =	sst s25  }
0xa6: {  	s5 =	sshll.u32 s26, $0x1;
	_ =	strace $0x80000049;
	[dreg:$0x1] =	wrdreg $0xFFFFFFFF  }
0xa7: {  	s28 =	simm.s32 $_size_execute0_lowered;
	s3 =	sadd.s32 s3, s5;
	[dreg:$0x0] =	wrdreg $0x0  }
0xa8: {  	s5 =	sshll.u32 s28, $0x1;
	[dreg:$0x2] =	wrdreg s3  }
0xa9: {  	[dreg:$0x3] =	wrdreg s5  }
0xaa: {  	[dreg:$0x4] =	wrdreg $0xC0  }
0xab: {  	_ =	task [dreg:s7], $0x5FFFF  }
0xac: {  	[dreg:$0x1] =	wrdreg $0xFFFFFFFF  }
0xad: {  	[dreg:$0x0] =	wrdreg $0x60  }
0xae: {  	[dreg:$0x2] =	wrdreg s2  }
0xaf: {  	[dreg:$0x3] =	wrdreg s24  }
0xb0: {  	[dreg:$0x4] =	wrdreg $0xA0000  }
0xb1: {  	[dreg:$0x5] =	wrdreg $0x9  }
0xb2: {  	_ =	task.clear_ibuf [dreg:s7], $0x6FFFF;
	_ =	strace $0x90000049  }
0xb3: {  	s29 =	simm.s32 $0x9;
	_ =	strace $0x8000004B  }
0xb4: {  	_ =	swait.ge [sflag:s29], $0x1  }
0xb5: {  	[sflag:s29] =	ssyncadd.s32 $0xFFFFFFFF  }
0xb6: {  	_ =	strace $0x9000004B  }
0xb7: {  	_ =	sfence  }
0xb8: {  	s30 =	sld [smem:$0x0];
	_ =	sdelay $0x2  }
0xb9: {  	s31 =	sshll.u32 s1, $0xD;
	s1 =	sshrl.u32 s1, $0x2  }
0xba: {  	s3 =	sand.u32 $0x4000, s31;
	s1 =	sadd.s32 s1, s30  }
0xbb: {  	s0 =	sor.u32 s3, s0;
	s1 =	sshll.u32 s1, $0x11  }
0xbc: {  	s0 =	sor.u32 s1, s0  }
0xbd: {  	s0 =	sadd.s32 $0x8F2B, s0  }
0xbe: {  	[sflag:s0] =	ssyncadd.remote.s32 $0x1  }
0xbf: {  	_ =	sfence.sel $0xFFFF  }
0xc0: {  	[dreg:$0x0] =	wrdreg $0xFFFFFFFF;
	(pc) =	sbr.abs _section_cstart, $3  }
0xc1: {  	[dreg:$0x1] =	wrdreg $0xFFFFFFFF  }
0xc2: {  	_ =	task.clear_ibuf [dreg:s7], $0x2FFFF;
	_ =	strace $0x9FFFFFFF  }
0xc3: {  	(tm) =	ssettm $0x7FFFFFFF  }
tec
execute0_lowered:
.L_overlay_start_1:
0x0: {  	(tag) =	ssettag $0x1  }
0x1: {  	s1 =	rddreg [dreg:$0x0]  }
0x2: {  	s0 =	rddreg [dreg:$0x1]  }
0x3: {  	s2 =	rddreg [dreg:$0x2];
	s4 =	simm.s32 $0x0  }
0x4: {  	s13 =	stileid.u32;
	s5 =	srdreg.scid;
	s28 =	simm.s32 $0x80  }
0x5: {  	s29 =	simm.s32 $0x6000;
	s30 =	simm.s32 $0x1;
	s31 =	simm.s32 $0x3  }
0x6: {  	[smem:$0x7FF] =	sst s4;
	s3 =	sadd.s32 $0xF400, s0;
	s9 =	sadd.s32 $0x3200, s0  }
0x7: {  	s6 =	sshll.u32 s13, $0x4;
	s10 =	sand.u32 $0x1, s5;
	s19 =	smul.u32 $0x50000, s13  }
0x8: {  	s12 =	smul.u32 $0x14000, s13;
	_ =	strace $0x8000004A;
	s11 =	sadd.s32 s6, s0  }
0x9: {  	s5 =	ssub.s32 $0x2, s10;
	s8 =	sshll.u32 s10, $0x4;
	s0 =	sadd.s32 $0x1B600, s0  }
0xa: {  	s10 =	smul.u32 $0x140000, s10;
	s7 =	sshrl.u32 s5, $0x1;
	s25 =	sor.u32 s13, s8  }
0xb: {  	s20 =	sshrl.u32 s19, $0x2;
	s16 =	sadd.s32 $0x4000, s12;
	s17 =	sadd.s32 $0x8000, s12  }
0xc: {  	s18 =	sadd.s32 $0xC000, s12;
	s19 =	sadd.s32 $0x10000, s12;
	s23 =	ssub.s32 s5, s7  }
0xd: {  	s8 =	smul.u32 $0x3000, s25;
	s5 =	sadd.s32 s20, s2;
	s6 =	sadd.s32 s16, s2  }
0xe: {  	s7 =	sadd.s32 s17, s2;
	s12 =	sadd.s32 s12, s10;
	s20 =	sadd.s32 $0x1B400, s11  }
0xf: {  	p0 =	sgt.u32 s25, $0x3;
	s25 =	simm.s32 $0x5;
	s21 =	sshrl.u32 s8, $0x3  }
0x10: {  	[dreg:$0xa] =	wrdreg s20;
	s23 =	smax.u32 s23, $0x1;
	s15 =	sadd.s32 s3, s21  }
0x11: {  	s14 =	sadd.s32 $0x200, s21;
	s22 =	sadd.s32 s9, s21;
	[dreg:$0x4] =	wrdreg s15  }
0x12: {  	s8 =	sadd.s32 s18, s2;
	[dreg:$0x5] =	wrdreg s22;
	s24 =	sadd.s32 s3, s14  }
0x13: {  	s26 =	sadd.s32 $0x400, s21;
	s14 =	sadd.s32 s9, s14;
	[dreg:$0x6] =	wrdreg s24  }
0x14: {  	s21 =	sadd.s32 s10, s18;
	s3 =	sadd.s32 s3, s26;
	[dreg:$0x7] =	wrdreg s14  }
0x15: {  	s9 =	sadd.s32 s9, s26;
	s15 =	sadd.s32 s19, s2;
	[dreg:$0x8] =	wrdreg s3  }
0x16: {  	[dreg:$0x9] =	wrdreg s9;
	s14 =	sadd.s32 s10, s16;
	s16 =	sadd.s32 s10, s17  }
0x17: {  	s10 =	sadd.s32 s10, s19;
	s17 =	sadd.s32 $0xF200, s11;
	s3 =	sshrl.u32 s12, $0x3  }
0x18: {  	s24 =	sshrl.u32 s21, $0x3;
	s9 =	sshrl.u32 s14, $0x3;
	s18 =	sadd.s32 s0, s3  }
0x19: {  	s22 =	sshrl.u32 s16, $0x3;
	s26 =	sshrl.u32 s10, $0x3;
	s21 =	sadd.s32 s0, s24  }
0x1a: {  	s24 =	simm.s32 $0x2000;
	s3 =	simm.s32 $0x4;
	s10 =	simm.s32 $0x1C80  }
0x1b: {  	s19 =	sadd.s32 s0, s9;
	s20 =	sadd.s32 s0, s22;
	s22 =	sadd.s32 s0, s26  }
0x1c: {  	v0 =	vimm.f32 $0.0e+00;
	s26 =	simm.s32 $0x1000;
	s0 =	simm.s32 $0x2;
	s9 =	simm.s32 $0x1C00  }
.LBB2_1:
0x1d: {  	s11 =	simm.s32 $0x0;
	s12 =	simm.s32 $0x200  }
.LBB2_2:
0x1e: {  	p1 =	sne.s32 s12, $0xFE00;
	[tilespmem:s11+$0x2070] =	vst v0  }
0x1f: {  	[tilespmem:s11+$0x2000] =	vst v0  }
0x20: {  	[tilespmem:s11+$0x2010] =	vst v0  }
.Ltmp0:
0x21: {  	[tilespmem:s11+$0x2020] =	vst v0;
	(pc) =	sbr.rel @p1 .LBB2_2-.Ltmp0, $4  }
0x22: {  	[tilespmem:s11+$0x2030] =	vst v0  }
0x23: {  	[tilespmem:s11+$0x2040] =	vst v0  }
0x24: {  	[tilespmem:s11+$0x2050] =	vst v0  }
0x25: {  	[tilespmem:s11+$0x2060] =	vst v0;
	s11 =	sshra.s32 s12, $0x2;
	s12 =	sadd.s32 $0x200, s12  }
0x26: {  	[tilespmem:s11+$0x2070] =	vst v0  }
0x27: {  	[tilespmem:s11+$0x2000] =	vst v0  }
0x28: {  	[tilespmem:s11+$0x2010] =	vst v0  }
0x29: {  	[tilespmem:s11+$0x2020] =	vst v0  }
0x2a: {  	[tilespmem:s11+$0x2030] =	vst v0  }
0x2b: {  	[tilespmem:s11+$0x2040] =	vst v0  }
0x2c: {  	[tilespmem:s11+$0x2050] =	vst v0  }
0x2d: {  	[tilespmem:s11+$0x2060] =	vst v0  }
0x2e: {  	[spmem:s5] =	stream.linear.scatter [tilespmem:s24], [sflag:$0x5], $0x4000, $0x38;
	[tilespmem:$0x1E000] =	vst v63  }
0x2f: {  	_ =	swait.ge [sflag:s25], $0x4000  }
0x30: {  	[sflag:s25] =	ssyncset.done $0x0  }
0x31: {  	[sflag:s25] =	ssyncadd.s32 $0xFFFFC000  }
0x32: {  	[spmem:s6] =	stream.linear.scatter [tilespmem:s24], [sflag:$0x5], $0x4000, $0x38;
	[tilespmem:$0x1E000] =	vst v63  }
0x33: {  	_ =	swait.ge [sflag:s25], $0x4000  }
0x34: {  	[sflag:s25] =	ssyncset.done $0x0  }
0x35: {  	[sflag:s25] =	ssyncadd.s32 $0xFFFFC000  }
0x36: {  	[spmem:s7] =	stream.linear.scatter [tilespmem:s24], [sflag:$0x5], $0x4000, $0x38;
	[tilespmem:$0x1E000] =	vst v63  }
0x37: {  	_ =	swait.ge [sflag:s25], $0x4000  }
0x38: {  	[sflag:s25] =	ssyncset.done $0x0  }
0x39: {  	[sflag:s25] =	ssyncadd.s32 $0xFFFFC000  }
0x3a: {  	[spmem:s8] =	stream.linear.scatter [tilespmem:s24], [sflag:$0x5], $0x4000, $0x38;
	[tilespmem:$0x1E000] =	vst v63  }
0x3b: {  	_ =	swait.ge [sflag:s25], $0x4000  }
0x3c: {  	[sflag:s25] =	ssyncset.done $0x0  }
0x3d: {  	[sflag:s25] =	ssyncadd.s32 $0xFFFFC000  }
0x3e: {  	[spmem:s15] =	stream.linear.scatter [tilespmem:s24], [sflag:$0x5], $0x4000, $0x38;
	[tilespmem:$0x1E000] =	vst v63  }
0x3f: {  	_ =	swait.ge [sflag:s25], $0x4000  }
0x40: {  	[sflag:s25] =	ssyncset.done $0x0  }
0x41: {  	[sflag:s25] =	ssyncadd.s32 $0xFFFFC000  }
0x42: {  	[bflag:$0x0] =	sbarrier.arrive $0xFFFF  }
0x43: {  	s14 =	simm.s32 $0x0;
	s12 =	rddreg [dreg:$0x4]  }
0x44: {  	[tilespmem:s14], [sflag:$0x5] =	stream.linear.gather [hbm4b:s12+s14], $0xD00, $0x38;
	[tilespmem:$0x1E000] =	vst v63  }
0x45: {  	_ =	swait.ge [sflag:s25], $0xD00  }
0x46: {  	[sflag:s25] =	ssyncset.done $0x0  }
0x47: {  	s16 =	rddreg [dreg:$0x5];
	[sflag:s25] =	ssyncadd.s32 $0xFFFFF300  }
0x48: {  	[tilespmem:s26], [sflag:$0x5] =	stream.linear.gather [hbm4b:s16+s14], $0xD00, $0x38;
	[tilespmem:$0x1E000] =	vst v63  }
0x49: {  	_ =	swait.ge [sflag:s25], $0xD00  }
0x4a: {  	[sflag:s25] =	ssyncset.done $0x0  }
0x4b: {  	[sflag:s25] =	ssyncadd.s32 $0xFFFFF300  }
0x4c: {  	[tilespmem:s24], [sflag:$0x1] =	stream.indirect.gather [hbm4b:s1+s28], $0x80, s14, s28, $0xb8;
	[tilespmem:$0x1E000] =	vst v63  }
0x4d: {  	_ = 	snop  }
0x4e: {  	[tilespmem:s29], [sflag:$0x2] =	stream.indirect.gather [hbm4b:s1+s28], $0x80, s28, s28, $0xb8;
	[tilespmem:$0x1E000] =	vst v63  }
0x4f: {  	_ =	swait.ge [sflag:s30], $0x4000  }
0x50: {  	[sflag:s30] =	ssyncset.done $0x0  }
0x51: {  	s13 =	simm.s32 $0x1000;
	[sflag:s30] =	ssyncadd.s32 $0xFFFFC000  }
0x52: {  	[spmem:s2] =	stream.indirect.scatter.add.f32 [tilespmem:s24], [sflag:$0x3], $0x80, s13, s28, $0xb8;
	[tilespmem:$0x1E000] =	vst v63  }
0x53: {  	_ =	swait.ge [sflag:s31], $0x4000  }
0x54: {  	[sflag:s31] =	ssyncset.done $0x0  }
0x55: {  	s14 =	simm.s32 $0x100;
	[sflag:s31] =	ssyncadd.s32 $0xFFFFC000  }
0x56: {  	[tilespmem:s24], [sflag:$0x1] =	stream.indirect.gather [hbm4b:s1+s28], $0x80, s14, s28, $0xb8;
	[tilespmem:$0x1E000] =	vst v63  }
0x57: {  	_ =	swait.ge [sflag:s0], $0x4000  }
0x58: {  	[sflag:s0] =	ssyncset.done $0x0  }
0x59: {  	s16 =	simm.s32 $0x1080;
	[sflag:s0] =	ssyncadd.s32 $0xFFFFC000  }
0x5a: {  	[spmem:s2] =	stream.indirect.scatter.add.f32 [tilespmem:s29], [sflag:$0x4], $0x80, s16, s28, $0xb8;
	[tilespmem:$0x1E000] =	vst v63  }
0x5b: {  	_ =	swait.ge [sflag:s3], $0x4000  }
0x5c: {  	[sflag:s3] =	ssyncset.done $0x0  }
0x5d: {  	s11 =	simm.s32 $0x400;
	s12 =	simm.s32 $0x180;
	[sflag:s3] =	ssyncadd.s32 $0xFFFFC000  }
.LBB2_4:
0x5e: {  	[tilespmem:s29], [sflag:$0x2] =	stream.indirect.gather [hbm4b:s1+s28], $0x80, s12, s28, $0xb8;
	[tilespmem:$0x1E000] =	vst v63  }
0x5f: {  	s12 =	smov.u32 s11  }
0x60: {  	p1 =	sne.s32 s11, $0x2C00;
	s11 =	sadd.s32 $0x400, s11;
	_ =	swait.ge [sflag:s30], $0x4000  }
0x61: {  	s12 =	sshra.s32 s12, $0x2;
	[sflag:s30] =	ssyncset.done $0x0  }
0x62: {  	s13 =	sadd.s32 $0x1000, s12;
	[sflag:s30] =	ssyncadd.s32 $0xFFFFC000  }
0x63: {  	[spmem:s2] =	stream.indirect.scatter.add.f32 [tilespmem:s24], [sflag:$0x3], $0x80, s13, s28, $0xb8;
	[tilespmem:$0x1E000] =	vst v63  }
0x64: {  	_ =	swait.ge [sflag:s31], $0x4000  }
0x65: {  	[sflag:s31] =	ssyncset.done $0x0  }
0x66: {  	s13 =	sadd.s32 $0x100, s12;
	[sflag:s31] =	ssyncadd.s32 $0xFFFFC000  }
0x67: {  	[tilespmem:s24], [sflag:$0x1] =	stream.indirect.gather [hbm4b:s1+s28], $0x80, s13, s28, $0xb8;
	[tilespmem:$0x1E000] =	vst v63  }
0x68: {  	_ =	swait.ge [sflag:s0], $0x4000  }
0x69: {  	[sflag:s0] =	ssyncset.done $0x0  }
.Ltmp1:
0x6a: {  	s13 =	sadd.s32 $0x1080, s12;
	[sflag:s0] =	ssyncadd.s32 $0xFFFFC000;
	(pc) =	sbr.rel @p1 .LBB2_4-.Ltmp1, $4  }
0x6b: {  	[spmem:s2] =	stream.indirect.scatter.add.f32 [tilespmem:s29], [sflag:$0x4], $0x80, s13, s28, $0xb8;
	[tilespmem:$0x1E000] =	vst v63  }
0x6c: {  	_ =	swait.ge [sflag:s3], $0x4000  }
0x6d: {  	[sflag:s3] =	ssyncset.done $0x0  }
0x6e: {  	s12 =	sadd.s32 $0x180, s12;
	[sflag:s3] =	ssyncadd.s32 $0xFFFFC000  }
0x6f: {  	[tilespmem:s29], [sflag:$0x2] =	stream.indirect.gather [hbm4b:s1+s28], $0x80, s12, s28, $0xb8;
	[tilespmem:$0x1E000] =	vst v63  }
0x70: {  	_ =	swait.ge [sflag:s30], $0x4000  }
0x71: {  	[sflag:s30] =	ssyncset.done $0x0  }
0x72: {  	[sflag:s30] =	ssyncadd.s32 $0xFFFFC000  }
0x73: {  	[spmem:s2] =	stream.indirect.scatter.add.f32 [tilespmem:s24], [sflag:$0x3], $0x80, s9, s28, $0xb8;
	[tilespmem:$0x1E000] =	vst v63  }
0x74: {  	_ =	swait.ge [sflag:s0], $0x4000  }
0x75: {  	[sflag:s0] =	ssyncset.done $0x0  }
0x76: {  	[sflag:s0] =	ssyncadd.s32 $0xFFFFC000  }
0x77: {  	[spmem:s2] =	stream.indirect.scatter.add.f32 [tilespmem:s29], [sflag:$0x4], $0x80, s10, s28, $0xb8;
	[tilespmem:$0x1E000] =	vst v63  }
0x78: {  	_ =	swait.ge [sflag:s31], $0x4000  }
0x79: {  	[sflag:s31] =	ssyncset.done $0x0  }
0x7a: {  	[sflag:s31] =	ssyncadd.s32 $0xFFFFC000  }
0x7b: {  	_ =	swait.ge [sflag:s3], $0x4000  }
0x7c: {  	[sflag:s3] =	ssyncset.done $0x0  }
0x7d: {  	s11 =	simm.s32 $0x0;
	s14 =	rddreg [dreg:$0x6];
	[sflag:s3] =	ssyncadd.s32 $0xFFFFC000  }
0x7e: {  	[tilespmem:s11], [sflag:$0x5] =	stream.linear.gather [hbm4b:s14+s11], $0xD00, $0x38;
	[tilespmem:$0x1E000] =	vst v63  }
0x7f: {  	_ =	swait.ge [sflag:s25], $0xD00  }
0x80: {  	[sflag:s25] =	ssyncset.done $0x0  }
0x81: {  	s16 =	rddreg [dreg:$0x7];
	[sflag:s25] =	ssyncadd.s32 $0xFFFFF300  }
0x82: {  	[tilespmem:s26], [sflag:$0x5] =	stream.linear.gather [hbm4b:s16+s11], $0xD00, $0x38;
	[tilespmem:$0x1E000] =	vst v63  }
0x83: {  	_ =	swait.ge [sflag:s25], $0xD00  }
0x84: {  	[sflag:s25] =	ssyncset.done $0x0  }
0x85: {  	[sflag:s25] =	ssyncadd.s32 $0xFFFFF300  }
0x86: {  	[tilespmem:s24], [sflag:$0x1] =	stream.indirect.gather [hbm4b:s1+s28], $0x80, s11, s28, $0xb8;
	[tilespmem:$0x1E000] =	vst v63  }
0x87: {  	_ = 	snop  }
0x88: {  	[tilespmem:s29], [sflag:$0x2] =	stream.indirect.gather [hbm4b:s1+s28], $0x80, s28, s28, $0xb8;
	[tilespmem:$0x1E000] =	vst v63  }
0x89: {  	_ =	swait.ge [sflag:s30], $0x4000  }
0x8a: {  	[sflag:s30] =	ssyncset.done $0x0  }
0x8b: {  	s13 =	simm.s32 $0x1000;
	[sflag:s30] =	ssyncadd.s32 $0xFFFFC000  }
0x8c: {  	[spmem:s2] =	stream.indirect.scatter.add.f32 [tilespmem:s24], [sflag:$0x3], $0x80, s13, s28, $0xb8;
	[tilespmem:$0x1E000] =	vst v63  }
0x8d: {  	_ =	swait.ge [sflag:s31], $0x4000  }
0x8e: {  	[sflag:s31] =	ssyncset.done $0x0  }
0x8f: {  	s14 =	simm.s32 $0x100;
	[sflag:s31] =	ssyncadd.s32 $0xFFFFC000  }
0x90: {  	[tilespmem:s24], [sflag:$0x1] =	stream.indirect.gather [hbm4b:s1+s28], $0x80, s14, s28, $0xb8;
	[tilespmem:$0x1E000] =	vst v63  }
0x91: {  	_ =	swait.ge [sflag:s0], $0x4000  }
0x92: {  	[sflag:s0] =	ssyncset.done $0x0  }
0x93: {  	s16 =	simm.s32 $0x1080;
	[sflag:s0] =	ssyncadd.s32 $0xFFFFC000  }
0x94: {  	[spmem:s2] =	stream.indirect.scatter.add.f32 [tilespmem:s29], [sflag:$0x4], $0x80, s16, s28, $0xb8;
	[tilespmem:$0x1E000] =	vst v63  }
0x95: {  	_ =	swait.ge [sflag:s3], $0x4000  }
0x96: {  	[sflag:s3] =	ssyncset.done $0x0  }
0x97: {  	s12 =	simm.s32 $0x180;
	s11 =	simm.s32 $0x400;
	[sflag:s3] =	ssyncadd.s32 $0xFFFFC000  }
.LBB2_6:
0x98: {  	[tilespmem:s29], [sflag:$0x2] =	stream.indirect.gather [hbm4b:s1+s28], $0x80, s12, s28, $0xb8;
	[tilespmem:$0x1E000] =	vst v63  }
0x99: {  	s12 =	smov.u32 s11  }
0x9a: {  	p1 =	sne.s32 s11, $0x2C00;
	s11 =	sadd.s32 $0x400, s11;
	_ =	swait.ge [sflag:s30], $0x4000  }
0x9b: {  	s12 =	sshra.s32 s12, $0x2;
	[sflag:s30] =	ssyncset.done $0x0  }
0x9c: {  	s13 =	sadd.s32 $0x1000, s12;
	[sflag:s30] =	ssyncadd.s32 $0xFFFFC000  }
0x9d: {  	[spmem:s2] =	stream.indirect.scatter.add.f32 [tilespmem:s24], [sflag:$0x3], $0x80, s13, s28, $0xb8;
	[tilespmem:$0x1E000] =	vst v63  }
0x9e: {  	_ =	swait.ge [sflag:s31], $0x4000  }
0x9f: {  	[sflag:s31] =	ssyncset.done $0x0  }
0xa0: {  	s13 =	sadd.s32 $0x100, s12;
	[sflag:s31] =	ssyncadd.s32 $0xFFFFC000  }
0xa1: {  	[tilespmem:s24], [sflag:$0x1] =	stream.indirect.gather [hbm4b:s1+s28], $0x80, s13, s28, $0xb8;
	[tilespmem:$0x1E000] =	vst v63  }
0xa2: {  	_ =	swait.ge [sflag:s0], $0x4000  }
0xa3: {  	[sflag:s0] =	ssyncset.done $0x0  }
.Ltmp2:
0xa4: {  	s13 =	sadd.s32 $0x1080, s12;
	[sflag:s0] =	ssyncadd.s32 $0xFFFFC000;
	(pc) =	sbr.rel @p1 .LBB2_6-.Ltmp2, $4  }
0xa5: {  	[spmem:s2] =	stream.indirect.scatter.add.f32 [tilespmem:s29], [sflag:$0x4], $0x80, s13, s28, $0xb8;
	[tilespmem:$0x1E000] =	vst v63  }
0xa6: {  	_ =	swait.ge [sflag:s3], $0x4000  }
0xa7: {  	[sflag:s3] =	ssyncset.done $0x0  }
0xa8: {  	s12 =	sadd.s32 $0x180, s12;
	[sflag:s3] =	ssyncadd.s32 $0xFFFFC000  }
0xa9: {  	[tilespmem:s29], [sflag:$0x2] =	stream.indirect.gather [hbm4b:s1+s28], $0x80, s12, s28, $0xb8;
	[tilespmem:$0x1E000] =	vst v63  }
0xaa: {  	_ =	swait.ge [sflag:s30], $0x4000  }
0xab: {  	[sflag:s30] =	ssyncset.done $0x0  }
0xac: {  	[sflag:s30] =	ssyncadd.s32 $0xFFFFC000  }
0xad: {  	[spmem:s2] =	stream.indirect.scatter.add.f32 [tilespmem:s24], [sflag:$0x3], $0x80, s9, s28, $0xb8;
	[tilespmem:$0x1E000] =	vst v63  }
0xae: {  	_ =	swait.ge [sflag:s0], $0x4000  }
0xaf: {  	[sflag:s0] =	ssyncset.done $0x0  }
0xb0: {  	[sflag:s0] =	ssyncadd.s32 $0xFFFFC000  }
0xb1: {  	[spmem:s2] =	stream.indirect.scatter.add.f32 [tilespmem:s29], [sflag:$0x4], $0x80, s10, s28, $0xb8;
	[tilespmem:$0x1E000] =	vst v63  }
0xb2: {  	_ =	swait.ge [sflag:s31], $0x4000  }
0xb3: {  	[sflag:s31] =	ssyncset.done $0x0  }
0xb4: {  	[sflag:s31] =	ssyncadd.s32 $0xFFFFC000  }
0xb5: {  	_ =	swait.ge [sflag:s3], $0x4000  }
0xb6: {  	[sflag:s3] =	ssyncset.done $0x0  }
0xb7: {  	s11 =	simm.s32 $0x0;
	s14 =	rddreg [dreg:$0x8];
	[sflag:s3] =	ssyncadd.s32 $0xFFFFC000  }
0xb8: {  	[tilespmem:s11], [sflag:$0x5] =	stream.linear.gather [hbm4b:s14+s11], $0xD00, $0x38;
	[tilespmem:$0x1E000] =	vst v63  }
0xb9: {  	_ =	swait.ge [sflag:s25], $0xD00  }
0xba: {  	[sflag:s25] =	ssyncset.done $0x0  }
0xbb: {  	s16 =	rddreg [dreg:$0x9];
	[sflag:s25] =	ssyncadd.s32 $0xFFFFF300  }
0xbc: {  	[tilespmem:s26], [sflag:$0x5] =	stream.linear.gather [hbm4b:s16+s11], $0xD00, $0x38;
	[tilespmem:$0x1E000] =	vst v63  }
0xbd: {  	_ =	swait.ge [sflag:s25], $0xD00  }
0xbe: {  	[sflag:s25] =	ssyncset.done $0x0  }
0xbf: {  	[sflag:s25] =	ssyncadd.s32 $0xFFFFF300  }
0xc0: {  	[tilespmem:s24], [sflag:$0x1] =	stream.indirect.gather [hbm4b:s1+s28], $0x80, s11, s28, $0xb8;
	[tilespmem:$0x1E000] =	vst v63  }
0xc1: {  	_ = 	snop  }
0xc2: {  	[tilespmem:s29], [sflag:$0x2] =	stream.indirect.gather [hbm4b:s1+s28], $0x80, s28, s28, $0xb8;
	[tilespmem:$0x1E000] =	vst v63  }
0xc3: {  	_ =	swait.ge [sflag:s30], $0x4000  }
0xc4: {  	[sflag:s30] =	ssyncset.done $0x0  }
0xc5: {  	s13 =	simm.s32 $0x1000;
	[sflag:s30] =	ssyncadd.s32 $0xFFFFC000  }
0xc6: {  	[spmem:s2] =	stream.indirect.scatter.add.f32 [tilespmem:s24], [sflag:$0x3], $0x80, s13, s28, $0xb8;
	[tilespmem:$0x1E000] =	vst v63  }
0xc7: {  	_ =	swait.ge [sflag:s31], $0x4000  }
0xc8: {  	[sflag:s31] =	ssyncset.done $0x0  }
0xc9: {  	s14 =	simm.s32 $0x100;
	[sflag:s31] =	ssyncadd.s32 $0xFFFFC000  }
0xca: {  	[tilespmem:s24], [sflag:$0x1] =	stream.indirect.gather [hbm4b:s1+s28], $0x80, s14, s28, $0xb8;
	[tilespmem:$0x1E000] =	vst v63  }
0xcb: {  	_ =	swait.ge [sflag:s0], $0x4000  }
0xcc: {  	[sflag:s0] =	ssyncset.done $0x0  }
0xcd: {  	s16 =	simm.s32 $0x1080;
	[sflag:s0] =	ssyncadd.s32 $0xFFFFC000  }
0xce: {  	[spmem:s2] =	stream.indirect.scatter.add.f32 [tilespmem:s29], [sflag:$0x4], $0x80, s16, s28, $0xb8;
	[tilespmem:$0x1E000] =	vst v63  }
0xcf: {  	_ =	swait.ge [sflag:s3], $0x4000  }
0xd0: {  	[sflag:s3] =	ssyncset.done $0x0  }
0xd1: {  	s12 =	simm.s32 $0x180;
	s11 =	simm.s32 $0x400;
	[sflag:s3] =	ssyncadd.s32 $0xFFFFC000  }
.LBB2_8:
0xd2: {  	[tilespmem:s29], [sflag:$0x2] =	stream.indirect.gather [hbm4b:s1+s28], $0x80, s12, s28, $0xb8;
	[tilespmem:$0x1E000] =	vst v63  }
0xd3: {  	s12 =	smov.u32 s11  }
0xd4: {  	p1 =	sne.s32 s11, $0x2C00;
	s11 =	sadd.s32 $0x400, s11;
	_ =	swait.ge [sflag:s30], $0x4000  }
0xd5: {  	s12 =	sshra.s32 s12, $0x2;
	[sflag:s30] =	ssyncset.done $0x0  }
0xd6: {  	s13 =	sadd.s32 $0x1000, s12;
	[sflag:s30] =	ssyncadd.s32 $0xFFFFC000  }
0xd7: {  	[spmem:s2] =	stream.indirect.scatter.add.f32 [tilespmem:s24], [sflag:$0x3], $0x80, s13, s28, $0xb8;
	[tilespmem:$0x1E000] =	vst v63  }
0xd8: {  	_ =	swait.ge [sflag:s31], $0x4000  }
0xd9: {  	[sflag:s31] =	ssyncset.done $0x0  }
0xda: {  	s13 =	sadd.s32 $0x100, s12;
	[sflag:s31] =	ssyncadd.s32 $0xFFFFC000  }
0xdb: {  	[tilespmem:s24], [sflag:$0x1] =	stream.indirect.gather [hbm4b:s1+s28], $0x80, s13, s28, $0xb8;
	[tilespmem:$0x1E000] =	vst v63  }
0xdc: {  	_ =	swait.ge [sflag:s0], $0x4000  }
0xdd: {  	[sflag:s0] =	ssyncset.done $0x0  }
.Ltmp3:
0xde: {  	s13 =	sadd.s32 $0x1080, s12;
	[sflag:s0] =	ssyncadd.s32 $0xFFFFC000;
	(pc) =	sbr.rel @p1 .LBB2_8-.Ltmp3, $4  }
0xdf: {  	[spmem:s2] =	stream.indirect.scatter.add.f32 [tilespmem:s29], [sflag:$0x4], $0x80, s13, s28, $0xb8;
	[tilespmem:$0x1E000] =	vst v63  }
0xe0: {  	_ =	swait.ge [sflag:s3], $0x4000  }
0xe1: {  	[sflag:s3] =	ssyncset.done $0x0  }
0xe2: {  	s12 =	sadd.s32 $0x180, s12;
	[sflag:s3] =	ssyncadd.s32 $0xFFFFC000  }
0xe3: {  	[tilespmem:s29], [sflag:$0x2] =	stream.indirect.gather [hbm4b:s1+s28], $0x80, s12, s28, $0xb8;
	[tilespmem:$0x1E000] =	vst v63  }
0xe4: {  	_ =	swait.ge [sflag:s30], $0x4000  }
0xe5: {  	[sflag:s30] =	ssyncset.done $0x0  }
0xe6: {  	[sflag:s30] =	ssyncadd.s32 $0xFFFFC000  }
0xe7: {  	[spmem:s2] =	stream.indirect.scatter.add.f32 [tilespmem:s24], [sflag:$0x3], $0x80, s9, s28, $0xb8;
	[tilespmem:$0x1E000] =	vst v63  }
0xe8: {  	_ =	swait.ge [sflag:s0], $0x4000  }
0xe9: {  	[sflag:s0] =	ssyncset.done $0x0  }
0xea: {  	[sflag:s0] =	ssyncadd.s32 $0xFFFFC000  }
0xeb: {  	[spmem:s2] =	stream.indirect.scatter.add.f32 [tilespmem:s29], [sflag:$0x4], $0x80, s10, s28, $0xb8;
	[tilespmem:$0x1E000] =	vst v63  }
0xec: {  	_ =	swait.ge [sflag:s31], $0x4000  }
0xed: {  	[sflag:s31] =	ssyncset.done $0x0  }
0xee: {  	[sflag:s31] =	ssyncadd.s32 $0xFFFFC000  }
0xef: {  	_ =	swait.ge [sflag:s3], $0x4000  }
0xf0: {  	[sflag:s3] =	ssyncset.done $0x0  }
0xf1: {  	s11 =	simm.s32 @!p0 $0x0;
	s12 =	rddreg [dreg:$0xa];
	[sflag:s3] =	ssyncadd.s32 $0xFFFFC000  }
0xf2: {  	[tilespmem:s11], [sflag:$0x5] =	stream.linear.gather @!p0 [hbm4b:s12+s11], $0x80, $0x38;
	[tilespmem:$0x1E000] =	vst v63  }
0xf3: {  	s12 =	simm.s32 @!p0 $0x5  }
0xf4: {  	_ =	swait.ge @!p0 [sflag:s12], $0x80  }
0xf5: {  	[sflag:s12] =	ssyncset.done @!p0 $0x0  }
0xf6: {  	s13 =	simm.s32 @!p0 $0x1000;
	[sflag:s12] =	ssyncadd.s32 @!p0 $0xFFFFFF80  }
0xf7: {  	[tilespmem:s13], [sflag:$0x5] =	stream.linear.gather @!p0 [hbm4b:s17+s11], $0x80, $0x38;
	[tilespmem:$0x1E000] =	vst v63  }
0xf8: {  	_ =	swait.ge @!p0 [sflag:s12], $0x80  }
0xf9: {  	[sflag:s12] =	ssyncset.done @!p0 $0x0  }
0xfa: {  	s14 =	simm.s32 @!p0 $0x80;
	s16 =	simm.s32 @!p0 $0x2000;
	[sflag:s12] =	ssyncadd.s32 @!p0 $0xFFFFFF80  }
0xfb: {  	[tilespmem:s16], [sflag:$0x1] =	stream.indirect.gather @!p0 [hbm4b:s1+s14], $0x80, s11, s14, $0xb8;
	[tilespmem:$0x1E000] =	vst v63  }
0xfc: {  	s11 =	simm.s32 @!p0 $0x1  }
0xfd: {  	_ =	swait.ge @!p0 [sflag:s11], $0x4000  }
0xfe: {  	[sflag:s11] =	ssyncset.done @!p0 $0x0  }
0xff: {  	[sflag:s11] =	ssyncadd.s32 @!p0 $0xFFFFC000  }
0x100: {  	[spmem:s2] =	stream.indirect.scatter.add.f32 @!p0 [tilespmem:s16], [sflag:$0x5], $0x80, s13, s14, $0xb8;
	[tilespmem:$0x1E000] =	vst v63  }
0x101: {  	_ =	swait.ge @!p0 [sflag:s12], $0x4000  }
0x102: {  	s13 =	stileid.u32;
	[sflag:s12] =	ssyncset.done @!p0 $0x0  }
0x103: {  	s11 =	sshll.u32 s13, $0x6;
	[sflag:s12] =	ssyncadd.s32 @!p0 $0xFFFFC000  }
0x104: {  	s14 =	sshrl.u32 s5, $0x3;
	s11 =	sor.u32 $0x1C05, s11;
	[bflag:$0x0] =	sbarrier.arrive $0xFFFF  }
0x105: {  	[hbm:s18], [sflag:s11] =	dma.local [spmem:s14], $0x800  }
0x106: {  	_ =	swait.ge [sflag:s25], $0x800  }
0x107: {  	[sflag:s25] =	ssyncset.done $0x0  }
0x108: {  	s16 =	sshrl.u32 s6, $0x3;
	[sflag:s25] =	ssyncadd.s32 $0xFFFFF800  }
0x109: {  	[hbm:s19], [sflag:s11] =	dma.local [spmem:s16], $0x800  }
0x10a: {  	_ =	swait.ge [sflag:s25], $0x800  }
0x10b: {  	[sflag:s25] =	ssyncset.done $0x0  }
0x10c: {  	s13 =	sshrl.u32 s7, $0x3;
	[sflag:s25] =	ssyncadd.s32 $0xFFFFF800  }
0x10d: {  	[hbm:s20], [sflag:s11] =	dma.local [spmem:s13], $0x800  }
0x10e: {  	_ =	swait.ge [sflag:s25], $0x800  }
0x10f: {  	[sflag:s25] =	ssyncset.done $0x0  }
0x110: {  	s14 =	sshrl.u32 s8, $0x3;
	[sflag:s25] =	ssyncadd.s32 $0xFFFFF800  }
0x111: {  	[hbm:s21], [sflag:s11] =	dma.local [spmem:s14], $0x800  }
0x112: {  	s4 =	sadd.s32 $0x1, s4;
	_ =	swait.ge [sflag:s25], $0x800  }
0x113: {  	p1 =	sne.s32 s4, s23;
	[sflag:s25] =	ssyncset.done $0x0  }
.Ltmp4:
0x114: {  	s16 =	sshrl.u32 s15, $0x3;
	[sflag:s25] =	ssyncadd.s32 $0xFFFFF800;
	(pc) =	sbr.rel @p1 .LBB2_1-.Ltmp4, $4  }
0x115: {  	[hbm:s22], [sflag:s11] =	dma.local [spmem:s16], $0x800  }
0x116: {  	_ =	swait.ge [sflag:s25], $0x800  }
0x117: {  	[sflag:s25] =	ssyncset.done $0x0  }
0x118: {  	[sflag:s25] =	ssyncadd.s32 $0xFFFFF800  }
0x119: {  	_ =	sfence.sel $0x180000  }
0x11a: {  	[bflag:$0x0] =	sbarrier.arrive $0xFFFF  }
0x11b: {  	_ =	strace $0x9000004A  }
0x11c: {  	s0 =	stileid.u32;
	[bflag:$0x2] =	sbarrier.arrive $0xFFFF  }
0x11d: {  	p0 =	sne.s32 s0, $0x0;
	s0 =	rddreg [dreg:$0x3]  }
0x11e: {  	s0 =	sadd.s32 @!p0 $0x100000, s0  }
0x11f: {  	[sflag:s0] =	ssyncadd.tile.s32 @!p0 $0x1;
	_ =	shalt  }
.Lfunc_end2:
_tile_overlayer_lowered:
.L_overlay_start_2:
0x120: {  	(tag) =	ssettag $0x2  }
0x121: {  	s0 =	rddreg [dreg:$0x0];
	s2 =	stileid.u32  }
0x122: {  	s1 =	rddreg [dreg:$0x1];
	p0 =	sne.s32 s2, $0x0  }
0x123: {  	s3 =	rddreg [dreg:$0x2];
	[bflag:$0x3] =	sbarrier.arrive $0xFFFF;
	s2 =	simm.s32 @!p0 $0x1C05  }
0x124: {  	[timem:s3], [sflag:s2] =	dma.local @!p0 [hbm:s0], s1  }
0x125: {  	s0 =	simm.s32 @!p0 $0x5  }
0x126: {  	_ =	swait.ge @!p0 [sflag:s0], s1  }
0x127: {  	s1 =	ssub.s32 @!p0 $0x0, s1;
	[sflag:s0] =	ssyncset.done @!p0 $0x0  }
0x128: {  	[sflag:s0] =	ssyncadd.s32 @!p0 s1  }
0x129: {  	[bflag:$0x3] =	sbarrier.arrive $0xFFFF  }
0x12a: {  	_ =	shalt  }

// kernel: kernel.15.cloned.1.call-start
scs
__scs_entry_jumppad:
0x0: {  	(pc) =	sbr.rel $0x88, $3  }
0x1: {  	(tag) =	ssettag $0x0;
	lr =	simm.s32 $0x1  }
0x2: {  	[smem:$0x3F97] =	sst lr;
	_ =	strace $0xD0000000  }
0x3: {  	_ = 	snop  }
0x4: {  	_ = 	snop  }
0x5: {  	_ = 	snop  }
0x6: {  	_ = 	snop  }
0x7: {  	_ = 	snop  }
__scs_overlays_trampoline_lowered:
0x8: {  	[smem:$0x3FA6] =	sst s0  }
0x9: {  	[smem:$0x3FA7] =	sst s1  }
0xa: {  	[smem:$0x3FA8] =	sst s2  }
0xb: {  	[smem:$0x3FA9] =	sst s3  }
0xc: {  	[smem:$0x3FAA] =	sst s4  }
0xd: {  	[smem:$0x3FAB] =	sst s5  }
0xe: {  	[smem:$0x3FAC] =	sst s6  }
0xf: {  	[smem:$0x3FAD] =	sst s7  }
0x10: {  	[smem:$0x3FAE] =	sst s8  }
0x11: {  	[smem:$0x3FAF] =	sst s9;
	s0 =	simm.s32 @!p0 $0x0  }
0x12: {  	s1 =	sld [smem:$0x3F95];
	s0 =	simm.s32 @p0 $0x1  }
0x13: {  	[smem:$0x3FB0] =	sst s0;
	s0 =	simm.s32 @!p1 $0x0  }
0x14: {  	s2 =	sld [smem:$0x3F94];
	s0 =	simm.s32 @p1 $0x1  }
0x15: {  	[smem:$0x3FB1] =	sst s0;
	s0 =	simm.s32 @!p2 $0x0  }
0x16: {  	s3 =	sld [smem:$0x3FDB];
	s0 =	simm.s32 @p2 $0x1  }
0x17: {  	s4 =	simm.s32 $0x1BF5;
	[smem:$0x3FB3] =	sst s0  }
0x18: {  	s0 =	sld [smem:$0x3F96];
	_ =	swait.ge [sflag:s4], $0x0  }
0x19: {  	s7 =	sld [smem:$0x3F97]  }
0x1a: {  	s8 =	sadd.s32 $0xFFFFE003, lr  }
0x1b: {  	s9 =	sadd.s32 $0xFFFFFEF7, lr;
	s5 =	simm.s32 $0xFFFFFFFF;
	p2 =	slt.u32 s8, $0xFFFFF086  }
0x1c: {  	p1 =	slt.u32 s9, $0xF7A;
	s5 =	simm.s32 @!p2 $0x0  }
0x1d: {  	s5 =	simm.s32 @p1 $0x1;
	p0 =	seq.s32 s7, s2  }
0x1e: {  	s7 =	smul.u32 @!p0 $0xF7A, s2;
	p2 =	seq.s32 @!p0 s5, $0x0  }
0x1f: {  	s9 =	smul.u32 $0xF7A, s1;
	s8 =	simm.s32 @!p0 $0x1BF5;
	p2 =	por !p2, p0  }
0x20: {  	[sflag:s8] =	ssyncset.s32 @!p0 $0xFFFFF086;
	s6 =	sadd.s32 @!p0 s3, s7;
	s7 =	simm.s32 @!p0 $0x108  }
0x21: {  	s3 =	sadd.s32 s3, s9;
	s6 =	sadd.s32 @!p0 $0x88, s6;
	s7 =	simm.s32 @p2 $0x1082  }
0x22: {  	[simem:s7], [sflag:s8] =	dma.local @!p0 [hbm:s6], $0xF7A  }
0x23: {  	s9 =	sor.u32 $0xD0000000, s2;
	s6 =	simm.s32 $0x108;
	_ =	swait.ge @!p0 [sflag:s8], $0x0  }
0x24: {  	s3 =	sadd.s32 $0x88, s3;
	s6 =	simm.s32 @!p1 $0x1082;
	[sflag:s4] =	ssyncset.s32 $0xFFFFF086  }
0x25: {  	[simem:s6], [sflag:s4] =	dma.local [hbm:s3], $0xF7A  }
0x26: {  	[smem:$0x3F97] =	sst s1;
	(tag) =	ssettag s2;
	_ =	strace s9  }
0x27: {  	s1 =	sld [smem:$0x3FA7]  }
0x28: {  	s2 =	sld [smem:$0x3FA8]  }
0x29: {  	s4 =	sld [smem:$0x3FAA]  }
0x2a: {  	p0 =	seq.s32 s5, $0x0;
	s5 =	sld [smem:$0x3FAB]  }
0x2b: {  	s6 =	sld [smem:$0x3FAC]  }
0x2c: {  	s7 =	sld [smem:$0x3FAD]  }
0x2d: {  	s3 =	simm.s32 $0x108;
	s8 =	sld [smem:$0x3FAE]  }
0x2e: {  	s3 =	simm.s32 @!p0 $0x1082;
	s9 =	sld [smem:$0x3FAF]  }
0x2f: {  	lr =	sadd.s32 s0, s3;
	s0 =	sld [smem:$0x3FA6]  }
0x30: {  	s3 =	sld [smem:$0x3FA9]  }
0x31: {  	[smem:$0x3FB2] =	sst s10  }
0x32: {  	s10 =	sld [smem:$0x3FB0];
	_ =	sdelay $0x3  }
0x33: {  	p0 =	seq.s32 s10, $0x1;
	s10 =	sld [smem:$0x3FB2];
	_ =	sdelay $0x3  }
0x34: {  	[smem:$0x3FB2] =	sst s10  }
0x35: {  	s10 =	sld [smem:$0x3FB1];
	_ =	sdelay $0x3  }
0x36: {  	p1 =	seq.s32 s10, $0x1;
	s10 =	sld [smem:$0x3FB2];
	_ =	sdelay $0x3  }
0x37: {  	[smem:$0x3FB2] =	sst s10  }
0x38: {  	s10 =	sld [smem:$0x3FB3]  }
0x39: {  	_ = 	snop;
	(pc) =	sbr.ind lr, $3  }
0x3a: {  	_ = 	snop  }
0x3b: {  	_ = 	snop  }
0x3c: {  	p2 =	seq.s32 s10, $0x1;
	s10 =	sld [smem:$0x3FB2]  }
0x3d: {  	_ =	shalt  }
0x3e: {  	_ =	shalt  }
0x3f: {  	_ =	shalt  }
0x40: {  	_ =	shalt  }
0x41: {  	_ =	shalt  }
0x42: {  	_ =	shalt  }
0x43: {  	_ =	shalt  }
0x44: {  	_ =	shalt  }
0x45: {  	_ =	shalt  }
0x46: {  	_ =	shalt  }
0x47: {  	_ =	shalt  }
0x48: {  	_ =	shalt  }
0x49: {  	_ =	shalt  }
0x4a: {  	_ =	shalt  }
0x4b: {  	_ =	shalt  }
0x4c: {  	_ =	shalt  }
0x4d: {  	_ =	shalt  }
0x4e: {  	_ =	shalt  }
0x4f: {  	_ =	shalt  }
0x50: {  	_ =	shalt  }
0x51: {  	_ =	shalt  }
0x52: {  	_ =	shalt  }
0x53: {  	_ =	shalt  }
0x54: {  	_ =	shalt  }
0x55: {  	_ =	shalt  }
0x56: {  	_ =	shalt  }
0x57: {  	_ =	shalt  }
0x58: {  	_ =	shalt  }
0x59: {  	_ =	shalt  }
0x5a: {  	_ =	shalt  }
0x5b: {  	_ =	shalt  }
0x5c: {  	_ =	shalt  }
0x5d: {  	_ =	shalt  }
0x5e: {  	_ =	shalt  }
0x5f: {  	_ =	shalt  }
0x60: {  	_ =	shalt  }
0x61: {  	_ =	shalt  }
0x62: {  	_ =	shalt  }
0x63: {  	_ =	shalt  }
0x64: {  	_ =	shalt  }
0x65: {  	_ =	shalt  }
0x66: {  	_ =	shalt  }
0x67: {  	_ =	shalt  }
0x68: {  	_ =	shalt  }
0x69: {  	_ =	shalt  }
0x6a: {  	_ =	shalt  }
0x6b: {  	_ =	shalt  }
0x6c: {  	_ =	shalt  }
0x6d: {  	_ =	shalt  }
0x6e: {  	_ =	shalt  }
0x6f: {  	_ =	shalt  }
0x70: {  	_ =	shalt  }
0x71: {  	_ =	shalt  }
0x72: {  	_ =	shalt  }
0x73: {  	_ =	shalt  }
0x74: {  	_ =	shalt  }
0x75: {  	_ =	shalt  }
0x76: {  	_ =	shalt  }
0x77: {  	_ =	shalt  }
0x78: {  	_ =	shalt  }
0x79: {  	_ =	shalt  }
0x7a: {  	_ =	shalt  }
0x7b: {  	_ =	shalt  }
0x7c: {  	_ =	shalt  }
0x7d: {  	_ =	shalt  }
0x7e: {  	_ =	shalt  }
0x7f: {  	_ =	shalt  }
0x80: {  	_ =	shalt  }
0x81: {  	_ =	shalt  }
0x82: {  	_ =	shalt  }
0x83: {  	_ =	shalt  }
0x84: {  	_ =	shalt  }
0x85: {  	_ =	shalt  }
0x86: {  	_ =	shalt  }
0x87: {  	_ =	shalt  }
.Lfunc_end0:
.L_simem_size_0:
called_computation.2_lowered:
.L_overlay_start_0:
0x88: {  	s2 =	sld [smem:$0x3FD9]  }
0x89: {  	s3 =	sld [smem:$0x3FFE];
	_ =	sdelay $0x1  }
0x8a: {  	s1 =	srdreg.scid  }
0x8b: {  	s0 =	sand.u32 $0x1, s1  }
0x8c: {  	s17 =	sshll.u32 s0, $0xA;
	s2 =	sadd.s32 s3, s2  }
0x8d: {  	s2 =	sadd.s32 s2, s17  }
0x8e: {  	[smem:$0x3FBE] =	sst s2  }
0x8f: {  	_ = 	snop  }
0x90: {  	s2 =	sld [smem:$0x3FD0];
	(tm) =	ssettm $0x1  }
0x91: {  	s18 =	sld [smem:$0x3FFB];
	_ =	sdelay $0x3  }
0x92: {  	_ =	strace s18  }
0x93: {  	s3 =	sld [smem:$0x3FFC];
	_ =	sdelay $0x3  }
0x94: {  	_ =	strace s3  }
0x95: {  	s3 =	sld [smem:$0x3FFD];
	_ =	sdelay $0x3  }
0x96: {  	_ =	strace s3  }
0x97: {  	_ =	strace $0x8FFFFFFF  }
0x98: {  	s19 =	sld [smem:$0x3FDB];
	_ =	sdelay $0x1  }
0x99: {  	s4 =	simm.s32 $_scs_section_size  }
0x9a: {  	s5 =	simm.s32 $_size__tile_overlayer_lowered;
	s6 =	simm.s32 $_tile_overlayer_lowered  }
0x9b: {  	s22 =	simm.s32 $0x1BFF;
	s21 =	sshll.u32 s6, $0x1;
	s3 =	sadd.s32 s4, s19  }
0x9c: {  	s7 =	simm.s32 $0x0;
	s20 =	sshll.u32 s5, $0x1;
	s5 =	sadd.s32 s21, s3  }
0x9d: {  	[timem:s7], [sflag:s22] =	dma.local [hbm:s5], s20  }
0x9e: {  	_ =	swait.ge [sflag:s22], s20  }
0x9f: {  	s4 =	ssub.s32 $0x0, s20;
	[sflag:s22] =	ssyncset.done $0x0  }
0xa0: {  	[sflag:s22] =	ssyncadd.s32 s4;
	_ =	sdelay $0x1  }
0xa1: {  	s23 =	simm.s32 $0x1B8B  }
0xa2: {  	_ =	swait.ge [sflag:s23], $0x1  }
0xa3: {  	[sflag:s23] =	ssyncset.done $0x0  }
0xa4: {  	s25 =	simm.s32 $0x1B8E;
	s24 =	sld [smem:$0x3FFE];
	[sflag:s23] =	ssyncadd.s32 $0xFFFFFFFF  }
0xa5: {  	s26 =	simm.s32 $execute0_lowered;
	[smem:$0x3FD2] =	sst s25  }
0xa6: {  	s5 =	sshll.u32 s26, $0x1;
	_ =	strace $0x8000004C;
	[dreg:$0x1] =	wrdreg $0xFFFFFFFF  }
0xa7: {  	s28 =	simm.s32 $_size_execute0_lowered;
	s3 =	sadd.s32 s3, s5;
	[dreg:$0x0] =	wrdreg $0x0  }
0xa8: {  	s5 =	sshll.u32 s28, $0x1;
	[dreg:$0x2] =	wrdreg s3  }
0xa9: {  	[dreg:$0x3] =	wrdreg s5  }
0xaa: {  	[dreg:$0x4] =	wrdreg $0xC0  }
0xab: {  	_ =	task [dreg:s7], $0x5FFFF  }
0xac: {  	[dreg:$0x1] =	wrdreg $0xFFFFFFFF  }
0xad: {  	[dreg:$0x0] =	wrdreg $0x60  }
0xae: {  	[dreg:$0x2] =	wrdreg s2  }
0xaf: {  	[dreg:$0x3] =	wrdreg s24  }
0xb0: {  	[dreg:$0x4] =	wrdreg $0xA0000  }
0xb1: {  	[dreg:$0x5] =	wrdreg $0x9  }
0xb2: {  	_ =	task.clear_ibuf [dreg:s7], $0x6FFFF;
	_ =	strace $0x9000004C  }
0xb3: {  	s29 =	simm.s32 $0x9;
	_ =	strace $0x8000004E  }
0xb4: {  	_ =	swait.ge [sflag:s29], $0x1  }
0xb5: {  	[sflag:s29] =	ssyncadd.s32 $0xFFFFFFFF  }
0xb6: {  	_ =	strace $0x9000004E  }
0xb7: {  	_ =	sfence  }
0xb8: {  	s30 =	sld [smem:$0x0];
	_ =	sdelay $0x2  }
0xb9: {  	s31 =	sshll.u32 s1, $0xD;
	s1 =	sshrl.u32 s1, $0x2  }
0xba: {  	s3 =	sand.u32 $0x4000, s31;
	s1 =	sadd.s32 s1, s30  }
0xbb: {  	s0 =	sor.u32 s3, s0;
	s1 =	sshll.u32 s1, $0x11  }
0xbc: {  	s0 =	sor.u32 s1, s0  }
0xbd: {  	s0 =	sadd.s32 $0x8F2B, s0  }
0xbe: {  	[sflag:s0] =	ssyncadd.remote.s32 $0x1  }
0xbf: {  	_ =	sfence.sel $0xFFFF  }
0xc0: {  	[dreg:$0x0] =	wrdreg $0xFFFFFFFF;
	(pc) =	sbr.abs _section_cstart, $3  }
0xc1: {  	[dreg:$0x1] =	wrdreg $0xFFFFFFFF  }
0xc2: {  	_ =	task.clear_ibuf [dreg:s7], $0x2FFFF;
	_ =	strace $0x9FFFFFFF  }
0xc3: {  	(tm) =	ssettm $0x7FFFFFFF  }
tec
execute0_lowered:
.L_overlay_start_1:
0x0: {  	(tag) =	ssettag $0x1  }
0x1: {  	s1 =	rddreg [dreg:$0x0]  }
0x2: {  	s0 =	rddreg [dreg:$0x1]  }
0x3: {  	s2 =	rddreg [dreg:$0x2];
	s4 =	simm.s32 $0x0  }
0x4: {  	s13 =	stileid.u32;
	s5 =	srdreg.scid;
	s28 =	simm.s32 $0x80  }
0x5: {  	s29 =	simm.s32 $0x6000;
	s30 =	simm.s32 $0x1;
	s31 =	simm.s32 $0x3  }
0x6: {  	[smem:$0x7FF] =	sst s4;
	s3 =	sadd.s32 $0xF400, s0;
	s9 =	sadd.s32 $0x3200, s0  }
0x7: {  	s6 =	sshll.u32 s13, $0x4;
	s10 =	sand.u32 $0x1, s5;
	s19 =	smul.u32 $0x50000, s13  }
0x8: {  	s12 =	smul.u32 $0x14000, s13;
	_ =	strace $0x8000004D;
	s11 =	sadd.s32 s6, s0  }
0x9: {  	s5 =	ssub.s32 $0x2, s10;
	s8 =	sshll.u32 s10, $0x4;
	s0 =	sadd.s32 $0x1B600, s0  }
0xa: {  	s10 =	smul.u32 $0x140000, s10;
	s7 =	sshrl.u32 s5, $0x1;
	s25 =	sor.u32 s13, s8  }
0xb: {  	s20 =	sshrl.u32 s19, $0x2;
	s16 =	sadd.s32 $0x4000, s12;
	s17 =	sadd.s32 $0x8000, s12  }
0xc: {  	s18 =	sadd.s32 $0xC000, s12;
	s19 =	sadd.s32 $0x10000, s12;
	s23 =	ssub.s32 s5, s7  }
0xd: {  	s8 =	smul.u32 $0x3000, s25;
	s5 =	sadd.s32 s20, s2;
	s6 =	sadd.s32 s16, s2  }
0xe: {  	s7 =	sadd.s32 s17, s2;
	s12 =	sadd.s32 s12, s10;
	s20 =	sadd.s32 $0x1B400, s11  }
0xf: {  	p0 =	sgt.u32 s25, $0x3;
	s25 =	simm.s32 $0x5;
	s21 =	sshrl.u32 s8, $0x3  }
0x10: {  	[dreg:$0xa] =	wrdreg s20;
	s23 =	smax.u32 s23, $0x1;
	s15 =	sadd.s32 s3, s21  }
0x11: {  	s14 =	sadd.s32 $0x200, s21;
	s22 =	sadd.s32 s9, s21;
	[dreg:$0x4] =	wrdreg s15  }
0x12: {  	s8 =	sadd.s32 s18, s2;
	[dreg:$0x5] =	wrdreg s22;
	s24 =	sadd.s32 s3, s14  }
0x13: {  	s26 =	sadd.s32 $0x400, s21;
	s14 =	sadd.s32 s9, s14;
	[dreg:$0x6] =	wrdreg s24  }
0x14: {  	s21 =	sadd.s32 s10, s18;
	s3 =	sadd.s32 s3, s26;
	[dreg:$0x7] =	wrdreg s14  }
0x15: {  	s9 =	sadd.s32 s9, s26;
	s15 =	sadd.s32 s19, s2;
	[dreg:$0x8] =	wrdreg s3  }
0x16: {  	[dreg:$0x9] =	wrdreg s9;
	s14 =	sadd.s32 s10, s16;
	s16 =	sadd.s32 s10, s17  }
0x17: {  	s10 =	sadd.s32 s10, s19;
	s17 =	sadd.s32 $0xF200, s11;
	s3 =	sshrl.u32 s12, $0x3  }
0x18: {  	s24 =	sshrl.u32 s21, $0x3;
	s9 =	sshrl.u32 s14, $0x3;
	s18 =	sadd.s32 s0, s3  }
0x19: {  	s22 =	sshrl.u32 s16, $0x3;
	s26 =	sshrl.u32 s10, $0x3;
	s21 =	sadd.s32 s0, s24  }
0x1a: {  	s24 =	simm.s32 $0x2000;
	s3 =	simm.s32 $0x4;
	s10 =	simm.s32 $0x1C80  }
0x1b: {  	s19 =	sadd.s32 s0, s9;
	s20 =	sadd.s32 s0, s22;
	s22 =	sadd.s32 s0, s26  }
0x1c: {  	v0 =	vimm.f32 $0.0e+00;
	s26 =	simm.s32 $0x1000;
	s0 =	simm.s32 $0x2;
	s9 =	simm.s32 $0x1C00  }
.LBB2_1:
0x1d: {  	s11 =	simm.s32 $0x0;
	s12 =	simm.s32 $0x200  }
.LBB2_2:
0x1e: {  	p1 =	sne.s32 s12, $0xFE00;
	[tilespmem:s11+$0x2070] =	vst v0  }
0x1f: {  	[tilespmem:s11+$0x2000] =	vst v0  }
0x20: {  	[tilespmem:s11+$0x2010] =	vst v0  }
.Ltmp0:
0x21: {  	[tilespmem:s11+$0x2020] =	vst v0;
	(pc) =	sbr.rel @p1 .LBB2_2-.Ltmp0, $4  }
0x22: {  	[tilespmem:s11+$0x2030] =	vst v0  }
0x23: {  	[tilespmem:s11+$0x2040] =	vst v0  }
0x24: {  	[tilespmem:s11+$0x2050] =	vst v0  }
0x25: {  	[tilespmem:s11+$0x2060] =	vst v0;
	s11 =	sshra.s32 s12, $0x2;
	s12 =	sadd.s32 $0x200, s12  }
0x26: {  	[tilespmem:s11+$0x2070] =	vst v0  }
0x27: {  	[tilespmem:s11+$0x2000] =	vst v0  }
0x28: {  	[tilespmem:s11+$0x2010] =	vst v0  }
0x29: {  	[tilespmem:s11+$0x2020] =	vst v0  }
0x2a: {  	[tilespmem:s11+$0x2030] =	vst v0  }
0x2b: {  	[tilespmem:s11+$0x2040] =	vst v0  }
0x2c: {  	[tilespmem:s11+$0x2050] =	vst v0  }
0x2d: {  	[tilespmem:s11+$0x2060] =	vst v0  }
0x2e: {  	[spmem:s5] =	stream.linear.scatter [tilespmem:s24], [sflag:$0x5], $0x4000, $0x38;
	[tilespmem:$0x1E000] =	vst v63  }
0x2f: {  	_ =	swait.ge [sflag:s25], $0x4000  }
0x30: {  	[sflag:s25] =	ssyncset.done $0x0  }
0x31: {  	[sflag:s25] =	ssyncadd.s32 $0xFFFFC000  }
0x32: {  	[spmem:s6] =	stream.linear.scatter [tilespmem:s24], [sflag:$0x5], $0x4000, $0x38;
	[tilespmem:$0x1E000] =	vst v63  }
0x33: {  	_ =	swait.ge [sflag:s25], $0x4000  }
0x34: {  	[sflag:s25] =	ssyncset.done $0x0  }
0x35: {  	[sflag:s25] =	ssyncadd.s32 $0xFFFFC000  }
0x36: {  	[spmem:s7] =	stream.linear.scatter [tilespmem:s24], [sflag:$0x5], $0x4000, $0x38;
	[tilespmem:$0x1E000] =	vst v63  }
0x37: {  	_ =	swait.ge [sflag:s25], $0x4000  }
0x38: {  	[sflag:s25] =	ssyncset.done $0x0  }
0x39: {  	[sflag:s25] =	ssyncadd.s32 $0xFFFFC000  }
0x3a: {  	[spmem:s8] =	stream.linear.scatter [tilespmem:s24], [sflag:$0x5], $0x4000, $0x38;
	[tilespmem:$0x1E000] =	vst v63  }
0x3b: {  	_ =	swait.ge [sflag:s25], $0x4000  }
0x3c: {  	[sflag:s25] =	ssyncset.done $0x0  }
0x3d: {  	[sflag:s25] =	ssyncadd.s32 $0xFFFFC000  }
0x3e: {  	[spmem:s15] =	stream.linear.scatter [tilespmem:s24], [sflag:$0x5], $0x4000, $0x38;
	[tilespmem:$0x1E000] =	vst v63  }
0x3f: {  	_ =	swait.ge [sflag:s25], $0x4000  }
0x40: {  	[sflag:s25] =	ssyncset.done $0x0  }
0x41: {  	[sflag:s25] =	ssyncadd.s32 $0xFFFFC000  }
0x42: {  	[bflag:$0x0] =	sbarrier.arrive $0xFFFF  }
0x43: {  	s14 =	simm.s32 $0x0;
	s12 =	rddreg [dreg:$0x4]  }
0x44: {  	[tilespmem:s14], [sflag:$0x5] =	stream.linear.gather [hbm4b:s12+s14], $0xD00, $0x38;
	[tilespmem:$0x1E000] =	vst v63  }
0x45: {  	_ =	swait.ge [sflag:s25], $0xD00  }
0x46: {  	[sflag:s25] =	ssyncset.done $0x0  }
0x47: {  	s16 =	rddreg [dreg:$0x5];
	[sflag:s25] =	ssyncadd.s32 $0xFFFFF300  }
0x48: {  	[tilespmem:s26], [sflag:$0x5] =	stream.linear.gather [hbm4b:s16+s14], $0xD00, $0x38;
	[tilespmem:$0x1E000] =	vst v63  }
0x49: {  	_ =	swait.ge [sflag:s25], $0xD00  }
0x4a: {  	[sflag:s25] =	ssyncset.done $0x0  }
0x4b: {  	[sflag:s25] =	ssyncadd.s32 $0xFFFFF300  }
0x4c: {  	[tilespmem:s24], [sflag:$0x1] =	stream.indirect.gather [hbm4b:s1+s28], $0x80, s14, s28, $0xb8;
	[tilespmem:$0x1E000] =	vst v63  }
0x4d: {  	_ = 	snop  }
0x4e: {  	[tilespmem:s29], [sflag:$0x2] =	stream.indirect.gather [hbm4b:s1+s28], $0x80, s28, s28, $0xb8;
	[tilespmem:$0x1E000] =	vst v63  }
0x4f: {  	_ =	swait.ge [sflag:s30], $0x4000  }
0x50: {  	[sflag:s30] =	ssyncset.done $0x0  }
0x51: {  	s13 =	simm.s32 $0x1000;
	[sflag:s30] =	ssyncadd.s32 $0xFFFFC000  }
0x52: {  	[spmem:s2] =	stream.indirect.scatter.add.f32 [tilespmem:s24], [sflag:$0x3], $0x80, s13, s28, $0xb8;
	[tilespmem:$0x1E000] =	vst v63  }
0x53: {  	_ =	swait.ge [sflag:s31], $0x4000  }
0x54: {  	[sflag:s31] =	ssyncset.done $0x0  }
0x55: {  	s14 =	simm.s32 $0x100;
	[sflag:s31] =	ssyncadd.s32 $0xFFFFC000  }
0x56: {  	[tilespmem:s24], [sflag:$0x1] =	stream.indirect.gather [hbm4b:s1+s28], $0x80, s14, s28, $0xb8;
	[tilespmem:$0x1E000] =	vst v63  }
0x57: {  	_ =	swait.ge [sflag:s0], $0x4000  }
0x58: {  	[sflag:s0] =	ssyncset.done $0x0  }
0x59: {  	s16 =	simm.s32 $0x1080;
	[sflag:s0] =	ssyncadd.s32 $0xFFFFC000  }
0x5a: {  	[spmem:s2] =	stream.indirect.scatter.add.f32 [tilespmem:s29], [sflag:$0x4], $0x80, s16, s28, $0xb8;
	[tilespmem:$0x1E000] =	vst v63  }
0x5b: {  	_ =	swait.ge [sflag:s3], $0x4000  }
0x5c: {  	[sflag:s3] =	ssyncset.done $0x0  }
0x5d: {  	s11 =	simm.s32 $0x400;
	s12 =	simm.s32 $0x180;
	[sflag:s3] =	ssyncadd.s32 $0xFFFFC000  }
.LBB2_4:
0x5e: {  	[tilespmem:s29], [sflag:$0x2] =	stream.indirect.gather [hbm4b:s1+s28], $0x80, s12, s28, $0xb8;
	[tilespmem:$0x1E000] =	vst v63  }
0x5f: {  	s12 =	smov.u32 s11  }
0x60: {  	p1 =	sne.s32 s11, $0x2C00;
	s11 =	sadd.s32 $0x400, s11;
	_ =	swait.ge [sflag:s30], $0x4000  }
0x61: {  	s12 =	sshra.s32 s12, $0x2;
	[sflag:s30] =	ssyncset.done $0x0  }
0x62: {  	s13 =	sadd.s32 $0x1000, s12;
	[sflag:s30] =	ssyncadd.s32 $0xFFFFC000  }
0x63: {  	[spmem:s2] =	stream.indirect.scatter.add.f32 [tilespmem:s24], [sflag:$0x3], $0x80, s13, s28, $0xb8;
	[tilespmem:$0x1E000] =	vst v63  }
0x64: {  	_ =	swait.ge [sflag:s31], $0x4000  }
0x65: {  	[sflag:s31] =	ssyncset.done $0x0  }
0x66: {  	s13 =	sadd.s32 $0x100, s12;
	[sflag:s31] =	ssyncadd.s32 $0xFFFFC000  }
0x67: {  	[tilespmem:s24], [sflag:$0x1] =	stream.indirect.gather [hbm4b:s1+s28], $0x80, s13, s28, $0xb8;
	[tilespmem:$0x1E000] =	vst v63  }
0x68: {  	_ =	swait.ge [sflag:s0], $0x4000  }
0x69: {  	[sflag:s0] =	ssyncset.done $0x0  }
.Ltmp1:
0x6a: {  	s13 =	sadd.s32 $0x1080, s12;
	[sflag:s0] =	ssyncadd.s32 $0xFFFFC000;
	(pc) =	sbr.rel @p1 .LBB2_4-.Ltmp1, $4  }
0x6b: {  	[spmem:s2] =	stream.indirect.scatter.add.f32 [tilespmem:s29], [sflag:$0x4], $0x80, s13, s28, $0xb8;
	[tilespmem:$0x1E000] =	vst v63  }
0x6c: {  	_ =	swait.ge [sflag:s3], $0x4000  }
0x6d: {  	[sflag:s3] =	ssyncset.done $0x0  }
0x6e: {  	s12 =	sadd.s32 $0x180, s12;
	[sflag:s3] =	ssyncadd.s32 $0xFFFFC000  }
0x6f: {  	[tilespmem:s29], [sflag:$0x2] =	stream.indirect.gather [hbm4b:s1+s28], $0x80, s12, s28, $0xb8;
	[tilespmem:$0x1E000] =	vst v63  }
0x70: {  	_ =	swait.ge [sflag:s30], $0x4000  }
0x71: {  	[sflag:s30] =	ssyncset.done $0x0  }
0x72: {  	[sflag:s30] =	ssyncadd.s32 $0xFFFFC000  }
0x73: {  	[spmem:s2] =	stream.indirect.scatter.add.f32 [tilespmem:s24], [sflag:$0x3], $0x80, s9, s28, $0xb8;
	[tilespmem:$0x1E000] =	vst v63  }
0x74: {  	_ =	swait.ge [sflag:s0], $0x4000  }
0x75: {  	[sflag:s0] =	ssyncset.done $0x0  }
0x76: {  	[sflag:s0] =	ssyncadd.s32 $0xFFFFC000  }
0x77: {  	[spmem:s2] =	stream.indirect.scatter.add.f32 [tilespmem:s29], [sflag:$0x4], $0x80, s10, s28, $0xb8;
	[tilespmem:$0x1E000] =	vst v63  }
0x78: {  	_ =	swait.ge [sflag:s31], $0x4000  }
0x79: {  	[sflag:s31] =	ssyncset.done $0x0  }
0x7a: {  	[sflag:s31] =	ssyncadd.s32 $0xFFFFC000  }
0x7b: {  	_ =	swait.ge [sflag:s3], $0x4000  }
0x7c: {  	[sflag:s3] =	ssyncset.done $0x0  }
0x7d: {  	s11 =	simm.s32 $0x0;
	s14 =	rddreg [dreg:$0x6];
	[sflag:s3] =	ssyncadd.s32 $0xFFFFC000  }
0x7e: {  	[tilespmem:s11], [sflag:$0x5] =	stream.linear.gather [hbm4b:s14+s11], $0xD00, $0x38;
	[tilespmem:$0x1E000] =	vst v63  }
0x7f: {  	_ =	swait.ge [sflag:s25], $0xD00  }
0x80: {  	[sflag:s25] =	ssyncset.done $0x0  }
0x81: {  	s16 =	rddreg [dreg:$0x7];
	[sflag:s25] =	ssyncadd.s32 $0xFFFFF300  }
0x82: {  	[tilespmem:s26], [sflag:$0x5] =	stream.linear.gather [hbm4b:s16+s11], $0xD00, $0x38;
	[tilespmem:$0x1E000] =	vst v63  }
0x83: {  	_ =	swait.ge [sflag:s25], $0xD00  }
0x84: {  	[sflag:s25] =	ssyncset.done $0x0  }
0x85: {  	[sflag:s25] =	ssyncadd.s32 $0xFFFFF300  }
0x86: {  	[tilespmem:s24], [sflag:$0x1] =	stream.indirect.gather [hbm4b:s1+s28], $0x80, s11, s28, $0xb8;
	[tilespmem:$0x1E000] =	vst v63  }
0x87: {  	_ = 	snop  }
0x88: {  	[tilespmem:s29], [sflag:$0x2] =	stream.indirect.gather [hbm4b:s1+s28], $0x80, s28, s28, $0xb8;
	[tilespmem:$0x1E000] =	vst v63  }
0x89: {  	_ =	swait.ge [sflag:s30], $0x4000  }
0x8a: {  	[sflag:s30] =	ssyncset.done $0x0  }
0x8b: {  	s13 =	simm.s32 $0x1000;
	[sflag:s30] =	ssyncadd.s32 $0xFFFFC000  }
0x8c: {  	[spmem:s2] =	stream.indirect.scatter.add.f32 [tilespmem:s24], [sflag:$0x3], $0x80, s13, s28, $0xb8;
	[tilespmem:$0x1E000] =	vst v63  }
0x8d: {  	_ =	swait.ge [sflag:s31], $0x4000  }
0x8e: {  	[sflag:s31] =	ssyncset.done $0x0  }
0x8f: {  	s14 =	simm.s32 $0x100;
	[sflag:s31] =	ssyncadd.s32 $0xFFFFC000  }
0x90: {  	[tilespmem:s24], [sflag:$0x1] =	stream.indirect.gather [hbm4b:s1+s28], $0x80, s14, s28, $0xb8;
	[tilespmem:$0x1E000] =	vst v63  }
0x91: {  	_ =	swait.ge [sflag:s0], $0x4000  }
0x92: {  	[sflag:s0] =	ssyncset.done $0x0  }
0x93: {  	s16 =	simm.s32 $0x1080;
	[sflag:s0] =	ssyncadd.s32 $0xFFFFC000  }
0x94: {  	[spmem:s2] =	stream.indirect.scatter.add.f32 [tilespmem:s29], [sflag:$0x4], $0x80, s16, s28, $0xb8;
	[tilespmem:$0x1E000] =	vst v63  }
0x95: {  	_ =	swait.ge [sflag:s3], $0x4000  }
0x96: {  	[sflag:s3] =	ssyncset.done $0x0  }
0x97: {  	s12 =	simm.s32 $0x180;
	s11 =	simm.s32 $0x400;
	[sflag:s3] =	ssyncadd.s32 $0xFFFFC000  }
.LBB2_6:
0x98: {  	[tilespmem:s29], [sflag:$0x2] =	stream.indirect.gather [hbm4b:s1+s28], $0x80, s12, s28, $0xb8;
	[tilespmem:$0x1E000] =	vst v63  }
0x99: {  	s12 =	smov.u32 s11  }
0x9a: {  	p1 =	sne.s32 s11, $0x2C00;
	s11 =	sadd.s32 $0x400, s11;
	_ =	swait.ge [sflag:s30], $0x4000  }
0x9b: {  	s12 =	sshra.s32 s12, $0x2;
	[sflag:s30] =	ssyncset.done $0x0  }
0x9c: {  	s13 =	sadd.s32 $0x1000, s12;
	[sflag:s30] =	ssyncadd.s32 $0xFFFFC000  }
0x9d: {  	[spmem:s2] =	stream.indirect.scatter.add.f32 [tilespmem:s24], [sflag:$0x3], $0x80, s13, s28, $0xb8;
	[tilespmem:$0x1E000] =	vst v63  }
0x9e: {  	_ =	swait.ge [sflag:s31], $0x4000  }
0x9f: {  	[sflag:s31] =	ssyncset.done $0x0  }
0xa0: {  	s13 =	sadd.s32 $0x100, s12;
	[sflag:s31] =	ssyncadd.s32 $0xFFFFC000  }
0xa1: {  	[tilespmem:s24], [sflag:$0x1] =	stream.indirect.gather [hbm4b:s1+s28], $0x80, s13, s28, $0xb8;
	[tilespmem:$0x1E000] =	vst v63  }
0xa2: {  	_ =	swait.ge [sflag:s0], $0x4000  }
0xa3: {  	[sflag:s0] =	ssyncset.done $0x0  }
.Ltmp2:
0xa4: {  	s13 =	sadd.s32 $0x1080, s12;
	[sflag:s0] =	ssyncadd.s32 $0xFFFFC000;
	(pc) =	sbr.rel @p1 .LBB2_6-.Ltmp2, $4  }
0xa5: {  	[spmem:s2] =	stream.indirect.scatter.add.f32 [tilespmem:s29], [sflag:$0x4], $0x80, s13, s28, $0xb8;
	[tilespmem:$0x1E000] =	vst v63  }
0xa6: {  	_ =	swait.ge [sflag:s3], $0x4000  }
0xa7: {  	[sflag:s3] =	ssyncset.done $0x0  }
0xa8: {  	s12 =	sadd.s32 $0x180, s12;
	[sflag:s3] =	ssyncadd.s32 $0xFFFFC000  }
0xa9: {  	[tilespmem:s29], [sflag:$0x2] =	stream.indirect.gather [hbm4b:s1+s28], $0x80, s12, s28, $0xb8;
	[tilespmem:$0x1E000] =	vst v63  }
0xaa: {  	_ =	swait.ge [sflag:s30], $0x4000  }
0xab: {  	[sflag:s30] =	ssyncset.done $0x0  }
0xac: {  	[sflag:s30] =	ssyncadd.s32 $0xFFFFC000  }
0xad: {  	[spmem:s2] =	stream.indirect.scatter.add.f32 [tilespmem:s24], [sflag:$0x3], $0x80, s9, s28, $0xb8;
	[tilespmem:$0x1E000] =	vst v63  }
0xae: {  	_ =	swait.ge [sflag:s0], $0x4000  }
0xaf: {  	[sflag:s0] =	ssyncset.done $0x0  }
0xb0: {  	[sflag:s0] =	ssyncadd.s32 $0xFFFFC000  }
0xb1: {  	[spmem:s2] =	stream.indirect.scatter.add.f32 [tilespmem:s29], [sflag:$0x4], $0x80, s10, s28, $0xb8;
	[tilespmem:$0x1E000] =	vst v63  }
0xb2: {  	_ =	swait.ge [sflag:s31], $0x4000  }
0xb3: {  	[sflag:s31] =	ssyncset.done $0x0  }
0xb4: {  	[sflag:s31] =	ssyncadd.s32 $0xFFFFC000  }
0xb5: {  	_ =	swait.ge [sflag:s3], $0x4000  }
0xb6: {  	[sflag:s3] =	ssyncset.done $0x0  }
0xb7: {  	s11 =	simm.s32 $0x0;
	s14 =	rddreg [dreg:$0x8];
	[sflag:s3] =	ssyncadd.s32 $0xFFFFC000  }
0xb8: {  	[tilespmem:s11], [sflag:$0x5] =	stream.linear.gather [hbm4b:s14+s11], $0xD00, $0x38;
	[tilespmem:$0x1E000] =	vst v63  }
0xb9: {  	_ =	swait.ge [sflag:s25], $0xD00  }
0xba: {  	[sflag:s25] =	ssyncset.done $0x0  }
0xbb: {  	s16 =	rddreg [dreg:$0x9];
	[sflag:s25] =	ssyncadd.s32 $0xFFFFF300  }
0xbc: {  	[tilespmem:s26], [sflag:$0x5] =	stream.linear.gather [hbm4b:s16+s11], $0xD00, $0x38;
	[tilespmem:$0x1E000] =	vst v63  }
0xbd: {  	_ =	swait.ge [sflag:s25], $0xD00  }
0xbe: {  	[sflag:s25] =	ssyncset.done $0x0  }
0xbf: {  	[sflag:s25] =	ssyncadd.s32 $0xFFFFF300  }
0xc0: {  	[tilespmem:s24], [sflag:$0x1] =	stream.indirect.gather [hbm4b:s1+s28], $0x80, s11, s28, $0xb8;
	[tilespmem:$0x1E000] =	vst v63  }
0xc1: {  	_ = 	snop  }
0xc2: {  	[tilespmem:s29], [sflag:$0x2] =	stream.indirect.gather [hbm4b:s1+s28], $0x80, s28, s28, $0xb8;
	[tilespmem:$0x1E000] =	vst v63  }
0xc3: {  	_ =	swait.ge [sflag:s30], $0x4000  }
0xc4: {  	[sflag:s30] =	ssyncset.done $0x0  }
0xc5: {  	s13 =	simm.s32 $0x1000;
	[sflag:s30] =	ssyncadd.s32 $0xFFFFC000  }
0xc6: {  	[spmem:s2] =	stream.indirect.scatter.add.f32 [tilespmem:s24], [sflag:$0x3], $0x80, s13, s28, $0xb8;
	[tilespmem:$0x1E000] =	vst v63  }
0xc7: {  	_ =	swait.ge [sflag:s31], $0x4000  }
0xc8: {  	[sflag:s31] =	ssyncset.done $0x0  }
0xc9: {  	s14 =	simm.s32 $0x100;
	[sflag:s31] =	ssyncadd.s32 $0xFFFFC000  }
0xca: {  	[tilespmem:s24], [sflag:$0x1] =	stream.indirect.gather [hbm4b:s1+s28], $0x80, s14, s28, $0xb8;
	[tilespmem:$0x1E000] =	vst v63  }
0xcb: {  	_ =	swait.ge [sflag:s0], $0x4000  }
0xcc: {  	[sflag:s0] =	ssyncset.done $0x0  }
0xcd: {  	s16 =	simm.s32 $0x1080;
	[sflag:s0] =	ssyncadd.s32 $0xFFFFC000  }
0xce: {  	[spmem:s2] =	stream.indirect.scatter.add.f32 [tilespmem:s29], [sflag:$0x4], $0x80, s16, s28, $0xb8;
	[tilespmem:$0x1E000] =	vst v63  }
0xcf: {  	_ =	swait.ge [sflag:s3], $0x4000  }
0xd0: {  	[sflag:s3] =	ssyncset.done $0x0  }
0xd1: {  	s12 =	simm.s32 $0x180;
	s11 =	simm.s32 $0x400;
	[sflag:s3] =	ssyncadd.s32 $0xFFFFC000  }
.LBB2_8:
0xd2: {  	[tilespmem:s29], [sflag:$0x2] =	stream.indirect.gather [hbm4b:s1+s28], $0x80, s12, s28, $0xb8;
	[tilespmem:$0x1E000] =	vst v63  }
0xd3: {  	s12 =	smov.u32 s11  }
0xd4: {  	p1 =	sne.s32 s11, $0x2C00;
	s11 =	sadd.s32 $0x400, s11;
	_ =	swait.ge [sflag:s30], $0x4000  }
0xd5: {  	s12 =	sshra.s32 s12, $0x2;
	[sflag:s30] =	ssyncset.done $0x0  }
0xd6: {  	s13 =	sadd.s32 $0x1000, s12;
	[sflag:s30] =	ssyncadd.s32 $0xFFFFC000  }
0xd7: {  	[spmem:s2] =	stream.indirect.scatter.add.f32 [tilespmem:s24], [sflag:$0x3], $0x80, s13, s28, $0xb8;
	[tilespmem:$0x1E000] =	vst v63  }
0xd8: {  	_ =	swait.ge [sflag:s31], $0x4000  }
0xd9: {  	[sflag:s31] =	ssyncset.done $0x0  }
0xda: {  	s13 =	sadd.s32 $0x100, s12;
	[sflag:s31] =	ssyncadd.s32 $0xFFFFC000  }
0xdb: {  	[tilespmem:s24], [sflag:$0x1] =	stream.indirect.gather [hbm4b:s1+s28], $0x80, s13, s28, $0xb8;
	[tilespmem:$0x1E000] =	vst v63  }
0xdc: {  	_ =	swait.ge [sflag:s0], $0x4000  }
0xdd: {  	[sflag:s0] =	ssyncset.done $0x0  }
.Ltmp3:
0xde: {  	s13 =	sadd.s32 $0x1080, s12;
	[sflag:s0] =	ssyncadd.s32 $0xFFFFC000;
	(pc) =	sbr.rel @p1 .LBB2_8-.Ltmp3, $4  }
0xdf: {  	[spmem:s2] =	stream.indirect.scatter.add.f32 [tilespmem:s29], [sflag:$0x4], $0x80, s13, s28, $0xb8;
	[tilespmem:$0x1E000] =	vst v63  }
0xe0: {  	_ =	swait.ge [sflag:s3], $0x4000  }
0xe1: {  	[sflag:s3] =	ssyncset.done $0x0  }
0xe2: {  	s12 =	sadd.s32 $0x180, s12;
	[sflag:s3] =	ssyncadd.s32 $0xFFFFC000  }
0xe3: {  	[tilespmem:s29], [sflag:$0x2] =	stream.indirect.gather [hbm4b:s1+s28], $0x80, s12, s28, $0xb8;
	[tilespmem:$0x1E000] =	vst v63  }
0xe4: {  	_ =	swait.ge [sflag:s30], $0x4000  }
0xe5: {  	[sflag:s30] =	ssyncset.done $0x0  }
0xe6: {  	[sflag:s30] =	ssyncadd.s32 $0xFFFFC000  }
0xe7: {  	[spmem:s2] =	stream.indirect.scatter.add.f32 [tilespmem:s24], [sflag:$0x3], $0x80, s9, s28, $0xb8;
	[tilespmem:$0x1E000] =	vst v63  }
0xe8: {  	_ =	swait.ge [sflag:s0], $0x4000  }
0xe9: {  	[sflag:s0] =	ssyncset.done $0x0  }
0xea: {  	[sflag:s0] =	ssyncadd.s32 $0xFFFFC000  }
0xeb: {  	[spmem:s2] =	stream.indirect.scatter.add.f32 [tilespmem:s29], [sflag:$0x4], $0x80, s10, s28, $0xb8;
	[tilespmem:$0x1E000] =	vst v63  }
0xec: {  	_ =	swait.ge [sflag:s31], $0x4000  }
0xed: {  	[sflag:s31] =	ssyncset.done $0x0  }
0xee: {  	[sflag:s31] =	ssyncadd.s32 $0xFFFFC000  }
0xef: {  	_ =	swait.ge [sflag:s3], $0x4000  }
0xf0: {  	[sflag:s3] =	ssyncset.done $0x0  }
0xf1: {  	s11 =	simm.s32 @!p0 $0x0;
	s12 =	rddreg [dreg:$0xa];
	[sflag:s3] =	ssyncadd.s32 $0xFFFFC000  }
0xf2: {  	[tilespmem:s11], [sflag:$0x5] =	stream.linear.gather @!p0 [hbm4b:s12+s11], $0x80, $0x38;
	[tilespmem:$0x1E000] =	vst v63  }
0xf3: {  	s12 =	simm.s32 @!p0 $0x5  }
0xf4: {  	_ =	swait.ge @!p0 [sflag:s12], $0x80  }
0xf5: {  	[sflag:s12] =	ssyncset.done @!p0 $0x0  }
0xf6: {  	s13 =	simm.s32 @!p0 $0x1000;
	[sflag:s12] =	ssyncadd.s32 @!p0 $0xFFFFFF80  }
0xf7: {  	[tilespmem:s13], [sflag:$0x5] =	stream.linear.gather @!p0 [hbm4b:s17+s11], $0x80, $0x38;
	[tilespmem:$0x1E000] =	vst v63  }
0xf8: {  	_ =	swait.ge @!p0 [sflag:s12], $0x80  }
0xf9: {  	[sflag:s12] =	ssyncset.done @!p0 $0x0  }
0xfa: {  	s14 =	simm.s32 @!p0 $0x80;
	s16 =	simm.s32 @!p0 $0x2000;
	[sflag:s12] =	ssyncadd.s32 @!p0 $0xFFFFFF80  }
0xfb: {  	[tilespmem:s16], [sflag:$0x1] =	stream.indirect.gather @!p0 [hbm4b:s1+s14], $0x80, s11, s14, $0xb8;
	[tilespmem:$0x1E000] =	vst v63  }
0xfc: {  	s11 =	simm.s32 @!p0 $0x1  }
0xfd: {  	_ =	swait.ge @!p0 [sflag:s11], $0x4000  }
0xfe: {  	[sflag:s11] =	ssyncset.done @!p0 $0x0  }
0xff: {  	[sflag:s11] =	ssyncadd.s32 @!p0 $0xFFFFC000  }
0x100: {  	[spmem:s2] =	stream.indirect.scatter.add.f32 @!p0 [tilespmem:s16], [sflag:$0x5], $0x80, s13, s14, $0xb8;
	[tilespmem:$0x1E000] =	vst v63  }
0x101: {  	_ =	swait.ge @!p0 [sflag:s12], $0x4000  }
0x102: {  	s13 =	stileid.u32;
	[sflag:s12] =	ssyncset.done @!p0 $0x0  }
0x103: {  	s11 =	sshll.u32 s13, $0x6;
	[sflag:s12] =	ssyncadd.s32 @!p0 $0xFFFFC000  }
0x104: {  	s14 =	sshrl.u32 s5, $0x3;
	s11 =	sor.u32 $0x1C05, s11;
	[bflag:$0x0] =	sbarrier.arrive $0xFFFF  }
0x105: {  	[hbm:s18], [sflag:s11] =	dma.local [spmem:s14], $0x800  }
0x106: {  	_ =	swait.ge [sflag:s25], $0x800  }
0x107: {  	[sflag:s25] =	ssyncset.done $0x0  }
0x108: {  	s16 =	sshrl.u32 s6, $0x3;
	[sflag:s25] =	ssyncadd.s32 $0xFFFFF800  }
0x109: {  	[hbm:s19], [sflag:s11] =	dma.local [spmem:s16], $0x800  }
0x10a: {  	_ =	swait.ge [sflag:s25], $0x800  }
0x10b: {  	[sflag:s25] =	ssyncset.done $0x0  }
0x10c: {  	s13 =	sshrl.u32 s7, $0x3;
	[sflag:s25] =	ssyncadd.s32 $0xFFFFF800  }
0x10d: {  	[hbm:s20], [sflag:s11] =	dma.local [spmem:s13], $0x800  }
0x10e: {  	_ =	swait.ge [sflag:s25], $0x800  }
0x10f: {  	[sflag:s25] =	ssyncset.done $0x0  }
0x110: {  	s14 =	sshrl.u32 s8, $0x3;
	[sflag:s25] =	ssyncadd.s32 $0xFFFFF800  }
0x111: {  	[hbm:s21], [sflag:s11] =	dma.local [spmem:s14], $0x800  }
0x112: {  	s4 =	sadd.s32 $0x1, s4;
	_ =	swait.ge [sflag:s25], $0x800  }
0x113: {  	p1 =	sne.s32 s4, s23;
	[sflag:s25] =	ssyncset.done $0x0  }
.Ltmp4:
0x114: {  	s16 =	sshrl.u32 s15, $0x3;
	[sflag:s25] =	ssyncadd.s32 $0xFFFFF800;
	(pc) =	sbr.rel @p1 .LBB2_1-.Ltmp4, $4  }
0x115: {  	[hbm:s22], [sflag:s11] =	dma.local [spmem:s16], $0x800  }
0x116: {  	_ =	swait.ge [sflag:s25], $0x800  }
0x117: {  	[sflag:s25] =	ssyncset.done $0x0  }
0x118: {  	[sflag:s25] =	ssyncadd.s32 $0xFFFFF800  }
0x119: {  	_ =	sfence.sel $0x180000  }
0x11a: {  	[bflag:$0x0] =	sbarrier.arrive $0xFFFF  }
0x11b: {  	_ =	strace $0x9000004D  }
0x11c: {  	s0 =	stileid.u32;
	[bflag:$0x2] =	sbarrier.arrive $0xFFFF  }
0x11d: {  	p0 =	sne.s32 s0, $0x0;
	s0 =	rddreg [dreg:$0x3]  }
0x11e: {  	s0 =	sadd.s32 @!p0 $0x100000, s0  }
0x11f: {  	[sflag:s0] =	ssyncadd.tile.s32 @!p0 $0x1;
	_ =	shalt  }
.Lfunc_end2:
_tile_overlayer_lowered:
.L_overlay_start_2:
0x120: {  	(tag) =	ssettag $0x2  }
0x121: {  	s0 =	rddreg [dreg:$0x0];
	s2 =	stileid.u32  }
0x122: {  	s1 =	rddreg [dreg:$0x1];
	p0 =	sne.s32 s2, $0x0  }
0x123: {  	s3 =	rddreg [dreg:$0x2];
	[bflag:$0x3] =	sbarrier.arrive $0xFFFF;
	s2 =	simm.s32 @!p0 $0x1C05  }
0x124: {  	[timem:s3], [sflag:s2] =	dma.local @!p0 [hbm:s0], s1  }
0x125: {  	s0 =	simm.s32 @!p0 $0x5  }
0x126: {  	_ =	swait.ge @!p0 [sflag:s0], s1  }
0x127: {  	s1 =	ssub.s32 @!p0 $0x0, s1;
	[sflag:s0] =	ssyncset.done @!p0 $0x0  }
0x128: {  	[sflag:s0] =	ssyncadd.s32 @!p0 s1  }
0x129: {  	[bflag:$0x3] =	sbarrier.arrive $0xFFFF  }
0x12a: {  	_ =	shalt  }

// kernel: kernel.9.cloned.1.call-start
scs
__scs_entry_jumppad:
0x0: {  	(pc) =	sbr.rel $0x88, $3  }
0x1: {  	(tag) =	ssettag $0x0;
	lr =	simm.s32 $0x1  }
0x2: {  	[smem:$0x3F97] =	sst lr;
	_ =	strace $0xD0000000  }
0x3: {  	_ = 	snop  }
0x4: {  	_ = 	snop  }
0x5: {  	_ = 	snop  }
0x6: {  	_ = 	snop  }
0x7: {  	_ = 	snop  }
__scs_overlays_trampoline_lowered:
0x8: {  	[smem:$0x3FA6] =	sst s0  }
0x9: {  	[smem:$0x3FA7] =	sst s1  }
0xa: {  	[smem:$0x3FA8] =	sst s2  }
0xb: {  	[smem:$0x3FA9] =	sst s3  }
0xc: {  	[smem:$0x3FAA] =	sst s4  }
0xd: {  	[smem:$0x3FAB] =	sst s5  }
0xe: {  	[smem:$0x3FAC] =	sst s6  }
0xf: {  	[smem:$0x3FAD] =	sst s7  }
0x10: {  	[smem:$0x3FAE] =	sst s8  }
0x11: {  	[smem:$0x3FAF] =	sst s9;
	s0 =	simm.s32 @!p0 $0x0  }
0x12: {  	s1 =	sld [smem:$0x3F95];
	s0 =	simm.s32 @p0 $0x1  }
0x13: {  	[smem:$0x3FB0] =	sst s0;
	s0 =	simm.s32 @!p1 $0x0  }
0x14: {  	s2 =	sld [smem:$0x3F94];
	s0 =	simm.s32 @p1 $0x1  }
0x15: {  	[smem:$0x3FB1] =	sst s0;
	s0 =	simm.s32 @!p2 $0x0  }
0x16: {  	s3 =	sld [smem:$0x3FDB];
	s0 =	simm.s32 @p2 $0x1  }
0x17: {  	s4 =	simm.s32 $0x1BF5;
	[smem:$0x3FB3] =	sst s0  }
0x18: {  	s0 =	sld [smem:$0x3F96];
	_ =	swait.ge [sflag:s4], $0x0  }
0x19: {  	s7 =	sld [smem:$0x3F97]  }
0x1a: {  	s8 =	sadd.s32 $0xFFFFE003, lr  }
0x1b: {  	s9 =	sadd.s32 $0xFFFFFEF7, lr;
	s5 =	simm.s32 $0xFFFFFFFF;
	p2 =	slt.u32 s8, $0xFFFFF086  }
0x1c: {  	p1 =	slt.u32 s9, $0xF7A;
	s5 =	simm.s32 @!p2 $0x0  }
0x1d: {  	s5 =	simm.s32 @p1 $0x1;
	p0 =	seq.s32 s7, s2  }
0x1e: {  	s7 =	smul.u32 @!p0 $0xF7A, s2;
	p2 =	seq.s32 @!p0 s5, $0x0  }
0x1f: {  	s9 =	smul.u32 $0xF7A, s1;
	s8 =	simm.s32 @!p0 $0x1BF5;
	p2 =	por !p2, p0  }
0x20: {  	[sflag:s8] =	ssyncset.s32 @!p0 $0xFFFFF086;
	s6 =	sadd.s32 @!p0 s3, s7;
	s7 =	simm.s32 @!p0 $0x108  }
0x21: {  	s3 =	sadd.s32 s3, s9;
	s6 =	sadd.s32 @!p0 $0x88, s6;
	s7 =	simm.s32 @p2 $0x1082  }
0x22: {  	[simem:s7], [sflag:s8] =	dma.local @!p0 [hbm:s6], $0xF7A  }
0x23: {  	s9 =	sor.u32 $0xD0000000, s2;
	s6 =	simm.s32 $0x108;
	_ =	swait.ge @!p0 [sflag:s8], $0x0  }
0x24: {  	s3 =	sadd.s32 $0x88, s3;
	s6 =	simm.s32 @!p1 $0x1082;
	[sflag:s4] =	ssyncset.s32 $0xFFFFF086  }
0x25: {  	[simem:s6], [sflag:s4] =	dma.local [hbm:s3], $0xF7A  }
0x26: {  	[smem:$0x3F97] =	sst s1;
	(tag) =	ssettag s2;
	_ =	strace s9  }
0x27: {  	s1 =	sld [smem:$0x3FA7]  }
0x28: {  	s2 =	sld [smem:$0x3FA8]  }
0x29: {  	s4 =	sld [smem:$0x3FAA]  }
0x2a: {  	p0 =	seq.s32 s5, $0x0;
	s5 =	sld [smem:$0x3FAB]  }
0x2b: {  	s6 =	sld [smem:$0x3FAC]  }
0x2c: {  	s7 =	sld [smem:$0x3FAD]  }
0x2d: {  	s3 =	simm.s32 $0x108;
	s8 =	sld [smem:$0x3FAE]  }
0x2e: {  	s3 =	simm.s32 @!p0 $0x1082;
	s9 =	sld [smem:$0x3FAF]  }
0x2f: {  	lr =	sadd.s32 s0, s3;
	s0 =	sld [smem:$0x3FA6]  }
0x30: {  	s3 =	sld [smem:$0x3FA9]  }
0x31: {  	[smem:$0x3FB2] =	sst s10  }
0x32: {  	s10 =	sld [smem:$0x3FB0];
	_ =	sdelay $0x3  }
0x33: {  	p0 =	seq.s32 s10, $0x1;
	s10 =	sld [smem:$0x3FB2];
	_ =	sdelay $0x3  }
0x34: {  	[smem:$0x3FB2] =	sst s10  }
0x35: {  	s10 =	sld [smem:$0x3FB1];
	_ =	sdelay $0x3  }
0x36: {  	p1 =	seq.s32 s10, $0x1;
	s10 =	sld [smem:$0x3FB2];
	_ =	sdelay $0x3  }
0x37: {  	[smem:$0x3FB2] =	sst s10  }
0x38: {  	s10 =	sld [smem:$0x3FB3]  }
0x39: {  	_ = 	snop;
	(pc) =	sbr.ind lr, $3  }
0x3a: {  	_ = 	snop  }
0x3b: {  	_ = 	snop  }
0x3c: {  	p2 =	seq.s32 s10, $0x1;
	s10 =	sld [smem:$0x3FB2]  }
0x3d: {  	_ =	shalt  }
0x3e: {  	_ =	shalt  }
0x3f: {  	_ =	shalt  }
0x40: {  	_ =	shalt  }
0x41: {  	_ =	shalt  }
0x42: {  	_ =	shalt  }
0x43: {  	_ =	shalt  }
0x44: {  	_ =	shalt  }
0x45: {  	_ =	shalt  }
0x46: {  	_ =	shalt  }
0x47: {  	_ =	shalt  }
0x48: {  	_ =	shalt  }
0x49: {  	_ =	shalt  }
0x4a: {  	_ =	shalt  }
0x4b: {  	_ =	shalt  }
0x4c: {  	_ =	shalt  }
0x4d: {  	_ =	shalt  }
0x4e: {  	_ =	shalt  }
0x4f: {  	_ =	shalt  }
0x50: {  	_ =	shalt  }
0x51: {  	_ =	shalt  }
0x52: {  	_ =	shalt  }
0x53: {  	_ =	shalt  }
0x54: {  	_ =	shalt  }
0x55: {  	_ =	shalt  }
0x56: {  	_ =	shalt  }
0x57: {  	_ =	shalt  }
0x58: {  	_ =	shalt  }
0x59: {  	_ =	shalt  }
0x5a: {  	_ =	shalt  }
0x5b: {  	_ =	shalt  }
0x5c: {  	_ =	shalt  }
0x5d: {  	_ =	shalt  }
0x5e: {  	_ =	shalt  }
0x5f: {  	_ =	shalt  }
0x60: {  	_ =	shalt  }
0x61: {  	_ =	shalt  }
0x62: {  	_ =	shalt  }
0x63: {  	_ =	shalt  }
0x64: {  	_ =	shalt  }
0x65: {  	_ =	shalt  }
0x66: {  	_ =	shalt  }
0x67: {  	_ =	shalt  }
0x68: {  	_ =	shalt  }
0x69: {  	_ =	shalt  }
0x6a: {  	_ =	shalt  }
0x6b: {  	_ =	shalt  }
0x6c: {  	_ =	shalt  }
0x6d: {  	_ =	shalt  }
0x6e: {  	_ =	shalt  }
0x6f: {  	_ =	shalt  }
0x70: {  	_ =	shalt  }
0x71: {  	_ =	shalt  }
0x72: {  	_ =	shalt  }
0x73: {  	_ =	shalt  }
0x74: {  	_ =	shalt  }
0x75: {  	_ =	shalt  }
0x76: {  	_ =	shalt  }
0x77: {  	_ =	shalt  }
0x78: {  	_ =	shalt  }
0x79: {  	_ =	shalt  }
0x7a: {  	_ =	shalt  }
0x7b: {  	_ =	shalt  }
0x7c: {  	_ =	shalt  }
0x7d: {  	_ =	shalt  }
0x7e: {  	_ =	shalt  }
0x7f: {  	_ =	shalt  }
0x80: {  	_ =	shalt  }
0x81: {  	_ =	shalt  }
0x82: {  	_ =	shalt  }
0x83: {  	_ =	shalt  }
0x84: {  	_ =	shalt  }
0x85: {  	_ =	shalt  }
0x86: {  	_ =	shalt  }
0x87: {  	_ =	shalt  }
.Lfunc_end0:
.L_simem_size_0:
called_computation_lowered:
.L_overlay_start_0:
0x88: {  	s2 =	sld [smem:$0x3FD9]  }
0x89: {  	s3 =	sld [smem:$0x3FFE];
	_ =	sdelay $0x1  }
0x8a: {  	s1 =	srdreg.scid  }
0x8b: {  	s0 =	sand.u32 $0x1, s1  }
0x8c: {  	s17 =	sshll.u32 s0, $0xA;
	s2 =	sadd.s32 s3, s2  }
0x8d: {  	s2 =	sadd.s32 s2, s17  }
0x8e: {  	[smem:$0x3FBE] =	sst s2  }
0x8f: {  	_ = 	snop  }
0x90: {  	s2 =	sld [smem:$0x3FD0];
	(tm) =	ssettm $0x1  }
0x91: {  	s18 =	sld [smem:$0x3FFB];
	_ =	sdelay $0x3  }
0x92: {  	_ =	strace s18  }
0x93: {  	s3 =	sld [smem:$0x3FFC];
	_ =	sdelay $0x3  }
0x94: {  	_ =	strace s3  }
0x95: {  	s3 =	sld [smem:$0x3FFD];
	_ =	sdelay $0x3  }
0x96: {  	_ =	strace s3  }
0x97: {  	_ =	strace $0x8FFFFFFF  }
0x98: {  	s19 =	sld [smem:$0x3FDB];
	_ =	sdelay $0x1  }
0x99: {  	s4 =	simm.s32 $_scs_section_size  }
0x9a: {  	s5 =	simm.s32 $_size__tile_overlayer_lowered;
	s6 =	simm.s32 $_tile_overlayer_lowered  }
0x9b: {  	s22 =	simm.s32 $0x1BFF;
	s21 =	sshll.u32 s6, $0x1;
	s3 =	sadd.s32 s4, s19  }
0x9c: {  	s7 =	simm.s32 $0x0;
	s20 =	sshll.u32 s5, $0x1;
	s5 =	sadd.s32 s21, s3  }
0x9d: {  	[timem:s7], [sflag:s22] =	dma.local [hbm:s5], s20  }
0x9e: {  	_ =	swait.ge [sflag:s22], s20  }
0x9f: {  	s4 =	ssub.s32 $0x0, s20;
	[sflag:s22] =	ssyncset.done $0x0  }
0xa0: {  	[sflag:s22] =	ssyncadd.s32 s4;
	_ =	sdelay $0x1  }
0xa1: {  	s23 =	simm.s32 $0x1B8B  }
0xa2: {  	_ =	swait.ge [sflag:s23], $0x1  }
0xa3: {  	[sflag:s23] =	ssyncset.done $0x0  }
0xa4: {  	s25 =	simm.s32 $0x1B8E;
	s24 =	sld [smem:$0x3FFE];
	[sflag:s23] =	ssyncadd.s32 $0xFFFFFFFF  }
0xa5: {  	s26 =	simm.s32 $execute0_lowered;
	[smem:$0x3FD2] =	sst s25  }
0xa6: {  	s5 =	sshll.u32 s26, $0x1;
	_ =	strace $0x80000046;
	[dreg:$0x1] =	wrdreg $0xFFFFFFFF  }
0xa7: {  	s28 =	simm.s32 $_size_execute0_lowered;
	s3 =	sadd.s32 s3, s5;
	[dreg:$0x0] =	wrdreg $0x0  }
0xa8: {  	s5 =	sshll.u32 s28, $0x1;
	[dreg:$0x2] =	wrdreg s3  }
0xa9: {  	[dreg:$0x3] =	wrdreg s5  }
0xaa: {  	[dreg:$0x4] =	wrdreg $0xC0  }
0xab: {  	_ =	task [dreg:s7], $0x5FFFF  }
0xac: {  	[dreg:$0x1] =	wrdreg $0xFFFFFFFF  }
0xad: {  	[dreg:$0x0] =	wrdreg $0x60  }
0xae: {  	[dreg:$0x2] =	wrdreg s24  }
0xaf: {  	[dreg:$0x3] =	wrdreg s2  }
0xb0: {  	[dreg:$0x4] =	wrdreg $0x13800  }
0xb1: {  	[dreg:$0x5] =	wrdreg $0x9  }
0xb2: {  	_ =	task.clear_ibuf [dreg:s7], $0x6FFFF;
	_ =	strace $0x90000046  }
0xb3: {  	s29 =	simm.s32 $0x9;
	_ =	strace $0x80000048  }
0xb4: {  	_ =	swait.ge [sflag:s29], $0x1  }
0xb5: {  	[sflag:s29] =	ssyncadd.s32 $0xFFFFFFFF  }
0xb6: {  	_ =	strace $0x90000048  }
0xb7: {  	_ =	sfence  }
0xb8: {  	s30 =	sld [smem:$0x0];
	_ =	sdelay $0x2  }
0xb9: {  	s31 =	sshll.u32 s1, $0xD;
	s1 =	sshrl.u32 s1, $0x2  }
0xba: {  	s3 =	sand.u32 $0x4000, s31;
	s1 =	sadd.s32 s1, s30  }
0xbb: {  	s0 =	sor.u32 s3, s0;
	s1 =	sshll.u32 s1, $0x11  }
0xbc: {  	s0 =	sor.u32 s1, s0  }
0xbd: {  	s0 =	sadd.s32 $0x8F2B, s0  }
0xbe: {  	[sflag:s0] =	ssyncadd.remote.s32 $0x1  }
0xbf: {  	_ =	sfence.sel $0xFFFF  }
0xc0: {  	[dreg:$0x0] =	wrdreg $0xFFFFFFFF;
	(pc) =	sbr.abs _section_cstart, $3  }
0xc1: {  	[dreg:$0x1] =	wrdreg $0xFFFFFFFF  }
0xc2: {  	_ =	task.clear_ibuf [dreg:s7], $0x2FFFF;
	_ =	strace $0x9FFFFFFF  }
0xc3: {  	(tm) =	ssettm $0x7FFFFFFF  }
tec
execute0_lowered:
.L_overlay_start_1:
0x0: {  	(tag) =	ssettag $0x1  }
0x1: {  	s3 =	rddreg [dreg:$0x0]  }
0x2: {  	s0 =	rddreg [dreg:$0x1];
	s2 =	simm.s32 $0x0  }
0x3: {  	v0 =	vimm.f32 $1.000000000e+00;
	[smem:$0x7FF] =	sst s2  }
0x4: {  	s1 =	rddreg [dreg:$0x2];
	v1 =	vimm.f32 $0.0e+00;
	_ =	strace $0x80000047;
	[tilespmem:$0x1080] =	vst v0  }
0x5: {  	[tilespmem:$0x1370] =	vst v1  }
0x6: {  	[tilespmem:$0x1360] =	vst v1  }
0x7: {  	[tilespmem:$0x1350] =	vst v1  }
0x8: {  	[tilespmem:$0x1340] =	vst v1  }
0x9: {  	[tilespmem:$0x1330] =	vst v1  }
0xa: {  	[tilespmem:$0x1320] =	vst v1  }
0xb: {  	[tilespmem:$0x1310] =	vst v1  }
0xc: {  	[tilespmem:$0x1300] =	vst v1  }
0xd: {  	[tilespmem:$0x12F0] =	vst v1  }
0xe: {  	[tilespmem:$0x12E0] =	vst v1  }
0xf: {  	[tilespmem:$0x12D0] =	vst v1  }
0x10: {  	[tilespmem:$0x12C0] =	vst v1  }
0x11: {  	[tilespmem:$0x12B0] =	vst v1  }
0x12: {  	[tilespmem:$0x12A0] =	vst v1  }
0x13: {  	[tilespmem:$0x1290] =	vst v1  }
0x14: {  	[tilespmem:$0x1280] =	vst v1  }
0x15: {  	[tilespmem:$0x1270] =	vst v1  }
0x16: {  	[tilespmem:$0x1260] =	vst v1  }
0x17: {  	[tilespmem:$0x1250] =	vst v1  }
0x18: {  	[tilespmem:$0x1240] =	vst v1  }
0x19: {  	[tilespmem:$0x1230] =	vst v1  }
0x1a: {  	[tilespmem:$0x1220] =	vst v1  }
0x1b: {  	[tilespmem:$0x1210] =	vst v1  }
0x1c: {  	[tilespmem:$0x1200] =	vst v1  }
0x1d: {  	[tilespmem:$0x11F0] =	vst v1  }
0x1e: {  	[tilespmem:$0x11E0] =	vst v1  }
0x1f: {  	[tilespmem:$0x11D0] =	vst v1  }
0x20: {  	[tilespmem:$0x11C0] =	vst v1  }
0x21: {  	[tilespmem:$0x11B0] =	vst v1  }
0x22: {  	[tilespmem:$0x11A0] =	vst v1  }
0x23: {  	[tilespmem:$0x1190] =	vst v1  }
0x24: {  	[tilespmem:$0x1180] =	vst v1  }
0x25: {  	[tilespmem:$0x1170] =	vst v1  }
0x26: {  	s4 =	srdreg.scid;
	[tilespmem:$0x1160] =	vst v1  }
0x27: {  	s7 =	stileid.u32;
	s8 =	stileid.u32;
	[tilespmem:$0x1150] =	vst v1  }
0x28: {  	s25 =	simm.s32 $0x1100;
	s28 =	simm.s32 $0x20;
	s5 =	sand.u32 $0x1, s4;
	[tilespmem:$0x1140] =	vst v1  }
0x29: {  	s6 =	sshll.u32 s7, $0x4;
	s4 =	sshll.u32 s5, $0x4;
	[dreg:$0xf] =	wrdreg s5;
	[tilespmem:$0x1130] =	vst v1  }
0x2a: {  	[tilespmem:$0x1120] =	vst v1;
	[dreg:$0x9] =	wrdreg s25;
	s4 =	sor.u32 s7, s4;
	s7 =	smul.u32 $0x500, s7  }
0x2b: {  	s9 =	sshll.u32 s5, $0x7;
	[tilespmem:$0x1110] =	vst v1;
	[dreg:$0x10] =	wrdreg s4;
	s4 =	smul.u32 $0x3000, s4  }
0x2c: {  	s30 =	simm.s32 $0x10;
	[tilespmem:$0x1100] =	vst v1;
	[dreg:$0xa] =	wrdreg s28;
	s23 =	sor.u32 s9, s7  }
0x2d: {  	[tilespmem:$0x10F0] =	vst v0;
	[dreg:$0xb] =	wrdreg s30;
	s4 =	sshrl.u32 s4, $0x3;
	s24 =	sshrl.u32 s23, $0x3  }
0x2e: {  	[tilespmem:$0x10E0] =	vst v0;
	s29 =	rddreg [dreg:$0x9];
	s4 =	sadd.s32 s4, s3;
	s0 =	sadd.s32 s0, s24  }
0x2f: {  	s26 =	smul.u32 $0xA00, s8;
	[tilespmem:$0x10D0] =	vst v0;
	s21 =	sadd.s32 $0x3200, s4;
	[dreg:$0x8] =	wrdreg s0  }
0x30: {  	[tilespmem:$0x10C0] =	vst v0;
	s3 =	sadd.s32 s6, s3;
	s22 =	sadd.s32 $0x3400, s4;
	[dreg:$0x4] =	wrdreg s21  }
0x31: {  	[tilespmem:$0x10B0] =	vst v0;
	s3 =	sadd.s32 $0xF200, s3;
	[dreg:$0x5] =	wrdreg s22  }
0x32: {  	[tilespmem:$0x10A0] =	vst v0;
	s4 =	sadd.s32 $0x3600, s4;
	[dreg:$0x7] =	wrdreg s3;
	s3 =	sshrl.u32 s26, $0x2  }
0x33: {  	[tilespmem:$0x1090] =	vst v0;
	[dreg:$0x6] =	wrdreg s4;
	s4 =	simm.s32 $0x2;
	s9 =	sadd.s32 s3, s1  }
0x34: {  	[spmem:s9] =	stream.linear.scatter [tilespmem:s29], [sflag:$0x2], $0x280, $0x38;
	[tilespmem:$0x1600] =	vst v63  }
0x35: {  	_ =	swait.ge [sflag:s4], $0x280  }
0x36: {  	[sflag:s4] =	ssyncset.done $0x0  }
0x37: {  	[sflag:s4] =	ssyncadd.s32 $0xFFFFFD80  }
0x38: {  	[bflag:$0x0] =	sbarrier.arrive $0xFFFF  }
0x39: {  	s31 =	rddreg [dreg:$0x4]  }
0x3a: {  	[tilespmem:s2], [sflag:$0x2] =	stream.linear.gather [hbm4b:s31+s2], $0xD00, $0x38;
	[tilespmem:$0x1600] =	vst v63  }
0x3b: {  	_ =	swait.ge [sflag:s4], $0xD00  }
0x3c: {  	[sflag:s4] =	ssyncset.done $0x0  }
0x3d: {  	s7 =	simm.s32 $0x1080;
	s6 =	simm.s32 $0x80;
	[sflag:s4] =	ssyncadd.s32 $0xFFFFF300  }
0x3e: {  	[spmem:s1] =	stream.indirect.scatter.add.f32 [tilespmem:s7], [sflag:$0x1], $0x1, s2, s6, $0xb8;
	[tilespmem:$0x1600] =	vst v63  }
0x3f: {  	_ = 	snop  }
0x40: {  	[spmem:s1] =	stream.indirect.scatter.add.f32 [tilespmem:s7], [sflag:$0x1], $0x1, s6, s6, $0xb8;
	[tilespmem:$0x1600] =	vst v63  }
0x41: {  	s3 =	simm.s32 $0x100  }
0x42: {  	[spmem:s1] =	stream.indirect.scatter.add.f32 [tilespmem:s7], [sflag:$0x1], $0x1, s3, s6, $0xb8;
	[tilespmem:$0x1600] =	vst v63  }
0x43: {  	s11 =	simm.s32 $0x180  }
0x44: {  	[spmem:s1] =	stream.indirect.scatter.add.f32 [tilespmem:s7], [sflag:$0x1], $0x1, s11, s6, $0xb8;
	[tilespmem:$0x1600] =	vst v63  }
0x45: {  	s12 =	simm.s32 $0x200  }
0x46: {  	[spmem:s1] =	stream.indirect.scatter.add.f32 [tilespmem:s7], [sflag:$0x1], $0x1, s12, s6, $0xb8;
	[tilespmem:$0x1600] =	vst v63  }
0x47: {  	s13 =	simm.s32 $0x280  }
0x48: {  	[spmem:s1] =	stream.indirect.scatter.add.f32 [tilespmem:s7], [sflag:$0x1], $0x1, s13, s6, $0xb8;
	[tilespmem:$0x1600] =	vst v63  }
0x49: {  	s14 =	simm.s32 $0x300  }
0x4a: {  	[spmem:s1] =	stream.indirect.scatter.add.f32 [tilespmem:s7], [sflag:$0x1], $0x1, s14, s6, $0xb8;
	[tilespmem:$0x1600] =	vst v63  }
0x4b: {  	s15 =	simm.s32 $0x380  }
0x4c: {  	[spmem:s1] =	stream.indirect.scatter.add.f32 [tilespmem:s7], [sflag:$0x1], $0x1, s15, s6, $0xb8;
	[tilespmem:$0x1600] =	vst v63  }
0x4d: {  	s16 =	simm.s32 $0x400  }
0x4e: {  	[spmem:s1] =	stream.indirect.scatter.add.f32 [tilespmem:s7], [sflag:$0x1], $0x1, s16, s6, $0xb8;
	[tilespmem:$0x1600] =	vst v63  }
0x4f: {  	s17 =	simm.s32 $0x480  }
0x50: {  	[spmem:s1] =	stream.indirect.scatter.add.f32 [tilespmem:s7], [sflag:$0x1], $0x1, s17, s6, $0xb8;
	[tilespmem:$0x1600] =	vst v63  }
0x51: {  	s18 =	simm.s32 $0x500  }
0x52: {  	[spmem:s1] =	stream.indirect.scatter.add.f32 [tilespmem:s7], [sflag:$0x1], $0x1, s18, s6, $0xb8;
	[tilespmem:$0x1600] =	vst v63  }
0x53: {  	s19 =	simm.s32 $0x580  }
0x54: {  	[spmem:s1] =	stream.indirect.scatter.add.f32 [tilespmem:s7], [sflag:$0x1], $0x1, s19, s6, $0xb8;
	[tilespmem:$0x1600] =	vst v63  }
0x55: {  	s20 =	simm.s32 $0x600  }
0x56: {  	[spmem:s1] =	stream.indirect.scatter.add.f32 [tilespmem:s7], [sflag:$0x1], $0x1, s20, s6, $0xb8;
	[tilespmem:$0x1600] =	vst v63  }
0x57: {  	s21 =	simm.s32 $0x680  }
0x58: {  	[spmem:s1] =	stream.indirect.scatter.add.f32 [tilespmem:s7], [sflag:$0x1], $0x1, s21, s6, $0xb8;
	[tilespmem:$0x1600] =	vst v63  }
0x59: {  	s22 =	simm.s32 $0x700  }
0x5a: {  	[spmem:s1] =	stream.indirect.scatter.add.f32 [tilespmem:s7], [sflag:$0x1], $0x1, s22, s6, $0xb8;
	[tilespmem:$0x1600] =	vst v63  }
0x5b: {  	s23 =	simm.s32 $0x780  }
0x5c: {  	[spmem:s1] =	stream.indirect.scatter.add.f32 [tilespmem:s7], [sflag:$0x1], $0x1, s23, s6, $0xb8;
	[tilespmem:$0x1600] =	vst v63  }
0x5d: {  	s24 =	simm.s32 $0x800  }
0x5e: {  	[spmem:s1] =	stream.indirect.scatter.add.f32 [tilespmem:s7], [sflag:$0x1], $0x1, s24, s6, $0xb8;
	[tilespmem:$0x1600] =	vst v63  }
0x5f: {  	s25 =	simm.s32 $0x880  }
0x60: {  	[spmem:s1] =	stream.indirect.scatter.add.f32 [tilespmem:s7], [sflag:$0x1], $0x1, s25, s6, $0xb8;
	[tilespmem:$0x1600] =	vst v63  }
0x61: {  	s26 =	simm.s32 $0x900  }
0x62: {  	[spmem:s1] =	stream.indirect.scatter.add.f32 [tilespmem:s7], [sflag:$0x1], $0x1, s26, s6, $0xb8;
	[tilespmem:$0x1600] =	vst v63  }
0x63: {  	s28 =	simm.s32 $0x980  }
0x64: {  	[spmem:s1] =	stream.indirect.scatter.add.f32 [tilespmem:s7], [sflag:$0x1], $0x1, s28, s6, $0xb8;
	[tilespmem:$0x1600] =	vst v63  }
0x65: {  	s29 =	simm.s32 $0xA00  }
0x66: {  	[spmem:s1] =	stream.indirect.scatter.add.f32 [tilespmem:s7], [sflag:$0x1], $0x1, s29, s6, $0xb8;
	[tilespmem:$0x1600] =	vst v63  }
0x67: {  	s30 =	simm.s32 $0xA80  }
0x68: {  	[spmem:s1] =	stream.indirect.scatter.add.f32 [tilespmem:s7], [sflag:$0x1], $0x1, s30, s6, $0xb8;
	[tilespmem:$0x1600] =	vst v63  }
0x69: {  	s31 =	simm.s32 $0xB00  }
0x6a: {  	[spmem:s1] =	stream.indirect.scatter.add.f32 [tilespmem:s7], [sflag:$0x1], $0x1, s31, s6, $0xb8;
	[tilespmem:$0x1600] =	vst v63  }
0x6b: {  	s10 =	simm.s32 $0xB80  }
0x6c: {  	[spmem:s1] =	stream.indirect.scatter.add.f32 [tilespmem:s7], [sflag:$0x1], $0x1, s10, s6, $0xb8;
	[tilespmem:$0x1600] =	vst v63  }
0x6d: {  	s8 =	simm.s32 $0xC00  }
0x6e: {  	[spmem:s1] =	stream.indirect.scatter.add.f32 [tilespmem:s7], [sflag:$0x1], $0x1, s8, s6, $0xb8;
	[tilespmem:$0x1600] =	vst v63  }
0x6f: {  	s0 =	simm.s32 $0xC80;
	s3 =	simm.s32 $0x1  }
0x70: {  	[spmem:s1] =	stream.indirect.scatter.add.f32 [tilespmem:s7], [sflag:$0x1], $0x1, s0, s6, $0xb8;
	[tilespmem:$0x1600] =	vst v63  }
0x71: {  	_ =	swait.ge [sflag:s3], $0x80  }
0x72: {  	[sflag:s3] =	ssyncset.done $0x0  }
0x73: {  	[sflag:s3] =	ssyncadd.s32 $0xFFFFFF80  }
0x74: {  	_ =	swait.ge [sflag:s3], $0x80  }
0x75: {  	[sflag:s3] =	ssyncset.done $0x0  }
0x76: {  	[sflag:s3] =	ssyncadd.s32 $0xFFFFFF80  }
0x77: {  	_ =	swait.ge [sflag:s3], $0x80  }
0x78: {  	[sflag:s3] =	ssyncset.done $0x0  }
0x79: {  	[sflag:s3] =	ssyncadd.s32 $0xFFFFFF80  }
0x7a: {  	_ =	swait.ge [sflag:s3], $0x80  }
0x7b: {  	[sflag:s3] =	ssyncset.done $0x0  }
0x7c: {  	[sflag:s3] =	ssyncadd.s32 $0xFFFFFF80  }
0x7d: {  	_ =	swait.ge [sflag:s3], $0x80  }
0x7e: {  	[sflag:s3] =	ssyncset.done $0x0  }
0x7f: {  	[sflag:s3] =	ssyncadd.s32 $0xFFFFFF80  }
0x80: {  	_ =	swait.ge [sflag:s3], $0x80  }
0x81: {  	[sflag:s3] =	ssyncset.done $0x0  }
0x82: {  	[sflag:s3] =	ssyncadd.s32 $0xFFFFFF80  }
0x83: {  	_ =	swait.ge [sflag:s3], $0x80  }
0x84: {  	[sflag:s3] =	ssyncset.done $0x0  }
0x85: {  	[sflag:s3] =	ssyncadd.s32 $0xFFFFFF80  }
0x86: {  	_ =	swait.ge [sflag:s3], $0x80  }
0x87: {  	[sflag:s3] =	ssyncset.done $0x0  }
0x88: {  	[sflag:s3] =	ssyncadd.s32 $0xFFFFFF80  }
0x89: {  	_ =	swait.ge [sflag:s3], $0x80  }
0x8a: {  	[sflag:s3] =	ssyncset.done $0x0  }
0x8b: {  	[sflag:s3] =	ssyncadd.s32 $0xFFFFFF80  }
0x8c: {  	_ =	swait.ge [sflag:s3], $0x80  }
0x8d: {  	[sflag:s3] =	ssyncset.done $0x0  }
0x8e: {  	[sflag:s3] =	ssyncadd.s32 $0xFFFFFF80  }
0x8f: {  	_ =	swait.ge [sflag:s3], $0x80  }
0x90: {  	[sflag:s3] =	ssyncset.done $0x0  }
0x91: {  	[sflag:s3] =	ssyncadd.s32 $0xFFFFFF80  }
0x92: {  	_ =	swait.ge [sflag:s3], $0x80  }
0x93: {  	[sflag:s3] =	ssyncset.done $0x0  }
0x94: {  	[sflag:s3] =	ssyncadd.s32 $0xFFFFFF80  }
0x95: {  	_ =	swait.ge [sflag:s3], $0x80  }
0x96: {  	[sflag:s3] =	ssyncset.done $0x0  }
0x97: {  	[sflag:s3] =	ssyncadd.s32 $0xFFFFFF80  }
0x98: {  	_ =	swait.ge [sflag:s3], $0x80  }
0x99: {  	[sflag:s3] =	ssyncset.done $0x0  }
0x9a: {  	[sflag:s3] =	ssyncadd.s32 $0xFFFFFF80  }
0x9b: {  	_ =	swait.ge [sflag:s3], $0x80  }
0x9c: {  	[sflag:s3] =	ssyncset.done $0x0  }
0x9d: {  	[sflag:s3] =	ssyncadd.s32 $0xFFFFFF80  }
0x9e: {  	_ =	swait.ge [sflag:s3], $0x80  }
0x9f: {  	[sflag:s3] =	ssyncset.done $0x0  }
0xa0: {  	[sflag:s3] =	ssyncadd.s32 $0xFFFFFF80  }
0xa1: {  	_ =	swait.ge [sflag:s3], $0x80  }
0xa2: {  	[sflag:s3] =	ssyncset.done $0x0  }
0xa3: {  	[sflag:s3] =	ssyncadd.s32 $0xFFFFFF80  }
0xa4: {  	_ =	swait.ge [sflag:s3], $0x80  }
0xa5: {  	[sflag:s3] =	ssyncset.done $0x0  }
0xa6: {  	[sflag:s3] =	ssyncadd.s32 $0xFFFFFF80  }
0xa7: {  	_ =	swait.ge [sflag:s3], $0x80  }
0xa8: {  	[sflag:s3] =	ssyncset.done $0x0  }
0xa9: {  	[sflag:s3] =	ssyncadd.s32 $0xFFFFFF80  }
0xaa: {  	_ =	swait.ge [sflag:s3], $0x80  }
0xab: {  	[sflag:s3] =	ssyncset.done $0x0  }
0xac: {  	[sflag:s3] =	ssyncadd.s32 $0xFFFFFF80  }
0xad: {  	_ =	swait.ge [sflag:s3], $0x80  }
0xae: {  	[sflag:s3] =	ssyncset.done $0x0  }
0xaf: {  	[sflag:s3] =	ssyncadd.s32 $0xFFFFFF80  }
0xb0: {  	_ =	swait.ge [sflag:s3], $0x80  }
0xb1: {  	[sflag:s3] =	ssyncset.done $0x0  }
0xb2: {  	[sflag:s3] =	ssyncadd.s32 $0xFFFFFF80  }
0xb3: {  	_ =	swait.ge [sflag:s3], $0x80  }
0xb4: {  	[sflag:s3] =	ssyncset.done $0x0  }
0xb5: {  	[sflag:s3] =	ssyncadd.s32 $0xFFFFFF80  }
0xb6: {  	_ =	swait.ge [sflag:s3], $0x80  }
0xb7: {  	[sflag:s3] =	ssyncset.done $0x0  }
0xb8: {  	[sflag:s3] =	ssyncadd.s32 $0xFFFFFF80  }
0xb9: {  	_ =	swait.ge [sflag:s3], $0x80  }
0xba: {  	[sflag:s3] =	ssyncset.done $0x0  }
0xbb: {  	[sflag:s3] =	ssyncadd.s32 $0xFFFFFF80  }
0xbc: {  	_ =	swait.ge [sflag:s3], $0x80  }
0xbd: {  	[sflag:s3] =	ssyncset.done $0x0  }
0xbe: {  	s5 =	rddreg [dreg:$0x5];
	[sflag:s3] =	ssyncadd.s32 $0xFFFFFF80  }
0xbf: {  	[tilespmem:s2], [sflag:$0x2] =	stream.linear.gather [hbm4b:s5+s2], $0xD00, $0x38;
	[tilespmem:$0x1600] =	vst v63  }
0xc0: {  	_ =	swait.ge [sflag:s4], $0xD00  }
0xc1: {  	[sflag:s4] =	ssyncset.done $0x0  }
0xc2: {  	[sflag:s4] =	ssyncadd.s32 $0xFFFFF300  }
0xc3: {  	[spmem:s1] =	stream.indirect.scatter.add.f32 [tilespmem:s7], [sflag:$0x1], $0x1, s2, s6, $0xb8;
	[tilespmem:$0x1600] =	vst v63  }
0xc4: {  	_ = 	snop  }
0xc5: {  	[spmem:s1] =	stream.indirect.scatter.add.f32 [tilespmem:s7], [sflag:$0x1], $0x1, s6, s6, $0xb8;
	[tilespmem:$0x1600] =	vst v63  }
0xc6: {  	s5 =	simm.s32 $0x100  }
0xc7: {  	[spmem:s1] =	stream.indirect.scatter.add.f32 [tilespmem:s7], [sflag:$0x1], $0x1, s5, s6, $0xb8;
	[tilespmem:$0x1600] =	vst v63  }
0xc8: {  	_ = 	snop  }
0xc9: {  	[spmem:s1] =	stream.indirect.scatter.add.f32 [tilespmem:s7], [sflag:$0x1], $0x1, s11, s6, $0xb8;
	[tilespmem:$0x1600] =	vst v63  }
0xca: {  	_ = 	snop  }
0xcb: {  	[spmem:s1] =	stream.indirect.scatter.add.f32 [tilespmem:s7], [sflag:$0x1], $0x1, s12, s6, $0xb8;
	[tilespmem:$0x1600] =	vst v63  }
0xcc: {  	_ = 	snop  }
0xcd: {  	[spmem:s1] =	stream.indirect.scatter.add.f32 [tilespmem:s7], [sflag:$0x1], $0x1, s13, s6, $0xb8;
	[tilespmem:$0x1600] =	vst v63  }
0xce: {  	_ = 	snop  }
0xcf: {  	[spmem:s1] =	stream.indirect.scatter.add.f32 [tilespmem:s7], [sflag:$0x1], $0x1, s14, s6, $0xb8;
	[tilespmem:$0x1600] =	vst v63  }
0xd0: {  	_ = 	snop  }
0xd1: {  	[spmem:s1] =	stream.indirect.scatter.add.f32 [tilespmem:s7], [sflag:$0x1], $0x1, s15, s6, $0xb8;
	[tilespmem:$0x1600] =	vst v63  }
0xd2: {  	_ = 	snop  }
0xd3: {  	[spmem:s1] =	stream.indirect.scatter.add.f32 [tilespmem:s7], [sflag:$0x1], $0x1, s16, s6, $0xb8;
	[tilespmem:$0x1600] =	vst v63  }
0xd4: {  	_ = 	snop  }
0xd5: {  	[spmem:s1] =	stream.indirect.scatter.add.f32 [tilespmem:s7], [sflag:$0x1], $0x1, s17, s6, $0xb8;
	[tilespmem:$0x1600] =	vst v63  }
0xd6: {  	_ = 	snop  }
0xd7: {  	[spmem:s1] =	stream.indirect.scatter.add.f32 [tilespmem:s7], [sflag:$0x1], $0x1, s18, s6, $0xb8;
	[tilespmem:$0x1600] =	vst v63  }
0xd8: {  	_ = 	snop  }
0xd9: {  	[spmem:s1] =	stream.indirect.scatter.add.f32 [tilespmem:s7], [sflag:$0x1], $0x1, s19, s6, $0xb8;
	[tilespmem:$0x1600] =	vst v63  }
0xda: {  	_ = 	snop  }
0xdb: {  	[spmem:s1] =	stream.indirect.scatter.add.f32 [tilespmem:s7], [sflag:$0x1], $0x1, s20, s6, $0xb8;
	[tilespmem:$0x1600] =	vst v63  }
0xdc: {  	_ = 	snop  }
0xdd: {  	[spmem:s1] =	stream.indirect.scatter.add.f32 [tilespmem:s7], [sflag:$0x1], $0x1, s21, s6, $0xb8;
	[tilespmem:$0x1600] =	vst v63  }
0xde: {  	_ = 	snop  }
0xdf: {  	[spmem:s1] =	stream.indirect.scatter.add.f32 [tilespmem:s7], [sflag:$0x1], $0x1, s22, s6, $0xb8;
	[tilespmem:$0x1600] =	vst v63  }
0xe0: {  	_ = 	snop  }
0xe1: {  	[spmem:s1] =	stream.indirect.scatter.add.f32 [tilespmem:s7], [sflag:$0x1], $0x1, s23, s6, $0xb8;
	[tilespmem:$0x1600] =	vst v63  }
0xe2: {  	_ = 	snop  }
0xe3: {  	[spmem:s1] =	stream.indirect.scatter.add.f32 [tilespmem:s7], [sflag:$0x1], $0x1, s24, s6, $0xb8;
	[tilespmem:$0x1600] =	vst v63  }
0xe4: {  	_ = 	snop  }
0xe5: {  	[spmem:s1] =	stream.indirect.scatter.add.f32 [tilespmem:s7], [sflag:$0x1], $0x1, s25, s6, $0xb8;
	[tilespmem:$0x1600] =	vst v63  }
0xe6: {  	_ = 	snop  }
0xe7: {  	[spmem:s1] =	stream.indirect.scatter.add.f32 [tilespmem:s7], [sflag:$0x1], $0x1, s26, s6, $0xb8;
	[tilespmem:$0x1600] =	vst v63  }
0xe8: {  	_ = 	snop  }
0xe9: {  	[spmem:s1] =	stream.indirect.scatter.add.f32 [tilespmem:s7], [sflag:$0x1], $0x1, s28, s6, $0xb8;
	[tilespmem:$0x1600] =	vst v63  }
0xea: {  	_ = 	snop  }
0xeb: {  	[spmem:s1] =	stream.indirect.scatter.add.f32 [tilespmem:s7], [sflag:$0x1], $0x1, s29, s6, $0xb8;
	[tilespmem:$0x1600] =	vst v63  }
0xec: {  	_ = 	snop  }
0xed: {  	[spmem:s1] =	stream.indirect.scatter.add.f32 [tilespmem:s7], [sflag:$0x1], $0x1, s30, s6, $0xb8;
	[tilespmem:$0x1600] =	vst v63  }
0xee: {  	_ = 	snop  }
0xef: {  	[spmem:s1] =	stream.indirect.scatter.add.f32 [tilespmem:s7], [sflag:$0x1], $0x1, s31, s6, $0xb8;
	[tilespmem:$0x1600] =	vst v63  }
0xf0: {  	_ = 	snop  }
0xf1: {  	[spmem:s1] =	stream.indirect.scatter.add.f32 [tilespmem:s7], [sflag:$0x1], $0x1, s10, s6, $0xb8;
	[tilespmem:$0x1600] =	vst v63  }
0xf2: {  	_ = 	snop  }
0xf3: {  	[spmem:s1] =	stream.indirect.scatter.add.f32 [tilespmem:s7], [sflag:$0x1], $0x1, s8, s6, $0xb8;
	[tilespmem:$0x1600] =	vst v63  }
0xf4: {  	_ = 	snop  }
0xf5: {  	[spmem:s1] =	stream.indirect.scatter.add.f32 [tilespmem:s7], [sflag:$0x1], $0x1, s0, s6, $0xb8;
	[tilespmem:$0x1600] =	vst v63  }
0xf6: {  	_ =	swait.ge [sflag:s3], $0x80  }
0xf7: {  	[sflag:s3] =	ssyncset.done $0x0  }
0xf8: {  	[sflag:s3] =	ssyncadd.s32 $0xFFFFFF80  }
0xf9: {  	_ =	swait.ge [sflag:s3], $0x80  }
0xfa: {  	[sflag:s3] =	ssyncset.done $0x0  }
0xfb: {  	[sflag:s3] =	ssyncadd.s32 $0xFFFFFF80  }
0xfc: {  	_ =	swait.ge [sflag:s3], $0x80  }
0xfd: {  	[sflag:s3] =	ssyncset.done $0x0  }
0xfe: {  	[sflag:s3] =	ssyncadd.s32 $0xFFFFFF80  }
0xff: {  	_ =	swait.ge [sflag:s3], $0x80  }
0x100: {  	[sflag:s3] =	ssyncset.done $0x0  }
0x101: {  	[sflag:s3] =	ssyncadd.s32 $0xFFFFFF80  }
0x102: {  	_ =	swait.ge [sflag:s3], $0x80  }
0x103: {  	[sflag:s3] =	ssyncset.done $0x0  }
0x104: {  	[sflag:s3] =	ssyncadd.s32 $0xFFFFFF80  }
0x105: {  	_ =	swait.ge [sflag:s3], $0x80  }
0x106: {  	[sflag:s3] =	ssyncset.done $0x0  }
0x107: {  	[sflag:s3] =	ssyncadd.s32 $0xFFFFFF80  }
0x108: {  	_ =	swait.ge [sflag:s3], $0x80  }
0x109: {  	[sflag:s3] =	ssyncset.done $0x0  }
0x10a: {  	[sflag:s3] =	ssyncadd.s32 $0xFFFFFF80  }
0x10b: {  	_ =	swait.ge [sflag:s3], $0x80  }
0x10c: {  	[sflag:s3] =	ssyncset.done $0x0  }
0x10d: {  	[sflag:s3] =	ssyncadd.s32 $0xFFFFFF80  }
0x10e: {  	_ =	swait.ge [sflag:s3], $0x80  }
0x10f: {  	[sflag:s3] =	ssyncset.done $0x0  }
0x110: {  	[sflag:s3] =	ssyncadd.s32 $0xFFFFFF80  }
0x111: {  	_ =	swait.ge [sflag:s3], $0x80  }
0x112: {  	[sflag:s3] =	ssyncset.done $0x0  }
0x113: {  	[sflag:s3] =	ssyncadd.s32 $0xFFFFFF80  }
0x114: {  	_ =	swait.ge [sflag:s3], $0x80  }
0x115: {  	[sflag:s3] =	ssyncset.done $0x0  }
0x116: {  	[sflag:s3] =	ssyncadd.s32 $0xFFFFFF80  }
0x117: {  	_ =	swait.ge [sflag:s3], $0x80  }
0x118: {  	[sflag:s3] =	ssyncset.done $0x0  }
0x119: {  	[sflag:s3] =	ssyncadd.s32 $0xFFFFFF80  }
0x11a: {  	_ =	swait.ge [sflag:s3], $0x80  }
0x11b: {  	[sflag:s3] =	ssyncset.done $0x0  }
0x11c: {  	[sflag:s3] =	ssyncadd.s32 $0xFFFFFF80  }
0x11d: {  	_ =	swait.ge [sflag:s3], $0x80  }
0x11e: {  	[sflag:s3] =	ssyncset.done $0x0  }
0x11f: {  	[sflag:s3] =	ssyncadd.s32 $0xFFFFFF80  }
0x120: {  	_ =	swait.ge [sflag:s3], $0x80  }
0x121: {  	[sflag:s3] =	ssyncset.done $0x0  }
0x122: {  	[sflag:s3] =	ssyncadd.s32 $0xFFFFFF80  }
0x123: {  	_ =	swait.ge [sflag:s3], $0x80  }
0x124: {  	[sflag:s3] =	ssyncset.done $0x0  }
0x125: {  	[sflag:s3] =	ssyncadd.s32 $0xFFFFFF80  }
0x126: {  	_ =	swait.ge [sflag:s3], $0x80  }
0x127: {  	[sflag:s3] =	ssyncset.done $0x0  }
0x128: {  	[sflag:s3] =	ssyncadd.s32 $0xFFFFFF80  }
0x129: {  	_ =	swait.ge [sflag:s3], $0x80  }
0x12a: {  	[sflag:s3] =	ssyncset.done $0x0  }
0x12b: {  	[sflag:s3] =	ssyncadd.s32 $0xFFFFFF80  }
0x12c: {  	_ =	swait.ge [sflag:s3], $0x80  }
0x12d: {  	[sflag:s3] =	ssyncset.done $0x0  }
0x12e: {  	[sflag:s3] =	ssyncadd.s32 $0xFFFFFF80  }
0x12f: {  	_ =	swait.ge [sflag:s3], $0x80  }
0x130: {  	[sflag:s3] =	ssyncset.done $0x0  }
0x131: {  	[sflag:s3] =	ssyncadd.s32 $0xFFFFFF80  }
0x132: {  	_ =	swait.ge [sflag:s3], $0x80  }
0x133: {  	[sflag:s3] =	ssyncset.done $0x0  }
0x134: {  	[sflag:s3] =	ssyncadd.s32 $0xFFFFFF80  }
0x135: {  	_ =	swait.ge [sflag:s3], $0x80  }
0x136: {  	[sflag:s3] =	ssyncset.done $0x0  }
0x137: {  	[sflag:s3] =	ssyncadd.s32 $0xFFFFFF80  }
0x138: {  	_ =	swait.ge [sflag:s3], $0x80  }
0x139: {  	[sflag:s3] =	ssyncset.done $0x0  }
0x13a: {  	[sflag:s3] =	ssyncadd.s32 $0xFFFFFF80  }
0x13b: {  	_ =	swait.ge [sflag:s3], $0x80  }
0x13c: {  	[sflag:s3] =	ssyncset.done $0x0  }
0x13d: {  	[sflag:s3] =	ssyncadd.s32 $0xFFFFFF80  }
0x13e: {  	_ =	swait.ge [sflag:s3], $0x80  }
0x13f: {  	[sflag:s3] =	ssyncset.done $0x0  }
0x140: {  	[sflag:s3] =	ssyncadd.s32 $0xFFFFFF80  }
0x141: {  	_ =	swait.ge [sflag:s3], $0x80  }
0x142: {  	[sflag:s3] =	ssyncset.done $0x0  }
0x143: {  	s5 =	rddreg [dreg:$0x6];
	[sflag:s3] =	ssyncadd.s32 $0xFFFFFF80  }
0x144: {  	[tilespmem:s2], [sflag:$0x2] =	stream.linear.gather [hbm4b:s5+s2], $0xD00, $0x38;
	[tilespmem:$0x1600] =	vst v63  }
0x145: {  	_ =	swait.ge [sflag:s4], $0xD00  }
0x146: {  	[sflag:s4] =	ssyncset.done $0x0  }
0x147: {  	[sflag:s4] =	ssyncadd.s32 $0xFFFFF300  }
0x148: {  	[spmem:s1] =	stream.indirect.scatter.add.f32 [tilespmem:s7], [sflag:$0x1], $0x1, s2, s6, $0xb8;
	[tilespmem:$0x1600] =	vst v63  }
0x149: {  	_ = 	snop  }
0x14a: {  	[spmem:s1] =	stream.indirect.scatter.add.f32 [tilespmem:s7], [sflag:$0x1], $0x1, s6, s6, $0xb8;
	[tilespmem:$0x1600] =	vst v63  }
0x14b: {  	s5 =	simm.s32 $0x100  }
0x14c: {  	[spmem:s1] =	stream.indirect.scatter.add.f32 [tilespmem:s7], [sflag:$0x1], $0x1, s5, s6, $0xb8;
	[tilespmem:$0x1600] =	vst v63  }
0x14d: {  	_ = 	snop  }
0x14e: {  	[spmem:s1] =	stream.indirect.scatter.add.f32 [tilespmem:s7], [sflag:$0x1], $0x1, s11, s6, $0xb8;
	[tilespmem:$0x1600] =	vst v63  }
0x14f: {  	_ = 	snop  }
0x150: {  	[spmem:s1] =	stream.indirect.scatter.add.f32 [tilespmem:s7], [sflag:$0x1], $0x1, s12, s6, $0xb8;
	[tilespmem:$0x1600] =	vst v63  }
0x151: {  	_ = 	snop  }
0x152: {  	[spmem:s1] =	stream.indirect.scatter.add.f32 [tilespmem:s7], [sflag:$0x1], $0x1, s13, s6, $0xb8;
	[tilespmem:$0x1600] =	vst v63  }
0x153: {  	_ = 	snop  }
0x154: {  	[spmem:s1] =	stream.indirect.scatter.add.f32 [tilespmem:s7], [sflag:$0x1], $0x1, s14, s6, $0xb8;
	[tilespmem:$0x1600] =	vst v63  }
0x155: {  	_ = 	snop  }
0x156: {  	[spmem:s1] =	stream.indirect.scatter.add.f32 [tilespmem:s7], [sflag:$0x1], $0x1, s15, s6, $0xb8;
	[tilespmem:$0x1600] =	vst v63  }
0x157: {  	_ = 	snop  }
0x158: {  	[spmem:s1] =	stream.indirect.scatter.add.f32 [tilespmem:s7], [sflag:$0x1], $0x1, s16, s6, $0xb8;
	[tilespmem:$0x1600] =	vst v63  }
0x159: {  	_ = 	snop  }
0x15a: {  	[spmem:s1] =	stream.indirect.scatter.add.f32 [tilespmem:s7], [sflag:$0x1], $0x1, s17, s6, $0xb8;
	[tilespmem:$0x1600] =	vst v63  }
0x15b: {  	_ = 	snop  }
0x15c: {  	[spmem:s1] =	stream.indirect.scatter.add.f32 [tilespmem:s7], [sflag:$0x1], $0x1, s18, s6, $0xb8;
	[tilespmem:$0x1600] =	vst v63  }
0x15d: {  	_ = 	snop  }
0x15e: {  	[spmem:s1] =	stream.indirect.scatter.add.f32 [tilespmem:s7], [sflag:$0x1], $0x1, s19, s6, $0xb8;
	[tilespmem:$0x1600] =	vst v63  }
0x15f: {  	_ = 	snop  }
0x160: {  	[spmem:s1] =	stream.indirect.scatter.add.f32 [tilespmem:s7], [sflag:$0x1], $0x1, s20, s6, $0xb8;
	[tilespmem:$0x1600] =	vst v63  }
0x161: {  	_ = 	snop  }
0x162: {  	[spmem:s1] =	stream.indirect.scatter.add.f32 [tilespmem:s7], [sflag:$0x1], $0x1, s21, s6, $0xb8;
	[tilespmem:$0x1600] =	vst v63  }
0x163: {  	_ = 	snop  }
0x164: {  	[spmem:s1] =	stream.indirect.scatter.add.f32 [tilespmem:s7], [sflag:$0x1], $0x1, s22, s6, $0xb8;
	[tilespmem:$0x1600] =	vst v63  }
0x165: {  	_ = 	snop  }
0x166: {  	[spmem:s1] =	stream.indirect.scatter.add.f32 [tilespmem:s7], [sflag:$0x1], $0x1, s23, s6, $0xb8;
	[tilespmem:$0x1600] =	vst v63  }
0x167: {  	_ = 	snop  }
0x168: {  	[spmem:s1] =	stream.indirect.scatter.add.f32 [tilespmem:s7], [sflag:$0x1], $0x1, s24, s6, $0xb8;
	[tilespmem:$0x1600] =	vst v63  }
0x169: {  	_ = 	snop  }
0x16a: {  	[spmem:s1] =	stream.indirect.scatter.add.f32 [tilespmem:s7], [sflag:$0x1], $0x1, s25, s6, $0xb8;
	[tilespmem:$0x1600] =	vst v63  }
0x16b: {  	_ = 	snop  }
0x16c: {  	[spmem:s1] =	stream.indirect.scatter.add.f32 [tilespmem:s7], [sflag:$0x1], $0x1, s26, s6, $0xb8;
	[tilespmem:$0x1600] =	vst v63  }
0x16d: {  	_ = 	snop  }
0x16e: {  	[spmem:s1] =	stream.indirect.scatter.add.f32 [tilespmem:s7], [sflag:$0x1], $0x1, s28, s6, $0xb8;
	[tilespmem:$0x1600] =	vst v63  }
0x16f: {  	_ = 	snop  }
0x170: {  	[spmem:s1] =	stream.indirect.scatter.add.f32 [tilespmem:s7], [sflag:$0x1], $0x1, s29, s6, $0xb8;
	[tilespmem:$0x1600] =	vst v63  }
0x171: {  	_ = 	snop  }
0x172: {  	[spmem:s1] =	stream.indirect.scatter.add.f32 [tilespmem:s7], [sflag:$0x1], $0x1, s30, s6, $0xb8;
	[tilespmem:$0x1600] =	vst v63  }
0x173: {  	_ = 	snop  }
0x174: {  	[spmem:s1] =	stream.indirect.scatter.add.f32 [tilespmem:s7], [sflag:$0x1], $0x1, s31, s6, $0xb8;
	[tilespmem:$0x1600] =	vst v63  }
0x175: {  	_ = 	snop  }
0x176: {  	[spmem:s1] =	stream.indirect.scatter.add.f32 [tilespmem:s7], [sflag:$0x1], $0x1, s10, s6, $0xb8;
	[tilespmem:$0x1600] =	vst v63  }
0x177: {  	_ = 	snop  }
0x178: {  	[spmem:s1] =	stream.indirect.scatter.add.f32 [tilespmem:s7], [sflag:$0x1], $0x1, s8, s6, $0xb8;
	[tilespmem:$0x1600] =	vst v63  }
0x179: {  	_ = 	snop  }
0x17a: {  	[spmem:s1] =	stream.indirect.scatter.add.f32 [tilespmem:s7], [sflag:$0x1], $0x1, s0, s6, $0xb8;
	[tilespmem:$0x1600] =	vst v63  }
0x17b: {  	_ =	swait.ge [sflag:s3], $0x80  }
0x17c: {  	[sflag:s3] =	ssyncset.done $0x0  }
0x17d: {  	[sflag:s3] =	ssyncadd.s32 $0xFFFFFF80  }
0x17e: {  	_ =	swait.ge [sflag:s3], $0x80  }
0x17f: {  	[sflag:s3] =	ssyncset.done $0x0  }
0x180: {  	[sflag:s3] =	ssyncadd.s32 $0xFFFFFF80  }
0x181: {  	_ =	swait.ge [sflag:s3], $0x80  }
0x182: {  	[sflag:s3] =	ssyncset.done $0x0  }
0x183: {  	[sflag:s3] =	ssyncadd.s32 $0xFFFFFF80  }
0x184: {  	_ =	swait.ge [sflag:s3], $0x80  }
0x185: {  	[sflag:s3] =	ssyncset.done $0x0  }
0x186: {  	[sflag:s3] =	ssyncadd.s32 $0xFFFFFF80  }
0x187: {  	_ =	swait.ge [sflag:s3], $0x80  }
0x188: {  	[sflag:s3] =	ssyncset.done $0x0  }
0x189: {  	[sflag:s3] =	ssyncadd.s32 $0xFFFFFF80  }
0x18a: {  	_ =	swait.ge [sflag:s3], $0x80  }
0x18b: {  	[sflag:s3] =	ssyncset.done $0x0  }
0x18c: {  	[sflag:s3] =	ssyncadd.s32 $0xFFFFFF80  }
0x18d: {  	_ =	swait.ge [sflag:s3], $0x80  }
0x18e: {  	[sflag:s3] =	ssyncset.done $0x0  }
0x18f: {  	[sflag:s3] =	ssyncadd.s32 $0xFFFFFF80  }
0x190: {  	_ =	swait.ge [sflag:s3], $0x80  }
0x191: {  	[sflag:s3] =	ssyncset.done $0x0  }
0x192: {  	[sflag:s3] =	ssyncadd.s32 $0xFFFFFF80  }
0x193: {  	_ =	swait.ge [sflag:s3], $0x80  }
0x194: {  	[sflag:s3] =	ssyncset.done $0x0  }
0x195: {  	[sflag:s3] =	ssyncadd.s32 $0xFFFFFF80  }
0x196: {  	_ =	swait.ge [sflag:s3], $0x80  }
0x197: {  	[sflag:s3] =	ssyncset.done $0x0  }
0x198: {  	[sflag:s3] =	ssyncadd.s32 $0xFFFFFF80  }
0x199: {  	_ =	swait.ge [sflag:s3], $0x80  }
0x19a: {  	[sflag:s3] =	ssyncset.done $0x0  }
0x19b: {  	[sflag:s3] =	ssyncadd.s32 $0xFFFFFF80  }
0x19c: {  	_ =	swait.ge [sflag:s3], $0x80  }
0x19d: {  	[sflag:s3] =	ssyncset.done $0x0  }
0x19e: {  	[sflag:s3] =	ssyncadd.s32 $0xFFFFFF80  }
0x19f: {  	_ =	swait.ge [sflag:s3], $0x80  }
0x1a0: {  	[sflag:s3] =	ssyncset.done $0x0  }
0x1a1: {  	[sflag:s3] =	ssyncadd.s32 $0xFFFFFF80  }
0x1a2: {  	_ =	swait.ge [sflag:s3], $0x80  }
0x1a3: {  	[sflag:s3] =	ssyncset.done $0x0  }
0x1a4: {  	[sflag:s3] =	ssyncadd.s32 $0xFFFFFF80  }
0x1a5: {  	_ =	swait.ge [sflag:s3], $0x80  }
0x1a6: {  	[sflag:s3] =	ssyncset.done $0x0  }
0x1a7: {  	[sflag:s3] =	ssyncadd.s32 $0xFFFFFF80  }
0x1a8: {  	_ =	swait.ge [sflag:s3], $0x80  }
0x1a9: {  	[sflag:s3] =	ssyncset.done $0x0  }
0x1aa: {  	[sflag:s3] =	ssyncadd.s32 $0xFFFFFF80  }
0x1ab: {  	_ =	swait.ge [sflag:s3], $0x80  }
0x1ac: {  	[sflag:s3] =	ssyncset.done $0x0  }
0x1ad: {  	[sflag:s3] =	ssyncadd.s32 $0xFFFFFF80  }
0x1ae: {  	_ =	swait.ge [sflag:s3], $0x80  }
0x1af: {  	[sflag:s3] =	ssyncset.done $0x0  }
0x1b0: {  	[sflag:s3] =	ssyncadd.s32 $0xFFFFFF80  }
0x1b1: {  	_ =	swait.ge [sflag:s3], $0x80  }
0x1b2: {  	[sflag:s3] =	ssyncset.done $0x0  }
0x1b3: {  	[sflag:s3] =	ssyncadd.s32 $0xFFFFFF80  }
0x1b4: {  	_ =	swait.ge [sflag:s3], $0x80  }
0x1b5: {  	[sflag:s3] =	ssyncset.done $0x0  }
0x1b6: {  	[sflag:s3] =	ssyncadd.s32 $0xFFFFFF80  }
0x1b7: {  	_ =	swait.ge [sflag:s3], $0x80  }
0x1b8: {  	[sflag:s3] =	ssyncset.done $0x0  }
0x1b9: {  	[sflag:s3] =	ssyncadd.s32 $0xFFFFFF80  }
0x1ba: {  	_ =	swait.ge [sflag:s3], $0x80  }
0x1bb: {  	[sflag:s3] =	ssyncset.done $0x0  }
0x1bc: {  	[sflag:s3] =	ssyncadd.s32 $0xFFFFFF80  }
0x1bd: {  	_ =	swait.ge [sflag:s3], $0x80  }
0x1be: {  	[sflag:s3] =	ssyncset.done $0x0  }
0x1bf: {  	[sflag:s3] =	ssyncadd.s32 $0xFFFFFF80  }
0x1c0: {  	_ =	swait.ge [sflag:s3], $0x80  }
0x1c1: {  	[sflag:s3] =	ssyncset.done $0x0  }
0x1c2: {  	[sflag:s3] =	ssyncadd.s32 $0xFFFFFF80  }
0x1c3: {  	_ =	swait.ge [sflag:s3], $0x80  }
0x1c4: {  	[sflag:s3] =	ssyncset.done $0x0  }
0x1c5: {  	[sflag:s3] =	ssyncadd.s32 $0xFFFFFF80  }
0x1c6: {  	_ =	swait.ge [sflag:s3], $0x80  }
0x1c7: {  	s23 =	rddreg [dreg:$0x10]  }
0x1c8: {  	s5 =	rddreg [dreg:$0x7];
	[sflag:s3] =	ssyncset.done $0x0;
	p0 =	sgt.u32 s23, $0x3  }
0x1c9: {  	[sflag:s3] =	ssyncadd.s32 $0xFFFFFF80;
	s0 =	simm.s32 @!p0 $0x0;
	s2 =	simm.s32 @!p0 $0x1000  }
0x1ca: {  	[tilespmem:s2], [sflag:$0x2] =	stream.linear.gather @!p0 [hbm4b:s5+s0], $0x80, $0x38;
	[tilespmem:$0x1600] =	vst v63  }
0x1cb: {  	s0 =	simm.s32 @!p0 $0x2  }
0x1cc: {  	_ =	swait.ge @!p0 [sflag:s0], $0x80  }
0x1cd: {  	[sflag:s0] =	ssyncset.done @!p0 $0x0  }
0x1ce: {  	s8 =	simm.s32 @!p0 $0x1080;
	s5 =	simm.s32 @!p0 $0x80;
	[sflag:s0] =	ssyncadd.s32 @!p0 $0xFFFFFF80  }
0x1cf: {  	[spmem:s1] =	stream.indirect.scatter.add.f32 @!p0 [tilespmem:s8], [sflag:$0x2], $0x1, s2, s5, $0xb8;
	[tilespmem:$0x1600] =	vst v63  }
0x1d0: {  	_ =	swait.ge @!p0 [sflag:s0], $0x80  }
0x1d1: {  	[sflag:s0] =	ssyncset.done @!p0 $0x0  }
0x1d2: {  	[sflag:s0] =	ssyncadd.s32 @!p0 $0xFFFFFF80  }
0x1d3: {  	[bflag:$0x0] =	sbarrier.arrive $0xFFFF  }
0x1d4: {  	s24 =	rddreg [dreg:$0xb]  }
0x1d5: {  	s28 =	stileid.u32;
	s25 =	rddreg [dreg:$0x8]  }
0x1d6: {  	s29 =	sshll.u32 s28, $0x6;
	s26 =	rddreg [dreg:$0xa]  }
0x1d7: {  	s0 =	sor.u32 $0x1C02, s29;
	[dreg:$0xc] =	wrdreg s9  }
0x1d8: {  	s30 =	sshrl.u32 s9, $0x3;
	[dreg:$0xd] =	wrdreg s0  }
0x1d9: {  	[dreg:$0xe] =	wrdreg s30  }
0x1da: {  	[hbm:s25@s26], [sflag:s0] =	dma.strided [spmem:s30@s24], $0x50, s3, $0x10   }
0x1db: {  	s0 =	rddreg [dreg:$0xf]  }
0x1dc: {  	s0 =	ssub.s32 $0x2, s0  }
0x1dd: {  	s31 =	sshrl.u32 s0, $0x1  }
0x1de: {  	s8 =	ssub.s32 s0, s31  }
0x1df: {  	s8 =	smax.u32 s8, $0x1  }
0x1e0: {  	s8 =	sadd.s32 $0xFFFFFFFF, s8  }
0x1e1: {  	p1 =	sne.s32 s8, $0x0  }
.Ltmp0:
0x1e2: {  	_ = 	snop;
	(pc) =	sbr.rel @!p1 .LBB2_3-.Ltmp0, $1  }
0x1e3: {  	_ =	sdelay $0x3  }
0x1e4: {  	s12 =	simm.s32 $0x200  }
0x1e5: {  	s13 =	simm.s32 $0x280;
	s14 =	simm.s32 $0x300;
	s15 =	simm.s32 $0x380  }
0x1e6: {  	s16 =	simm.s32 $0x400;
	s17 =	simm.s32 $0x480;
	s18 =	simm.s32 $0x500  }
0x1e7: {  	s19 =	simm.s32 $0x580;
	s20 =	simm.s32 $0x600;
	s21 =	simm.s32 $0x680  }
0x1e8: {  	s22 =	simm.s32 $0x700;
	s23 =	simm.s32 $0x780;
	s24 =	simm.s32 $0x800  }
0x1e9: {  	s25 =	simm.s32 $0x880;
	s26 =	simm.s32 $0x900;
	s28 =	simm.s32 $0x980  }
0x1ea: {  	s29 =	simm.s32 $0xA00;
	s30 =	simm.s32 $0xA80;
	s31 =	simm.s32 $0xB00  }
.LBB2_2:
0x1eb: {  	_ =	swait.ge [sflag:s4], $0x50  }
0x1ec: {  	[sflag:s4] =	ssyncset.done $0x0  }
0x1ed: {  	[sflag:s4] =	ssyncadd.s32 $0xFFFFFFB0  }
0x1ee: {  	[tilespmem:$0x1080] =	vst v0  }
0x1ef: {  	[tilespmem:$0x1370] =	vst v1  }
0x1f0: {  	[tilespmem:$0x1360] =	vst v1  }
0x1f1: {  	[tilespmem:$0x1350] =	vst v1  }
0x1f2: {  	[tilespmem:$0x1340] =	vst v1  }
0x1f3: {  	[tilespmem:$0x1330] =	vst v1  }
0x1f4: {  	[tilespmem:$0x1320] =	vst v1  }
0x1f5: {  	[tilespmem:$0x1310] =	vst v1  }
0x1f6: {  	[tilespmem:$0x1300] =	vst v1  }
0x1f7: {  	[tilespmem:$0x12F0] =	vst v1  }
0x1f8: {  	[tilespmem:$0x12E0] =	vst v1  }
0x1f9: {  	[tilespmem:$0x12D0] =	vst v1  }
0x1fa: {  	[tilespmem:$0x12C0] =	vst v1  }
0x1fb: {  	[tilespmem:$0x12B0] =	vst v1  }
0x1fc: {  	[tilespmem:$0x12A0] =	vst v1  }
0x1fd: {  	[tilespmem:$0x1290] =	vst v1  }
0x1fe: {  	[tilespmem:$0x1280] =	vst v1  }
0x1ff: {  	[tilespmem:$0x1270] =	vst v1  }
0x200: {  	[tilespmem:$0x1260] =	vst v1  }
0x201: {  	[tilespmem:$0x1250] =	vst v1  }
0x202: {  	[tilespmem:$0x1240] =	vst v1  }
0x203: {  	[tilespmem:$0x1230] =	vst v1  }
0x204: {  	[tilespmem:$0x1220] =	vst v1  }
0x205: {  	[tilespmem:$0x1210] =	vst v1  }
0x206: {  	[tilespmem:$0x1200] =	vst v1  }
0x207: {  	[tilespmem:$0x11F0] =	vst v1  }
0x208: {  	[tilespmem:$0x11E0] =	vst v1  }
0x209: {  	[tilespmem:$0x11D0] =	vst v1  }
0x20a: {  	[tilespmem:$0x11C0] =	vst v1  }
0x20b: {  	[tilespmem:$0x11B0] =	vst v1  }
0x20c: {  	[tilespmem:$0x11A0] =	vst v1  }
0x20d: {  	[tilespmem:$0x1190] =	vst v1  }
0x20e: {  	[tilespmem:$0x1180] =	vst v1  }
0x20f: {  	[tilespmem:$0x1170] =	vst v1  }
0x210: {  	[tilespmem:$0x1160] =	vst v1  }
0x211: {  	[tilespmem:$0x1150] =	vst v1  }
0x212: {  	[tilespmem:$0x1140] =	vst v1  }
0x213: {  	[tilespmem:$0x1130] =	vst v1  }
0x214: {  	[tilespmem:$0x1120] =	vst v1  }
0x215: {  	[tilespmem:$0x1110] =	vst v1  }
0x216: {  	[tilespmem:$0x1100] =	vst v1  }
0x217: {  	[tilespmem:$0x10F0] =	vst v0  }
0x218: {  	[tilespmem:$0x10E0] =	vst v0  }
0x219: {  	[tilespmem:$0x10D0] =	vst v0  }
0x21a: {  	[tilespmem:$0x10C0] =	vst v0  }
0x21b: {  	[tilespmem:$0x10B0] =	vst v0  }
0x21c: {  	s9 =	rddreg [dreg:$0x9];
	[tilespmem:$0x10A0] =	vst v0  }
0x21d: {  	s10 =	rddreg [dreg:$0xc];
	[tilespmem:$0x1090] =	vst v0  }
0x21e: {  	[spmem:s10] =	stream.linear.scatter [tilespmem:s9], [sflag:$0x2], $0x280, $0x38;
	[tilespmem:$0x1600] =	vst v63  }
0x21f: {  	_ =	swait.ge [sflag:s4], $0x280  }
0x220: {  	[sflag:s4] =	ssyncset.done $0x0  }
0x221: {  	[sflag:s4] =	ssyncadd.s32 $0xFFFFFD80  }
0x222: {  	[bflag:$0x0] =	sbarrier.arrive $0xFFFF  }
0x223: {  	s5 =	simm.s32 $0x0;
	s2 =	rddreg [dreg:$0x4]  }
0x224: {  	[tilespmem:s5], [sflag:$0x2] =	stream.linear.gather [hbm4b:s2+s5], $0xD00, $0x38;
	[tilespmem:$0x1600] =	vst v63  }
0x225: {  	_ =	swait.ge [sflag:s4], $0xD00  }
0x226: {  	[sflag:s4] =	ssyncset.done $0x0  }
0x227: {  	[sflag:s4] =	ssyncadd.s32 $0xFFFFF300  }
0x228: {  	[spmem:s1] =	stream.indirect.scatter.add.f32 [tilespmem:s7], [sflag:$0x1], $0x1, s5, s6, $0xb8;
	[tilespmem:$0x1600] =	vst v63  }
0x229: {  	_ = 	snop  }
0x22a: {  	[spmem:s1] =	stream.indirect.scatter.add.f32 [tilespmem:s7], [sflag:$0x1], $0x1, s6, s6, $0xb8;
	[tilespmem:$0x1600] =	vst v63  }
0x22b: {  	s10 =	simm.s32 $0x100  }
0x22c: {  	[spmem:s1] =	stream.indirect.scatter.add.f32 [tilespmem:s7], [sflag:$0x1], $0x1, s10, s6, $0xb8;
	[tilespmem:$0x1600] =	vst v63  }
0x22d: {  	s11 =	simm.s32 $0x180  }
0x22e: {  	[spmem:s1] =	stream.indirect.scatter.add.f32 [tilespmem:s7], [sflag:$0x1], $0x1, s11, s6, $0xb8;
	[tilespmem:$0x1600] =	vst v63  }
0x22f: {  	_ = 	snop  }
0x230: {  	[spmem:s1] =	stream.indirect.scatter.add.f32 [tilespmem:s7], [sflag:$0x1], $0x1, s12, s6, $0xb8;
	[tilespmem:$0x1600] =	vst v63  }
0x231: {  	_ = 	snop  }
0x232: {  	[spmem:s1] =	stream.indirect.scatter.add.f32 [tilespmem:s7], [sflag:$0x1], $0x1, s13, s6, $0xb8;
	[tilespmem:$0x1600] =	vst v63  }
0x233: {  	_ = 	snop  }
0x234: {  	[spmem:s1] =	stream.indirect.scatter.add.f32 [tilespmem:s7], [sflag:$0x1], $0x1, s14, s6, $0xb8;
	[tilespmem:$0x1600] =	vst v63  }
0x235: {  	_ = 	snop  }
0x236: {  	[spmem:s1] =	stream.indirect.scatter.add.f32 [tilespmem:s7], [sflag:$0x1], $0x1, s15, s6, $0xb8;
	[tilespmem:$0x1600] =	vst v63  }
0x237: {  	_ = 	snop  }
0x238: {  	[spmem:s1] =	stream.indirect.scatter.add.f32 [tilespmem:s7], [sflag:$0x1], $0x1, s16, s6, $0xb8;
	[tilespmem:$0x1600] =	vst v63  }
0x239: {  	_ = 	snop  }
0x23a: {  	[spmem:s1] =	stream.indirect.scatter.add.f32 [tilespmem:s7], [sflag:$0x1], $0x1, s17, s6, $0xb8;
	[tilespmem:$0x1600] =	vst v63  }
0x23b: {  	_ = 	snop  }
0x23c: {  	[spmem:s1] =	stream.indirect.scatter.add.f32 [tilespmem:s7], [sflag:$0x1], $0x1, s18, s6, $0xb8;
	[tilespmem:$0x1600] =	vst v63  }
0x23d: {  	_ = 	snop  }
0x23e: {  	[spmem:s1] =	stream.indirect.scatter.add.f32 [tilespmem:s7], [sflag:$0x1], $0x1, s19, s6, $0xb8;
	[tilespmem:$0x1600] =	vst v63  }
0x23f: {  	_ = 	snop  }
0x240: {  	[spmem:s1] =	stream.indirect.scatter.add.f32 [tilespmem:s7], [sflag:$0x1], $0x1, s20, s6, $0xb8;
	[tilespmem:$0x1600] =	vst v63  }
0x241: {  	_ = 	snop  }
0x242: {  	[spmem:s1] =	stream.indirect.scatter.add.f32 [tilespmem:s7], [sflag:$0x1], $0x1, s21, s6, $0xb8;
	[tilespmem:$0x1600] =	vst v63  }
0x243: {  	_ = 	snop  }
0x244: {  	[spmem:s1] =	stream.indirect.scatter.add.f32 [tilespmem:s7], [sflag:$0x1], $0x1, s22, s6, $0xb8;
	[tilespmem:$0x1600] =	vst v63  }
0x245: {  	_ = 	snop  }
0x246: {  	[spmem:s1] =	stream.indirect.scatter.add.f32 [tilespmem:s7], [sflag:$0x1], $0x1, s23, s6, $0xb8;
	[tilespmem:$0x1600] =	vst v63  }
0x247: {  	_ = 	snop  }
0x248: {  	[spmem:s1] =	stream.indirect.scatter.add.f32 [tilespmem:s7], [sflag:$0x1], $0x1, s24, s6, $0xb8;
	[tilespmem:$0x1600] =	vst v63  }
0x249: {  	_ = 	snop  }
0x24a: {  	[spmem:s1] =	stream.indirect.scatter.add.f32 [tilespmem:s7], [sflag:$0x1], $0x1, s25, s6, $0xb8;
	[tilespmem:$0x1600] =	vst v63  }
0x24b: {  	_ = 	snop  }
0x24c: {  	[spmem:s1] =	stream.indirect.scatter.add.f32 [tilespmem:s7], [sflag:$0x1], $0x1, s26, s6, $0xb8;
	[tilespmem:$0x1600] =	vst v63  }
0x24d: {  	_ = 	snop  }
0x24e: {  	[spmem:s1] =	stream.indirect.scatter.add.f32 [tilespmem:s7], [sflag:$0x1], $0x1, s28, s6, $0xb8;
	[tilespmem:$0x1600] =	vst v63  }
0x24f: {  	_ = 	snop  }
0x250: {  	[spmem:s1] =	stream.indirect.scatter.add.f32 [tilespmem:s7], [sflag:$0x1], $0x1, s29, s6, $0xb8;
	[tilespmem:$0x1600] =	vst v63  }
0x251: {  	_ = 	snop  }
0x252: {  	[spmem:s1] =	stream.indirect.scatter.add.f32 [tilespmem:s7], [sflag:$0x1], $0x1, s30, s6, $0xb8;
	[tilespmem:$0x1600] =	vst v63  }
0x253: {  	_ = 	snop  }
0x254: {  	[spmem:s1] =	stream.indirect.scatter.add.f32 [tilespmem:s7], [sflag:$0x1], $0x1, s31, s6, $0xb8;
	[tilespmem:$0x1600] =	vst v63  }
0x255: {  	s0 =	simm.s32 $0xB80  }
0x256: {  	[spmem:s1] =	stream.indirect.scatter.add.f32 [tilespmem:s7], [sflag:$0x1], $0x1, s0, s6, $0xb8;
	[tilespmem:$0x1600] =	vst v63  }
0x257: {  	s2 =	simm.s32 $0xC00  }
0x258: {  	[spmem:s1] =	stream.indirect.scatter.add.f32 [tilespmem:s7], [sflag:$0x1], $0x1, s2, s6, $0xb8;
	[tilespmem:$0x1600] =	vst v63  }
0x259: {  	s9 =	simm.s32 $0xC80  }
0x25a: {  	[spmem:s1] =	stream.indirect.scatter.add.f32 [tilespmem:s7], [sflag:$0x1], $0x1, s9, s6, $0xb8;
	[tilespmem:$0x1600] =	vst v63  }
0x25b: {  	_ =	swait.ge [sflag:s3], $0x80  }
0x25c: {  	[sflag:s3] =	ssyncset.done $0x0  }
0x25d: {  	[sflag:s3] =	ssyncadd.s32 $0xFFFFFF80  }
0x25e: {  	_ =	swait.ge [sflag:s3], $0x80  }
0x25f: {  	[sflag:s3] =	ssyncset.done $0x0  }
0x260: {  	[sflag:s3] =	ssyncadd.s32 $0xFFFFFF80  }
0x261: {  	_ =	swait.ge [sflag:s3], $0x80  }
0x262: {  	[sflag:s3] =	ssyncset.done $0x0  }
0x263: {  	[sflag:s3] =	ssyncadd.s32 $0xFFFFFF80  }
0x264: {  	_ =	swait.ge [sflag:s3], $0x80  }
0x265: {  	[sflag:s3] =	ssyncset.done $0x0  }
0x266: {  	[sflag:s3] =	ssyncadd.s32 $0xFFFFFF80  }
0x267: {  	_ =	swait.ge [sflag:s3], $0x80  }
0x268: {  	[sflag:s3] =	ssyncset.done $0x0  }
0x269: {  	[sflag:s3] =	ssyncadd.s32 $0xFFFFFF80  }
0x26a: {  	_ =	swait.ge [sflag:s3], $0x80  }
0x26b: {  	[sflag:s3] =	ssyncset.done $0x0  }
0x26c: {  	[sflag:s3] =	ssyncadd.s32 $0xFFFFFF80  }
0x26d: {  	_ =	swait.ge [sflag:s3], $0x80  }
0x26e: {  	[sflag:s3] =	ssyncset.done $0x0  }
0x26f: {  	[sflag:s3] =	ssyncadd.s32 $0xFFFFFF80  }
0x270: {  	_ =	swait.ge [sflag:s3], $0x80  }
0x271: {  	[sflag:s3] =	ssyncset.done $0x0  }
0x272: {  	[sflag:s3] =	ssyncadd.s32 $0xFFFFFF80  }
0x273: {  	_ =	swait.ge [sflag:s3], $0x80  }
0x274: {  	[sflag:s3] =	ssyncset.done $0x0  }
0x275: {  	[sflag:s3] =	ssyncadd.s32 $0xFFFFFF80  }
0x276: {  	_ =	swait.ge [sflag:s3], $0x80  }
0x277: {  	[sflag:s3] =	ssyncset.done $0x0  }
0x278: {  	[sflag:s3] =	ssyncadd.s32 $0xFFFFFF80  }
0x279: {  	_ =	swait.ge [sflag:s3], $0x80  }
0x27a: {  	[sflag:s3] =	ssyncset.done $0x0  }
0x27b: {  	[sflag:s3] =	ssyncadd.s32 $0xFFFFFF80  }
0x27c: {  	_ =	swait.ge [sflag:s3], $0x80  }
0x27d: {  	[sflag:s3] =	ssyncset.done $0x0  }
0x27e: {  	[sflag:s3] =	ssyncadd.s32 $0xFFFFFF80  }
0x27f: {  	_ =	swait.ge [sflag:s3], $0x80  }
0x280: {  	[sflag:s3] =	ssyncset.done $0x0  }
0x281: {  	[sflag:s3] =	ssyncadd.s32 $0xFFFFFF80  }
0x282: {  	_ =	swait.ge [sflag:s3], $0x80  }
0x283: {  	[sflag:s3] =	ssyncset.done $0x0  }
0x284: {  	[sflag:s3] =	ssyncadd.s32 $0xFFFFFF80  }
0x285: {  	_ =	swait.ge [sflag:s3], $0x80  }
0x286: {  	[sflag:s3] =	ssyncset.done $0x0  }
0x287: {  	[sflag:s3] =	ssyncadd.s32 $0xFFFFFF80  }
0x288: {  	_ =	swait.ge [sflag:s3], $0x80  }
0x289: {  	[sflag:s3] =	ssyncset.done $0x0  }
0x28a: {  	[sflag:s3] =	ssyncadd.s32 $0xFFFFFF80  }
0x28b: {  	_ =	swait.ge [sflag:s3], $0x80  }
0x28c: {  	[sflag:s3] =	ssyncset.done $0x0  }
0x28d: {  	[sflag:s3] =	ssyncadd.s32 $0xFFFFFF80  }
0x28e: {  	_ =	swait.ge [sflag:s3], $0x80  }
0x28f: {  	[sflag:s3] =	ssyncset.done $0x0  }
0x290: {  	[sflag:s3] =	ssyncadd.s32 $0xFFFFFF80  }
0x291: {  	_ =	swait.ge [sflag:s3], $0x80  }
0x292: {  	[sflag:s3] =	ssyncset.done $0x0  }
0x293: {  	[sflag:s3] =	ssyncadd.s32 $0xFFFFFF80  }
0x294: {  	_ =	swait.ge [sflag:s3], $0x80  }
0x295: {  	[sflag:s3] =	ssyncset.done $0x0  }
0x296: {  	[sflag:s3] =	ssyncadd.s32 $0xFFFFFF80  }
0x297: {  	_ =	swait.ge [sflag:s3], $0x80  }
0x298: {  	[sflag:s3] =	ssyncset.done $0x0  }
0x299: {  	[sflag:s3] =	ssyncadd.s32 $0xFFFFFF80  }
0x29a: {  	_ =	swait.ge [sflag:s3], $0x80  }
0x29b: {  	[sflag:s3] =	ssyncset.done $0x0  }
0x29c: {  	[sflag:s3] =	ssyncadd.s32 $0xFFFFFF80  }
0x29d: {  	_ =	swait.ge [sflag:s3], $0x80  }
0x29e: {  	[sflag:s3] =	ssyncset.done $0x0  }
0x29f: {  	[sflag:s3] =	ssyncadd.s32 $0xFFFFFF80  }
0x2a0: {  	_ =	swait.ge [sflag:s3], $0x80  }
0x2a1: {  	[sflag:s3] =	ssyncset.done $0x0  }
0x2a2: {  	[sflag:s3] =	ssyncadd.s32 $0xFFFFFF80  }
0x2a3: {  	_ =	swait.ge [sflag:s3], $0x80  }
0x2a4: {  	[sflag:s3] =	ssyncset.done $0x0  }
0x2a5: {  	[sflag:s3] =	ssyncadd.s32 $0xFFFFFF80  }
0x2a6: {  	_ =	swait.ge [sflag:s3], $0x80  }
0x2a7: {  	[sflag:s3] =	ssyncset.done $0x0  }
0x2a8: {  	s9 =	rddreg [dreg:$0x5];
	[sflag:s3] =	ssyncadd.s32 $0xFFFFFF80  }
0x2a9: {  	[tilespmem:s5], [sflag:$0x2] =	stream.linear.gather [hbm4b:s9+s5], $0xD00, $0x38;
	[tilespmem:$0x1600] =	vst v63  }
0x2aa: {  	_ =	swait.ge [sflag:s4], $0xD00  }
0x2ab: {  	[sflag:s4] =	ssyncset.done $0x0  }
0x2ac: {  	[sflag:s4] =	ssyncadd.s32 $0xFFFFF300  }
0x2ad: {  	[spmem:s1] =	stream.indirect.scatter.add.f32 [tilespmem:s7], [sflag:$0x1], $0x1, s5, s6, $0xb8;
	[tilespmem:$0x1600] =	vst v63  }
0x2ae: {  	_ = 	snop  }
0x2af: {  	[spmem:s1] =	stream.indirect.scatter.add.f32 [tilespmem:s7], [sflag:$0x1], $0x1, s6, s6, $0xb8;
	[tilespmem:$0x1600] =	vst v63  }
0x2b0: {  	_ = 	snop  }
0x2b1: {  	[spmem:s1] =	stream.indirect.scatter.add.f32 [tilespmem:s7], [sflag:$0x1], $0x1, s10, s6, $0xb8;
	[tilespmem:$0x1600] =	vst v63  }
0x2b2: {  	_ = 	snop  }
0x2b3: {  	[spmem:s1] =	stream.indirect.scatter.add.f32 [tilespmem:s7], [sflag:$0x1], $0x1, s11, s6, $0xb8;
	[tilespmem:$0x1600] =	vst v63  }
0x2b4: {  	_ = 	snop  }
0x2b5: {  	[spmem:s1] =	stream.indirect.scatter.add.f32 [tilespmem:s7], [sflag:$0x1], $0x1, s12, s6, $0xb8;
	[tilespmem:$0x1600] =	vst v63  }
0x2b6: {  	_ = 	snop  }
0x2b7: {  	[spmem:s1] =	stream.indirect.scatter.add.f32 [tilespmem:s7], [sflag:$0x1], $0x1, s13, s6, $0xb8;
	[tilespmem:$0x1600] =	vst v63  }
0x2b8: {  	_ = 	snop  }
0x2b9: {  	[spmem:s1] =	stream.indirect.scatter.add.f32 [tilespmem:s7], [sflag:$0x1], $0x1, s14, s6, $0xb8;
	[tilespmem:$0x1600] =	vst v63  }
0x2ba: {  	_ = 	snop  }
0x2bb: {  	[spmem:s1] =	stream.indirect.scatter.add.f32 [tilespmem:s7], [sflag:$0x1], $0x1, s15, s6, $0xb8;
	[tilespmem:$0x1600] =	vst v63  }
0x2bc: {  	_ = 	snop  }
0x2bd: {  	[spmem:s1] =	stream.indirect.scatter.add.f32 [tilespmem:s7], [sflag:$0x1], $0x1, s16, s6, $0xb8;
	[tilespmem:$0x1600] =	vst v63  }
0x2be: {  	_ = 	snop  }
0x2bf: {  	[spmem:s1] =	stream.indirect.scatter.add.f32 [tilespmem:s7], [sflag:$0x1], $0x1, s17, s6, $0xb8;
	[tilespmem:$0x1600] =	vst v63  }
0x2c0: {  	_ = 	snop  }
0x2c1: {  	[spmem:s1] =	stream.indirect.scatter.add.f32 [tilespmem:s7], [sflag:$0x1], $0x1, s18, s6, $0xb8;
	[tilespmem:$0x1600] =	vst v63  }
0x2c2: {  	_ = 	snop  }
0x2c3: {  	[spmem:s1] =	stream.indirect.scatter.add.f32 [tilespmem:s7], [sflag:$0x1], $0x1, s19, s6, $0xb8;
	[tilespmem:$0x1600] =	vst v63  }
0x2c4: {  	_ = 	snop  }
0x2c5: {  	[spmem:s1] =	stream.indirect.scatter.add.f32 [tilespmem:s7], [sflag:$0x1], $0x1, s20, s6, $0xb8;
	[tilespmem:$0x1600] =	vst v63  }
0x2c6: {  	_ = 	snop  }
0x2c7: {  	[spmem:s1] =	stream.indirect.scatter.add.f32 [tilespmem:s7], [sflag:$0x1], $0x1, s21, s6, $0xb8;
	[tilespmem:$0x1600] =	vst v63  }
0x2c8: {  	_ = 	snop  }
0x2c9: {  	[spmem:s1] =	stream.indirect.scatter.add.f32 [tilespmem:s7], [sflag:$0x1], $0x1, s22, s6, $0xb8;
	[tilespmem:$0x1600] =	vst v63  }
0x2ca: {  	_ = 	snop  }
0x2cb: {  	[spmem:s1] =	stream.indirect.scatter.add.f32 [tilespmem:s7], [sflag:$0x1], $0x1, s23, s6, $0xb8;
	[tilespmem:$0x1600] =	vst v63  }
0x2cc: {  	_ = 	snop  }
0x2cd: {  	[spmem:s1] =	stream.indirect.scatter.add.f32 [tilespmem:s7], [sflag:$0x1], $0x1, s24, s6, $0xb8;
	[tilespmem:$0x1600] =	vst v63  }
0x2ce: {  	_ = 	snop  }
0x2cf: {  	[spmem:s1] =	stream.indirect.scatter.add.f32 [tilespmem:s7], [sflag:$0x1], $0x1, s25, s6, $0xb8;
	[tilespmem:$0x1600] =	vst v63  }
0x2d0: {  	_ = 	snop  }
0x2d1: {  	[spmem:s1] =	stream.indirect.scatter.add.f32 [tilespmem:s7], [sflag:$0x1], $0x1, s26, s6, $0xb8;
	[tilespmem:$0x1600] =	vst v63  }
0x2d2: {  	_ = 	snop  }
0x2d3: {  	[spmem:s1] =	stream.indirect.scatter.add.f32 [tilespmem:s7], [sflag:$0x1], $0x1, s28, s6, $0xb8;
	[tilespmem:$0x1600] =	vst v63  }
0x2d4: {  	_ = 	snop  }
0x2d5: {  	[spmem:s1] =	stream.indirect.scatter.add.f32 [tilespmem:s7], [sflag:$0x1], $0x1, s29, s6, $0xb8;
	[tilespmem:$0x1600] =	vst v63  }
0x2d6: {  	_ = 	snop  }
0x2d7: {  	[spmem:s1] =	stream.indirect.scatter.add.f32 [tilespmem:s7], [sflag:$0x1], $0x1, s30, s6, $0xb8;
	[tilespmem:$0x1600] =	vst v63  }
0x2d8: {  	_ = 	snop  }
0x2d9: {  	[spmem:s1] =	stream.indirect.scatter.add.f32 [tilespmem:s7], [sflag:$0x1], $0x1, s31, s6, $0xb8;
	[tilespmem:$0x1600] =	vst v63  }
0x2da: {  	_ = 	snop  }
0x2db: {  	[spmem:s1] =	stream.indirect.scatter.add.f32 [tilespmem:s7], [sflag:$0x1], $0x1, s0, s6, $0xb8;
	[tilespmem:$0x1600] =	vst v63  }
0x2dc: {  	_ = 	snop  }
0x2dd: {  	[spmem:s1] =	stream.indirect.scatter.add.f32 [tilespmem:s7], [sflag:$0x1], $0x1, s2, s6, $0xb8;
	[tilespmem:$0x1600] =	vst v63  }
0x2de: {  	s9 =	simm.s32 $0xC80  }
0x2df: {  	[spmem:s1] =	stream.indirect.scatter.add.f32 [tilespmem:s7], [sflag:$0x1], $0x1, s9, s6, $0xb8;
	[tilespmem:$0x1600] =	vst v63  }
0x2e0: {  	_ =	swait.ge [sflag:s3], $0x80  }
0x2e1: {  	[sflag:s3] =	ssyncset.done $0x0  }
0x2e2: {  	[sflag:s3] =	ssyncadd.s32 $0xFFFFFF80  }
0x2e3: {  	_ =	swait.ge [sflag:s3], $0x80  }
0x2e4: {  	[sflag:s3] =	ssyncset.done $0x0  }
0x2e5: {  	[sflag:s3] =	ssyncadd.s32 $0xFFFFFF80  }
0x2e6: {  	_ =	swait.ge [sflag:s3], $0x80  }
0x2e7: {  	[sflag:s3] =	ssyncset.done $0x0  }
0x2e8: {  	[sflag:s3] =	ssyncadd.s32 $0xFFFFFF80  }
0x2e9: {  	_ =	swait.ge [sflag:s3], $0x80  }
0x2ea: {  	[sflag:s3] =	ssyncset.done $0x0  }
0x2eb: {  	[sflag:s3] =	ssyncadd.s32 $0xFFFFFF80  }
0x2ec: {  	_ =	swait.ge [sflag:s3], $0x80  }
0x2ed: {  	[sflag:s3] =	ssyncset.done $0x0  }
0x2ee: {  	[sflag:s3] =	ssyncadd.s32 $0xFFFFFF80  }
0x2ef: {  	_ =	swait.ge [sflag:s3], $0x80  }
0x2f0: {  	[sflag:s3] =	ssyncset.done $0x0  }
0x2f1: {  	[sflag:s3] =	ssyncadd.s32 $0xFFFFFF80  }
0x2f2: {  	_ =	swait.ge [sflag:s3], $0x80  }
0x2f3: {  	[sflag:s3] =	ssyncset.done $0x0  }
0x2f4: {  	[sflag:s3] =	ssyncadd.s32 $0xFFFFFF80  }
0x2f5: {  	_ =	swait.ge [sflag:s3], $0x80  }
0x2f6: {  	[sflag:s3] =	ssyncset.done $0x0  }
0x2f7: {  	[sflag:s3] =	ssyncadd.s32 $0xFFFFFF80  }
0x2f8: {  	_ =	swait.ge [sflag:s3], $0x80  }
0x2f9: {  	[sflag:s3] =	ssyncset.done $0x0  }
0x2fa: {  	[sflag:s3] =	ssyncadd.s32 $0xFFFFFF80  }
0x2fb: {  	_ =	swait.ge [sflag:s3], $0x80  }
0x2fc: {  	[sflag:s3] =	ssyncset.done $0x0  }
0x2fd: {  	[sflag:s3] =	ssyncadd.s32 $0xFFFFFF80  }
0x2fe: {  	_ =	swait.ge [sflag:s3], $0x80  }
0x2ff: {  	[sflag:s3] =	ssyncset.done $0x0  }
0x300: {  	[sflag:s3] =	ssyncadd.s32 $0xFFFFFF80  }
0x301: {  	_ =	swait.ge [sflag:s3], $0x80  }
0x302: {  	[sflag:s3] =	ssyncset.done $0x0  }
0x303: {  	[sflag:s3] =	ssyncadd.s32 $0xFFFFFF80  }
0x304: {  	_ =	swait.ge [sflag:s3], $0x80  }
0x305: {  	[sflag:s3] =	ssyncset.done $0x0  }
0x306: {  	[sflag:s3] =	ssyncadd.s32 $0xFFFFFF80  }
0x307: {  	_ =	swait.ge [sflag:s3], $0x80  }
0x308: {  	[sflag:s3] =	ssyncset.done $0x0  }
0x309: {  	[sflag:s3] =	ssyncadd.s32 $0xFFFFFF80  }
0x30a: {  	_ =	swait.ge [sflag:s3], $0x80  }
0x30b: {  	[sflag:s3] =	ssyncset.done $0x0  }
0x30c: {  	[sflag:s3] =	ssyncadd.s32 $0xFFFFFF80  }
0x30d: {  	_ =	swait.ge [sflag:s3], $0x80  }
0x30e: {  	[sflag:s3] =	ssyncset.done $0x0  }
0x30f: {  	[sflag:s3] =	ssyncadd.s32 $0xFFFFFF80  }
0x310: {  	_ =	swait.ge [sflag:s3], $0x80  }
0x311: {  	[sflag:s3] =	ssyncset.done $0x0  }
0x312: {  	[sflag:s3] =	ssyncadd.s32 $0xFFFFFF80  }
0x313: {  	_ =	swait.ge [sflag:s3], $0x80  }
0x314: {  	[sflag:s3] =	ssyncset.done $0x0  }
0x315: {  	[sflag:s3] =	ssyncadd.s32 $0xFFFFFF80  }
0x316: {  	_ =	swait.ge [sflag:s3], $0x80  }
0x317: {  	[sflag:s3] =	ssyncset.done $0x0  }
0x318: {  	[sflag:s3] =	ssyncadd.s32 $0xFFFFFF80  }
0x319: {  	_ =	swait.ge [sflag:s3], $0x80  }
0x31a: {  	[sflag:s3] =	ssyncset.done $0x0  }
0x31b: {  	[sflag:s3] =	ssyncadd.s32 $0xFFFFFF80  }
0x31c: {  	_ =	swait.ge [sflag:s3], $0x80  }
0x31d: {  	[sflag:s3] =	ssyncset.done $0x0  }
0x31e: {  	[sflag:s3] =	ssyncadd.s32 $0xFFFFFF80  }
0x31f: {  	_ =	swait.ge [sflag:s3], $0x80  }
0x320: {  	[sflag:s3] =	ssyncset.done $0x0  }
0x321: {  	[sflag:s3] =	ssyncadd.s32 $0xFFFFFF80  }
0x322: {  	_ =	swait.ge [sflag:s3], $0x80  }
0x323: {  	[sflag:s3] =	ssyncset.done $0x0  }
0x324: {  	[sflag:s3] =	ssyncadd.s32 $0xFFFFFF80  }
0x325: {  	_ =	swait.ge [sflag:s3], $0x80  }
0x326: {  	[sflag:s3] =	ssyncset.done $0x0  }
0x327: {  	[sflag:s3] =	ssyncadd.s32 $0xFFFFFF80  }
0x328: {  	_ =	swait.ge [sflag:s3], $0x80  }
0x329: {  	[sflag:s3] =	ssyncset.done $0x0  }
0x32a: {  	[sflag:s3] =	ssyncadd.s32 $0xFFFFFF80  }
0x32b: {  	_ =	swait.ge [sflag:s3], $0x80  }
0x32c: {  	[sflag:s3] =	ssyncset.done $0x0  }
0x32d: {  	s9 =	rddreg [dreg:$0x6];
	[sflag:s3] =	ssyncadd.s32 $0xFFFFFF80  }
0x32e: {  	[tilespmem:s5], [sflag:$0x2] =	stream.linear.gather [hbm4b:s9+s5], $0xD00, $0x38;
	[tilespmem:$0x1600] =	vst v63  }
0x32f: {  	_ =	swait.ge [sflag:s4], $0xD00  }
0x330: {  	[sflag:s4] =	ssyncset.done $0x0  }
0x331: {  	[sflag:s4] =	ssyncadd.s32 $0xFFFFF300  }
0x332: {  	[spmem:s1] =	stream.indirect.scatter.add.f32 [tilespmem:s7], [sflag:$0x1], $0x1, s5, s6, $0xb8;
	[tilespmem:$0x1600] =	vst v63  }
0x333: {  	_ = 	snop  }
0x334: {  	[spmem:s1] =	stream.indirect.scatter.add.f32 [tilespmem:s7], [sflag:$0x1], $0x1, s6, s6, $0xb8;
	[tilespmem:$0x1600] =	vst v63  }
0x335: {  	_ = 	snop  }
0x336: {  	[spmem:s1] =	stream.indirect.scatter.add.f32 [tilespmem:s7], [sflag:$0x1], $0x1, s10, s6, $0xb8;
	[tilespmem:$0x1600] =	vst v63  }
0x337: {  	_ = 	snop  }
0x338: {  	[spmem:s1] =	stream.indirect.scatter.add.f32 [tilespmem:s7], [sflag:$0x1], $0x1, s11, s6, $0xb8;
	[tilespmem:$0x1600] =	vst v63  }
0x339: {  	_ = 	snop  }
0x33a: {  	[spmem:s1] =	stream.indirect.scatter.add.f32 [tilespmem:s7], [sflag:$0x1], $0x1, s12, s6, $0xb8;
	[tilespmem:$0x1600] =	vst v63  }
0x33b: {  	_ = 	snop  }
0x33c: {  	[spmem:s1] =	stream.indirect.scatter.add.f32 [tilespmem:s7], [sflag:$0x1], $0x1, s13, s6, $0xb8;
	[tilespmem:$0x1600] =	vst v63  }
0x33d: {  	_ = 	snop  }
0x33e: {  	[spmem:s1] =	stream.indirect.scatter.add.f32 [tilespmem:s7], [sflag:$0x1], $0x1, s14, s6, $0xb8;
	[tilespmem:$0x1600] =	vst v63  }
0x33f: {  	_ = 	snop  }
0x340: {  	[spmem:s1] =	stream.indirect.scatter.add.f32 [tilespmem:s7], [sflag:$0x1], $0x1, s15, s6, $0xb8;
	[tilespmem:$0x1600] =	vst v63  }
0x341: {  	_ = 	snop  }
0x342: {  	[spmem:s1] =	stream.indirect.scatter.add.f32 [tilespmem:s7], [sflag:$0x1], $0x1, s16, s6, $0xb8;
	[tilespmem:$0x1600] =	vst v63  }
0x343: {  	_ = 	snop  }
0x344: {  	[spmem:s1] =	stream.indirect.scatter.add.f32 [tilespmem:s7], [sflag:$0x1], $0x1, s17, s6, $0xb8;
	[tilespmem:$0x1600] =	vst v63  }
0x345: {  	_ = 	snop  }
0x346: {  	[spmem:s1] =	stream.indirect.scatter.add.f32 [tilespmem:s7], [sflag:$0x1], $0x1, s18, s6, $0xb8;
	[tilespmem:$0x1600] =	vst v63  }
0x347: {  	_ = 	snop  }
0x348: {  	[spmem:s1] =	stream.indirect.scatter.add.f32 [tilespmem:s7], [sflag:$0x1], $0x1, s19, s6, $0xb8;
	[tilespmem:$0x1600] =	vst v63  }
0x349: {  	_ = 	snop  }
0x34a: {  	[spmem:s1] =	stream.indirect.scatter.add.f32 [tilespmem:s7], [sflag:$0x1], $0x1, s20, s6, $0xb8;
	[tilespmem:$0x1600] =	vst v63  }
0x34b: {  	_ = 	snop  }
0x34c: {  	[spmem:s1] =	stream.indirect.scatter.add.f32 [tilespmem:s7], [sflag:$0x1], $0x1, s21, s6, $0xb8;
	[tilespmem:$0x1600] =	vst v63  }
0x34d: {  	_ = 	snop  }
0x34e: {  	[spmem:s1] =	stream.indirect.scatter.add.f32 [tilespmem:s7], [sflag:$0x1], $0x1, s22, s6, $0xb8;
	[tilespmem:$0x1600] =	vst v63  }
0x34f: {  	_ = 	snop  }
0x350: {  	[spmem:s1] =	stream.indirect.scatter.add.f32 [tilespmem:s7], [sflag:$0x1], $0x1, s23, s6, $0xb8;
	[tilespmem:$0x1600] =	vst v63  }
0x351: {  	_ = 	snop  }
0x352: {  	[spmem:s1] =	stream.indirect.scatter.add.f32 [tilespmem:s7], [sflag:$0x1], $0x1, s24, s6, $0xb8;
	[tilespmem:$0x1600] =	vst v63  }
0x353: {  	_ = 	snop  }
0x354: {  	[spmem:s1] =	stream.indirect.scatter.add.f32 [tilespmem:s7], [sflag:$0x1], $0x1, s25, s6, $0xb8;
	[tilespmem:$0x1600] =	vst v63  }
0x355: {  	_ = 	snop  }
0x356: {  	[spmem:s1] =	stream.indirect.scatter.add.f32 [tilespmem:s7], [sflag:$0x1], $0x1, s26, s6, $0xb8;
	[tilespmem:$0x1600] =	vst v63  }
0x357: {  	_ = 	snop  }
0x358: {  	[spmem:s1] =	stream.indirect.scatter.add.f32 [tilespmem:s7], [sflag:$0x1], $0x1, s28, s6, $0xb8;
	[tilespmem:$0x1600] =	vst v63  }
0x359: {  	_ = 	snop  }
0x35a: {  	[spmem:s1] =	stream.indirect.scatter.add.f32 [tilespmem:s7], [sflag:$0x1], $0x1, s29, s6, $0xb8;
	[tilespmem:$0x1600] =	vst v63  }
0x35b: {  	_ = 	snop  }
0x35c: {  	[spmem:s1] =	stream.indirect.scatter.add.f32 [tilespmem:s7], [sflag:$0x1], $0x1, s30, s6, $0xb8;
	[tilespmem:$0x1600] =	vst v63  }
0x35d: {  	_ = 	snop  }
0x35e: {  	[spmem:s1] =	stream.indirect.scatter.add.f32 [tilespmem:s7], [sflag:$0x1], $0x1, s31, s6, $0xb8;
	[tilespmem:$0x1600] =	vst v63  }
0x35f: {  	_ = 	snop  }
0x360: {  	[spmem:s1] =	stream.indirect.scatter.add.f32 [tilespmem:s7], [sflag:$0x1], $0x1, s0, s6, $0xb8;
	[tilespmem:$0x1600] =	vst v63  }
0x361: {  	_ = 	snop  }
0x362: {  	[spmem:s1] =	stream.indirect.scatter.add.f32 [tilespmem:s7], [sflag:$0x1], $0x1, s2, s6, $0xb8;
	[tilespmem:$0x1600] =	vst v63  }
0x363: {  	s9 =	simm.s32 $0xC80  }
0x364: {  	[spmem:s1] =	stream.indirect.scatter.add.f32 [tilespmem:s7], [sflag:$0x1], $0x1, s9, s6, $0xb8;
	[tilespmem:$0x1600] =	vst v63  }
0x365: {  	_ =	swait.ge [sflag:s3], $0x80  }
0x366: {  	[sflag:s3] =	ssyncset.done $0x0  }
0x367: {  	[sflag:s3] =	ssyncadd.s32 $0xFFFFFF80  }
0x368: {  	_ =	swait.ge [sflag:s3], $0x80  }
0x369: {  	[sflag:s3] =	ssyncset.done $0x0  }
0x36a: {  	[sflag:s3] =	ssyncadd.s32 $0xFFFFFF80  }
0x36b: {  	_ =	swait.ge [sflag:s3], $0x80  }
0x36c: {  	[sflag:s3] =	ssyncset.done $0x0  }
0x36d: {  	[sflag:s3] =	ssyncadd.s32 $0xFFFFFF80  }
0x36e: {  	_ =	swait.ge [sflag:s3], $0x80  }
0x36f: {  	[sflag:s3] =	ssyncset.done $0x0  }
0x370: {  	[sflag:s3] =	ssyncadd.s32 $0xFFFFFF80  }
0x371: {  	_ =	swait.ge [sflag:s3], $0x80  }
0x372: {  	[sflag:s3] =	ssyncset.done $0x0  }
0x373: {  	[sflag:s3] =	ssyncadd.s32 $0xFFFFFF80  }
0x374: {  	_ =	swait.ge [sflag:s3], $0x80  }
0x375: {  	[sflag:s3] =	ssyncset.done $0x0  }
0x376: {  	[sflag:s3] =	ssyncadd.s32 $0xFFFFFF80  }
0x377: {  	_ =	swait.ge [sflag:s3], $0x80  }
0x378: {  	[sflag:s3] =	ssyncset.done $0x0  }
0x379: {  	[sflag:s3] =	ssyncadd.s32 $0xFFFFFF80  }
0x37a: {  	_ =	swait.ge [sflag:s3], $0x80  }
0x37b: {  	[sflag:s3] =	ssyncset.done $0x0  }
0x37c: {  	[sflag:s3] =	ssyncadd.s32 $0xFFFFFF80  }
0x37d: {  	_ =	swait.ge [sflag:s3], $0x80  }
0x37e: {  	[sflag:s3] =	ssyncset.done $0x0  }
0x37f: {  	[sflag:s3] =	ssyncadd.s32 $0xFFFFFF80  }
0x380: {  	_ =	swait.ge [sflag:s3], $0x80  }
0x381: {  	[sflag:s3] =	ssyncset.done $0x0  }
0x382: {  	[sflag:s3] =	ssyncadd.s32 $0xFFFFFF80  }
0x383: {  	_ =	swait.ge [sflag:s3], $0x80  }
0x384: {  	[sflag:s3] =	ssyncset.done $0x0  }
0x385: {  	[sflag:s3] =	ssyncadd.s32 $0xFFFFFF80  }
0x386: {  	_ =	swait.ge [sflag:s3], $0x80  }
0x387: {  	[sflag:s3] =	ssyncset.done $0x0  }
0x388: {  	[sflag:s3] =	ssyncadd.s32 $0xFFFFFF80  }
0x389: {  	_ =	swait.ge [sflag:s3], $0x80  }
0x38a: {  	[sflag:s3] =	ssyncset.done $0x0  }
0x38b: {  	[sflag:s3] =	ssyncadd.s32 $0xFFFFFF80  }
0x38c: {  	_ =	swait.ge [sflag:s3], $0x80  }
0x38d: {  	[sflag:s3] =	ssyncset.done $0x0  }
0x38e: {  	[sflag:s3] =	ssyncadd.s32 $0xFFFFFF80  }
0x38f: {  	_ =	swait.ge [sflag:s3], $0x80  }
0x390: {  	[sflag:s3] =	ssyncset.done $0x0  }
0x391: {  	[sflag:s3] =	ssyncadd.s32 $0xFFFFFF80  }
0x392: {  	_ =	swait.ge [sflag:s3], $0x80  }
0x393: {  	[sflag:s3] =	ssyncset.done $0x0  }
0x394: {  	[sflag:s3] =	ssyncadd.s32 $0xFFFFFF80  }
0x395: {  	_ =	swait.ge [sflag:s3], $0x80  }
0x396: {  	[sflag:s3] =	ssyncset.done $0x0  }
0x397: {  	[sflag:s3] =	ssyncadd.s32 $0xFFFFFF80  }
0x398: {  	_ =	swait.ge [sflag:s3], $0x80  }
0x399: {  	[sflag:s3] =	ssyncset.done $0x0  }
0x39a: {  	[sflag:s3] =	ssyncadd.s32 $0xFFFFFF80  }
0x39b: {  	_ =	swait.ge [sflag:s3], $0x80  }
0x39c: {  	[sflag:s3] =	ssyncset.done $0x0  }
0x39d: {  	[sflag:s3] =	ssyncadd.s32 $0xFFFFFF80  }
0x39e: {  	_ =	swait.ge [sflag:s3], $0x80  }
0x39f: {  	[sflag:s3] =	ssyncset.done $0x0  }
0x3a0: {  	[sflag:s3] =	ssyncadd.s32 $0xFFFFFF80  }
0x3a1: {  	_ =	swait.ge [sflag:s3], $0x80  }
0x3a2: {  	[sflag:s3] =	ssyncset.done $0x0  }
0x3a3: {  	[sflag:s3] =	ssyncadd.s32 $0xFFFFFF80  }
0x3a4: {  	_ =	swait.ge [sflag:s3], $0x80  }
0x3a5: {  	[sflag:s3] =	ssyncset.done $0x0  }
0x3a6: {  	[sflag:s3] =	ssyncadd.s32 $0xFFFFFF80  }
0x3a7: {  	_ =	swait.ge [sflag:s3], $0x80  }
0x3a8: {  	[sflag:s3] =	ssyncset.done $0x0  }
0x3a9: {  	[sflag:s3] =	ssyncadd.s32 $0xFFFFFF80  }
0x3aa: {  	_ =	swait.ge [sflag:s3], $0x80  }
0x3ab: {  	[sflag:s3] =	ssyncset.done $0x0  }
0x3ac: {  	[sflag:s3] =	ssyncadd.s32 $0xFFFFFF80  }
0x3ad: {  	_ =	swait.ge [sflag:s3], $0x80  }
0x3ae: {  	[sflag:s3] =	ssyncset.done $0x0  }
0x3af: {  	[sflag:s3] =	ssyncadd.s32 $0xFFFFFF80  }
0x3b0: {  	_ =	swait.ge [sflag:s3], $0x80  }
0x3b1: {  	s0 =	simm.s32 @!p0 $0x0;
	[sflag:s3] =	ssyncset.done $0x0  }
0x3b2: {  	s2 =	simm.s32 @!p0 $0x1000;
	s9 =	rddreg [dreg:$0x7];
	[sflag:s3] =	ssyncadd.s32 $0xFFFFFF80  }
0x3b3: {  	[tilespmem:s2], [sflag:$0x2] =	stream.linear.gather @!p0 [hbm4b:s9+s0], $0x80, $0x38;
	[tilespmem:$0x1600] =	vst v63  }
0x3b4: {  	s0 =	simm.s32 @!p0 $0x2  }
0x3b5: {  	_ =	swait.ge @!p0 [sflag:s0], $0x80  }
0x3b6: {  	[sflag:s0] =	ssyncset.done @!p0 $0x0  }
0x3b7: {  	s5 =	simm.s32 @!p0 $0x80;
	s9 =	simm.s32 @!p0 $0x1080;
	[sflag:s0] =	ssyncadd.s32 @!p0 $0xFFFFFF80  }
0x3b8: {  	[spmem:s1] =	stream.indirect.scatter.add.f32 @!p0 [tilespmem:s9], [sflag:$0x2], $0x1, s2, s5, $0xb8;
	[tilespmem:$0x1600] =	vst v63  }
0x3b9: {  	_ =	swait.ge @!p0 [sflag:s0], $0x80  }
0x3ba: {  	[sflag:s0] =	ssyncset.done @!p0 $0x0  }
0x3bb: {  	[sflag:s0] =	ssyncadd.s32 @!p0 $0xFFFFFF80  }
0x3bc: {  	s8 =	sadd.s32 $0xFFFFFFFF, s8;
	[bflag:$0x0] =	sbarrier.arrive $0xFFFF  }
0x3bd: {  	p1 =	sne.s32 s8, $0x0;
	s10 =	rddreg [dreg:$0xb]  }
.Ltmp1:
0x3be: {  	s11 =	rddreg [dreg:$0x8];
	(pc) =	sbr.rel @p1 .LBB2_2-.Ltmp1, $4  }
0x3bf: {  	s0 =	rddreg [dreg:$0xa]  }
0x3c0: {  	s2 =	rddreg [dreg:$0xd]  }
0x3c1: {  	s5 =	rddreg [dreg:$0xe]  }
0x3c2: {  	[hbm:s11@s0], [sflag:s2] =	dma.strided [spmem:s5@s10], $0x50, s3, $0x10   }
.LBB2_3:
0x3c3: {  	_ =	swait.ge [sflag:s4], $0x50  }
0x3c4: {  	[sflag:s4] =	ssyncset.done $0x0  }
0x3c5: {  	[sflag:s4] =	ssyncadd.s32 $0xFFFFFFB0  }
0x3c6: {  	_ =	sfence.sel $0x180000  }
0x3c7: {  	[bflag:$0x0] =	sbarrier.arrive $0xFFFF  }
0x3c8: {  	_ =	strace $0x90000047  }
0x3c9: {  	s0 =	stileid.u32;
	[bflag:$0x2] =	sbarrier.arrive $0xFFFF  }
0x3ca: {  	p0 =	sne.s32 s0, $0x0;
	s0 =	rddreg [dreg:$0x3]  }
0x3cb: {  	s0 =	sadd.s32 @!p0 $0x100000, s0  }
0x3cc: {  	[sflag:s0] =	ssyncadd.tile.s32 @!p0 $0x1;
	_ =	shalt  }
.Lfunc_end2:
_tile_overlayer_lowered:
.L_overlay_start_2:
0x3cd: {  	(tag) =	ssettag $0x2  }
0x3ce: {  	s0 =	rddreg [dreg:$0x0];
	s2 =	stileid.u32  }
0x3cf: {  	s1 =	rddreg [dreg:$0x1];
	p0 =	sne.s32 s2, $0x0  }
0x3d0: {  	s3 =	rddreg [dreg:$0x2];
	[bflag:$0x3] =	sbarrier.arrive $0xFFFF;
	s2 =	simm.s32 @!p0 $0x1C02  }
0x3d1: {  	[timem:s3], [sflag:s2] =	dma.local @!p0 [hbm:s0], s1  }
0x3d2: {  	s0 =	simm.s32 @!p0 $0x2  }
0x3d3: {  	_ =	swait.ge @!p0 [sflag:s0], s1  }
0x3d4: {  	s1 =	ssub.s32 @!p0 $0x0, s1;
	[sflag:s0] =	ssyncset.done @!p0 $0x0  }
0x3d5: {  	[sflag:s0] =	ssyncadd.s32 @!p0 s1  }
0x3d6: {  	[bflag:$0x3] =	sbarrier.arrive $0xFFFF  }
0x3d7: {  	_ =	shalt  }

</sc_bundles>
